<compile_context>
chip_gen: v7x
topology: tpu7x:2x2x1
jax: 0.10.2.dev20260603
libtpu: 0.0.44.dev20260713+nightly
codegen_flags: <defaults>
</compile_context>

<pallas_src>
import functools

import jax
import jax.numpy as jnp
from jax import lax
from jax.experimental import pallas as pl
from jax.experimental.pallas import tpu as pltpu
from jax.experimental.pallas import tpu_sc as plsc

_B = 16384
_NS, _L = 16, 16
_CHUNK = _B // _NS
_NVEC = _CHUNK // _L

_mesh = plsc.VectorSubcoreMesh(
    core_axis_name="c", subcore_axis_name="s", num_cores=1)


@functools.partial(
    pl.kernel,
    mesh=_mesh,
    out_type=jax.ShapeDtypeStruct((_B,), jnp.float32),
    scratch_types=[
        pltpu.VMEM((_CHUNK,), jnp.float32),
        pltpu.VMEM((_CHUNK,), jnp.float32),
        pltpu.VMEM((_L,), jnp.float32),
        pltpu.SemaphoreType.DMA,
        pltpu.SemaphoreType.DMA,
        pltpu.SemaphoreType.DMA,
        pltpu.SemaphoreType.DMA,
    ],
)
def _sc_sample(x_hbm, wb_hbm, out_hbm, x_v, o_v, wb_v,
               sem_x0, sem_x1, sem_wb, sem_o):
    sid = lax.axis_index("s")
    base = sid * _CHUNK
    half = _CHUNK // 2
    cp_x0 = pltpu.async_copy(x_hbm.at[pl.ds(base, half)],
                             x_v.at[pl.ds(0, half)], sem_x0)
    cp_x1 = pltpu.async_copy(x_hbm.at[pl.ds(base + half, half)],
                             x_v.at[pl.ds(half, half)], sem_x1)
    cp_wb = pltpu.async_copy(wb_hbm, wb_v, sem_wb)
    lane = lax.iota(jnp.int32, _L)
    pop = jnp.where(lane < 2, 0.0, jnp.where(lane < 4, 1.0, 0.0))
    cp_wb.wait()
    wb = wb_v[...]
    w = wb[0]
    b = wb[1]
    cp_x0.wait()
    cp_o0 = None
    for i in range(_NVEC):
        if i == _NVEC // 2:
            cp_o0 = pltpu.async_copy(o_v.at[pl.ds(0, half)],
                                     out_hbm.at[pl.ds(base, half)], sem_o)
            cp_x1.wait()
        sl = pl.ds(i * _L, _L)
        z = x_v[sl] * w + b
        p0 = 1.0 / (1.0 + jnp.exp(-z))
        p1 = 1.0 - p0
        h = (base + i * _L) + lane
        h = h * jnp.int32(-1640531527)
        h = h ^ (lax.shift_right_logical(h, 15))
        h = h * jnp.int32(-2048144789)
        h = h ^ (lax.shift_right_logical(h, 13))
        u = (h & jnp.int32(0x7FFFFF)).astype(jnp.float32) * (1.0 / 8388608.0)
        take1 = (p1 + 1e-12) * (1.0 - u) > (p0 + 1e-12) * u
        idx = jnp.where(take1, 1, 0).astype(jnp.int32)
        v = lax.gather(
            pop, idx[:, None],
            lax.GatherDimensionNumbers(
                offset_dims=(), collapsed_slice_dims=(0,),
                start_index_map=(0,)),
            slice_sizes=(1,),
            mode=lax.GatherScatterMode.PROMISE_IN_BOUNDS)
        v = jnp.where(v <= 0.5, 10.0, v)
        v = jnp.where(v > 0.5, 1.0, v)
        o_v[sl] = v
    cp_o1 = pltpu.async_copy(o_v.at[pl.ds(half, half)],
                             out_hbm.at[pl.ds(base + half, half)], sem_o)
    cp_o0.wait()
    cp_o1.wait()


def kernel(input, W, b):
    x = input.reshape(_B)
    wb = jnp.concatenate([W.reshape(1), b.reshape(1),
                          jnp.zeros((_L - 2,), jnp.float32)])
    out = _sc_sample(x, wb)
    return out.reshape(_B, 1)

# --- scband reference (transcript-rebuilt; emitter-appended) ---
"""Pipeline reference for scband-sampling-1-63685775065574 (READ-ONLY COPY).

The authoritative reference and input builder live on the scoring server;
editing this copy changes nothing except your own understanding.
"""

import jax, jax.numpy as jnp
import numpy as np

B = 16384

def setup_inputs(seed: int = 0) -> dict:
    key = jax.random.key(seed)
    k1, k2, k3 = jax.random.split(key, 3)
    x = jax.random.normal(k1, (B, 1), dtype=jnp.float32)
    W = jax.random.normal(k2, (1, 1), dtype=jnp.float32) * 0.5
    b = jax.random.normal(k3, (1,), dtype=jnp.float32) * 0.1
    return {"input": x, "W": W, "b": b}

def reference(input, W, b):
    # LinearNN: Linear(1,1) -> Sigmoid
    p0 = jax.nn.sigmoid(input @ W.T + b)          # [B, 1]
    p1 = 1.0 - p0                                  # [B, 1]
    p = jnp.concatenate((p0, p1), axis=1)          # [B, 2]
    # population = repeat_interleave([0,1], repeats=2) -> [0,0,1,1]
    single_population = jnp.array([0.0, 1.0], dtype=jnp.float32)
    population = jnp.repeat(single_population, single_population.shape[0], axis=0)
    # multinomial(num_samples=1) over probabilities p -> categorical over log-probs
    idx = jax.random.categorical(jax.random.key(42), jnp.log(p + 1e-12), axis=1)[:, None]  # [B, 1]
    v = population[idx]                            # gather, [B, 1]
    bar, max_y, min_y = 0.5, 10.0, 1.0
    # faithful replication of sequential in-place masked assignment order
    v = jnp.where(v <= bar, max_y, v)
    v = jnp.where(v > bar, min_y, v)
    return v

if __name__ == "__main__":
    import jax
    _d = setup_inputs()
    print(jax.jit(kernel)(*tuple(_d.values())))

</pallas_src>

<mosaic_0001>
#map = affine_map<(d0, d1) -> (0)>
module attributes {stable_mosaic.version = 14 : i64} {
  func.func @_sc_sample(%arg0: i32, %arg1: i32, %arg2: memref<16384xf32, #tpu.memory_space<hbm>>, %arg3: memref<16xf32, #tpu.memory_space<hbm>>, %arg4: memref<16384xf32, #tpu.memory_space<hbm>>, %arg5: memref<1024xf32, #tpu.memory_space<vmem>>, %arg6: memref<1024xf32, #tpu.memory_space<vmem>>, %arg7: memref<16xf32, #tpu.memory_space<vmem>>, %arg8: memref<!tpu.dma_semaphore, #tpu.memory_space<semaphore_mem>>, %arg9: memref<!tpu.dma_semaphore, #tpu.memory_space<semaphore_mem>>, %arg10: memref<!tpu.dma_semaphore, #tpu.memory_space<semaphore_mem>>, %arg11: memref<!tpu.dma_semaphore, #tpu.memory_space<semaphore_mem>>) attributes {dimension_semantics = [#tpu.dimension_semantics<core_parallel>, #tpu.dimension_semantics<subcore_parallel>], iteration_bounds = array<i64: 1, 16>, scalar_prefetch = 0 : i64, scratch_operands = 7 : i64, tpu.core_type = #tpu.core_type<sc_vector_subcore>, window_params = [{transform_indices = #map}, {transform_indices = #map}, {transform_indices = #map}]} {
    %mul3A = arith.constant 1024 : i32
    %mul3A_0 = arith.muli %arg1, %mul3A : i32
    %dma_start3A = arith.constant 0 : i32
    %dma_start3A_1 = tpu.memref_slice %arg5[%dma_start3A] : memref<1024xf32, #tpu.memory_space<vmem>> -> memref<512xf32, #tpu.memory_space<vmem>>
    %dma_start3A_2 = tpu.memref_slice %arg2[%mul3A_0] : memref<16384xf32, #tpu.memory_space<hbm>> -> memref<512xf32, #tpu.memory_space<hbm>>
    %dma_start3A_3 = arith.constant 0 : i32
    %dma_start3A_4 = tpu.memref_slice %arg5[%dma_start3A_3] : memref<1024xf32, #tpu.memory_space<vmem>> -> memref<512xf32, #tpu.memory_space<vmem>>
    %dma_start3A_5 = tpu.memref_slice %arg2[%mul3A_0] : memref<16384xf32, #tpu.memory_space<hbm>> -> memref<512xf32, #tpu.memory_space<hbm>>
    tpu.enqueue_dma source(%dma_start3A_5 : memref<512xf32, #tpu.memory_space<hbm>>) target(%dma_start3A_4 : memref<512xf32, #tpu.memory_space<vmem>>) target_semaphore(%arg8 : memref<!tpu.dma_semaphore, #tpu.memory_space<semaphore_mem>>)
    %add3A = arith.constant 512 : i32
    %add3A_6 = arith.addi %mul3A_0, %add3A : i32
    %dma_start3A_7 = arith.constant 512 : i32
    %dma_start3A_8 = tpu.memref_slice %arg5[%dma_start3A_7] : memref<1024xf32, #tpu.memory_space<vmem>> -> memref<512xf32, #tpu.memory_space<vmem>>
    %dma_start3A_9 = tpu.memref_slice %arg2[%add3A_6] : memref<16384xf32, #tpu.memory_space<hbm>> -> memref<512xf32, #tpu.memory_space<hbm>>
    %dma_start3A_10 = arith.constant 512 : i32
    %dma_start3A_11 = tpu.memref_slice %arg5[%dma_start3A_10] : memref<1024xf32, #tpu.memory_space<vmem>> -> memref<512xf32, #tpu.memory_space<vmem>>
    %dma_start3A_12 = tpu.memref_slice %arg2[%add3A_6] : memref<16384xf32, #tpu.memory_space<hbm>> -> memref<512xf32, #tpu.memory_space<hbm>>
    tpu.enqueue_dma source(%dma_start3A_12 : memref<512xf32, #tpu.memory_space<hbm>>) target(%dma_start3A_11 : memref<512xf32, #tpu.memory_space<vmem>>) target_semaphore(%arg9 : memref<!tpu.dma_semaphore, #tpu.memory_space<semaphore_mem>>)
    tpu.enqueue_dma source(%arg3 : memref<16xf32, #tpu.memory_space<hbm>>) target(%arg7 : memref<16xf32, #tpu.memory_space<vmem>>) target_semaphore(%arg10 : memref<!tpu.dma_semaphore, #tpu.memory_space<semaphore_mem>>)
    %iota3A = tpu.iota {dimensions = array<i32: 0>} : vector<16xi32>
    %lt3A = arith.constant 2 : i32
    %lt3A_13 = vector.broadcast %lt3A : i32 to vector<16xi32>
    %lt3A_14 = arith.cmpi slt, %iota3A, %lt3A_13 : vector<16xi32>
    %lt3A_15 = arith.constant 4 : i32
    %lt3A_16 = vector.broadcast %lt3A_15 : i32 to vector<16xi32>
    %lt3A_17 = arith.cmpi slt, %iota3A, %lt3A_16 : vector<16xi32>
    %jit3A = arith.constant 1.000000e+00 : f32
    %jit3A_18 = arith.constant 0.000000e+00 : f32
    %broadcast_in_dim3A = vector.broadcast %jit3A : f32 to vector<16xf32>
    %broadcast_in_dim3A_19 = vector.broadcast %jit3A_18 : f32 to vector<16xf32>
    %select_n3A = arith.select %lt3A_17, %broadcast_in_dim3A, %broadcast_in_dim3A_19 : vector<16xi1>, vector<16xf32>
    %jit3A_20 = arith.constant 0.000000e+00 : f32
    %broadcast_in_dim3A_21 = vector.broadcast %jit3A_20 : f32 to vector<16xf32>
    %select_n3A_22 = arith.select %lt3A_14, %broadcast_in_dim3A_21, %select_n3A : vector<16xi1>, vector<16xf32>
    tpu.wait_dma2 semaphore(%arg10 : memref<!tpu.dma_semaphore, #tpu.memory_space<semaphore_mem>>) src(%arg3 : memref<16xf32, #tpu.memory_space<hbm>>) dst(%arg7 : memref<16xf32, #tpu.memory_space<vmem>>)
    %get3A = arith.constant 0 : index
    %get3A_23 = tpu.vector_load %arg7[%get3A] {strides = array<i32>} : memref<16xf32, #tpu.memory_space<vmem>>, vector<16xf32>,
    %get3A_24 = vector.shape_cast %get3A_23 : vector<16xf32> to vector<16xf32>
    %slice3A = vector.extract_strided_slice %get3A_24 {offsets = [0], sizes = [1], strides = [1]} : vector<16xf32> to vector<1xf32>
    %squeeze3A = vector.extract %slice3A[0] : f32 from vector<1xf32>
    %slice3A_25 = vector.extract_strided_slice %get3A_24 {offsets = [1], sizes = [1], strides = [1]} : vector<16xf32> to vector<1xf32>
    %squeeze3A_26 = vector.extract %slice3A_25[0] : f32 from vector<1xf32>
    %dma_wait3A = arith.constant 0 : i32
    %dma_wait3A_27 = tpu.memref_slice %arg5[%dma_wait3A] : memref<1024xf32, #tpu.memory_space<vmem>> -> memref<512xf32, #tpu.memory_space<vmem>>
    %dma_wait3A_28 = tpu.memref_slice %arg2[%mul3A_0] : memref<16384xf32, #tpu.memory_space<hbm>> -> memref<512xf32, #tpu.memory_space<hbm>>
    %dma_wait3A_29 = arith.constant 0 : i32
    %dma_wait3A_30 = tpu.memref_slice %arg5[%dma_wait3A_29] : memref<1024xf32, #tpu.memory_space<vmem>> -> memref<512xf32, #tpu.memory_space<vmem>>
    %dma_wait3A_31 = tpu.memref_slice %arg2[%mul3A_0] : memref<16384xf32, #tpu.memory_space<hbm>> -> memref<512xf32, #tpu.memory_space<hbm>>
    tpu.wait_dma2 semaphore(%arg8 : memref<!tpu.dma_semaphore, #tpu.memory_space<semaphore_mem>>) src(%dma_wait3A_31 : memref<512xf32, #tpu.memory_space<hbm>>) dst(%dma_wait3A_30 : memref<512xf32, #tpu.memory_space<vmem>>)
    %get3A_32 = arith.constant 0 : index
    %get3A_33 = tpu.vector_load %arg5[%get3A_32] {strides = array<i32>} : memref<1024xf32, #tpu.memory_space<vmem>>, vector<16xf32>,
    %get3A_34 = vector.shape_cast %get3A_33 : vector<16xf32> to vector<16xf32>
    %mul3A_35 = vector.broadcast %squeeze3A : f32 to vector<16xf32>
    %mul3A_36 = arith.mulf %get3A_34, %mul3A_35 : vector<16xf32>
    %add3A_37 = vector.broadcast %squeeze3A_26 : f32 to vector<16xf32>
    %add3A_38 = arith.addf %mul3A_36, %add3A_37 : vector<16xf32>
    %neg3A = arith.constant 0.000000e+00 : f32
    %neg3A_39 = vector.broadcast %neg3A : f32 to vector<16xf32>
    %neg3A_40 = arith.subf %neg3A_39, %add3A_38 : vector<16xf32>
    %exp3A = math.exp %neg3A_40 : vector<16xf32>
    %add3A_41 = arith.constant 1.000000e+00 : f32
    %add3A_42 = vector.broadcast %add3A_41 : f32 to vector<16xf32>
    %add3A_43 = arith.addf %add3A_42, %exp3A : vector<16xf32>
    %div3A = arith.constant 1.000000e+00 : f32
    %div3A_44 = vector.broadcast %div3A : f32 to vector<16xf32>
    %div3A_45 = arith.divf %div3A_44, %add3A_43 : vector<16xf32>
    %sub3A = arith.constant 1.000000e+00 : f32
    %sub3A_46 = vector.broadcast %sub3A : f32 to vector<16xf32>
    %sub3A_47 = arith.subf %sub3A_46, %div3A_45 : vector<16xf32>
    %add3A_48 = arith.constant 0 : i32
    %add3A_49 = arith.addi %mul3A_0, %add3A_48 : i32
    %add3A_50 = vector.broadcast %add3A_49 : i32 to vector<16xi32>
    %add3A_51 = arith.addi %add3A_50, %iota3A : vector<16xi32>
    %mul3A_52 = arith.constant -1640531527 : i32
    %mul3A_53 = vector.broadcast %mul3A_52 : i32 to vector<16xi32>
    %mul3A_54 = arith.muli %add3A_51, %mul3A_53 : vector<16xi32>
    %shift_right_logical3A = arith.constant 15 : i32
    %shift_right_logical3A_55 = vector.broadcast %shift_right_logical3A : i32 to vector<16xi32>
    %shift_right_logical3A_56 = arith.shrui %mul3A_54, %shift_right_logical3A_55 : vector<16xi32>
    %xor3A = arith.xori %mul3A_54, %shift_right_logical3A_56 : vector<16xi32>
    %mul3A_57 = arith.constant -2048144789 : i32
    %mul3A_58 = vector.broadcast %mul3A_57 : i32 to vector<16xi32>
    %mul3A_59 = arith.muli %xor3A, %mul3A_58 : vector<16xi32>
    %shift_right_logical3A_60 = arith.constant 13 : i32
    %shift_right_logical3A_61 = vector.broadcast %shift_right_logical3A_60 : i32 to vector<16xi32>
    %shift_right_logical3A_62 = arith.shrui %mul3A_59, %shift_right_logical3A_61 : vector<16xi32>
    %xor3A_63 = arith.xori %mul3A_59, %shift_right_logical3A_62 : vector<16xi32>
    %and3A = arith.constant 8388607 : i32
    %and3A_64 = vector.broadcast %and3A : i32 to vector<16xi32>
    %and3A_65 = arith.andi %xor3A_63, %and3A_64 : vector<16xi32>
    %convert_element_type3A = arith.sitofp %and3A_65 : vector<16xi32> to vector<16xf32>
    %mul3A_66 = arith.constant 1.1920929E-7 : f32
    %mul3A_67 = vector.broadcast %mul3A_66 : f32 to vector<16xf32>
    %mul3A_68 = arith.mulf %convert_element_type3A, %mul3A_67 : vector<16xf32>
    %add3A_69 = arith.constant 9.99999996E-13 : f32
    %add3A_70 = vector.broadcast %add3A_69 : f32 to vector<16xf32>
    %add3A_71 = arith.addf %sub3A_47, %add3A_70 : vector<16xf32>
    %sub3A_72 = arith.constant 1.000000e+00 : f32
    %sub3A_73 = vector.broadcast %sub3A_72 : f32 to vector<16xf32>
    %sub3A_74 = arith.subf %sub3A_73, %mul3A_68 : vector<16xf32>
    %mul3A_75 = arith.mulf %add3A_71, %sub3A_74 : vector<16xf32>
    %add3A_76 = arith.constant 9.99999996E-13 : f32
    %add3A_77 = vector.broadcast %add3A_76 : f32 to vector<16xf32>
    %add3A_78 = arith.addf %div3A_45, %add3A_77 : vector<16xf32>
    %mul3A_79 = arith.mulf %add3A_78, %mul3A_68 : vector<16xf32>
    %gt3A = arith.cmpf ogt, %mul3A_75, %mul3A_79 : vector<16xf32>
    %jit3A_80 = arith.constant 1 : i32
    %jit3A_81 = arith.constant 0 : i32
    %broadcast_in_dim3A_82 = vector.broadcast %jit3A_80 : i32 to vector<16xi32>
    %broadcast_in_dim3A_83 = vector.broadcast %jit3A_81 : i32 to vector<16xi32>
    %select_n3A_84 = arith.select %gt3A, %broadcast_in_dim3A_82, %broadcast_in_dim3A_83 : vector<16xi1>, vector<16xi32>
    %broadcast_in_dim3A_85 = vector.shape_cast %select_n3A_84 : vector<16xi32> to vector<16x1xi32>
    %gather3A = vector.shape_cast %broadcast_in_dim3A_85 : vector<16x1xi32> to vector<16xi32>
    %gather3A_86 = tpu.dynamic_gather %select_n3A_22[%gather3A] in [0] : vector<16xf32>, vector<16xi32> -> vector<16xf32>
    %le3A = arith.constant 5.000000e-01 : f32
    %le3A_87 = vector.broadcast %le3A : f32 to vector<16xf32>
    %le3A_88 = arith.cmpf ole, %gather3A_86, %le3A_87 : vector<16xf32>
    %jit3A_89 = arith.constant 1.000000e+01 : f32
    %broadcast_in_dim3A_90 = vector.broadcast %jit3A_89 : f32 to vector<16xf32>
    %select_n3A_91 = arith.select %le3A_88, %broadcast_in_dim3A_90, %gather3A_86 : vector<16xi1>, vector<16xf32>
    %gt3A_92 = arith.constant 5.000000e-01 : f32
    %gt3A_93 = vector.broadcast %gt3A_92 : f32 to vector<16xf32>
    %gt3A_94 = arith.cmpf ogt, %select_n3A_91, %gt3A_93 : vector<16xf32>
    %jit3A_95 = arith.constant 1.000000e+00 : f32
    %broadcast_in_dim3A_96 = vector.broadcast %jit3A_95 : f32 to vector<16xf32>
    %select_n3A_97 = arith.select %gt3A_94, %broadcast_in_dim3A_96, %select_n3A_91 : vector<16xi1>, vector<16xf32>
    %swap3A = arith.constant 0 : index
    %swap3A_98 = tpu.vector_load %arg6[%swap3A] {strides = array<i32>} : memref<1024xf32, #tpu.memory_space<vmem>>, vector<16xf32>,
    %swap3A_99 = vector.shape_cast %swap3A_98 : vector<16xf32> to vector<16xf32>
    %swap3A_100 = vector.shape_cast %select_n3A_97 : vector<16xf32> to vector<16xf32>
    tpu.vector_store %arg6[%swap3A], %swap3A_100 {strides = array<i32>} : memref<1024xf32, #tpu.memory_space<vmem>>, vector<16xf32>,
    %get3A_101 = arith.constant 16 : index
    %get3A_102 = tpu.vector_load %arg5[%get3A_101] {strides = array<i32>} : memref<1024xf32, #tpu.memory_space<vmem>>, vector<16xf32>,
    %get3A_103 = vector.shape_cast %get3A_102 : vector<16xf32> to vector<16xf32>
    %mul3A_104 = vector.broadcast %squeeze3A : f32 to vector<16xf32>
    %mul3A_105 = arith.mulf %get3A_103, %mul3A_104 : vector<16xf32>
    %add3A_106 = vector.broadcast %squeeze3A_26 : f32 to vector<16xf32>
    %add3A_107 = arith.addf %mul3A_105, %add3A_106 : vector<16xf32>
    %neg3A_108 = arith.constant 0.000000e+00 : f32
    %neg3A_109 = vector.broadcast %neg3A_108 : f32 to vector<16xf32>
    %neg3A_110 = arith.subf %neg3A_109, %add3A_107 : vector<16xf32>
    %exp3A_111 = math.exp %neg3A_110 : vector<16xf32>
    %add3A_112 = arith.constant 1.000000e+00 : f32
    %add3A_113 = vector.broadcast %add3A_112 : f32 to vector<16xf32>
    %add3A_114 = arith.addf %add3A_113, %exp3A_111 : vector<16xf32>
    %div3A_115 = arith.constant 1.000000e+00 : f32
    %div3A_116 = vector.broadcast %div3A_115 : f32 to vector<16xf32>
    %div3A_117 = arith.divf %div3A_116, %add3A_114 : vector<16xf32>
    %sub3A_118 = arith.constant 1.000000e+00 : f32
    %sub3A_119 = vector.broadcast %sub3A_118 : f32 to vector<16xf32>
    %sub3A_120 = arith.subf %sub3A_119, %div3A_117 : vector<16xf32>
    %add3A_121 = arith.constant 16 : i32
    %add3A_122 = arith.addi %mul3A_0, %add3A_121 : i32
    %add3A_123 = vector.broadcast %add3A_122 : i32 to vector<16xi32>
    %add3A_124 = arith.addi %add3A_123, %iota3A : vector<16xi32>
    %mul3A_125 = arith.constant -1640531527 : i32
    %mul3A_126 = vector.broadcast %mul3A_125 : i32 to vector<16xi32>
    %mul3A_127 = arith.muli %add3A_124, %mul3A_126 : vector<16xi32>
    %shift_right_logical3A_128 = arith.constant 15 : i32
    %shift_right_logical3A_129 = vector.broadcast %shift_right_logical3A_128 : i32 to vector<16xi32>
    %shift_right_logical3A_130 = arith.shrui %mul3A_127, %shift_right_logical3A_129 : vector<16xi32>
    %xor3A_131 = arith.xori %mul3A_127, %shift_right_logical3A_130 : vector<16xi32>
    %mul3A_132 = arith.constant -2048144789 : i32
    %mul3A_133 = vector.broadcast %mul3A_132 : i32 to vector<16xi32>
    %mul3A_134 = arith.muli %xor3A_131, %mul3A_133 : vector<16xi32>
    %shift_right_logical3A_135 = arith.constant 13 : i32
    %shift_right_logical3A_136 = vector.broadcast %shift_right_logical3A_135 : i32 to vector<16xi32>
    %shift_right_logical3A_137 = arith.shrui %mul3A_134, %shift_right_logical3A_136 : vector<16xi32>
    %xor3A_138 = arith.xori %mul3A_134, %shift_right_logical3A_137 : vector<16xi32>
    %and3A_139 = arith.constant 8388607 : i32
    %and3A_140 = vector.broadcast %and3A_139 : i32 to vector<16xi32>
    %and3A_141 = arith.andi %xor3A_138, %and3A_140 : vector<16xi32>
    %convert_element_type3A_142 = arith.sitofp %and3A_141 : vector<16xi32> to vector<16xf32>
    %mul3A_143 = arith.constant 1.1920929E-7 : f32
    %mul3A_144 = vector.broadcast %mul3A_143 : f32 to vector<16xf32>
    %mul3A_145 = arith.mulf %convert_element_type3A_142, %mul3A_144 : vector<16xf32>
    %add3A_146 = arith.constant 9.99999996E-13 : f32
    %add3A_147 = vector.broadcast %add3A_146 : f32 to vector<16xf32>
    %add3A_148 = arith.addf %sub3A_120, %add3A_147 : vector<16xf32>
    %sub3A_149 = arith.constant 1.000000e+00 : f32
    %sub3A_150 = vector.broadcast %sub3A_149 : f32 to vector<16xf32>
    %sub3A_151 = arith.subf %sub3A_150, %mul3A_145 : vector<16xf32>
    %mul3A_152 = arith.mulf %add3A_148, %sub3A_151 : vector<16xf32>
    %add3A_153 = arith.constant 9.99999996E-13 : f32
    %add3A_154 = vector.broadcast %add3A_153 : f32 to vector<16xf32>
    %add3A_155 = arith.addf %div3A_117, %add3A_154 : vector<16xf32>
    %mul3A_156 = arith.mulf %add3A_155, %mul3A_145 : vector<16xf32>
    %gt3A_157 = arith.cmpf ogt, %mul3A_152, %mul3A_156 : vector<16xf32>
    %jit3A_158 = arith.constant 1 : i32
    %jit3A_159 = arith.constant 0 : i32
    %broadcast_in_dim3A_160 = vector.broadcast %jit3A_158 : i32 to vector<16xi32>
    %broadcast_in_dim3A_161 = vector.broadcast %jit3A_159 : i32 to vector<16xi32>
    %select_n3A_162 = arith.select %gt3A_157, %broadcast_in_dim3A_160, %broadcast_in_dim3A_161 : vector<16xi1>, vector<16xi32>
    %broadcast_in_dim3A_163 = vector.shape_cast %select_n3A_162 : vector<16xi32> to vector<16x1xi32>
    %gather3A_164 = vector.shape_cast %broadcast_in_dim3A_163 : vector<16x1xi32> to vector<16xi32>
    %gather3A_165 = tpu.dynamic_gather %select_n3A_22[%gather3A_164] in [0] : vector<16xf32>, vector<16xi32> -> vector<16xf32>
    %le3A_166 = arith.constant 5.000000e-01 : f32
    %le3A_167 = vector.broadcast %le3A_166 : f32 to vector<16xf32>
    %le3A_168 = arith.cmpf ole, %gather3A_165, %le3A_167 : vector<16xf32>
    %jit3A_169 = arith.constant 1.000000e+01 : f32
    %broadcast_in_dim3A_170 = vector.broadcast %jit3A_169 : f32 to vector<16xf32>
    %select_n3A_171 = arith.select %le3A_168, %broadcast_in_dim3A_170, %gather3A_165 : vector<16xi1>, vector<16xf32>
    %gt3A_172 = arith.constant 5.000000e-01 : f32
    %gt3A_173 = vector.broadcast %gt3A_172 : f32 to vector<16xf32>
    %gt3A_174 = arith.cmpf ogt, %select_n3A_171, %gt3A_173 : vector<16xf32>
    %jit3A_175 = arith.constant 1.000000e+00 : f32
    %broadcast_in_dim3A_176 = vector.broadcast %jit3A_175 : f32 to vector<16xf32>
    %select_n3A_177 = arith.select %gt3A_174, %broadcast_in_dim3A_176, %select_n3A_171 : vector<16xi1>, vector<16xf32>
    %swap3A_178 = arith.constant 16 : index
    %swap3A_179 = tpu.vector_load %arg6[%swap3A_178] {strides = array<i32>} : memref<1024xf32, #tpu.memory_space<vmem>>, vector<16xf32>,
    %swap3A_180 = vector.shape_cast %swap3A_179 : vector<16xf32> to vector<16xf32>
    %swap3A_181 = vector.shape_cast %select_n3A_177 : vector<16xf32> to vector<16xf32>
    tpu.vector_store %arg6[%swap3A_178], %swap3A_181 {strides = array<i32>} : memref<1024xf32, #tpu.memory_space<vmem>>, vector<16xf32>,
    %get3A_182 = arith.constant 32 : index
    %get3A_183 = tpu.vector_load %arg5[%get3A_182] {strides = array<i32>} : memref<1024xf32, #tpu.memory_space<vmem>>, vector<16xf32>,
    %get3A_184 = vector.shape_cast %get3A_183 : vector<16xf32> to vector<16xf32>
    %mul3A_185 = vector.broadcast %squeeze3A : f32 to vector<16xf32>
    %mul3A_186 = arith.mulf %get3A_184, %mul3A_185 : vector<16xf32>
    %add3A_187 = vector.broadcast %squeeze3A_26 : f32 to vector<16xf32>
    %add3A_188 = arith.addf %mul3A_186, %add3A_187 : vector<16xf32>
    %neg3A_189 = arith.constant 0.000000e+00 : f32
    %neg3A_190 = vector.broadcast %neg3A_189 : f32 to vector<16xf32>
    %neg3A_191 = arith.subf %neg3A_190, %add3A_188 : vector<16xf32>
    %exp3A_192 = math.exp %neg3A_191 : vector<16xf32>
    %add3A_193 = arith.constant 1.000000e+00 : f32
    %add3A_194 = vector.broadcast %add3A_193 : f32 to vector<16xf32>
    %add3A_195 = arith.addf %add3A_194, %exp3A_192 : vector<16xf32>
    %div3A_196 = arith.constant 1.000000e+00 : f32
    %div3A_197 = vector.broadcast %div3A_196 : f32 to vector<16xf32>
    %div3A_198 = arith.divf %div3A_197, %add3A_195 : vector<16xf32>
    %sub3A_199 = arith.constant 1.000000e+00 : f32
    %sub3A_200 = vector.broadcast %sub3A_199 : f32 to vector<16xf32>
    %sub3A_201 = arith.subf %sub3A_200, %div3A_198 : vector<16xf32>
    %add3A_202 = arith.constant 32 : i32
    %add3A_203 = arith.addi %mul3A_0, %add3A_202 : i32
    %add3A_204 = vector.broadcast %add3A_203 : i32 to vector<16xi32>
    %add3A_205 = arith.addi %add3A_204, %iota3A : vector<16xi32>
    %mul3A_206 = arith.constant -1640531527 : i32
    %mul3A_207 = vector.broadcast %mul3A_206 : i32 to vector<16xi32>
    %mul3A_208 = arith.muli %add3A_205, %mul3A_207 : vector<16xi32>
    %shift_right_logical3A_209 = arith.constant 15 : i32
    %shift_right_logical3A_210 = vector.broadcast %shift_right_logical3A_209 : i32 to vector<16xi32>
    %shift_right_logical3A_211 = arith.shrui %mul3A_208, %shift_right_logical3A_210 : vector<16xi32>
    %xor3A_212 = arith.xori %mul3A_208, %shift_right_logical3A_211 : vector<16xi32>
    %mul3A_213 = arith.constant -2048144789 : i32
    %mul3A_214 = vector.broadcast %mul3A_213 : i32 to vector<16xi32>
    %mul3A_215 = arith.muli %xor3A_212, %mul3A_214 : vector<16xi32>
    %shift_right_logical3A_216 = arith.constant 13 : i32
    %shift_right_logical3A_217 = vector.broadcast %shift_right_logical3A_216 : i32 to vector<16xi32>
    %shift_right_logical3A_218 = arith.shrui %mul3A_215, %shift_right_logical3A_217 : vector<16xi32>
    %xor3A_219 = arith.xori %mul3A_215, %shift_right_logical3A_218 : vector<16xi32>
    %and3A_220 = arith.constant 8388607 : i32
    %and3A_221 = vector.broadcast %and3A_220 : i32 to vector<16xi32>
    %and3A_222 = arith.andi %xor3A_219, %and3A_221 : vector<16xi32>
    %convert_element_type3A_223 = arith.sitofp %and3A_222 : vector<16xi32> to vector<16xf32>
    %mul3A_224 = arith.constant 1.1920929E-7 : f32
    %mul3A_225 = vector.broadcast %mul3A_224 : f32 to vector<16xf32>
    %mul3A_226 = arith.mulf %convert_element_type3A_223, %mul3A_225 : vector<16xf32>
    %add3A_227 = arith.constant 9.99999996E-13 : f32
    %add3A_228 = vector.broadcast %add3A_227 : f32 to vector<16xf32>
    %add3A_229 = arith.addf %sub3A_201, %add3A_228 : vector<16xf32>
    %sub3A_230 = arith.constant 1.000000e+00 : f32
    %sub3A_231 = vector.broadcast %sub3A_230 : f32 to vector<16xf32>
    %sub3A_232 = arith.subf %sub3A_231, %mul3A_226 : vector<16xf32>
    %mul3A_233 = arith.mulf %add3A_229, %sub3A_232 : vector<16xf32>
    %add3A_234 = arith.constant 9.99999996E-13 : f32
    %add3A_235 = vector.broadcast %add3A_234 : f32 to vector<16xf32>
    %add3A_236 = arith.addf %div3A_198, %add3A_235 : vector<16xf32>
    %mul3A_237 = arith.mulf %add3A_236, %mul3A_226 : vector<16xf32>
    %gt3A_238 = arith.cmpf ogt, %mul3A_233, %mul3A_237 : vector<16xf32>
    %jit3A_239 = arith.constant 1 : i32
    %jit3A_240 = arith.constant 0 : i32
    %broadcast_in_dim3A_241 = vector.broadcast %jit3A_239 : i32 to vector<16xi32>
    %broadcast_in_dim3A_242 = vector.broadcast %jit3A_240 : i32 to vector<16xi32>
    %select_n3A_243 = arith.select %gt3A_238, %broadcast_in_dim3A_241, %broadcast_in_dim3A_242 : vector<16xi1>, vector<16xi32>
    %broadcast_in_dim3A_244 = vector.shape_cast %select_n3A_243 : vector<16xi32> to vector<16x1xi32>
    %gather3A_245 = vector.shape_cast %broadcast_in_dim3A_244 : vector<16x1xi32> to vector<16xi32>
    %gather3A_246 = tpu.dynamic_gather %select_n3A_22[%gather3A_245] in [0] : vector<16xf32>, vector<16xi32> -> vector<16xf32>
    %le3A_247 = arith.constant 5.000000e-01 : f32
    %le3A_248 = vector.broadcast %le3A_247 : f32 to vector<16xf32>
    %le3A_249 = arith.cmpf ole, %gather3A_246, %le3A_248 : vector<16xf32>
    %jit3A_250 = arith.constant 1.000000e+01 : f32
    %broadcast_in_dim3A_251 = vector.broadcast %jit3A_250 : f32 to vector<16xf32>
    %select_n3A_252 = arith.select %le3A_249, %broadcast_in_dim3A_251, %gather3A_246 : vector<16xi1>, vector<16xf32>
    %gt3A_253 = arith.constant 5.000000e-01 : f32
    %gt3A_254 = vector.broadcast %gt3A_253 : f32 to vector<16xf32>
    %gt3A_255 = arith.cmpf ogt, %select_n3A_252, %gt3A_254 : vector<16xf32>
    %jit3A_256 = arith.constant 1.000000e+00 : f32
    %broadcast_in_dim3A_257 = vector.broadcast %jit3A_256 : f32 to vector<16xf32>
    %select_n3A_258 = arith.select %gt3A_255, %broadcast_in_dim3A_257, %select_n3A_252 : vector<16xi1>, vector<16xf32>
    %swap3A_259 = arith.constant 32 : index
    %swap3A_260 = tpu.vector_load %arg6[%swap3A_259] {strides = array<i32>} : memref<1024xf32, #tpu.memory_space<vmem>>, vector<16xf32>,
    %swap3A_261 = vector.shape_cast %swap3A_260 : vector<16xf32> to vector<16xf32>
    %swap3A_262 = vector.shape_cast %select_n3A_258 : vector<16xf32> to vector<16xf32>
    tpu.vector_store %arg6[%swap3A_259], %swap3A_262 {strides = array<i32>} : memref<1024xf32, #tpu.memory_space<vmem>>, vector<16xf32>,
    %get3A_263 = arith.constant 48 : index
    %get3A_264 = tpu.vector_load %arg5[%get3A_263] {strides = array<i32>} : memref<1024xf32, #tpu.memory_space<vmem>>, vector<16xf32>,
    %get3A_265 = vector.shape_cast %get3A_264 : vector<16xf32> to vector<16xf32>
    %mul3A_266 = vector.broadcast %squeeze3A : f32 to vector<16xf32>
    %mul3A_267 = arith.mulf %get3A_265, %mul3A_266 : vector<16xf32>
    %add3A_268 = vector.broadcast %squeeze3A_26 : f32 to vector<16xf32>
    %add3A_269 = arith.addf %mul3A_267, %add3A_268 : vector<16xf32>
    %neg3A_270 = arith.constant 0.000000e+00 : f32
    %neg3A_271 = vector.broadcast %neg3A_270 : f32 to vector<16xf32>
    %neg3A_272 = arith.subf %neg3A_271, %add3A_269 : vector<16xf32>
    %exp3A_273 = math.exp %neg3A_272 : vector<16xf32>
    %add3A_274 = arith.constant 1.000000e+00 : f32
    %add3A_275 = vector.broadcast %add3A_274 : f32 to vector<16xf32>
    %add3A_276 = arith.addf %add3A_275, %exp3A_273 : vector<16xf32>
    %div3A_277 = arith.constant 1.000000e+00 : f32
    %div3A_278 = vector.broadcast %div3A_277 : f32 to vector<16xf32>
    %div3A_279 = arith.divf %div3A_278, %add3A_276 : vector<16xf32>
    %sub3A_280 = arith.constant 1.000000e+00 : f32
    %sub3A_281 = vector.broadcast %sub3A_280 : f32 to vector<16xf32>
    %sub3A_282 = arith.subf %sub3A_281, %div3A_279 : vector<16xf32>
    %add3A_283 = arith.constant 48 : i32
    %add3A_284 = arith.addi %mul3A_0, %add3A_283 : i32
    %add3A_285 = vector.broadcast %add3A_284 : i32 to vector<16xi32>
    %add3A_286 = arith.addi %add3A_285, %iota3A : vector<16xi32>
    %mul3A_287 = arith.constant -1640531527 : i32
    %mul3A_288 = vector.broadcast %mul3A_287 : i32 to vector<16xi32>
    %mul3A_289 = arith.muli %add3A_286, %mul3A_288 : vector<16xi32>
    %shift_right_logical3A_290 = arith.constant 15 : i32
    %shift_right_logical3A_291 = vector.broadcast %shift_right_logical3A_290 : i32 to vector<16xi32>
    %shift_right_logical3A_292 = arith.shrui %mul3A_289, %shift_right_logical3A_291 : vector<16xi32>
    %xor3A_293 = arith.xori %mul3A_289, %shift_right_logical3A_292 : vector<16xi32>
    %mul3A_294 = arith.constant -2048144789 : i32
    %mul3A_295 = vector.broadcast %mul3A_294 : i32 to vector<16xi32>
    %mul3A_296 = arith.muli %xor3A_293, %mul3A_295 : vector<16xi32>
    %shift_right_logical3A_297 = arith.constant 13 : i32
    %shift_right_logical3A_298 = vector.broadcast %shift_right_logical3A_297 : i32 to vector<16xi32>
    %shift_right_logical3A_299 = arith.shrui %mul3A_296, %shift_right_logical3A_298 : vector<16xi32>
    %xor3A_300 = arith.xori %mul3A_296, %shift_right_logical3A_299 : vector<16xi32>
    %and3A_301 = arith.constant 8388607 : i32
    %and3A_302 = vector.broadcast %and3A_301 : i32 to vector<16xi32>
    %and3A_303 = arith.andi %xor3A_300, %and3A_302 : vector<16xi32>
    %convert_element_type3A_304 = arith.sitofp %and3A_303 : vector<16xi32> to vector<16xf32>
    %mul3A_305 = arith.constant 1.1920929E-7 : f32
    %mul3A_306 = vector.broadcast %mul3A_305 : f32 to vector<16xf32>
    %mul3A_307 = arith.mulf %convert_element_type3A_304, %mul3A_306 : vector<16xf32>
    %add3A_308 = arith.constant 9.99999996E-13 : f32
    %add3A_309 = vector.broadcast %add3A_308 : f32 to vector<16xf32>
    %add3A_310 = arith.addf %sub3A_282, %add3A_309 : vector<16xf32>
    %sub3A_311 = arith.constant 1.000000e+00 : f32
    %sub3A_312 = vector.broadcast %sub3A_311 : f32 to vector<16xf32>
    %sub3A_313 = arith.subf %sub3A_312, %mul3A_307 : vector<16xf32>
    %mul3A_314 = arith.mulf %add3A_310, %sub3A_313 : vector<16xf32>
    %add3A_315 = arith.constant 9.99999996E-13 : f32
    %add3A_316 = vector.broadcast %add3A_315 : f32 to vector<16xf32>
    %add3A_317 = arith.addf %div3A_279, %add3A_316 : vector<16xf32>
    %mul3A_318 = arith.mulf %add3A_317, %mul3A_307 : vector<16xf32>
    %gt3A_319 = arith.cmpf ogt, %mul3A_314, %mul3A_318 : vector<16xf32>
    %jit3A_320 = arith.constant 1 : i32
    %jit3A_321 = arith.constant 0 : i32
    %broadcast_in_dim3A_322 = vector.broadcast %jit3A_320 : i32 to vector<16xi32>
    %broadcast_in_dim3A_323 = vector.broadcast %jit3A_321 : i32 to vector<16xi32>
    %select_n3A_324 = arith.select %gt3A_319, %broadcast_in_dim3A_322, %broadcast_in_dim3A_323 : vector<16xi1>, vector<16xi32>
    %broadcast_in_dim3A_325 = vector.shape_cast %select_n3A_324 : vector<16xi32> to vector<16x1xi32>
    %gather3A_326 = vector.shape_cast %broadcast_in_dim3A_325 : vector<16x1xi32> to vector<16xi32>
    %gather3A_327 = tpu.dynamic_gather %select_n3A_22[%gather3A_326] in [0] : vector<16xf32>, vector<16xi32> -> vector<16xf32>
    %le3A_328 = arith.constant 5.000000e-01 : f32
    %le3A_329 = vector.broadcast %le3A_328 : f32 to vector<16xf32>
    %le3A_330 = arith.cmpf ole, %gather3A_327, %le3A_329 : vector<16xf32>
    %jit3A_331 = arith.constant 1.000000e+01 : f32
    %broadcast_in_dim3A_332 = vector.broadcast %jit3A_331 : f32 to vector<16xf32>
    %select_n3A_333 = arith.select %le3A_330, %broadcast_in_dim3A_332, %gather3A_327 : vector<16xi1>, vector<16xf32>
    %gt3A_334 = arith.constant 5.000000e-01 : f32
    %gt3A_335 = vector.broadcast %gt3A_334 : f32 to vector<16xf32>
    %gt3A_336 = arith.cmpf ogt, %select_n3A_333, %gt3A_335 : vector<16xf32>
    %jit3A_337 = arith.constant 1.000000e+00 : f32
    %broadcast_in_dim3A_338 = vector.broadcast %jit3A_337 : f32 to vector<16xf32>
    %select_n3A_339 = arith.select %gt3A_336, %broadcast_in_dim3A_338, %select_n3A_333 : vector<16xi1>, vector<16xf32>
    %swap3A_340 = arith.constant 48 : index
    %swap3A_341 = tpu.vector_load %arg6[%swap3A_340] {strides = array<i32>} : memref<1024xf32, #tpu.memory_space<vmem>>, vector<16xf32>,
    %swap3A_342 = vector.shape_cast %swap3A_341 : vector<16xf32> to vector<16xf32>
    %swap3A_343 = vector.shape_cast %select_n3A_339 : vector<16xf32> to vector<16xf32>
    tpu.vector_store %arg6[%swap3A_340], %swap3A_343 {strides = array<i32>} : memref<1024xf32, #tpu.memory_space<vmem>>, vector<16xf32>,
    %get3A_344 = arith.constant 64 : index
    %get3A_345 = tpu.vector_load %arg5[%get3A_344] {strides = array<i32>} : memref<1024xf32, #tpu.memory_space<vmem>>, vector<16xf32>,
    %get3A_346 = vector.shape_cast %get3A_345 : vector<16xf32> to vector<16xf32>
    %mul3A_347 = vector.broadcast %squeeze3A : f32 to vector<16xf32>
    %mul3A_348 = arith.mulf %get3A_346, %mul3A_347 : vector<16xf32>
    %add3A_349 = vector.broadcast %squeeze3A_26 : f32 to vector<16xf32>
    %add3A_350 = arith.addf %mul3A_348, %add3A_349 : vector<16xf32>
    %neg3A_351 = arith.constant 0.000000e+00 : f32
    %neg3A_352 = vector.broadcast %neg3A_351 : f32 to vector<16xf32>
    %neg3A_353 = arith.subf %neg3A_352, %add3A_350 : vector<16xf32>
    %exp3A_354 = math.exp %neg3A_353 : vector<16xf32>
    %add3A_355 = arith.constant 1.000000e+00 : f32
    %add3A_356 = vector.broadcast %add3A_355 : f32 to vector<16xf32>
    %add3A_357 = arith.addf %add3A_356, %exp3A_354 : vector<16xf32>
    %div3A_358 = arith.constant 1.000000e+00 : f32
    %div3A_359 = vector.broadcast %div3A_358 : f32 to vector<16xf32>
    %div3A_360 = arith.divf %div3A_359, %add3A_357 : vector<16xf32>
    %sub3A_361 = arith.constant 1.000000e+00 : f32
    %sub3A_362 = vector.broadcast %sub3A_361 : f32 to vector<16xf32>
    %sub3A_363 = arith.subf %sub3A_362, %div3A_360 : vector<16xf32>
    %add3A_364 = arith.constant 64 : i32
    %add3A_365 = arith.addi %mul3A_0, %add3A_364 : i32
    %add3A_366 = vector.broadcast %add3A_365 : i32 to vector<16xi32>
    %add3A_367 = arith.addi %add3A_366, %iota3A : vector<16xi32>
    %mul3A_368 = arith.constant -1640531527 : i32
    %mul3A_369 = vector.broadcast %mul3A_368 : i32 to vector<16xi32>
    %mul3A_370 = arith.muli %add3A_367, %mul3A_369 : vector<16xi32>
    %shift_right_logical3A_371 = arith.constant 15 : i32
    %shift_right_logical3A_372 = vector.broadcast %shift_right_logical3A_371 : i32 to vector<16xi32>
    %shift_right_logical3A_373 = arith.shrui %mul3A_370, %shift_right_logical3A_372 : vector<16xi32>
    %xor3A_374 = arith.xori %mul3A_370, %shift_right_logical3A_373 : vector<16xi32>
    %mul3A_375 = arith.constant -2048144789 : i32
    %mul3A_376 = vector.broadcast %mul3A_375 : i32 to vector<16xi32>
    %mul3A_377 = arith.muli %xor3A_374, %mul3A_376 : vector<16xi32>
    %shift_right_logical3A_378 = arith.constant 13 : i32
    %shift_right_logical3A_379 = vector.broadcast %shift_right_logical3A_378 : i32 to vector<16xi32>
    %shift_right_logical3A_380 = arith.shrui %mul3A_377, %shift_right_logical3A_379 : vector<16xi32>
    %xor3A_381 = arith.xori %mul3A_377, %shift_right_logical3A_380 : vector<16xi32>
    %and3A_382 = arith.constant 8388607 : i32
    %and3A_383 = vector.broadcast %and3A_382 : i32 to vector<16xi32>
    %and3A_384 = arith.andi %xor3A_381, %and3A_383 : vector<16xi32>
    %convert_element_type3A_385 = arith.sitofp %and3A_384 : vector<16xi32> to vector<16xf32>
    %mul3A_386 = arith.constant 1.1920929E-7 : f32
    %mul3A_387 = vector.broadcast %mul3A_386 : f32 to vector<16xf32>
    %mul3A_388 = arith.mulf %convert_element_type3A_385, %mul3A_387 : vector<16xf32>
    %add3A_389 = arith.constant 9.99999996E-13 : f32
    %add3A_390 = vector.broadcast %add3A_389 : f32 to vector<16xf32>
    %add3A_391 = arith.addf %sub3A_363, %add3A_390 : vector<16xf32>
    %sub3A_392 = arith.constant 1.000000e+00 : f32
    %sub3A_393 = vector.broadcast %sub3A_392 : f32 to vector<16xf32>
    %sub3A_394 = arith.subf %sub3A_393, %mul3A_388 : vector<16xf32>
    %mul3A_395 = arith.mulf %add3A_391, %sub3A_394 : vector<16xf32>
    %add3A_396 = arith.constant 9.99999996E-13 : f32
    %add3A_397 = vector.broadcast %add3A_396 : f32 to vector<16xf32>
    %add3A_398 = arith.addf %div3A_360, %add3A_397 : vector<16xf32>
    %mul3A_399 = arith.mulf %add3A_398, %mul3A_388 : vector<16xf32>
    %gt3A_400 = arith.cmpf ogt, %mul3A_395, %mul3A_399 : vector<16xf32>
    %jit3A_401 = arith.constant 1 : i32
    %jit3A_402 = arith.constant 0 : i32
    %broadcast_in_dim3A_403 = vector.broadcast %jit3A_401 : i32 to vector<16xi32>
    %broadcast_in_dim3A_404 = vector.broadcast %jit3A_402 : i32 to vector<16xi32>
    %select_n3A_405 = arith.select %gt3A_400, %broadcast_in_dim3A_403, %broadcast_in_dim3A_404 : vector<16xi1>, vector<16xi32>
    %broadcast_in_dim3A_406 = vector.shape_cast %select_n3A_405 : vector<16xi32> to vector<16x1xi32>
    %gather3A_407 = vector.shape_cast %broadcast_in_dim3A_406 : vector<16x1xi32> to vector<16xi32>
    %gather3A_408 = tpu.dynamic_gather %select_n3A_22[%gather3A_407] in [0] : vector<16xf32>, vector<16xi32> -> vector<16xf32>
    %le3A_409 = arith.constant 5.000000e-01 : f32
    %le3A_410 = vector.broadcast %le3A_409 : f32 to vector<16xf32>
    %le3A_411 = arith.cmpf ole, %gather3A_408, %le3A_410 : vector<16xf32>
    %jit3A_412 = arith.constant 1.000000e+01 : f32
    %broadcast_in_dim3A_413 = vector.broadcast %jit3A_412 : f32 to vector<16xf32>
    %select_n3A_414 = arith.select %le3A_411, %broadcast_in_dim3A_413, %gather3A_408 : vector<16xi1>, vector<16xf32>
    %gt3A_415 = arith.constant 5.000000e-01 : f32
    %gt3A_416 = vector.broadcast %gt3A_415 : f32 to vector<16xf32>
    %gt3A_417 = arith.cmpf ogt, %select_n3A_414, %gt3A_416 : vector<16xf32>
    %jit3A_418 = arith.constant 1.000000e+00 : f32
    %broadcast_in_dim3A_419 = vector.broadcast %jit3A_418 : f32 to vector<16xf32>
    %select_n3A_420 = arith.select %gt3A_417, %broadcast_in_dim3A_419, %select_n3A_414 : vector<16xi1>, vector<16xf32>
    %swap3A_421 = arith.constant 64 : index
    %swap3A_422 = tpu.vector_load %arg6[%swap3A_421] {strides = array<i32>} : memref<1024xf32, #tpu.memory_space<vmem>>, vector<16xf32>,
    %swap3A_423 = vector.shape_cast %swap3A_422 : vector<16xf32> to vector<16xf32>
    %swap3A_424 = vector.shape_cast %select_n3A_420 : vector<16xf32> to vector<16xf32>
    tpu.vector_store %arg6[%swap3A_421], %swap3A_424 {strides = array<i32>} : memref<1024xf32, #tpu.memory_space<vmem>>, vector<16xf32>,
    %get3A_425 = arith.constant 80 : index
    %get3A_426 = tpu.vector_load %arg5[%get3A_425] {strides = array<i32>} : memref<1024xf32, #tpu.memory_space<vmem>>, vector<16xf32>,
    %get3A_427 = vector.shape_cast %get3A_426 : vector<16xf32> to vector<16xf32>
    %mul3A_428 = vector.broadcast %squeeze3A : f32 to vector<16xf32>
    %mul3A_429 = arith.mulf %get3A_427, %mul3A_428 : vector<16xf32>
    %add3A_430 = vector.broadcast %squeeze3A_26 : f32 to vector<16xf32>
    %add3A_431 = arith.addf %mul3A_429, %add3A_430 : vector<16xf32>
    %neg3A_432 = arith.constant 0.000000e+00 : f32
    %neg3A_433 = vector.broadcast %neg3A_432 : f32 to vector<16xf32>
    %neg3A_434 = arith.subf %neg3A_433, %add3A_431 : vector<16xf32>
    %exp3A_435 = math.exp %neg3A_434 : vector<16xf32>
    %add3A_436 = arith.constant 1.000000e+00 : f32
    %add3A_437 = vector.broadcast %add3A_436 : f32 to vector<16xf32>
    %add3A_438 = arith.addf %add3A_437, %exp3A_435 : vector<16xf32>
    %div3A_439 = arith.constant 1.000000e+00 : f32
    %div3A_440 = vector.broadcast %div3A_439 : f32 to vector<16xf32>
    %div3A_441 = arith.divf %div3A_440, %add3A_438 : vector<16xf32>
    %sub3A_442 = arith.constant 1.000000e+00 : f32
    %sub3A_443 = vector.broadcast %sub3A_442 : f32 to vector<16xf32>
    %sub3A_444 = arith.subf %sub3A_443, %div3A_441 : vector<16xf32>
    %add3A_445 = arith.constant 80 : i32
    %add3A_446 = arith.addi %mul3A_0, %add3A_445 : i32
    %add3A_447 = vector.broadcast %add3A_446 : i32 to vector<16xi32>
    %add3A_448 = arith.addi %add3A_447, %iota3A : vector<16xi32>
    %mul3A_449 = arith.constant -1640531527 : i32
    %mul3A_450 = vector.broadcast %mul3A_449 : i32 to vector<16xi32>
    %mul3A_451 = arith.muli %add3A_448, %mul3A_450 : vector<16xi32>
    %shift_right_logical3A_452 = arith.constant 15 : i32
    %shift_right_logical3A_453 = vector.broadcast %shift_right_logical3A_452 : i32 to vector<16xi32>
    %shift_right_logical3A_454 = arith.shrui %mul3A_451, %shift_right_logical3A_453 : vector<16xi32>
    %xor3A_455 = arith.xori %mul3A_451, %shift_right_logical3A_454 : vector<16xi32>
    %mul3A_456 = arith.constant -2048144789 : i32
    %mul3A_457 = vector.broadcast %mul3A_456 : i32 to vector<16xi32>
    %mul3A_458 = arith.muli %xor3A_455, %mul3A_457 : vector<16xi32>
    %shift_right_logical3A_459 = arith.constant 13 : i32
    %shift_right_logical3A_460 = vector.broadcast %shift_right_logical3A_459 : i32 to vector<16xi32>
    %shift_right_logical3A_461 = arith.shrui %mul3A_458, %shift_right_logical3A_460 : vector<16xi32>
    %xor3A_462 = arith.xori %mul3A_458, %shift_right_logical3A_461 : vector<16xi32>
    %and3A_463 = arith.constant 8388607 : i32
    %and3A_464 = vector.broadcast %and3A_463 : i32 to vector<16xi32>
    %and3A_465 = arith.andi %xor3A_462, %and3A_464 : vector<16xi32>
    %convert_element_type3A_466 = arith.sitofp %and3A_465 : vector<16xi32> to vector<16xf32>
    %mul3A_467 = arith.constant 1.1920929E-7 : f32
    %mul3A_468 = vector.broadcast %mul3A_467 : f32 to vector<16xf32>
    %mul3A_469 = arith.mulf %convert_element_type3A_466, %mul3A_468 : vector<16xf32>
    %add3A_470 = arith.constant 9.99999996E-13 : f32
    %add3A_471 = vector.broadcast %add3A_470 : f32 to vector<16xf32>
    %add3A_472 = arith.addf %sub3A_444, %add3A_471 : vector<16xf32>
    %sub3A_473 = arith.constant 1.000000e+00 : f32
    %sub3A_474 = vector.broadcast %sub3A_473 : f32 to vector<16xf32>
    %sub3A_475 = arith.subf %sub3A_474, %mul3A_469 : vector<16xf32>
    %mul3A_476 = arith.mulf %add3A_472, %sub3A_475 : vector<16xf32>
    %add3A_477 = arith.constant 9.99999996E-13 : f32
    %add3A_478 = vector.broadcast %add3A_477 : f32 to vector<16xf32>
    %add3A_479 = arith.addf %div3A_441, %add3A_478 : vector<16xf32>
    %mul3A_480 = arith.mulf %add3A_479, %mul3A_469 : vector<16xf32>
    %gt3A_481 = arith.cmpf ogt, %mul3A_476, %mul3A_480 : vector<16xf32>
    %jit3A_482 = arith.constant 1 : i32
    %jit3A_483 = arith.constant 0 : i32
    %broadcast_in_dim3A_484 = vector.broadcast %jit3A_482 : i32 to vector<16xi32>
    %broadcast_in_dim3A_485 = vector.broadcast %jit3A_483 : i32 to vector<16xi32>
    %select_n3A_486 = arith.select %gt3A_481, %broadcast_in_dim3A_484, %broadcast_in_dim3A_485 : vector<16xi1>, vector<16xi32>
    %broadcast_in_dim3A_487 = vector.shape_cast %select_n3A_486 : vector<16xi32> to vector<16x1xi32>
    %gather3A_488 = vector.shape_cast %broadcast_in_dim3A_487 : vector<16x1xi32> to vector<16xi32>
    %gather3A_489 = tpu.dynamic_gather %select_n3A_22[%gather3A_488] in [0] : vector<16xf32>, vector<16xi32> -> vector<16xf32>
    %le3A_490 = arith.constant 5.000000e-01 : f32
    %le3A_491 = vector.broadcast %le3A_490 : f32 to vector<16xf32>
    %le3A_492 = arith.cmpf ole, %gather3A_489, %le3A_491 : vector<16xf32>
    %jit3A_493 = arith.constant 1.000000e+01 : f32
    %broadcast_in_dim3A_494 = vector.broadcast %jit3A_493 : f32 to vector<16xf32>
    %select_n3A_495 = arith.select %le3A_492, %broadcast_in_dim3A_494, %gather3A_489 : vector<16xi1>, vector<16xf32>
    %gt3A_496 = arith.constant 5.000000e-01 : f32
    %gt3A_497 = vector.broadcast %gt3A_496 : f32 to vector<16xf32>
    %gt3A_498 = arith.cmpf ogt, %select_n3A_495, %gt3A_497 : vector<16xf32>
    %jit3A_499 = arith.constant 1.000000e+00 : f32
    %broadcast_in_dim3A_500 = vector.broadcast %jit3A_499 : f32 to vector<16xf32>
    %select_n3A_501 = arith.select %gt3A_498, %broadcast_in_dim3A_500, %select_n3A_495 : vector<16xi1>, vector<16xf32>
    %swap3A_502 = arith.constant 80 : index
    %swap3A_503 = tpu.vector_load %arg6[%swap3A_502] {strides = array<i32>} : memref<1024xf32, #tpu.memory_space<vmem>>, vector<16xf32>,
    %swap3A_504 = vector.shape_cast %swap3A_503 : vector<16xf32> to vector<16xf32>
    %swap3A_505 = vector.shape_cast %select_n3A_501 : vector<16xf32> to vector<16xf32>
    tpu.vector_store %arg6[%swap3A_502], %swap3A_505 {strides = array<i32>} : memref<1024xf32, #tpu.memory_space<vmem>>, vector<16xf32>,
    %get3A_506 = arith.constant 96 : index
    %get3A_507 = tpu.vector_load %arg5[%get3A_506] {strides = array<i32>} : memref<1024xf32, #tpu.memory_space<vmem>>, vector<16xf32>,
    %get3A_508 = vector.shape_cast %get3A_507 : vector<16xf32> to vector<16xf32>
    %mul3A_509 = vector.broadcast %squeeze3A : f32 to vector<16xf32>
    %mul3A_510 = arith.mulf %get3A_508, %mul3A_509 : vector<16xf32>
    %add3A_511 = vector.broadcast %squeeze3A_26 : f32 to vector<16xf32>
    %add3A_512 = arith.addf %mul3A_510, %add3A_511 : vector<16xf32>
    %neg3A_513 = arith.constant 0.000000e+00 : f32
    %neg3A_514 = vector.broadcast %neg3A_513 : f32 to vector<16xf32>
    %neg3A_515 = arith.subf %neg3A_514, %add3A_512 : vector<16xf32>
    %exp3A_516 = math.exp %neg3A_515 : vector<16xf32>
    %add3A_517 = arith.constant 1.000000e+00 : f32
    %add3A_518 = vector.broadcast %add3A_517 : f32 to vector<16xf32>
    %add3A_519 = arith.addf %add3A_518, %exp3A_516 : vector<16xf32>
    %div3A_520 = arith.constant 1.000000e+00 : f32
    %div3A_521 = vector.broadcast %div3A_520 : f32 to vector<16xf32>
    %div3A_522 = arith.divf %div3A_521, %add3A_519 : vector<16xf32>
    %sub3A_523 = arith.constant 1.000000e+00 : f32
    %sub3A_524 = vector.broadcast %sub3A_523 : f32 to vector<16xf32>
    %sub3A_525 = arith.subf %sub3A_524, %div3A_522 : vector<16xf32>
    %add3A_526 = arith.constant 96 : i32
    %add3A_527 = arith.addi %mul3A_0, %add3A_526 : i32
    %add3A_528 = vector.broadcast %add3A_527 : i32 to vector<16xi32>
    %add3A_529 = arith.addi %add3A_528, %iota3A : vector<16xi32>
    %mul3A_530 = arith.constant -1640531527 : i32
    %mul3A_531 = vector.broadcast %mul3A_530 : i32 to vector<16xi32>
    %mul3A_532 = arith.muli %add3A_529, %mul3A_531 : vector<16xi32>
    %shift_right_logical3A_533 = arith.constant 15 : i32
    %shift_right_logical3A_534 = vector.broadcast %shift_right_logical3A_533 : i32 to vector<16xi32>
    %shift_right_logical3A_535 = arith.shrui %mul3A_532, %shift_right_logical3A_534 : vector<16xi32>
    %xor3A_536 = arith.xori %mul3A_532, %shift_right_logical3A_535 : vector<16xi32>
    %mul3A_537 = arith.constant -2048144789 : i32
    %mul3A_538 = vector.broadcast %mul3A_537 : i32 to vector<16xi32>
    %mul3A_539 = arith.muli %xor3A_536, %mul3A_538 : vector<16xi32>
    %shift_right_logical3A_540 = arith.constant 13 : i32
    %shift_right_logical3A_541 = vector.broadcast %shift_right_logical3A_540 : i32 to vector<16xi32>
    %shift_right_logical3A_542 = arith.shrui %mul3A_539, %shift_right_logical3A_541 : vector<16xi32>
    %xor3A_543 = arith.xori %mul3A_539, %shift_right_logical3A_542 : vector<16xi32>
    %and3A_544 = arith.constant 8388607 : i32
    %and3A_545 = vector.broadcast %and3A_544 : i32 to vector<16xi32>
    %and3A_546 = arith.andi %xor3A_543, %and3A_545 : vector<16xi32>
    %convert_element_type3A_547 = arith.sitofp %and3A_546 : vector<16xi32> to vector<16xf32>
    %mul3A_548 = arith.constant 1.1920929E-7 : f32
    %mul3A_549 = vector.broadcast %mul3A_548 : f32 to vector<16xf32>
    %mul3A_550 = arith.mulf %convert_element_type3A_547, %mul3A_549 : vector<16xf32>
    %add3A_551 = arith.constant 9.99999996E-13 : f32
    %add3A_552 = vector.broadcast %add3A_551 : f32 to vector<16xf32>
    %add3A_553 = arith.addf %sub3A_525, %add3A_552 : vector<16xf32>
    %sub3A_554 = arith.constant 1.000000e+00 : f32
    %sub3A_555 = vector.broadcast %sub3A_554 : f32 to vector<16xf32>
    %sub3A_556 = arith.subf %sub3A_555, %mul3A_550 : vector<16xf32>
    %mul3A_557 = arith.mulf %add3A_553, %sub3A_556 : vector<16xf32>
    %add3A_558 = arith.constant 9.99999996E-13 : f32
    %add3A_559 = vector.broadcast %add3A_558 : f32 to vector<16xf32>
    %add3A_560 = arith.addf %div3A_522, %add3A_559 : vector<16xf32>
    %mul3A_561 = arith.mulf %add3A_560, %mul3A_550 : vector<16xf32>
    %gt3A_562 = arith.cmpf ogt, %mul3A_557, %mul3A_561 : vector<16xf32>
    %jit3A_563 = arith.constant 1 : i32
    %jit3A_564 = arith.constant 0 : i32
    %broadcast_in_dim3A_565 = vector.broadcast %jit3A_563 : i32 to vector<16xi32>
    %broadcast_in_dim3A_566 = vector.broadcast %jit3A_564 : i32 to vector<16xi32>
    %select_n3A_567 = arith.select %gt3A_562, %broadcast_in_dim3A_565, %broadcast_in_dim3A_566 : vector<16xi1>, vector<16xi32>
    %broadcast_in_dim3A_568 = vector.shape_cast %select_n3A_567 : vector<16xi32> to vector<16x1xi32>
    %gather3A_569 = vector.shape_cast %broadcast_in_dim3A_568 : vector<16x1xi32> to vector<16xi32>
    %gather3A_570 = tpu.dynamic_gather %select_n3A_22[%gather3A_569] in [0] : vector<16xf32>, vector<16xi32> -> vector<16xf32>
    %le3A_571 = arith.constant 5.000000e-01 : f32
    %le3A_572 = vector.broadcast %le3A_571 : f32 to vector<16xf32>
    %le3A_573 = arith.cmpf ole, %gather3A_570, %le3A_572 : vector<16xf32>
    %jit3A_574 = arith.constant 1.000000e+01 : f32
    %broadcast_in_dim3A_575 = vector.broadcast %jit3A_574 : f32 to vector<16xf32>
    %select_n3A_576 = arith.select %le3A_573, %broadcast_in_dim3A_575, %gather3A_570 : vector<16xi1>, vector<16xf32>
    %gt3A_577 = arith.constant 5.000000e-01 : f32
    %gt3A_578 = vector.broadcast %gt3A_577 : f32 to vector<16xf32>
    %gt3A_579 = arith.cmpf ogt, %select_n3A_576, %gt3A_578 : vector<16xf32>
    %jit3A_580 = arith.constant 1.000000e+00 : f32
    %broadcast_in_dim3A_581 = vector.broadcast %jit3A_580 : f32 to vector<16xf32>
    %select_n3A_582 = arith.select %gt3A_579, %broadcast_in_dim3A_581, %select_n3A_576 : vector<16xi1>, vector<16xf32>
    %swap3A_583 = arith.constant 96 : index
    %swap3A_584 = tpu.vector_load %arg6[%swap3A_583] {strides = array<i32>} : memref<1024xf32, #tpu.memory_space<vmem>>, vector<16xf32>,
    %swap3A_585 = vector.shape_cast %swap3A_584 : vector<16xf32> to vector<16xf32>
    %swap3A_586 = vector.shape_cast %select_n3A_582 : vector<16xf32> to vector<16xf32>
    tpu.vector_store %arg6[%swap3A_583], %swap3A_586 {strides = array<i32>} : memref<1024xf32, #tpu.memory_space<vmem>>, vector<16xf32>,
    %get3A_587 = arith.constant 112 : index
    %get3A_588 = tpu.vector_load %arg5[%get3A_587] {strides = array<i32>} : memref<1024xf32, #tpu.memory_space<vmem>>, vector<16xf32>,
    %get3A_589 = vector.shape_cast %get3A_588 : vector<16xf32> to vector<16xf32>
    %mul3A_590 = vector.broadcast %squeeze3A : f32 to vector<16xf32>
    %mul3A_591 = arith.mulf %get3A_589, %mul3A_590 : vector<16xf32>
    %add3A_592 = vector.broadcast %squeeze3A_26 : f32 to vector<16xf32>
    %add3A_593 = arith.addf %mul3A_591, %add3A_592 : vector<16xf32>
    %neg3A_594 = arith.constant 0.000000e+00 : f32
    %neg3A_595 = vector.broadcast %neg3A_594 : f32 to vector<16xf32>
    %neg3A_596 = arith.subf %neg3A_595, %add3A_593 : vector<16xf32>
    %exp3A_597 = math.exp %neg3A_596 : vector<16xf32>
    %add3A_598 = arith.constant 1.000000e+00 : f32
    %add3A_599 = vector.broadcast %add3A_598 : f32 to vector<16xf32>
    %add3A_600 = arith.addf %add3A_599, %exp3A_597 : vector<16xf32>
    %div3A_601 = arith.constant 1.000000e+00 : f32
    %div3A_602 = vector.broadcast %div3A_601 : f32 to vector<16xf32>
    %div3A_603 = arith.divf %div3A_602, %add3A_600 : vector<16xf32>
    %sub3A_604 = arith.constant 1.000000e+00 : f32
    %sub3A_605 = vector.broadcast %sub3A_604 : f32 to vector<16xf32>
    %sub3A_606 = arith.subf %sub3A_605, %div3A_603 : vector<16xf32>
    %add3A_607 = arith.constant 112 : i32
    %add3A_608 = arith.addi %mul3A_0, %add3A_607 : i32
    %add3A_609 = vector.broadcast %add3A_608 : i32 to vector<16xi32>
    %add3A_610 = arith.addi %add3A_609, %iota3A : vector<16xi32>
    %mul3A_611 = arith.constant -1640531527 : i32
    %mul3A_612 = vector.broadcast %mul3A_611 : i32 to vector<16xi32>
    %mul3A_613 = arith.muli %add3A_610, %mul3A_612 : vector<16xi32>
    %shift_right_logical3A_614 = arith.constant 15 : i32
    %shift_right_logical3A_615 = vector.broadcast %shift_right_logical3A_614 : i32 to vector<16xi32>
    %shift_right_logical3A_616 = arith.shrui %mul3A_613, %shift_right_logical3A_615 : vector<16xi32>
    %xor3A_617 = arith.xori %mul3A_613, %shift_right_logical3A_616 : vector<16xi32>
    %mul3A_618 = arith.constant -2048144789 : i32
    %mul3A_619 = vector.broadcast %mul3A_618 : i32 to vector<16xi32>
    %mul3A_620 = arith.muli %xor3A_617, %mul3A_619 : vector<16xi32>
    %shift_right_logical3A_621 = arith.constant 13 : i32
    %shift_right_logical3A_622 = vector.broadcast %shift_right_logical3A_621 : i32 to vector<16xi32>
    %shift_right_logical3A_623 = arith.shrui %mul3A_620, %shift_right_logical3A_622 : vector<16xi32>
    %xor3A_624 = arith.xori %mul3A_620, %shift_right_logical3A_623 : vector<16xi32>
    %and3A_625 = arith.constant 8388607 : i32
    %and3A_626 = vector.broadcast %and3A_625 : i32 to vector<16xi32>
    %and3A_627 = arith.andi %xor3A_624, %and3A_626 : vector<16xi32>
    %convert_element_type3A_628 = arith.sitofp %and3A_627 : vector<16xi32> to vector<16xf32>
    %mul3A_629 = arith.constant 1.1920929E-7 : f32
    %mul3A_630 = vector.broadcast %mul3A_629 : f32 to vector<16xf32>
    %mul3A_631 = arith.mulf %convert_element_type3A_628, %mul3A_630 : vector<16xf32>
    %add3A_632 = arith.constant 9.99999996E-13 : f32
    %add3A_633 = vector.broadcast %add3A_632 : f32 to vector<16xf32>
    %add3A_634 = arith.addf %sub3A_606, %add3A_633 : vector<16xf32>
    %sub3A_635 = arith.constant 1.000000e+00 : f32
    %sub3A_636 = vector.broadcast %sub3A_635 : f32 to vector<16xf32>
    %sub3A_637 = arith.subf %sub3A_636, %mul3A_631 : vector<16xf32>
    %mul3A_638 = arith.mulf %add3A_634, %sub3A_637 : vector<16xf32>
    %add3A_639 = arith.constant 9.99999996E-13 : f32
    %add3A_640 = vector.broadcast %add3A_639 : f32 to vector<16xf32>
    %add3A_641 = arith.addf %div3A_603, %add3A_640 : vector<16xf32>
    %mul3A_642 = arith.mulf %add3A_641, %mul3A_631 : vector<16xf32>
    %gt3A_643 = arith.cmpf ogt, %mul3A_638, %mul3A_642 : vector<16xf32>
    %jit3A_644 = arith.constant 1 : i32
    %jit3A_645 = arith.constant 0 : i32
    %broadcast_in_dim3A_646 = vector.broadcast %jit3A_644 : i32 to vector<16xi32>
    %broadcast_in_dim3A_647 = vector.broadcast %jit3A_645 : i32 to vector<16xi32>
    %select_n3A_648 = arith.select %gt3A_643, %broadcast_in_dim3A_646, %broadcast_in_dim3A_647 : vector<16xi1>, vector<16xi32>
    %broadcast_in_dim3A_649 = vector.shape_cast %select_n3A_648 : vector<16xi32> to vector<16x1xi32>
    %gather3A_650 = vector.shape_cast %broadcast_in_dim3A_649 : vector<16x1xi32> to vector<16xi32>
    %gather3A_651 = tpu.dynamic_gather %select_n3A_22[%gather3A_650] in [0] : vector<16xf32>, vector<16xi32> -> vector<16xf32>
    %le3A_652 = arith.constant 5.000000e-01 : f32
    %le3A_653 = vector.broadcast %le3A_652 : f32 to vector<16xf32>
    %le3A_654 = arith.cmpf ole, %gather3A_651, %le3A_653 : vector<16xf32>
    %jit3A_655 = arith.constant 1.000000e+01 : f32
    %broadcast_in_dim3A_656 = vector.broadcast %jit3A_655 : f32 to vector<16xf32>
    %select_n3A_657 = arith.select %le3A_654, %broadcast_in_dim3A_656, %gather3A_651 : vector<16xi1>, vector<16xf32>
    %gt3A_658 = arith.constant 5.000000e-01 : f32
    %gt3A_659 = vector.broadcast %gt3A_658 : f32 to vector<16xf32>
    %gt3A_660 = arith.cmpf ogt, %select_n3A_657, %gt3A_659 : vector<16xf32>
    %jit3A_661 = arith.constant 1.000000e+00 : f32
    %broadcast_in_dim3A_662 = vector.broadcast %jit3A_661 : f32 to vector<16xf32>
    %select_n3A_663 = arith.select %gt3A_660, %broadcast_in_dim3A_662, %select_n3A_657 : vector<16xi1>, vector<16xf32>
    %swap3A_664 = arith.constant 112 : index
    %swap3A_665 = tpu.vector_load %arg6[%swap3A_664] {strides = array<i32>} : memref<1024xf32, #tpu.memory_space<vmem>>, vector<16xf32>,
    %swap3A_666 = vector.shape_cast %swap3A_665 : vector<16xf32> to vector<16xf32>
    %swap3A_667 = vector.shape_cast %select_n3A_663 : vector<16xf32> to vector<16xf32>
    tpu.vector_store %arg6[%swap3A_664], %swap3A_667 {strides = array<i32>} : memref<1024xf32, #tpu.memory_space<vmem>>, vector<16xf32>,
    %get3A_668 = arith.constant 128 : index
    %get3A_669 = tpu.vector_load %arg5[%get3A_668] {strides = array<i32>} : memref<1024xf32, #tpu.memory_space<vmem>>, vector<16xf32>,
    %get3A_670 = vector.shape_cast %get3A_669 : vector<16xf32> to vector<16xf32>
    %mul3A_671 = vector.broadcast %squeeze3A : f32 to vector<16xf32>
    %mul3A_672 = arith.mulf %get3A_670, %mul3A_671 : vector<16xf32>
    %add3A_673 = vector.broadcast %squeeze3A_26 : f32 to vector<16xf32>
    %add3A_674 = arith.addf %mul3A_672, %add3A_673 : vector<16xf32>
    %neg3A_675 = arith.constant 0.000000e+00 : f32
    %neg3A_676 = vector.broadcast %neg3A_675 : f32 to vector<16xf32>
    %neg3A_677 = arith.subf %neg3A_676, %add3A_674 : vector<16xf32>
    %exp3A_678 = math.exp %neg3A_677 : vector<16xf32>
    %add3A_679 = arith.constant 1.000000e+00 : f32
    %add3A_680 = vector.broadcast %add3A_679 : f32 to vector<16xf32>
    %add3A_681 = arith.addf %add3A_680, %exp3A_678 : vector<16xf32>
    %div3A_682 = arith.constant 1.000000e+00 : f32
    %div3A_683 = vector.broadcast %div3A_682 : f32 to vector<16xf32>
    %div3A_684 = arith.divf %div3A_683, %add3A_681 : vector<16xf32>
    %sub3A_685 = arith.constant 1.000000e+00 : f32
    %sub3A_686 = vector.broadcast %sub3A_685 : f32 to vector<16xf32>
    %sub3A_687 = arith.subf %sub3A_686, %div3A_684 : vector<16xf32>
    %add3A_688 = arith.constant 128 : i32
    %add3A_689 = arith.addi %mul3A_0, %add3A_688 : i32
    %add3A_690 = vector.broadcast %add3A_689 : i32 to vector<16xi32>
    %add3A_691 = arith.addi %add3A_690, %iota3A : vector<16xi32>
    %mul3A_692 = arith.constant -1640531527 : i32
    %mul3A_693 = vector.broadcast %mul3A_692 : i32 to vector<16xi32>
    %mul3A_694 = arith.muli %add3A_691, %mul3A_693 : vector<16xi32>
    %shift_right_logical3A_695 = arith.constant 15 : i32
    %shift_right_logical3A_696 = vector.broadcast %shift_right_logical3A_695 : i32 to vector<16xi32>
    %shift_right_logical3A_697 = arith.shrui %mul3A_694, %shift_right_logical3A_696 : vector<16xi32>
    %xor3A_698 = arith.xori %mul3A_694, %shift_right_logical3A_697 : vector<16xi32>
    %mul3A_699 = arith.constant -2048144789 : i32
    %mul3A_700 = vector.broadcast %mul3A_699 : i32 to vector<16xi32>
    %mul3A_701 = arith.muli %xor3A_698, %mul3A_700 : vector<16xi32>
    %shift_right_logical3A_702 = arith.constant 13 : i32
    %shift_right_logical3A_703 = vector.broadcast %shift_right_logical3A_702 : i32 to vector<16xi32>
    %shift_right_logical3A_704 = arith.shrui %mul3A_701, %shift_right_logical3A_703 : vector<16xi32>
    %xor3A_705 = arith.xori %mul3A_701, %shift_right_logical3A_704 : vector<16xi32>
    %and3A_706 = arith.constant 8388607 : i32
    %and3A_707 = vector.broadcast %and3A_706 : i32 to vector<16xi32>
    %and3A_708 = arith.andi %xor3A_705, %and3A_707 : vector<16xi32>
    %convert_element_type3A_709 = arith.sitofp %and3A_708 : vector<16xi32> to vector<16xf32>
    %mul3A_710 = arith.constant 1.1920929E-7 : f32
    %mul3A_711 = vector.broadcast %mul3A_710 : f32 to vector<16xf32>
    %mul3A_712 = arith.mulf %convert_element_type3A_709, %mul3A_711 : vector<16xf32>
    %add3A_713 = arith.constant 9.99999996E-13 : f32
    %add3A_714 = vector.broadcast %add3A_713 : f32 to vector<16xf32>
    %add3A_715 = arith.addf %sub3A_687, %add3A_714 : vector<16xf32>
    %sub3A_716 = arith.constant 1.000000e+00 : f32
    %sub3A_717 = vector.broadcast %sub3A_716 : f32 to vector<16xf32>
    %sub3A_718 = arith.subf %sub3A_717, %mul3A_712 : vector<16xf32>
    %mul3A_719 = arith.mulf %add3A_715, %sub3A_718 : vector<16xf32>
    %add3A_720 = arith.constant 9.99999996E-13 : f32
    %add3A_721 = vector.broadcast %add3A_720 : f32 to vector<16xf32>
    %add3A_722 = arith.addf %div3A_684, %add3A_721 : vector<16xf32>
    %mul3A_723 = arith.mulf %add3A_722, %mul3A_712 : vector<16xf32>
    %gt3A_724 = arith.cmpf ogt, %mul3A_719, %mul3A_723 : vector<16xf32>
    %jit3A_725 = arith.constant 1 : i32
    %jit3A_726 = arith.constant 0 : i32
    %broadcast_in_dim3A_727 = vector.broadcast %jit3A_725 : i32 to vector<16xi32>
    %broadcast_in_dim3A_728 = vector.broadcast %jit3A_726 : i32 to vector<16xi32>
    %select_n3A_729 = arith.select %gt3A_724, %broadcast_in_dim3A_727, %broadcast_in_dim3A_728 : vector<16xi1>, vector<16xi32>
    %broadcast_in_dim3A_730 = vector.shape_cast %select_n3A_729 : vector<16xi32> to vector<16x1xi32>
    %gather3A_731 = vector.shape_cast %broadcast_in_dim3A_730 : vector<16x1xi32> to vector<16xi32>
    %gather3A_732 = tpu.dynamic_gather %select_n3A_22[%gather3A_731] in [0] : vector<16xf32>, vector<16xi32> -> vector<16xf32>
    %le3A_733 = arith.constant 5.000000e-01 : f32
    %le3A_734 = vector.broadcast %le3A_733 : f32 to vector<16xf32>
    %le3A_735 = arith.cmpf ole, %gather3A_732, %le3A_734 : vector<16xf32>
    %jit3A_736 = arith.constant 1.000000e+01 : f32
    %broadcast_in_dim3A_737 = vector.broadcast %jit3A_736 : f32 to vector<16xf32>
    %select_n3A_738 = arith.select %le3A_735, %broadcast_in_dim3A_737, %gather3A_732 : vector<16xi1>, vector<16xf32>
    %gt3A_739 = arith.constant 5.000000e-01 : f32
    %gt3A_740 = vector.broadcast %gt3A_739 : f32 to vector<16xf32>
    %gt3A_741 = arith.cmpf ogt, %select_n3A_738, %gt3A_740 : vector<16xf32>
    %jit3A_742 = arith.constant 1.000000e+00 : f32
    %broadcast_in_dim3A_743 = vector.broadcast %jit3A_742 : f32 to vector<16xf32>
    %select_n3A_744 = arith.select %gt3A_741, %broadcast_in_dim3A_743, %select_n3A_738 : vector<16xi1>, vector<16xf32>
    %swap3A_745 = arith.constant 128 : index
    %swap3A_746 = tpu.vector_load %arg6[%swap3A_745] {strides = array<i32>} : memref<1024xf32, #tpu.memory_space<vmem>>, vector<16xf32>,
    %swap3A_747 = vector.shape_cast %swap3A_746 : vector<16xf32> to vector<16xf32>
    %swap3A_748 = vector.shape_cast %select_n3A_744 : vector<16xf32> to vector<16xf32>
    tpu.vector_store %arg6[%swap3A_745], %swap3A_748 {strides = array<i32>} : memref<1024xf32, #tpu.memory_space<vmem>>, vector<16xf32>,
    %get3A_749 = arith.constant 144 : index
    %get3A_750 = tpu.vector_load %arg5[%get3A_749] {strides = array<i32>} : memref<1024xf32, #tpu.memory_space<vmem>>, vector<16xf32>,
    %get3A_751 = vector.shape_cast %get3A_750 : vector<16xf32> to vector<16xf32>
    %mul3A_752 = vector.broadcast %squeeze3A : f32 to vector<16xf32>
    %mul3A_753 = arith.mulf %get3A_751, %mul3A_752 : vector<16xf32>
    %add3A_754 = vector.broadcast %squeeze3A_26 : f32 to vector<16xf32>
    %add3A_755 = arith.addf %mul3A_753, %add3A_754 : vector<16xf32>
    %neg3A_756 = arith.constant 0.000000e+00 : f32
    %neg3A_757 = vector.broadcast %neg3A_756 : f32 to vector<16xf32>
    %neg3A_758 = arith.subf %neg3A_757, %add3A_755 : vector<16xf32>
    %exp3A_759 = math.exp %neg3A_758 : vector<16xf32>
    %add3A_760 = arith.constant 1.000000e+00 : f32
    %add3A_761 = vector.broadcast %add3A_760 : f32 to vector<16xf32>
    %add3A_762 = arith.addf %add3A_761, %exp3A_759 : vector<16xf32>
    %div3A_763 = arith.constant 1.000000e+00 : f32
    %div3A_764 = vector.broadcast %div3A_763 : f32 to vector<16xf32>
    %div3A_765 = arith.divf %div3A_764, %add3A_762 : vector<16xf32>
    %sub3A_766 = arith.constant 1.000000e+00 : f32
    %sub3A_767 = vector.broadcast %sub3A_766 : f32 to vector<16xf32>
    %sub3A_768 = arith.subf %sub3A_767, %div3A_765 : vector<16xf32>
    %add3A_769 = arith.constant 144 : i32
    %add3A_770 = arith.addi %mul3A_0, %add3A_769 : i32
    %add3A_771 = vector.broadcast %add3A_770 : i32 to vector<16xi32>
    %add3A_772 = arith.addi %add3A_771, %iota3A : vector<16xi32>
    %mul3A_773 = arith.constant -1640531527 : i32
    %mul3A_774 = vector.broadcast %mul3A_773 : i32 to vector<16xi32>
    %mul3A_775 = arith.muli %add3A_772, %mul3A_774 : vector<16xi32>
    %shift_right_logical3A_776 = arith.constant 15 : i32
    %shift_right_logical3A_777 = vector.broadcast %shift_right_logical3A_776 : i32 to vector<16xi32>
    %shift_right_logical3A_778 = arith.shrui %mul3A_775, %shift_right_logical3A_777 : vector<16xi32>
    %xor3A_779 = arith.xori %mul3A_775, %shift_right_logical3A_778 : vector<16xi32>
    %mul3A_780 = arith.constant -2048144789 : i32
    %mul3A_781 = vector.broadcast %mul3A_780 : i32 to vector<16xi32>
    %mul3A_782 = arith.muli %xor3A_779, %mul3A_781 : vector<16xi32>
    %shift_right_logical3A_783 = arith.constant 13 : i32
    %shift_right_logical3A_784 = vector.broadcast %shift_right_logical3A_783 : i32 to vector<16xi32>
    %shift_right_logical3A_785 = arith.shrui %mul3A_782, %shift_right_logical3A_784 : vector<16xi32>
    %xor3A_786 = arith.xori %mul3A_782, %shift_right_logical3A_785 : vector<16xi32>
    %and3A_787 = arith.constant 8388607 : i32
    %and3A_788 = vector.broadcast %and3A_787 : i32 to vector<16xi32>
    %and3A_789 = arith.andi %xor3A_786, %and3A_788 : vector<16xi32>
    %convert_element_type3A_790 = arith.sitofp %and3A_789 : vector<16xi32> to vector<16xf32>
    %mul3A_791 = arith.constant 1.1920929E-7 : f32
    %mul3A_792 = vector.broadcast %mul3A_791 : f32 to vector<16xf32>
    %mul3A_793 = arith.mulf %convert_element_type3A_790, %mul3A_792 : vector<16xf32>
    %add3A_794 = arith.constant 9.99999996E-13 : f32
    %add3A_795 = vector.broadcast %add3A_794 : f32 to vector<16xf32>
    %add3A_796 = arith.addf %sub3A_768, %add3A_795 : vector<16xf32>
    %sub3A_797 = arith.constant 1.000000e+00 : f32
    %sub3A_798 = vector.broadcast %sub3A_797 : f32 to vector<16xf32>
    %sub3A_799 = arith.subf %sub3A_798, %mul3A_793 : vector<16xf32>
    %mul3A_800 = arith.mulf %add3A_796, %sub3A_799 : vector<16xf32>
    %add3A_801 = arith.constant 9.99999996E-13 : f32
    %add3A_802 = vector.broadcast %add3A_801 : f32 to vector<16xf32>
    %add3A_803 = arith.addf %div3A_765, %add3A_802 : vector<16xf32>
    %mul3A_804 = arith.mulf %add3A_803, %mul3A_793 : vector<16xf32>
    %gt3A_805 = arith.cmpf ogt, %mul3A_800, %mul3A_804 : vector<16xf32>
    %jit3A_806 = arith.constant 1 : i32
    %jit3A_807 = arith.constant 0 : i32
    %broadcast_in_dim3A_808 = vector.broadcast %jit3A_806 : i32 to vector<16xi32>
    %broadcast_in_dim3A_809 = vector.broadcast %jit3A_807 : i32 to vector<16xi32>
    %select_n3A_810 = arith.select %gt3A_805, %broadcast_in_dim3A_808, %broadcast_in_dim3A_809 : vector<16xi1>, vector<16xi32>
    %broadcast_in_dim3A_811 = vector.shape_cast %select_n3A_810 : vector<16xi32> to vector<16x1xi32>
    %gather3A_812 = vector.shape_cast %broadcast_in_dim3A_811 : vector<16x1xi32> to vector<16xi32>
    %gather3A_813 = tpu.dynamic_gather %select_n3A_22[%gather3A_812] in [0] : vector<16xf32>, vector<16xi32> -> vector<16xf32>
    %le3A_814 = arith.constant 5.000000e-01 : f32
    %le3A_815 = vector.broadcast %le3A_814 : f32 to vector<16xf32>
    %le3A_816 = arith.cmpf ole, %gather3A_813, %le3A_815 : vector<16xf32>
    %jit3A_817 = arith.constant 1.000000e+01 : f32
    %broadcast_in_dim3A_818 = vector.broadcast %jit3A_817 : f32 to vector<16xf32>
    %select_n3A_819 = arith.select %le3A_816, %broadcast_in_dim3A_818, %gather3A_813 : vector<16xi1>, vector<16xf32>
    %gt3A_820 = arith.constant 5.000000e-01 : f32
    %gt3A_821 = vector.broadcast %gt3A_820 : f32 to vector<16xf32>
    %gt3A_822 = arith.cmpf ogt, %select_n3A_819, %gt3A_821 : vector<16xf32>
    %jit3A_823 = arith.constant 1.000000e+00 : f32
    %broadcast_in_dim3A_824 = vector.broadcast %jit3A_823 : f32 to vector<16xf32>
    %select_n3A_825 = arith.select %gt3A_822, %broadcast_in_dim3A_824, %select_n3A_819 : vector<16xi1>, vector<16xf32>
    %swap3A_826 = arith.constant 144 : index
    %swap3A_827 = tpu.vector_load %arg6[%swap3A_826] {strides = array<i32>} : memref<1024xf32, #tpu.memory_space<vmem>>, vector<16xf32>,
    %swap3A_828 = vector.shape_cast %swap3A_827 : vector<16xf32> to vector<16xf32>
    %swap3A_829 = vector.shape_cast %select_n3A_825 : vector<16xf32> to vector<16xf32>
    tpu.vector_store %arg6[%swap3A_826], %swap3A_829 {strides = array<i32>} : memref<1024xf32, #tpu.memory_space<vmem>>, vector<16xf32>,
    %get3A_830 = arith.constant 160 : index
    %get3A_831 = tpu.vector_load %arg5[%get3A_830] {strides = array<i32>} : memref<1024xf32, #tpu.memory_space<vmem>>, vector<16xf32>,
    %get3A_832 = vector.shape_cast %get3A_831 : vector<16xf32> to vector<16xf32>
    %mul3A_833 = vector.broadcast %squeeze3A : f32 to vector<16xf32>
    %mul3A_834 = arith.mulf %get3A_832, %mul3A_833 : vector<16xf32>
    %add3A_835 = vector.broadcast %squeeze3A_26 : f32 to vector<16xf32>
    %add3A_836 = arith.addf %mul3A_834, %add3A_835 : vector<16xf32>
    %neg3A_837 = arith.constant 0.000000e+00 : f32
    %neg3A_838 = vector.broadcast %neg3A_837 : f32 to vector<16xf32>
    %neg3A_839 = arith.subf %neg3A_838, %add3A_836 : vector<16xf32>
    %exp3A_840 = math.exp %neg3A_839 : vector<16xf32>
    %add3A_841 = arith.constant 1.000000e+00 : f32
    %add3A_842 = vector.broadcast %add3A_841 : f32 to vector<16xf32>
    %add3A_843 = arith.addf %add3A_842, %exp3A_840 : vector<16xf32>
    %div3A_844 = arith.constant 1.000000e+00 : f32
    %div3A_845 = vector.broadcast %div3A_844 : f32 to vector<16xf32>
    %div3A_846 = arith.divf %div3A_845, %add3A_843 : vector<16xf32>
    %sub3A_847 = arith.constant 1.000000e+00 : f32
    %sub3A_848 = vector.broadcast %sub3A_847 : f32 to vector<16xf32>
    %sub3A_849 = arith.subf %sub3A_848, %div3A_846 : vector<16xf32>
    %add3A_850 = arith.constant 160 : i32
    %add3A_851 = arith.addi %mul3A_0, %add3A_850 : i32
    %add3A_852 = vector.broadcast %add3A_851 : i32 to vector<16xi32>
    %add3A_853 = arith.addi %add3A_852, %iota3A : vector<16xi32>
    %mul3A_854 = arith.constant -1640531527 : i32
    %mul3A_855 = vector.broadcast %mul3A_854 : i32 to vector<16xi32>
    %mul3A_856 = arith.muli %add3A_853, %mul3A_855 : vector<16xi32>
    %shift_right_logical3A_857 = arith.constant 15 : i32
    %shift_right_logical3A_858 = vector.broadcast %shift_right_logical3A_857 : i32 to vector<16xi32>
    %shift_right_logical3A_859 = arith.shrui %mul3A_856, %shift_right_logical3A_858 : vector<16xi32>
    %xor3A_860 = arith.xori %mul3A_856, %shift_right_logical3A_859 : vector<16xi32>
    %mul3A_861 = arith.constant -2048144789 : i32
    %mul3A_862 = vector.broadcast %mul3A_861 : i32 to vector<16xi32>
    %mul3A_863 = arith.muli %xor3A_860, %mul3A_862 : vector<16xi32>
    %shift_right_logical3A_864 = arith.constant 13 : i32
    %shift_right_logical3A_865 = vector.broadcast %shift_right_logical3A_864 : i32 to vector<16xi32>
    %shift_right_logical3A_866 = arith.shrui %mul3A_863, %shift_right_logical3A_865 : vector<16xi32>
    %xor3A_867 = arith.xori %mul3A_863, %shift_right_logical3A_866 : vector<16xi32>
    %and3A_868 = arith.constant 8388607 : i32
    %and3A_869 = vector.broadcast %and3A_868 : i32 to vector<16xi32>
    %and3A_870 = arith.andi %xor3A_867, %and3A_869 : vector<16xi32>
    %convert_element_type3A_871 = arith.sitofp %and3A_870 : vector<16xi32> to vector<16xf32>
    %mul3A_872 = arith.constant 1.1920929E-7 : f32
    %mul3A_873 = vector.broadcast %mul3A_872 : f32 to vector<16xf32>
    %mul3A_874 = arith.mulf %convert_element_type3A_871, %mul3A_873 : vector<16xf32>
    %add3A_875 = arith.constant 9.99999996E-13 : f32
    %add3A_876 = vector.broadcast %add3A_875 : f32 to vector<16xf32>
    %add3A_877 = arith.addf %sub3A_849, %add3A_876 : vector<16xf32>
    %sub3A_878 = arith.constant 1.000000e+00 : f32
    %sub3A_879 = vector.broadcast %sub3A_878 : f32 to vector<16xf32>
    %sub3A_880 = arith.subf %sub3A_879, %mul3A_874 : vector<16xf32>
    %mul3A_881 = arith.mulf %add3A_877, %sub3A_880 : vector<16xf32>
    %add3A_882 = arith.constant 9.99999996E-13 : f32
    %add3A_883 = vector.broadcast %add3A_882 : f32 to vector<16xf32>
    %add3A_884 = arith.addf %div3A_846, %add3A_883 : vector<16xf32>
    %mul3A_885 = arith.mulf %add3A_884, %mul3A_874 : vector<16xf32>
    %gt3A_886 = arith.cmpf ogt, %mul3A_881, %mul3A_885 : vector<16xf32>
    %jit3A_887 = arith.constant 1 : i32
    %jit3A_888 = arith.constant 0 : i32
    %broadcast_in_dim3A_889 = vector.broadcast %jit3A_887 : i32 to vector<16xi32>
    %broadcast_in_dim3A_890 = vector.broadcast %jit3A_888 : i32 to vector<16xi32>
    %select_n3A_891 = arith.select %gt3A_886, %broadcast_in_dim3A_889, %broadcast_in_dim3A_890 : vector<16xi1>, vector<16xi32>
    %broadcast_in_dim3A_892 = vector.shape_cast %select_n3A_891 : vector<16xi32> to vector<16x1xi32>
    %gather3A_893 = vector.shape_cast %broadcast_in_dim3A_892 : vector<16x1xi32> to vector<16xi32>
    %gather3A_894 = tpu.dynamic_gather %select_n3A_22[%gather3A_893] in [0] : vector<16xf32>, vector<16xi32> -> vector<16xf32>
    %le3A_895 = arith.constant 5.000000e-01 : f32
    %le3A_896 = vector.broadcast %le3A_895 : f32 to vector<16xf32>
    %le3A_897 = arith.cmpf ole, %gather3A_894, %le3A_896 : vector<16xf32>
    %jit3A_898 = arith.constant 1.000000e+01 : f32
    %broadcast_in_dim3A_899 = vector.broadcast %jit3A_898 : f32 to vector<16xf32>
    %select_n3A_900 = arith.select %le3A_897, %broadcast_in_dim3A_899, %gather3A_894 : vector<16xi1>, vector<16xf32>
    %gt3A_901 = arith.constant 5.000000e-01 : f32
    %gt3A_902 = vector.broadcast %gt3A_901 : f32 to vector<16xf32>
    %gt3A_903 = arith.cmpf ogt, %select_n3A_900, %gt3A_902 : vector<16xf32>
    %jit3A_904 = arith.constant 1.000000e+00 : f32
    %broadcast_in_dim3A_905 = vector.broadcast %jit3A_904 : f32 to vector<16xf32>
    %select_n3A_906 = arith.select %gt3A_903, %broadcast_in_dim3A_905, %select_n3A_900 : vector<16xi1>, vector<16xf32>
    %swap3A_907 = arith.constant 160 : index
    %swap3A_908 = tpu.vector_load %arg6[%swap3A_907] {strides = array<i32>} : memref<1024xf32, #tpu.memory_space<vmem>>, vector<16xf32>,
    %swap3A_909 = vector.shape_cast %swap3A_908 : vector<16xf32> to vector<16xf32>
    %swap3A_910 = vector.shape_cast %select_n3A_906 : vector<16xf32> to vector<16xf32>
    tpu.vector_store %arg6[%swap3A_907], %swap3A_910 {strides = array<i32>} : memref<1024xf32, #tpu.memory_space<vmem>>, vector<16xf32>,
    %get3A_911 = arith.constant 176 : index
    %get3A_912 = tpu.vector_load %arg5[%get3A_911] {strides = array<i32>} : memref<1024xf32, #tpu.memory_space<vmem>>, vector<16xf32>,
    %get3A_913 = vector.shape_cast %get3A_912 : vector<16xf32> to vector<16xf32>
    %mul3A_914 = vector.broadcast %squeeze3A : f32 to vector<16xf32>
    %mul3A_915 = arith.mulf %get3A_913, %mul3A_914 : vector<16xf32>
    %add3A_916 = vector.broadcast %squeeze3A_26 : f32 to vector<16xf32>
    %add3A_917 = arith.addf %mul3A_915, %add3A_916 : vector<16xf32>
    %neg3A_918 = arith.constant 0.000000e+00 : f32
    %neg3A_919 = vector.broadcast %neg3A_918 : f32 to vector<16xf32>
    %neg3A_920 = arith.subf %neg3A_919, %add3A_917 : vector<16xf32>
    %exp3A_921 = math.exp %neg3A_920 : vector<16xf32>
    %add3A_922 = arith.constant 1.000000e+00 : f32
    %add3A_923 = vector.broadcast %add3A_922 : f32 to vector<16xf32>
    %add3A_924 = arith.addf %add3A_923, %exp3A_921 : vector<16xf32>
    %div3A_925 = arith.constant 1.000000e+00 : f32
    %div3A_926 = vector.broadcast %div3A_925 : f32 to vector<16xf32>
    %div3A_927 = arith.divf %div3A_926, %add3A_924 : vector<16xf32>
    %sub3A_928 = arith.constant 1.000000e+00 : f32
    %sub3A_929 = vector.broadcast %sub3A_928 : f32 to vector<16xf32>
    %sub3A_930 = arith.subf %sub3A_929, %div3A_927 : vector<16xf32>
    %add3A_931 = arith.constant 176 : i32
    %add3A_932 = arith.addi %mul3A_0, %add3A_931 : i32
    %add3A_933 = vector.broadcast %add3A_932 : i32 to vector<16xi32>
    %add3A_934 = arith.addi %add3A_933, %iota3A : vector<16xi32>
    %mul3A_935 = arith.constant -1640531527 : i32
    %mul3A_936 = vector.broadcast %mul3A_935 : i32 to vector<16xi32>
    %mul3A_937 = arith.muli %add3A_934, %mul3A_936 : vector<16xi32>
    %shift_right_logical3A_938 = arith.constant 15 : i32
    %shift_right_logical3A_939 = vector.broadcast %shift_right_logical3A_938 : i32 to vector<16xi32>
    %shift_right_logical3A_940 = arith.shrui %mul3A_937, %shift_right_logical3A_939 : vector<16xi32>
    %xor3A_941 = arith.xori %mul3A_937, %shift_right_logical3A_940 : vector<16xi32>
    %mul3A_942 = arith.constant -2048144789 : i32
    %mul3A_943 = vector.broadcast %mul3A_942 : i32 to vector<16xi32>
    %mul3A_944 = arith.muli %xor3A_941, %mul3A_943 : vector<16xi32>
    %shift_right_logical3A_945 = arith.constant 13 : i32
    %shift_right_logical3A_946 = vector.broadcast %shift_right_logical3A_945 : i32 to vector<16xi32>
    %shift_right_logical3A_947 = arith.shrui %mul3A_944, %shift_right_logical3A_946 : vector<16xi32>
    %xor3A_948 = arith.xori %mul3A_944, %shift_right_logical3A_947 : vector<16xi32>
    %and3A_949 = arith.constant 8388607 : i32
    %and3A_950 = vector.broadcast %and3A_949 : i32 to vector<16xi32>
    %and3A_951 = arith.andi %xor3A_948, %and3A_950 : vector<16xi32>
    %convert_element_type3A_952 = arith.sitofp %and3A_951 : vector<16xi32> to vector<16xf32>
    %mul3A_953 = arith.constant 1.1920929E-7 : f32
    %mul3A_954 = vector.broadcast %mul3A_953 : f32 to vector<16xf32>
    %mul3A_955 = arith.mulf %convert_element_type3A_952, %mul3A_954 : vector<16xf32>
    %add3A_956 = arith.constant 9.99999996E-13 : f32
    %add3A_957 = vector.broadcast %add3A_956 : f32 to vector<16xf32>
    %add3A_958 = arith.addf %sub3A_930, %add3A_957 : vector<16xf32>
    %sub3A_959 = arith.constant 1.000000e+00 : f32
    %sub3A_960 = vector.broadcast %sub3A_959 : f32 to vector<16xf32>
    %sub3A_961 = arith.subf %sub3A_960, %mul3A_955 : vector<16xf32>
    %mul3A_962 = arith.mulf %add3A_958, %sub3A_961 : vector<16xf32>
    %add3A_963 = arith.constant 9.99999996E-13 : f32
    %add3A_964 = vector.broadcast %add3A_963 : f32 to vector<16xf32>
    %add3A_965 = arith.addf %div3A_927, %add3A_964 : vector<16xf32>
    %mul3A_966 = arith.mulf %add3A_965, %mul3A_955 : vector<16xf32>
    %gt3A_967 = arith.cmpf ogt, %mul3A_962, %mul3A_966 : vector<16xf32>
    %jit3A_968 = arith.constant 1 : i32
    %jit3A_969 = arith.constant 0 : i32
    %broadcast_in_dim3A_970 = vector.broadcast %jit3A_968 : i32 to vector<16xi32>
    %broadcast_in_dim3A_971 = vector.broadcast %jit3A_969 : i32 to vector<16xi32>
    %select_n3A_972 = arith.select %gt3A_967, %broadcast_in_dim3A_970, %broadcast_in_dim3A_971 : vector<16xi1>, vector<16xi32>
    %broadcast_in_dim3A_973 = vector.shape_cast %select_n3A_972 : vector<16xi32> to vector<16x1xi32>
    %gather3A_974 = vector.shape_cast %broadcast_in_dim3A_973 : vector<16x1xi32> to vector<16xi32>
    %gather3A_975 = tpu.dynamic_gather %select_n3A_22[%gather3A_974] in [0] : vector<16xf32>, vector<16xi32> -> vector<16xf32>
    %le3A_976 = arith.constant 5.000000e-01 : f32
    %le3A_977 = vector.broadcast %le3A_976 : f32 to vector<16xf32>
    %le3A_978 = arith.cmpf ole, %gather3A_975, %le3A_977 : vector<16xf32>
    %jit3A_979 = arith.constant 1.000000e+01 : f32
    %broadcast_in_dim3A_980 = vector.broadcast %jit3A_979 : f32 to vector<16xf32>
    %select_n3A_981 = arith.select %le3A_978, %broadcast_in_dim3A_980, %gather3A_975 : vector<16xi1>, vector<16xf32>
    %gt3A_982 = arith.constant 5.000000e-01 : f32
    %gt3A_983 = vector.broadcast %gt3A_982 : f32 to vector<16xf32>
    %gt3A_984 = arith.cmpf ogt, %select_n3A_981, %gt3A_983 : vector<16xf32>
    %jit3A_985 = arith.constant 1.000000e+00 : f32
    %broadcast_in_dim3A_986 = vector.broadcast %jit3A_985 : f32 to vector<16xf32>
    %select_n3A_987 = arith.select %gt3A_984, %broadcast_in_dim3A_986, %select_n3A_981 : vector<16xi1>, vector<16xf32>
    %swap3A_988 = arith.constant 176 : index
    %swap3A_989 = tpu.vector_load %arg6[%swap3A_988] {strides = array<i32>} : memref<1024xf32, #tpu.memory_space<vmem>>, vector<16xf32>,
    %swap3A_990 = vector.shape_cast %swap3A_989 : vector<16xf32> to vector<16xf32>
    %swap3A_991 = vector.shape_cast %select_n3A_987 : vector<16xf32> to vector<16xf32>
    tpu.vector_store %arg6[%swap3A_988], %swap3A_991 {strides = array<i32>} : memref<1024xf32, #tpu.memory_space<vmem>>, vector<16xf32>,
    %get3A_992 = arith.constant 192 : index
    %get3A_993 = tpu.vector_load %arg5[%get3A_992] {strides = array<i32>} : memref<1024xf32, #tpu.memory_space<vmem>>, vector<16xf32>,
    %get3A_994 = vector.shape_cast %get3A_993 : vector<16xf32> to vector<16xf32>
    %mul3A_995 = vector.broadcast %squeeze3A : f32 to vector<16xf32>
    %mul3A_996 = arith.mulf %get3A_994, %mul3A_995 : vector<16xf32>
    %add3A_997 = vector.broadcast %squeeze3A_26 : f32 to vector<16xf32>
    %add3A_998 = arith.addf %mul3A_996, %add3A_997 : vector<16xf32>
    %neg3A_999 = arith.constant 0.000000e+00 : f32
    %neg3A_1000 = vector.broadcast %neg3A_999 : f32 to vector<16xf32>
    %neg3A_1001 = arith.subf %neg3A_1000, %add3A_998 : vector<16xf32>
    %exp3A_1002 = math.exp %neg3A_1001 : vector<16xf32>
    %add3A_1003 = arith.constant 1.000000e+00 : f32
    %add3A_1004 = vector.broadcast %add3A_1003 : f32 to vector<16xf32>
    %add3A_1005 = arith.addf %add3A_1004, %exp3A_1002 : vector<16xf32>
    %div3A_1006 = arith.constant 1.000000e+00 : f32
    %div3A_1007 = vector.broadcast %div3A_1006 : f32 to vector<16xf32>
    %div3A_1008 = arith.divf %div3A_1007, %add3A_1005 : vector<16xf32>
    %sub3A_1009 = arith.constant 1.000000e+00 : f32
    %sub3A_1010 = vector.broadcast %sub3A_1009 : f32 to vector<16xf32>
    %sub3A_1011 = arith.subf %sub3A_1010, %div3A_1008 : vector<16xf32>
    %add3A_1012 = arith.constant 192 : i32
    %add3A_1013 = arith.addi %mul3A_0, %add3A_1012 : i32
    %add3A_1014 = vector.broadcast %add3A_1013 : i32 to vector<16xi32>
    %add3A_1015 = arith.addi %add3A_1014, %iota3A : vector<16xi32>
    %mul3A_1016 = arith.constant -1640531527 : i32
    %mul3A_1017 = vector.broadcast %mul3A_1016 : i32 to vector<16xi32>
    %mul3A_1018 = arith.muli %add3A_1015, %mul3A_1017 : vector<16xi32>
    %shift_right_logical3A_1019 = arith.constant 15 : i32
    %shift_right_logical3A_1020 = vector.broadcast %shift_right_logical3A_1019 : i32 to vector<16xi32>
    %shift_right_logical3A_1021 = arith.shrui %mul3A_1018, %shift_right_logical3A_1020 : vector<16xi32>
    %xor3A_1022 = arith.xori %mul3A_1018, %shift_right_logical3A_1021 : vector<16xi32>
    %mul3A_1023 = arith.constant -2048144789 : i32
    %mul3A_1024 = vector.broadcast %mul3A_1023 : i32 to vector<16xi32>
    %mul3A_1025 = arith.muli %xor3A_1022, %mul3A_1024 : vector<16xi32>
    %shift_right_logical3A_1026 = arith.constant 13 : i32
    %shift_right_logical3A_1027 = vector.broadcast %shift_right_logical3A_1026 : i32 to vector<16xi32>
    %shift_right_logical3A_1028 = arith.shrui %mul3A_1025, %shift_right_logical3A_1027 : vector<16xi32>
    %xor3A_1029 = arith.xori %mul3A_1025, %shift_right_logical3A_1028 : vector<16xi32>
    %and3A_1030 = arith.constant 8388607 : i32
    %and3A_1031 = vector.broadcast %and3A_1030 : i32 to vector<16xi32>
    %and3A_1032 = arith.andi %xor3A_1029, %and3A_1031 : vector<16xi32>
    %convert_element_type3A_1033 = arith.sitofp %and3A_1032 : vector<16xi32> to vector<16xf32>
    %mul3A_1034 = arith.constant 1.1920929E-7 : f32
    %mul3A_1035 = vector.broadcast %mul3A_1034 : f32 to vector<16xf32>
    %mul3A_1036 = arith.mulf %convert_element_type3A_1033, %mul3A_1035 : vector<16xf32>
    %add3A_1037 = arith.constant 9.99999996E-13 : f32
    %add3A_1038 = vector.broadcast %add3A_1037 : f32 to vector<16xf32>
    %add3A_1039 = arith.addf %sub3A_1011, %add3A_1038 : vector<16xf32>
    %sub3A_1040 = arith.constant 1.000000e+00 : f32
    %sub3A_1041 = vector.broadcast %sub3A_1040 : f32 to vector<16xf32>
    %sub3A_1042 = arith.subf %sub3A_1041, %mul3A_1036 : vector<16xf32>
    %mul3A_1043 = arith.mulf %add3A_1039, %sub3A_1042 : vector<16xf32>
    %add3A_1044 = arith.constant 9.99999996E-13 : f32
    %add3A_1045 = vector.broadcast %add3A_1044 : f32 to vector<16xf32>
    %add3A_1046 = arith.addf %div3A_1008, %add3A_1045 : vector<16xf32>
    %mul3A_1047 = arith.mulf %add3A_1046, %mul3A_1036 : vector<16xf32>
    %gt3A_1048 = arith.cmpf ogt, %mul3A_1043, %mul3A_1047 : vector<16xf32>
    %jit3A_1049 = arith.constant 1 : i32
    %jit3A_1050 = arith.constant 0 : i32
    %broadcast_in_dim3A_1051 = vector.broadcast %jit3A_1049 : i32 to vector<16xi32>
    %broadcast_in_dim3A_1052 = vector.broadcast %jit3A_1050 : i32 to vector<16xi32>
    %select_n3A_1053 = arith.select %gt3A_1048, %broadcast_in_dim3A_1051, %broadcast_in_dim3A_1052 : vector<16xi1>, vector<16xi32>
    %broadcast_in_dim3A_1054 = vector.shape_cast %select_n3A_1053 : vector<16xi32> to vector<16x1xi32>
    %gather3A_1055 = vector.shape_cast %broadcast_in_dim3A_1054 : vector<16x1xi32> to vector<16xi32>
    %gather3A_1056 = tpu.dynamic_gather %select_n3A_22[%gather3A_1055] in [0] : vector<16xf32>, vector<16xi32> -> vector<16xf32>
    %le3A_1057 = arith.constant 5.000000e-01 : f32
    %le3A_1058 = vector.broadcast %le3A_1057 : f32 to vector<16xf32>
    %le3A_1059 = arith.cmpf ole, %gather3A_1056, %le3A_1058 : vector<16xf32>
    %jit3A_1060 = arith.constant 1.000000e+01 : f32
    %broadcast_in_dim3A_1061 = vector.broadcast %jit3A_1060 : f32 to vector<16xf32>
    %select_n3A_1062 = arith.select %le3A_1059, %broadcast_in_dim3A_1061, %gather3A_1056 : vector<16xi1>, vector<16xf32>
    %gt3A_1063 = arith.constant 5.000000e-01 : f32
    %gt3A_1064 = vector.broadcast %gt3A_1063 : f32 to vector<16xf32>
    %gt3A_1065 = arith.cmpf ogt, %select_n3A_1062, %gt3A_1064 : vector<16xf32>
    %jit3A_1066 = arith.constant 1.000000e+00 : f32
    %broadcast_in_dim3A_1067 = vector.broadcast %jit3A_1066 : f32 to vector<16xf32>
    %select_n3A_1068 = arith.select %gt3A_1065, %broadcast_in_dim3A_1067, %select_n3A_1062 : vector<16xi1>, vector<16xf32>
    %swap3A_1069 = arith.constant 192 : index
    %swap3A_1070 = tpu.vector_load %arg6[%swap3A_1069] {strides = array<i32>} : memref<1024xf32, #tpu.memory_space<vmem>>, vector<16xf32>,
    %swap3A_1071 = vector.shape_cast %swap3A_1070 : vector<16xf32> to vector<16xf32>
    %swap3A_1072 = vector.shape_cast %select_n3A_1068 : vector<16xf32> to vector<16xf32>
    tpu.vector_store %arg6[%swap3A_1069], %swap3A_1072 {strides = array<i32>} : memref<1024xf32, #tpu.memory_space<vmem>>, vector<16xf32>,
    %get3A_1073 = arith.constant 208 : index
    %get3A_1074 = tpu.vector_load %arg5[%get3A_1073] {strides = array<i32>} : memref<1024xf32, #tpu.memory_space<vmem>>, vector<16xf32>,
    %get3A_1075 = vector.shape_cast %get3A_1074 : vector<16xf32> to vector<16xf32>
    %mul3A_1076 = vector.broadcast %squeeze3A : f32 to vector<16xf32>
    %mul3A_1077 = arith.mulf %get3A_1075, %mul3A_1076 : vector<16xf32>
    %add3A_1078 = vector.broadcast %squeeze3A_26 : f32 to vector<16xf32>
    %add3A_1079 = arith.addf %mul3A_1077, %add3A_1078 : vector<16xf32>
    %neg3A_1080 = arith.constant 0.000000e+00 : f32
    %neg3A_1081 = vector.broadcast %neg3A_1080 : f32 to vector<16xf32>
    %neg3A_1082 = arith.subf %neg3A_1081, %add3A_1079 : vector<16xf32>
    %exp3A_1083 = math.exp %neg3A_1082 : vector<16xf32>
    %add3A_1084 = arith.constant 1.000000e+00 : f32
    %add3A_1085 = vector.broadcast %add3A_1084 : f32 to vector<16xf32>
    %add3A_1086 = arith.addf %add3A_1085, %exp3A_1083 : vector<16xf32>
    %div3A_1087 = arith.constant 1.000000e+00 : f32
    %div3A_1088 = vector.broadcast %div3A_1087 : f32 to vector<16xf32>
    %div3A_1089 = arith.divf %div3A_1088, %add3A_1086 : vector<16xf32>
    %sub3A_1090 = arith.constant 1.000000e+00 : f32
    %sub3A_1091 = vector.broadcast %sub3A_1090 : f32 to vector<16xf32>
    %sub3A_1092 = arith.subf %sub3A_1091, %div3A_1089 : vector<16xf32>
    %add3A_1093 = arith.constant 208 : i32
    %add3A_1094 = arith.addi %mul3A_0, %add3A_1093 : i32
    %add3A_1095 = vector.broadcast %add3A_1094 : i32 to vector<16xi32>
    %add3A_1096 = arith.addi %add3A_1095, %iota3A : vector<16xi32>
    %mul3A_1097 = arith.constant -1640531527 : i32
    %mul3A_1098 = vector.broadcast %mul3A_1097 : i32 to vector<16xi32>
    %mul3A_1099 = arith.muli %add3A_1096, %mul3A_1098 : vector<16xi32>
    %shift_right_logical3A_1100 = arith.constant 15 : i32
    %shift_right_logical3A_1101 = vector.broadcast %shift_right_logical3A_1100 : i32 to vector<16xi32>
    %shift_right_logical3A_1102 = arith.shrui %mul3A_1099, %shift_right_logical3A_1101 : vector<16xi32>
    %xor3A_1103 = arith.xori %mul3A_1099, %shift_right_logical3A_1102 : vector<16xi32>
    %mul3A_1104 = arith.constant -2048144789 : i32
    %mul3A_1105 = vector.broadcast %mul3A_1104 : i32 to vector<16xi32>
    %mul3A_1106 = arith.muli %xor3A_1103, %mul3A_1105 : vector<16xi32>
    %shift_right_logical3A_1107 = arith.constant 13 : i32
    %shift_right_logical3A_1108 = vector.broadcast %shift_right_logical3A_1107 : i32 to vector<16xi32>
    %shift_right_logical3A_1109 = arith.shrui %mul3A_1106, %shift_right_logical3A_1108 : vector<16xi32>
    %xor3A_1110 = arith.xori %mul3A_1106, %shift_right_logical3A_1109 : vector<16xi32>
    %and3A_1111 = arith.constant 8388607 : i32
    %and3A_1112 = vector.broadcast %and3A_1111 : i32 to vector<16xi32>
    %and3A_1113 = arith.andi %xor3A_1110, %and3A_1112 : vector<16xi32>
    %convert_element_type3A_1114 = arith.sitofp %and3A_1113 : vector<16xi32> to vector<16xf32>
    %mul3A_1115 = arith.constant 1.1920929E-7 : f32
    %mul3A_1116 = vector.broadcast %mul3A_1115 : f32 to vector<16xf32>
    %mul3A_1117 = arith.mulf %convert_element_type3A_1114, %mul3A_1116 : vector<16xf32>
    %add3A_1118 = arith.constant 9.99999996E-13 : f32
    %add3A_1119 = vector.broadcast %add3A_1118 : f32 to vector<16xf32>
    %add3A_1120 = arith.addf %sub3A_1092, %add3A_1119 : vector<16xf32>
    %sub3A_1121 = arith.constant 1.000000e+00 : f32
    %sub3A_1122 = vector.broadcast %sub3A_1121 : f32 to vector<16xf32>
    %sub3A_1123 = arith.subf %sub3A_1122, %mul3A_1117 : vector<16xf32>
    %mul3A_1124 = arith.mulf %add3A_1120, %sub3A_1123 : vector<16xf32>
    %add3A_1125 = arith.constant 9.99999996E-13 : f32
    %add3A_1126 = vector.broadcast %add3A_1125 : f32 to vector<16xf32>
    %add3A_1127 = arith.addf %div3A_1089, %add3A_1126 : vector<16xf32>
    %mul3A_1128 = arith.mulf %add3A_1127, %mul3A_1117 : vector<16xf32>
    %gt3A_1129 = arith.cmpf ogt, %mul3A_1124, %mul3A_1128 : vector<16xf32>
    %jit3A_1130 = arith.constant 1 : i32
    %jit3A_1131 = arith.constant 0 : i32
    %broadcast_in_dim3A_1132 = vector.broadcast %jit3A_1130 : i32 to vector<16xi32>
    %broadcast_in_dim3A_1133 = vector.broadcast %jit3A_1131 : i32 to vector<16xi32>
    %select_n3A_1134 = arith.select %gt3A_1129, %broadcast_in_dim3A_1132, %broadcast_in_dim3A_1133 : vector<16xi1>, vector<16xi32>
    %broadcast_in_dim3A_1135 = vector.shape_cast %select_n3A_1134 : vector<16xi32> to vector<16x1xi32>
    %gather3A_1136 = vector.shape_cast %broadcast_in_dim3A_1135 : vector<16x1xi32> to vector<16xi32>
    %gather3A_1137 = tpu.dynamic_gather %select_n3A_22[%gather3A_1136] in [0] : vector<16xf32>, vector<16xi32> -> vector<16xf32>
    %le3A_1138 = arith.constant 5.000000e-01 : f32
    %le3A_1139 = vector.broadcast %le3A_1138 : f32 to vector<16xf32>
    %le3A_1140 = arith.cmpf ole, %gather3A_1137, %le3A_1139 : vector<16xf32>
    %jit3A_1141 = arith.constant 1.000000e+01 : f32
    %broadcast_in_dim3A_1142 = vector.broadcast %jit3A_1141 : f32 to vector<16xf32>
    %select_n3A_1143 = arith.select %le3A_1140, %broadcast_in_dim3A_1142, %gather3A_1137 : vector<16xi1>, vector<16xf32>
    %gt3A_1144 = arith.constant 5.000000e-01 : f32
    %gt3A_1145 = vector.broadcast %gt3A_1144 : f32 to vector<16xf32>
    %gt3A_1146 = arith.cmpf ogt, %select_n3A_1143, %gt3A_1145 : vector<16xf32>
    %jit3A_1147 = arith.constant 1.000000e+00 : f32
    %broadcast_in_dim3A_1148 = vector.broadcast %jit3A_1147 : f32 to vector<16xf32>
    %select_n3A_1149 = arith.select %gt3A_1146, %broadcast_in_dim3A_1148, %select_n3A_1143 : vector<16xi1>, vector<16xf32>
    %swap3A_1150 = arith.constant 208 : index
    %swap3A_1151 = tpu.vector_load %arg6[%swap3A_1150] {strides = array<i32>} : memref<1024xf32, #tpu.memory_space<vmem>>, vector<16xf32>,
    %swap3A_1152 = vector.shape_cast %swap3A_1151 : vector<16xf32> to vector<16xf32>
    %swap3A_1153 = vector.shape_cast %select_n3A_1149 : vector<16xf32> to vector<16xf32>
    tpu.vector_store %arg6[%swap3A_1150], %swap3A_1153 {strides = array<i32>} : memref<1024xf32, #tpu.memory_space<vmem>>, vector<16xf32>,
    %get3A_1154 = arith.constant 224 : index
    %get3A_1155 = tpu.vector_load %arg5[%get3A_1154] {strides = array<i32>} : memref<1024xf32, #tpu.memory_space<vmem>>, vector<16xf32>,
    %get3A_1156 = vector.shape_cast %get3A_1155 : vector<16xf32> to vector<16xf32>
    %mul3A_1157 = vector.broadcast %squeeze3A : f32 to vector<16xf32>
    %mul3A_1158 = arith.mulf %get3A_1156, %mul3A_1157 : vector<16xf32>
    %add3A_1159 = vector.broadcast %squeeze3A_26 : f32 to vector<16xf32>
    %add3A_1160 = arith.addf %mul3A_1158, %add3A_1159 : vector<16xf32>
    %neg3A_1161 = arith.constant 0.000000e+00 : f32
    %neg3A_1162 = vector.broadcast %neg3A_1161 : f32 to vector<16xf32>
    %neg3A_1163 = arith.subf %neg3A_1162, %add3A_1160 : vector<16xf32>
    %exp3A_1164 = math.exp %neg3A_1163 : vector<16xf32>
    %add3A_1165 = arith.constant 1.000000e+00 : f32
    %add3A_1166 = vector.broadcast %add3A_1165 : f32 to vector<16xf32>
    %add3A_1167 = arith.addf %add3A_1166, %exp3A_1164 : vector<16xf32>
    %div3A_1168 = arith.constant 1.000000e+00 : f32
    %div3A_1169 = vector.broadcast %div3A_1168 : f32 to vector<16xf32>
    %div3A_1170 = arith.divf %div3A_1169, %add3A_1167 : vector<16xf32>
    %sub3A_1171 = arith.constant 1.000000e+00 : f32
    %sub3A_1172 = vector.broadcast %sub3A_1171 : f32 to vector<16xf32>
    %sub3A_1173 = arith.subf %sub3A_1172, %div3A_1170 : vector<16xf32>
    %add3A_1174 = arith.constant 224 : i32
    %add3A_1175 = arith.addi %mul3A_0, %add3A_1174 : i32
    %add3A_1176 = vector.broadcast %add3A_1175 : i32 to vector<16xi32>
    %add3A_1177 = arith.addi %add3A_1176, %iota3A : vector<16xi32>
    %mul3A_1178 = arith.constant -1640531527 : i32
    %mul3A_1179 = vector.broadcast %mul3A_1178 : i32 to vector<16xi32>
    %mul3A_1180 = arith.muli %add3A_1177, %mul3A_1179 : vector<16xi32>
    %shift_right_logical3A_1181 = arith.constant 15 : i32
    %shift_right_logical3A_1182 = vector.broadcast %shift_right_logical3A_1181 : i32 to vector<16xi32>
    %shift_right_logical3A_1183 = arith.shrui %mul3A_1180, %shift_right_logical3A_1182 : vector<16xi32>
    %xor3A_1184 = arith.xori %mul3A_1180, %shift_right_logical3A_1183 : vector<16xi32>
    %mul3A_1185 = arith.constant -2048144789 : i32
    %mul3A_1186 = vector.broadcast %mul3A_1185 : i32 to vector<16xi32>
    %mul3A_1187 = arith.muli %xor3A_1184, %mul3A_1186 : vector<16xi32>
    %shift_right_logical3A_1188 = arith.constant 13 : i32
    %shift_right_logical3A_1189 = vector.broadcast %shift_right_logical3A_1188 : i32 to vector<16xi32>
    %shift_right_logical3A_1190 = arith.shrui %mul3A_1187, %shift_right_logical3A_1189 : vector<16xi32>
    %xor3A_1191 = arith.xori %mul3A_1187, %shift_right_logical3A_1190 : vector<16xi32>
    %and3A_1192 = arith.constant 8388607 : i32
    %and3A_1193 = vector.broadcast %and3A_1192 : i32 to vector<16xi32>
    %and3A_1194 = arith.andi %xor3A_1191, %and3A_1193 : vector<16xi32>
    %convert_element_type3A_1195 = arith.sitofp %and3A_1194 : vector<16xi32> to vector<16xf32>
    %mul3A_1196 = arith.constant 1.1920929E-7 : f32
    %mul3A_1197 = vector.broadcast %mul3A_1196 : f32 to vector<16xf32>
    %mul3A_1198 = arith.mulf %convert_element_type3A_1195, %mul3A_1197 : vector<16xf32>
    %add3A_1199 = arith.constant 9.99999996E-13 : f32
    %add3A_1200 = vector.broadcast %add3A_1199 : f32 to vector<16xf32>
    %add3A_1201 = arith.addf %sub3A_1173, %add3A_1200 : vector<16xf32>
    %sub3A_1202 = arith.constant 1.000000e+00 : f32
    %sub3A_1203 = vector.broadcast %sub3A_1202 : f32 to vector<16xf32>
    %sub3A_1204 = arith.subf %sub3A_1203, %mul3A_1198 : vector<16xf32>
    %mul3A_1205 = arith.mulf %add3A_1201, %sub3A_1204 : vector<16xf32>
    %add3A_1206 = arith.constant 9.99999996E-13 : f32
    %add3A_1207 = vector.broadcast %add3A_1206 : f32 to vector<16xf32>
    %add3A_1208 = arith.addf %div3A_1170, %add3A_1207 : vector<16xf32>
    %mul3A_1209 = arith.mulf %add3A_1208, %mul3A_1198 : vector<16xf32>
    %gt3A_1210 = arith.cmpf ogt, %mul3A_1205, %mul3A_1209 : vector<16xf32>
    %jit3A_1211 = arith.constant 1 : i32
    %jit3A_1212 = arith.constant 0 : i32
    %broadcast_in_dim3A_1213 = vector.broadcast %jit3A_1211 : i32 to vector<16xi32>
    %broadcast_in_dim3A_1214 = vector.broadcast %jit3A_1212 : i32 to vector<16xi32>
    %select_n3A_1215 = arith.select %gt3A_1210, %broadcast_in_dim3A_1213, %broadcast_in_dim3A_1214 : vector<16xi1>, vector<16xi32>
    %broadcast_in_dim3A_1216 = vector.shape_cast %select_n3A_1215 : vector<16xi32> to vector<16x1xi32>
    %gather3A_1217 = vector.shape_cast %broadcast_in_dim3A_1216 : vector<16x1xi32> to vector<16xi32>
    %gather3A_1218 = tpu.dynamic_gather %select_n3A_22[%gather3A_1217] in [0] : vector<16xf32>, vector<16xi32> -> vector<16xf32>
    %le3A_1219 = arith.constant 5.000000e-01 : f32
    %le3A_1220 = vector.broadcast %le3A_1219 : f32 to vector<16xf32>
    %le3A_1221 = arith.cmpf ole, %gather3A_1218, %le3A_1220 : vector<16xf32>
    %jit3A_1222 = arith.constant 1.000000e+01 : f32
    %broadcast_in_dim3A_1223 = vector.broadcast %jit3A_1222 : f32 to vector<16xf32>
    %select_n3A_1224 = arith.select %le3A_1221, %broadcast_in_dim3A_1223, %gather3A_1218 : vector<16xi1>, vector<16xf32>
    %gt3A_1225 = arith.constant 5.000000e-01 : f32
    %gt3A_1226 = vector.broadcast %gt3A_1225 : f32 to vector<16xf32>
    %gt3A_1227 = arith.cmpf ogt, %select_n3A_1224, %gt3A_1226 : vector<16xf32>
    %jit3A_1228 = arith.constant 1.000000e+00 : f32
    %broadcast_in_dim3A_1229 = vector.broadcast %jit3A_1228 : f32 to vector<16xf32>
    %select_n3A_1230 = arith.select %gt3A_1227, %broadcast_in_dim3A_1229, %select_n3A_1224 : vector<16xi1>, vector<16xf32>
    %swap3A_1231 = arith.constant 224 : index
    %swap3A_1232 = tpu.vector_load %arg6[%swap3A_1231] {strides = array<i32>} : memref<1024xf32, #tpu.memory_space<vmem>>, vector<16xf32>,
    %swap3A_1233 = vector.shape_cast %swap3A_1232 : vector<16xf32> to vector<16xf32>
    %swap3A_1234 = vector.shape_cast %select_n3A_1230 : vector<16xf32> to vector<16xf32>
    tpu.vector_store %arg6[%swap3A_1231], %swap3A_1234 {strides = array<i32>} : memref<1024xf32, #tpu.memory_space<vmem>>, vector<16xf32>,
    %get3A_1235 = arith.constant 240 : index
    %get3A_1236 = tpu.vector_load %arg5[%get3A_1235] {strides = array<i32>} : memref<1024xf32, #tpu.memory_space<vmem>>, vector<16xf32>,
    %get3A_1237 = vector.shape_cast %get3A_1236 : vector<16xf32> to vector<16xf32>
    %mul3A_1238 = vector.broadcast %squeeze3A : f32 to vector<16xf32>
    %mul3A_1239 = arith.mulf %get3A_1237, %mul3A_1238 : vector<16xf32>
    %add3A_1240 = vector.broadcast %squeeze3A_26 : f32 to vector<16xf32>
    %add3A_1241 = arith.addf %mul3A_1239, %add3A_1240 : vector<16xf32>
    %neg3A_1242 = arith.constant 0.000000e+00 : f32
    %neg3A_1243 = vector.broadcast %neg3A_1242 : f32 to vector<16xf32>
    %neg3A_1244 = arith.subf %neg3A_1243, %add3A_1241 : vector<16xf32>
    %exp3A_1245 = math.exp %neg3A_1244 : vector<16xf32>
    %add3A_1246 = arith.constant 1.000000e+00 : f32
    %add3A_1247 = vector.broadcast %add3A_1246 : f32 to vector<16xf32>
    %add3A_1248 = arith.addf %add3A_1247, %exp3A_1245 : vector<16xf32>
    %div3A_1249 = arith.constant 1.000000e+00 : f32
    %div3A_1250 = vector.broadcast %div3A_1249 : f32 to vector<16xf32>
    %div3A_1251 = arith.divf %div3A_1250, %add3A_1248 : vector<16xf32>
    %sub3A_1252 = arith.constant 1.000000e+00 : f32
    %sub3A_1253 = vector.broadcast %sub3A_1252 : f32 to vector<16xf32>
    %sub3A_1254 = arith.subf %sub3A_1253, %div3A_1251 : vector<16xf32>
    %add3A_1255 = arith.constant 240 : i32
    %add3A_1256 = arith.addi %mul3A_0, %add3A_1255 : i32
    %add3A_1257 = vector.broadcast %add3A_1256 : i32 to vector<16xi32>
    %add3A_1258 = arith.addi %add3A_1257, %iota3A : vector<16xi32>
    %mul3A_1259 = arith.constant -1640531527 : i32
    %mul3A_1260 = vector.broadcast %mul3A_1259 : i32 to vector<16xi32>
    %mul3A_1261 = arith.muli %add3A_1258, %mul3A_1260 : vector<16xi32>
    %shift_right_logical3A_1262 = arith.constant 15 : i32
    %shift_right_logical3A_1263 = vector.broadcast %shift_right_logical3A_1262 : i32 to vector<16xi32>
    %shift_right_logical3A_1264 = arith.shrui %mul3A_1261, %shift_right_logical3A_1263 : vector<16xi32>
    %xor3A_1265 = arith.xori %mul3A_1261, %shift_right_logical3A_1264 : vector<16xi32>
    %mul3A_1266 = arith.constant -2048144789 : i32
    %mul3A_1267 = vector.broadcast %mul3A_1266 : i32 to vector<16xi32>
    %mul3A_1268 = arith.muli %xor3A_1265, %mul3A_1267 : vector<16xi32>
    %shift_right_logical3A_1269 = arith.constant 13 : i32
    %shift_right_logical3A_1270 = vector.broadcast %shift_right_logical3A_1269 : i32 to vector<16xi32>
    %shift_right_logical3A_1271 = arith.shrui %mul3A_1268, %shift_right_logical3A_1270 : vector<16xi32>
    %xor3A_1272 = arith.xori %mul3A_1268, %shift_right_logical3A_1271 : vector<16xi32>
    %and3A_1273 = arith.constant 8388607 : i32
    %and3A_1274 = vector.broadcast %and3A_1273 : i32 to vector<16xi32>
    %and3A_1275 = arith.andi %xor3A_1272, %and3A_1274 : vector<16xi32>
    %convert_element_type3A_1276 = arith.sitofp %and3A_1275 : vector<16xi32> to vector<16xf32>
    %mul3A_1277 = arith.constant 1.1920929E-7 : f32
    %mul3A_1278 = vector.broadcast %mul3A_1277 : f32 to vector<16xf32>
    %mul3A_1279 = arith.mulf %convert_element_type3A_1276, %mul3A_1278 : vector<16xf32>
    %add3A_1280 = arith.constant 9.99999996E-13 : f32
    %add3A_1281 = vector.broadcast %add3A_1280 : f32 to vector<16xf32>
    %add3A_1282 = arith.addf %sub3A_1254, %add3A_1281 : vector<16xf32>
    %sub3A_1283 = arith.constant 1.000000e+00 : f32
    %sub3A_1284 = vector.broadcast %sub3A_1283 : f32 to vector<16xf32>
    %sub3A_1285 = arith.subf %sub3A_1284, %mul3A_1279 : vector<16xf32>
    %mul3A_1286 = arith.mulf %add3A_1282, %sub3A_1285 : vector<16xf32>
    %add3A_1287 = arith.constant 9.99999996E-13 : f32
    %add3A_1288 = vector.broadcast %add3A_1287 : f32 to vector<16xf32>
    %add3A_1289 = arith.addf %div3A_1251, %add3A_1288 : vector<16xf32>
    %mul3A_1290 = arith.mulf %add3A_1289, %mul3A_1279 : vector<16xf32>
    %gt3A_1291 = arith.cmpf ogt, %mul3A_1286, %mul3A_1290 : vector<16xf32>
    %jit3A_1292 = arith.constant 1 : i32
    %jit3A_1293 = arith.constant 0 : i32
    %broadcast_in_dim3A_1294 = vector.broadcast %jit3A_1292 : i32 to vector<16xi32>
    %broadcast_in_dim3A_1295 = vector.broadcast %jit3A_1293 : i32 to vector<16xi32>
    %select_n3A_1296 = arith.select %gt3A_1291, %broadcast_in_dim3A_1294, %broadcast_in_dim3A_1295 : vector<16xi1>, vector<16xi32>
    %broadcast_in_dim3A_1297 = vector.shape_cast %select_n3A_1296 : vector<16xi32> to vector<16x1xi32>
    %gather3A_1298 = vector.shape_cast %broadcast_in_dim3A_1297 : vector<16x1xi32> to vector<16xi32>
    %gather3A_1299 = tpu.dynamic_gather %select_n3A_22[%gather3A_1298] in [0] : vector<16xf32>, vector<16xi32> -> vector<16xf32>
    %le3A_1300 = arith.constant 5.000000e-01 : f32
    %le3A_1301 = vector.broadcast %le3A_1300 : f32 to vector<16xf32>
    %le3A_1302 = arith.cmpf ole, %gather3A_1299, %le3A_1301 : vector<16xf32>
    %jit3A_1303 = arith.constant 1.000000e+01 : f32
    %broadcast_in_dim3A_1304 = vector.broadcast %jit3A_1303 : f32 to vector<16xf32>
    %select_n3A_1305 = arith.select %le3A_1302, %broadcast_in_dim3A_1304, %gather3A_1299 : vector<16xi1>, vector<16xf32>
    %gt3A_1306 = arith.constant 5.000000e-01 : f32
    %gt3A_1307 = vector.broadcast %gt3A_1306 : f32 to vector<16xf32>
    %gt3A_1308 = arith.cmpf ogt, %select_n3A_1305, %gt3A_1307 : vector<16xf32>
    %jit3A_1309 = arith.constant 1.000000e+00 : f32
    %broadcast_in_dim3A_1310 = vector.broadcast %jit3A_1309 : f32 to vector<16xf32>
    %select_n3A_1311 = arith.select %gt3A_1308, %broadcast_in_dim3A_1310, %select_n3A_1305 : vector<16xi1>, vector<16xf32>
    %swap3A_1312 = arith.constant 240 : index
    %swap3A_1313 = tpu.vector_load %arg6[%swap3A_1312] {strides = array<i32>} : memref<1024xf32, #tpu.memory_space<vmem>>, vector<16xf32>,
    %swap3A_1314 = vector.shape_cast %swap3A_1313 : vector<16xf32> to vector<16xf32>
    %swap3A_1315 = vector.shape_cast %select_n3A_1311 : vector<16xf32> to vector<16xf32>
    tpu.vector_store %arg6[%swap3A_1312], %swap3A_1315 {strides = array<i32>} : memref<1024xf32, #tpu.memory_space<vmem>>, vector<16xf32>,
    %get3A_1316 = arith.constant 256 : index
    %get3A_1317 = tpu.vector_load %arg5[%get3A_1316] {strides = array<i32>} : memref<1024xf32, #tpu.memory_space<vmem>>, vector<16xf32>,
    %get3A_1318 = vector.shape_cast %get3A_1317 : vector<16xf32> to vector<16xf32>
    %mul3A_1319 = vector.broadcast %squeeze3A : f32 to vector<16xf32>
    %mul3A_1320 = arith.mulf %get3A_1318, %mul3A_1319 : vector<16xf32>
    %add3A_1321 = vector.broadcast %squeeze3A_26 : f32 to vector<16xf32>
    %add3A_1322 = arith.addf %mul3A_1320, %add3A_1321 : vector<16xf32>
    %neg3A_1323 = arith.constant 0.000000e+00 : f32
    %neg3A_1324 = vector.broadcast %neg3A_1323 : f32 to vector<16xf32>
    %neg3A_1325 = arith.subf %neg3A_1324, %add3A_1322 : vector<16xf32>
    %exp3A_1326 = math.exp %neg3A_1325 : vector<16xf32>
    %add3A_1327 = arith.constant 1.000000e+00 : f32
    %add3A_1328 = vector.broadcast %add3A_1327 : f32 to vector<16xf32>
    %add3A_1329 = arith.addf %add3A_1328, %exp3A_1326 : vector<16xf32>
    %div3A_1330 = arith.constant 1.000000e+00 : f32
    %div3A_1331 = vector.broadcast %div3A_1330 : f32 to vector<16xf32>
    %div3A_1332 = arith.divf %div3A_1331, %add3A_1329 : vector<16xf32>
    %sub3A_1333 = arith.constant 1.000000e+00 : f32
    %sub3A_1334 = vector.broadcast %sub3A_1333 : f32 to vector<16xf32>
    %sub3A_1335 = arith.subf %sub3A_1334, %div3A_1332 : vector<16xf32>
    %add3A_1336 = arith.constant 256 : i32
    %add3A_1337 = arith.addi %mul3A_0, %add3A_1336 : i32
    %add3A_1338 = vector.broadcast %add3A_1337 : i32 to vector<16xi32>
    %add3A_1339 = arith.addi %add3A_1338, %iota3A : vector<16xi32>
    %mul3A_1340 = arith.constant -1640531527 : i32
    %mul3A_1341 = vector.broadcast %mul3A_1340 : i32 to vector<16xi32>
    %mul3A_1342 = arith.muli %add3A_1339, %mul3A_1341 : vector<16xi32>
    %shift_right_logical3A_1343 = arith.constant 15 : i32
    %shift_right_logical3A_1344 = vector.broadcast %shift_right_logical3A_1343 : i32 to vector<16xi32>
    %shift_right_logical3A_1345 = arith.shrui %mul3A_1342, %shift_right_logical3A_1344 : vector<16xi32>
    %xor3A_1346 = arith.xori %mul3A_1342, %shift_right_logical3A_1345 : vector<16xi32>
    %mul3A_1347 = arith.constant -2048144789 : i32
    %mul3A_1348 = vector.broadcast %mul3A_1347 : i32 to vector<16xi32>
    %mul3A_1349 = arith.muli %xor3A_1346, %mul3A_1348 : vector<16xi32>
    %shift_right_logical3A_1350 = arith.constant 13 : i32
    %shift_right_logical3A_1351 = vector.broadcast %shift_right_logical3A_1350 : i32 to vector<16xi32>
    %shift_right_logical3A_1352 = arith.shrui %mul3A_1349, %shift_right_logical3A_1351 : vector<16xi32>
    %xor3A_1353 = arith.xori %mul3A_1349, %shift_right_logical3A_1352 : vector<16xi32>
    %and3A_1354 = arith.constant 8388607 : i32
    %and3A_1355 = vector.broadcast %and3A_1354 : i32 to vector<16xi32>
    %and3A_1356 = arith.andi %xor3A_1353, %and3A_1355 : vector<16xi32>
    %convert_element_type3A_1357 = arith.sitofp %and3A_1356 : vector<16xi32> to vector<16xf32>
    %mul3A_1358 = arith.constant 1.1920929E-7 : f32
    %mul3A_1359 = vector.broadcast %mul3A_1358 : f32 to vector<16xf32>
    %mul3A_1360 = arith.mulf %convert_element_type3A_1357, %mul3A_1359 : vector<16xf32>
    %add3A_1361 = arith.constant 9.99999996E-13 : f32
    %add3A_1362 = vector.broadcast %add3A_1361 : f32 to vector<16xf32>
    %add3A_1363 = arith.addf %sub3A_1335, %add3A_1362 : vector<16xf32>
    %sub3A_1364 = arith.constant 1.000000e+00 : f32
    %sub3A_1365 = vector.broadcast %sub3A_1364 : f32 to vector<16xf32>
    %sub3A_1366 = arith.subf %sub3A_1365, %mul3A_1360 : vector<16xf32>
    %mul3A_1367 = arith.mulf %add3A_1363, %sub3A_1366 : vector<16xf32>
    %add3A_1368 = arith.constant 9.99999996E-13 : f32
    %add3A_1369 = vector.broadcast %add3A_1368 : f32 to vector<16xf32>
    %add3A_1370 = arith.addf %div3A_1332, %add3A_1369 : vector<16xf32>
    %mul3A_1371 = arith.mulf %add3A_1370, %mul3A_1360 : vector<16xf32>
    %gt3A_1372 = arith.cmpf ogt, %mul3A_1367, %mul3A_1371 : vector<16xf32>
    %jit3A_1373 = arith.constant 1 : i32
    %jit3A_1374 = arith.constant 0 : i32
    %broadcast_in_dim3A_1375 = vector.broadcast %jit3A_1373 : i32 to vector<16xi32>
    %broadcast_in_dim3A_1376 = vector.broadcast %jit3A_1374 : i32 to vector<16xi32>
    %select_n3A_1377 = arith.select %gt3A_1372, %broadcast_in_dim3A_1375, %broadcast_in_dim3A_1376 : vector<16xi1>, vector<16xi32>
    %broadcast_in_dim3A_1378 = vector.shape_cast %select_n3A_1377 : vector<16xi32> to vector<16x1xi32>
    %gather3A_1379 = vector.shape_cast %broadcast_in_dim3A_1378 : vector<16x1xi32> to vector<16xi32>
    %gather3A_1380 = tpu.dynamic_gather %select_n3A_22[%gather3A_1379] in [0] : vector<16xf32>, vector<16xi32> -> vector<16xf32>
    %le3A_1381 = arith.constant 5.000000e-01 : f32
    %le3A_1382 = vector.broadcast %le3A_1381 : f32 to vector<16xf32>
    %le3A_1383 = arith.cmpf ole, %gather3A_1380, %le3A_1382 : vector<16xf32>
    %jit3A_1384 = arith.constant 1.000000e+01 : f32
    %broadcast_in_dim3A_1385 = vector.broadcast %jit3A_1384 : f32 to vector<16xf32>
    %select_n3A_1386 = arith.select %le3A_1383, %broadcast_in_dim3A_1385, %gather3A_1380 : vector<16xi1>, vector<16xf32>
    %gt3A_1387 = arith.constant 5.000000e-01 : f32
    %gt3A_1388 = vector.broadcast %gt3A_1387 : f32 to vector<16xf32>
    %gt3A_1389 = arith.cmpf ogt, %select_n3A_1386, %gt3A_1388 : vector<16xf32>
    %jit3A_1390 = arith.constant 1.000000e+00 : f32
    %broadcast_in_dim3A_1391 = vector.broadcast %jit3A_1390 : f32 to vector<16xf32>
    %select_n3A_1392 = arith.select %gt3A_1389, %broadcast_in_dim3A_1391, %select_n3A_1386 : vector<16xi1>, vector<16xf32>
    %swap3A_1393 = arith.constant 256 : index
    %swap3A_1394 = tpu.vector_load %arg6[%swap3A_1393] {strides = array<i32>} : memref<1024xf32, #tpu.memory_space<vmem>>, vector<16xf32>,
    %swap3A_1395 = vector.shape_cast %swap3A_1394 : vector<16xf32> to vector<16xf32>
    %swap3A_1396 = vector.shape_cast %select_n3A_1392 : vector<16xf32> to vector<16xf32>
    tpu.vector_store %arg6[%swap3A_1393], %swap3A_1396 {strides = array<i32>} : memref<1024xf32, #tpu.memory_space<vmem>>, vector<16xf32>,
    %get3A_1397 = arith.constant 272 : index
    %get3A_1398 = tpu.vector_load %arg5[%get3A_1397] {strides = array<i32>} : memref<1024xf32, #tpu.memory_space<vmem>>, vector<16xf32>,
    %get3A_1399 = vector.shape_cast %get3A_1398 : vector<16xf32> to vector<16xf32>
    %mul3A_1400 = vector.broadcast %squeeze3A : f32 to vector<16xf32>
    %mul3A_1401 = arith.mulf %get3A_1399, %mul3A_1400 : vector<16xf32>
    %add3A_1402 = vector.broadcast %squeeze3A_26 : f32 to vector<16xf32>
    %add3A_1403 = arith.addf %mul3A_1401, %add3A_1402 : vector<16xf32>
    %neg3A_1404 = arith.constant 0.000000e+00 : f32
    %neg3A_1405 = vector.broadcast %neg3A_1404 : f32 to vector<16xf32>
    %neg3A_1406 = arith.subf %neg3A_1405, %add3A_1403 : vector<16xf32>
    %exp3A_1407 = math.exp %neg3A_1406 : vector<16xf32>
    %add3A_1408 = arith.constant 1.000000e+00 : f32
    %add3A_1409 = vector.broadcast %add3A_1408 : f32 to vector<16xf32>
    %add3A_1410 = arith.addf %add3A_1409, %exp3A_1407 : vector<16xf32>
    %div3A_1411 = arith.constant 1.000000e+00 : f32
    %div3A_1412 = vector.broadcast %div3A_1411 : f32 to vector<16xf32>
    %div3A_1413 = arith.divf %div3A_1412, %add3A_1410 : vector<16xf32>
    %sub3A_1414 = arith.constant 1.000000e+00 : f32
    %sub3A_1415 = vector.broadcast %sub3A_1414 : f32 to vector<16xf32>
    %sub3A_1416 = arith.subf %sub3A_1415, %div3A_1413 : vector<16xf32>
    %add3A_1417 = arith.constant 272 : i32
    %add3A_1418 = arith.addi %mul3A_0, %add3A_1417 : i32
    %add3A_1419 = vector.broadcast %add3A_1418 : i32 to vector<16xi32>
    %add3A_1420 = arith.addi %add3A_1419, %iota3A : vector<16xi32>
    %mul3A_1421 = arith.constant -1640531527 : i32
    %mul3A_1422 = vector.broadcast %mul3A_1421 : i32 to vector<16xi32>
    %mul3A_1423 = arith.muli %add3A_1420, %mul3A_1422 : vector<16xi32>
    %shift_right_logical3A_1424 = arith.constant 15 : i32
    %shift_right_logical3A_1425 = vector.broadcast %shift_right_logical3A_1424 : i32 to vector<16xi32>
    %shift_right_logical3A_1426 = arith.shrui %mul3A_1423, %shift_right_logical3A_1425 : vector<16xi32>
    %xor3A_1427 = arith.xori %mul3A_1423, %shift_right_logical3A_1426 : vector<16xi32>
    %mul3A_1428 = arith.constant -2048144789 : i32
    %mul3A_1429 = vector.broadcast %mul3A_1428 : i32 to vector<16xi32>
    %mul3A_1430 = arith.muli %xor3A_1427, %mul3A_1429 : vector<16xi32>
    %shift_right_logical3A_1431 = arith.constant 13 : i32
    %shift_right_logical3A_1432 = vector.broadcast %shift_right_logical3A_1431 : i32 to vector<16xi32>
    %shift_right_logical3A_1433 = arith.shrui %mul3A_1430, %shift_right_logical3A_1432 : vector<16xi32>
    %xor3A_1434 = arith.xori %mul3A_1430, %shift_right_logical3A_1433 : vector<16xi32>
    %and3A_1435 = arith.constant 8388607 : i32
    %and3A_1436 = vector.broadcast %and3A_1435 : i32 to vector<16xi32>
    %and3A_1437 = arith.andi %xor3A_1434, %and3A_1436 : vector<16xi32>
    %convert_element_type3A_1438 = arith.sitofp %and3A_1437 : vector<16xi32> to vector<16xf32>
    %mul3A_1439 = arith.constant 1.1920929E-7 : f32
    %mul3A_1440 = vector.broadcast %mul3A_1439 : f32 to vector<16xf32>
    %mul3A_1441 = arith.mulf %convert_element_type3A_1438, %mul3A_1440 : vector<16xf32>
    %add3A_1442 = arith.constant 9.99999996E-13 : f32
    %add3A_1443 = vector.broadcast %add3A_1442 : f32 to vector<16xf32>
    %add3A_1444 = arith.addf %sub3A_1416, %add3A_1443 : vector<16xf32>
    %sub3A_1445 = arith.constant 1.000000e+00 : f32
    %sub3A_1446 = vector.broadcast %sub3A_1445 : f32 to vector<16xf32>
    %sub3A_1447 = arith.subf %sub3A_1446, %mul3A_1441 : vector<16xf32>
    %mul3A_1448 = arith.mulf %add3A_1444, %sub3A_1447 : vector<16xf32>
    %add3A_1449 = arith.constant 9.99999996E-13 : f32
    %add3A_1450 = vector.broadcast %add3A_1449 : f32 to vector<16xf32>
    %add3A_1451 = arith.addf %div3A_1413, %add3A_1450 : vector<16xf32>
    %mul3A_1452 = arith.mulf %add3A_1451, %mul3A_1441 : vector<16xf32>
    %gt3A_1453 = arith.cmpf ogt, %mul3A_1448, %mul3A_1452 : vector<16xf32>
    %jit3A_1454 = arith.constant 1 : i32
    %jit3A_1455 = arith.constant 0 : i32
    %broadcast_in_dim3A_1456 = vector.broadcast %jit3A_1454 : i32 to vector<16xi32>
    %broadcast_in_dim3A_1457 = vector.broadcast %jit3A_1455 : i32 to vector<16xi32>
    %select_n3A_1458 = arith.select %gt3A_1453, %broadcast_in_dim3A_1456, %broadcast_in_dim3A_1457 : vector<16xi1>, vector<16xi32>
    %broadcast_in_dim3A_1459 = vector.shape_cast %select_n3A_1458 : vector<16xi32> to vector<16x1xi32>
    %gather3A_1460 = vector.shape_cast %broadcast_in_dim3A_1459 : vector<16x1xi32> to vector<16xi32>
    %gather3A_1461 = tpu.dynamic_gather %select_n3A_22[%gather3A_1460] in [0] : vector<16xf32>, vector<16xi32> -> vector<16xf32>
    %le3A_1462 = arith.constant 5.000000e-01 : f32
    %le3A_1463 = vector.broadcast %le3A_1462 : f32 to vector<16xf32>
    %le3A_1464 = arith.cmpf ole, %gather3A_1461, %le3A_1463 : vector<16xf32>
    %jit3A_1465 = arith.constant 1.000000e+01 : f32
    %broadcast_in_dim3A_1466 = vector.broadcast %jit3A_1465 : f32 to vector<16xf32>
    %select_n3A_1467 = arith.select %le3A_1464, %broadcast_in_dim3A_1466, %gather3A_1461 : vector<16xi1>, vector<16xf32>
    %gt3A_1468 = arith.constant 5.000000e-01 : f32
    %gt3A_1469 = vector.broadcast %gt3A_1468 : f32 to vector<16xf32>
    %gt3A_1470 = arith.cmpf ogt, %select_n3A_1467, %gt3A_1469 : vector<16xf32>
    %jit3A_1471 = arith.constant 1.000000e+00 : f32
    %broadcast_in_dim3A_1472 = vector.broadcast %jit3A_1471 : f32 to vector<16xf32>
    %select_n3A_1473 = arith.select %gt3A_1470, %broadcast_in_dim3A_1472, %select_n3A_1467 : vector<16xi1>, vector<16xf32>
    %swap3A_1474 = arith.constant 272 : index
    %swap3A_1475 = tpu.vector_load %arg6[%swap3A_1474] {strides = array<i32>} : memref<1024xf32, #tpu.memory_space<vmem>>, vector<16xf32>,
    %swap3A_1476 = vector.shape_cast %swap3A_1475 : vector<16xf32> to vector<16xf32>
    %swap3A_1477 = vector.shape_cast %select_n3A_1473 : vector<16xf32> to vector<16xf32>
    tpu.vector_store %arg6[%swap3A_1474], %swap3A_1477 {strides = array<i32>} : memref<1024xf32, #tpu.memory_space<vmem>>, vector<16xf32>,
    %get3A_1478 = arith.constant 288 : index
    %get3A_1479 = tpu.vector_load %arg5[%get3A_1478] {strides = array<i32>} : memref<1024xf32, #tpu.memory_space<vmem>>, vector<16xf32>,
    %get3A_1480 = vector.shape_cast %get3A_1479 : vector<16xf32> to vector<16xf32>
    %mul3A_1481 = vector.broadcast %squeeze3A : f32 to vector<16xf32>
    %mul3A_1482 = arith.mulf %get3A_1480, %mul3A_1481 : vector<16xf32>
    %add3A_1483 = vector.broadcast %squeeze3A_26 : f32 to vector<16xf32>
    %add3A_1484 = arith.addf %mul3A_1482, %add3A_1483 : vector<16xf32>
    %neg3A_1485 = arith.constant 0.000000e+00 : f32
    %neg3A_1486 = vector.broadcast %neg3A_1485 : f32 to vector<16xf32>
    %neg3A_1487 = arith.subf %neg3A_1486, %add3A_1484 : vector<16xf32>
    %exp3A_1488 = math.exp %neg3A_1487 : vector<16xf32>
    %add3A_1489 = arith.constant 1.000000e+00 : f32
    %add3A_1490 = vector.broadcast %add3A_1489 : f32 to vector<16xf32>
    %add3A_1491 = arith.addf %add3A_1490, %exp3A_1488 : vector<16xf32>
    %div3A_1492 = arith.constant 1.000000e+00 : f32
    %div3A_1493 = vector.broadcast %div3A_1492 : f32 to vector<16xf32>
    %div3A_1494 = arith.divf %div3A_1493, %add3A_1491 : vector<16xf32>
    %sub3A_1495 = arith.constant 1.000000e+00 : f32
    %sub3A_1496 = vector.broadcast %sub3A_1495 : f32 to vector<16xf32>
    %sub3A_1497 = arith.subf %sub3A_1496, %div3A_1494 : vector<16xf32>
    %add3A_1498 = arith.constant 288 : i32
    %add3A_1499 = arith.addi %mul3A_0, %add3A_1498 : i32
    %add3A_1500 = vector.broadcast %add3A_1499 : i32 to vector<16xi32>
    %add3A_1501 = arith.addi %add3A_1500, %iota3A : vector<16xi32>
    %mul3A_1502 = arith.constant -1640531527 : i32
    %mul3A_1503 = vector.broadcast %mul3A_1502 : i32 to vector<16xi32>
    %mul3A_1504 = arith.muli %add3A_1501, %mul3A_1503 : vector<16xi32>
    %shift_right_logical3A_1505 = arith.constant 15 : i32
    %shift_right_logical3A_1506 = vector.broadcast %shift_right_logical3A_1505 : i32 to vector<16xi32>
    %shift_right_logical3A_1507 = arith.shrui %mul3A_1504, %shift_right_logical3A_1506 : vector<16xi32>
    %xor3A_1508 = arith.xori %mul3A_1504, %shift_right_logical3A_1507 : vector<16xi32>
    %mul3A_1509 = arith.constant -2048144789 : i32
    %mul3A_1510 = vector.broadcast %mul3A_1509 : i32 to vector<16xi32>
    %mul3A_1511 = arith.muli %xor3A_1508, %mul3A_1510 : vector<16xi32>
    %shift_right_logical3A_1512 = arith.constant 13 : i32
    %shift_right_logical3A_1513 = vector.broadcast %shift_right_logical3A_1512 : i32 to vector<16xi32>
    %shift_right_logical3A_1514 = arith.shrui %mul3A_1511, %shift_right_logical3A_1513 : vector<16xi32>
    %xor3A_1515 = arith.xori %mul3A_1511, %shift_right_logical3A_1514 : vector<16xi32>
    %and3A_1516 = arith.constant 8388607 : i32
    %and3A_1517 = vector.broadcast %and3A_1516 : i32 to vector<16xi32>
    %and3A_1518 = arith.andi %xor3A_1515, %and3A_1517 : vector<16xi32>
    %convert_element_type3A_1519 = arith.sitofp %and3A_1518 : vector<16xi32> to vector<16xf32>
    %mul3A_1520 = arith.constant 1.1920929E-7 : f32
    %mul3A_1521 = vector.broadcast %mul3A_1520 : f32 to vector<16xf32>
    %mul3A_1522 = arith.mulf %convert_element_type3A_1519, %mul3A_1521 : vector<16xf32>
    %add3A_1523 = arith.constant 9.99999996E-13 : f32
    %add3A_1524 = vector.broadcast %add3A_1523 : f32 to vector<16xf32>
    %add3A_1525 = arith.addf %sub3A_1497, %add3A_1524 : vector<16xf32>
    %sub3A_1526 = arith.constant 1.000000e+00 : f32
    %sub3A_1527 = vector.broadcast %sub3A_1526 : f32 to vector<16xf32>
    %sub3A_1528 = arith.subf %sub3A_1527, %mul3A_1522 : vector<16xf32>
    %mul3A_1529 = arith.mulf %add3A_1525, %sub3A_1528 : vector<16xf32>
    %add3A_1530 = arith.constant 9.99999996E-13 : f32
    %add3A_1531 = vector.broadcast %add3A_1530 : f32 to vector<16xf32>
    %add3A_1532 = arith.addf %div3A_1494, %add3A_1531 : vector<16xf32>
    %mul3A_1533 = arith.mulf %add3A_1532, %mul3A_1522 : vector<16xf32>
    %gt3A_1534 = arith.cmpf ogt, %mul3A_1529, %mul3A_1533 : vector<16xf32>
    %jit3A_1535 = arith.constant 1 : i32
    %jit3A_1536 = arith.constant 0 : i32
    %broadcast_in_dim3A_1537 = vector.broadcast %jit3A_1535 : i32 to vector<16xi32>
    %broadcast_in_dim3A_1538 = vector.broadcast %jit3A_1536 : i32 to vector<16xi32>
    %select_n3A_1539 = arith.select %gt3A_1534, %broadcast_in_dim3A_1537, %broadcast_in_dim3A_1538 : vector<16xi1>, vector<16xi32>
    %broadcast_in_dim3A_1540 = vector.shape_cast %select_n3A_1539 : vector<16xi32> to vector<16x1xi32>
    %gather3A_1541 = vector.shape_cast %broadcast_in_dim3A_1540 : vector<16x1xi32> to vector<16xi32>
    %gather3A_1542 = tpu.dynamic_gather %select_n3A_22[%gather3A_1541] in [0] : vector<16xf32>, vector<16xi32> -> vector<16xf32>
    %le3A_1543 = arith.constant 5.000000e-01 : f32
    %le3A_1544 = vector.broadcast %le3A_1543 : f32 to vector<16xf32>
    %le3A_1545 = arith.cmpf ole, %gather3A_1542, %le3A_1544 : vector<16xf32>
    %jit3A_1546 = arith.constant 1.000000e+01 : f32
    %broadcast_in_dim3A_1547 = vector.broadcast %jit3A_1546 : f32 to vector<16xf32>
    %select_n3A_1548 = arith.select %le3A_1545, %broadcast_in_dim3A_1547, %gather3A_1542 : vector<16xi1>, vector<16xf32>
    %gt3A_1549 = arith.constant 5.000000e-01 : f32
    %gt3A_1550 = vector.broadcast %gt3A_1549 : f32 to vector<16xf32>
    %gt3A_1551 = arith.cmpf ogt, %select_n3A_1548, %gt3A_1550 : vector<16xf32>
    %jit3A_1552 = arith.constant 1.000000e+00 : f32
    %broadcast_in_dim3A_1553 = vector.broadcast %jit3A_1552 : f32 to vector<16xf32>
    %select_n3A_1554 = arith.select %gt3A_1551, %broadcast_in_dim3A_1553, %select_n3A_1548 : vector<16xi1>, vector<16xf32>
    %swap3A_1555 = arith.constant 288 : index
    %swap3A_1556 = tpu.vector_load %arg6[%swap3A_1555] {strides = array<i32>} : memref<1024xf32, #tpu.memory_space<vmem>>, vector<16xf32>,
    %swap3A_1557 = vector.shape_cast %swap3A_1556 : vector<16xf32> to vector<16xf32>
    %swap3A_1558 = vector.shape_cast %select_n3A_1554 : vector<16xf32> to vector<16xf32>
    tpu.vector_store %arg6[%swap3A_1555], %swap3A_1558 {strides = array<i32>} : memref<1024xf32, #tpu.memory_space<vmem>>, vector<16xf32>,
    %get3A_1559 = arith.constant 304 : index
    %get3A_1560 = tpu.vector_load %arg5[%get3A_1559] {strides = array<i32>} : memref<1024xf32, #tpu.memory_space<vmem>>, vector<16xf32>,
    %get3A_1561 = vector.shape_cast %get3A_1560 : vector<16xf32> to vector<16xf32>
    %mul3A_1562 = vector.broadcast %squeeze3A : f32 to vector<16xf32>
    %mul3A_1563 = arith.mulf %get3A_1561, %mul3A_1562 : vector<16xf32>
    %add3A_1564 = vector.broadcast %squeeze3A_26 : f32 to vector<16xf32>
    %add3A_1565 = arith.addf %mul3A_1563, %add3A_1564 : vector<16xf32>
    %neg3A_1566 = arith.constant 0.000000e+00 : f32
    %neg3A_1567 = vector.broadcast %neg3A_1566 : f32 to vector<16xf32>
    %neg3A_1568 = arith.subf %neg3A_1567, %add3A_1565 : vector<16xf32>
    %exp3A_1569 = math.exp %neg3A_1568 : vector<16xf32>
    %add3A_1570 = arith.constant 1.000000e+00 : f32
    %add3A_1571 = vector.broadcast %add3A_1570 : f32 to vector<16xf32>
    %add3A_1572 = arith.addf %add3A_1571, %exp3A_1569 : vector<16xf32>
    %div3A_1573 = arith.constant 1.000000e+00 : f32
    %div3A_1574 = vector.broadcast %div3A_1573 : f32 to vector<16xf32>
    %div3A_1575 = arith.divf %div3A_1574, %add3A_1572 : vector<16xf32>
    %sub3A_1576 = arith.constant 1.000000e+00 : f32
    %sub3A_1577 = vector.broadcast %sub3A_1576 : f32 to vector<16xf32>
    %sub3A_1578 = arith.subf %sub3A_1577, %div3A_1575 : vector<16xf32>
    %add3A_1579 = arith.constant 304 : i32
    %add3A_1580 = arith.addi %mul3A_0, %add3A_1579 : i32
    %add3A_1581 = vector.broadcast %add3A_1580 : i32 to vector<16xi32>
    %add3A_1582 = arith.addi %add3A_1581, %iota3A : vector<16xi32>
    %mul3A_1583 = arith.constant -1640531527 : i32
    %mul3A_1584 = vector.broadcast %mul3A_1583 : i32 to vector<16xi32>
    %mul3A_1585 = arith.muli %add3A_1582, %mul3A_1584 : vector<16xi32>
    %shift_right_logical3A_1586 = arith.constant 15 : i32
    %shift_right_logical3A_1587 = vector.broadcast %shift_right_logical3A_1586 : i32 to vector<16xi32>
    %shift_right_logical3A_1588 = arith.shrui %mul3A_1585, %shift_right_logical3A_1587 : vector<16xi32>
    %xor3A_1589 = arith.xori %mul3A_1585, %shift_right_logical3A_1588 : vector<16xi32>
    %mul3A_1590 = arith.constant -2048144789 : i32
    %mul3A_1591 = vector.broadcast %mul3A_1590 : i32 to vector<16xi32>
    %mul3A_1592 = arith.muli %xor3A_1589, %mul3A_1591 : vector<16xi32>
    %shift_right_logical3A_1593 = arith.constant 13 : i32
    %shift_right_logical3A_1594 = vector.broadcast %shift_right_logical3A_1593 : i32 to vector<16xi32>
    %shift_right_logical3A_1595 = arith.shrui %mul3A_1592, %shift_right_logical3A_1594 : vector<16xi32>
    %xor3A_1596 = arith.xori %mul3A_1592, %shift_right_logical3A_1595 : vector<16xi32>
    %and3A_1597 = arith.constant 8388607 : i32
    %and3A_1598 = vector.broadcast %and3A_1597 : i32 to vector<16xi32>
    %and3A_1599 = arith.andi %xor3A_1596, %and3A_1598 : vector<16xi32>
    %convert_element_type3A_1600 = arith.sitofp %and3A_1599 : vector<16xi32> to vector<16xf32>
    %mul3A_1601 = arith.constant 1.1920929E-7 : f32
    %mul3A_1602 = vector.broadcast %mul3A_1601 : f32 to vector<16xf32>
    %mul3A_1603 = arith.mulf %convert_element_type3A_1600, %mul3A_1602 : vector<16xf32>
    %add3A_1604 = arith.constant 9.99999996E-13 : f32
    %add3A_1605 = vector.broadcast %add3A_1604 : f32 to vector<16xf32>
    %add3A_1606 = arith.addf %sub3A_1578, %add3A_1605 : vector<16xf32>
    %sub3A_1607 = arith.constant 1.000000e+00 : f32
    %sub3A_1608 = vector.broadcast %sub3A_1607 : f32 to vector<16xf32>
    %sub3A_1609 = arith.subf %sub3A_1608, %mul3A_1603 : vector<16xf32>
    %mul3A_1610 = arith.mulf %add3A_1606, %sub3A_1609 : vector<16xf32>
    %add3A_1611 = arith.constant 9.99999996E-13 : f32
    %add3A_1612 = vector.broadcast %add3A_1611 : f32 to vector<16xf32>
    %add3A_1613 = arith.addf %div3A_1575, %add3A_1612 : vector<16xf32>
    %mul3A_1614 = arith.mulf %add3A_1613, %mul3A_1603 : vector<16xf32>
    %gt3A_1615 = arith.cmpf ogt, %mul3A_1610, %mul3A_1614 : vector<16xf32>
    %jit3A_1616 = arith.constant 1 : i32
    %jit3A_1617 = arith.constant 0 : i32
    %broadcast_in_dim3A_1618 = vector.broadcast %jit3A_1616 : i32 to vector<16xi32>
    %broadcast_in_dim3A_1619 = vector.broadcast %jit3A_1617 : i32 to vector<16xi32>
    %select_n3A_1620 = arith.select %gt3A_1615, %broadcast_in_dim3A_1618, %broadcast_in_dim3A_1619 : vector<16xi1>, vector<16xi32>
    %broadcast_in_dim3A_1621 = vector.shape_cast %select_n3A_1620 : vector<16xi32> to vector<16x1xi32>
    %gather3A_1622 = vector.shape_cast %broadcast_in_dim3A_1621 : vector<16x1xi32> to vector<16xi32>
    %gather3A_1623 = tpu.dynamic_gather %select_n3A_22[%gather3A_1622] in [0] : vector<16xf32>, vector<16xi32> -> vector<16xf32>
    %le3A_1624 = arith.constant 5.000000e-01 : f32
    %le3A_1625 = vector.broadcast %le3A_1624 : f32 to vector<16xf32>
    %le3A_1626 = arith.cmpf ole, %gather3A_1623, %le3A_1625 : vector<16xf32>
    %jit3A_1627 = arith.constant 1.000000e+01 : f32
    %broadcast_in_dim3A_1628 = vector.broadcast %jit3A_1627 : f32 to vector<16xf32>
    %select_n3A_1629 = arith.select %le3A_1626, %broadcast_in_dim3A_1628, %gather3A_1623 : vector<16xi1>, vector<16xf32>
    %gt3A_1630 = arith.constant 5.000000e-01 : f32
    %gt3A_1631 = vector.broadcast %gt3A_1630 : f32 to vector<16xf32>
    %gt3A_1632 = arith.cmpf ogt, %select_n3A_1629, %gt3A_1631 : vector<16xf32>
    %jit3A_1633 = arith.constant 1.000000e+00 : f32
    %broadcast_in_dim3A_1634 = vector.broadcast %jit3A_1633 : f32 to vector<16xf32>
    %select_n3A_1635 = arith.select %gt3A_1632, %broadcast_in_dim3A_1634, %select_n3A_1629 : vector<16xi1>, vector<16xf32>
    %swap3A_1636 = arith.constant 304 : index
    %swap3A_1637 = tpu.vector_load %arg6[%swap3A_1636] {strides = array<i32>} : memref<1024xf32, #tpu.memory_space<vmem>>, vector<16xf32>,
    %swap3A_1638 = vector.shape_cast %swap3A_1637 : vector<16xf32> to vector<16xf32>
    %swap3A_1639 = vector.shape_cast %select_n3A_1635 : vector<16xf32> to vector<16xf32>
    tpu.vector_store %arg6[%swap3A_1636], %swap3A_1639 {strides = array<i32>} : memref<1024xf32, #tpu.memory_space<vmem>>, vector<16xf32>,
    %get3A_1640 = arith.constant 320 : index
    %get3A_1641 = tpu.vector_load %arg5[%get3A_1640] {strides = array<i32>} : memref<1024xf32, #tpu.memory_space<vmem>>, vector<16xf32>,
    %get3A_1642 = vector.shape_cast %get3A_1641 : vector<16xf32> to vector<16xf32>
    %mul3A_1643 = vector.broadcast %squeeze3A : f32 to vector<16xf32>
    %mul3A_1644 = arith.mulf %get3A_1642, %mul3A_1643 : vector<16xf32>
    %add3A_1645 = vector.broadcast %squeeze3A_26 : f32 to vector<16xf32>
    %add3A_1646 = arith.addf %mul3A_1644, %add3A_1645 : vector<16xf32>
    %neg3A_1647 = arith.constant 0.000000e+00 : f32
    %neg3A_1648 = vector.broadcast %neg3A_1647 : f32 to vector<16xf32>
    %neg3A_1649 = arith.subf %neg3A_1648, %add3A_1646 : vector<16xf32>
    %exp3A_1650 = math.exp %neg3A_1649 : vector<16xf32>
    %add3A_1651 = arith.constant 1.000000e+00 : f32
    %add3A_1652 = vector.broadcast %add3A_1651 : f32 to vector<16xf32>
    %add3A_1653 = arith.addf %add3A_1652, %exp3A_1650 : vector<16xf32>
    %div3A_1654 = arith.constant 1.000000e+00 : f32
    %div3A_1655 = vector.broadcast %div3A_1654 : f32 to vector<16xf32>
    %div3A_1656 = arith.divf %div3A_1655, %add3A_1653 : vector<16xf32>
    %sub3A_1657 = arith.constant 1.000000e+00 : f32
    %sub3A_1658 = vector.broadcast %sub3A_1657 : f32 to vector<16xf32>
    %sub3A_1659 = arith.subf %sub3A_1658, %div3A_1656 : vector<16xf32>
    %add3A_1660 = arith.constant 320 : i32
    %add3A_1661 = arith.addi %mul3A_0, %add3A_1660 : i32
    %add3A_1662 = vector.broadcast %add3A_1661 : i32 to vector<16xi32>
    %add3A_1663 = arith.addi %add3A_1662, %iota3A : vector<16xi32>
    %mul3A_1664 = arith.constant -1640531527 : i32
    %mul3A_1665 = vector.broadcast %mul3A_1664 : i32 to vector<16xi32>
    %mul3A_1666 = arith.muli %add3A_1663, %mul3A_1665 : vector<16xi32>
    %shift_right_logical3A_1667 = arith.constant 15 : i32
    %shift_right_logical3A_1668 = vector.broadcast %shift_right_logical3A_1667 : i32 to vector<16xi32>
    %shift_right_logical3A_1669 = arith.shrui %mul3A_1666, %shift_right_logical3A_1668 : vector<16xi32>
    %xor3A_1670 = arith.xori %mul3A_1666, %shift_right_logical3A_1669 : vector<16xi32>
    %mul3A_1671 = arith.constant -2048144789 : i32
    %mul3A_1672 = vector.broadcast %mul3A_1671 : i32 to vector<16xi32>
    %mul3A_1673 = arith.muli %xor3A_1670, %mul3A_1672 : vector<16xi32>
    %shift_right_logical3A_1674 = arith.constant 13 : i32
    %shift_right_logical3A_1675 = vector.broadcast %shift_right_logical3A_1674 : i32 to vector<16xi32>
    %shift_right_logical3A_1676 = arith.shrui %mul3A_1673, %shift_right_logical3A_1675 : vector<16xi32>
    %xor3A_1677 = arith.xori %mul3A_1673, %shift_right_logical3A_1676 : vector<16xi32>
    %and3A_1678 = arith.constant 8388607 : i32
    %and3A_1679 = vector.broadcast %and3A_1678 : i32 to vector<16xi32>
    %and3A_1680 = arith.andi %xor3A_1677, %and3A_1679 : vector<16xi32>
    %convert_element_type3A_1681 = arith.sitofp %and3A_1680 : vector<16xi32> to vector<16xf32>
    %mul3A_1682 = arith.constant 1.1920929E-7 : f32
    %mul3A_1683 = vector.broadcast %mul3A_1682 : f32 to vector<16xf32>
    %mul3A_1684 = arith.mulf %convert_element_type3A_1681, %mul3A_1683 : vector<16xf32>
    %add3A_1685 = arith.constant 9.99999996E-13 : f32
    %add3A_1686 = vector.broadcast %add3A_1685 : f32 to vector<16xf32>
    %add3A_1687 = arith.addf %sub3A_1659, %add3A_1686 : vector<16xf32>
    %sub3A_1688 = arith.constant 1.000000e+00 : f32
    %sub3A_1689 = vector.broadcast %sub3A_1688 : f32 to vector<16xf32>
    %sub3A_1690 = arith.subf %sub3A_1689, %mul3A_1684 : vector<16xf32>
    %mul3A_1691 = arith.mulf %add3A_1687, %sub3A_1690 : vector<16xf32>
    %add3A_1692 = arith.constant 9.99999996E-13 : f32
    %add3A_1693 = vector.broadcast %add3A_1692 : f32 to vector<16xf32>
    %add3A_1694 = arith.addf %div3A_1656, %add3A_1693 : vector<16xf32>
    %mul3A_1695 = arith.mulf %add3A_1694, %mul3A_1684 : vector<16xf32>
    %gt3A_1696 = arith.cmpf ogt, %mul3A_1691, %mul3A_1695 : vector<16xf32>
    %jit3A_1697 = arith.constant 1 : i32
    %jit3A_1698 = arith.constant 0 : i32
    %broadcast_in_dim3A_1699 = vector.broadcast %jit3A_1697 : i32 to vector<16xi32>
    %broadcast_in_dim3A_1700 = vector.broadcast %jit3A_1698 : i32 to vector<16xi32>
    %select_n3A_1701 = arith.select %gt3A_1696, %broadcast_in_dim3A_1699, %broadcast_in_dim3A_1700 : vector<16xi1>, vector<16xi32>
    %broadcast_in_dim3A_1702 = vector.shape_cast %select_n3A_1701 : vector<16xi32> to vector<16x1xi32>
    %gather3A_1703 = vector.shape_cast %broadcast_in_dim3A_1702 : vector<16x1xi32> to vector<16xi32>
    %gather3A_1704 = tpu.dynamic_gather %select_n3A_22[%gather3A_1703] in [0] : vector<16xf32>, vector<16xi32> -> vector<16xf32>
    %le3A_1705 = arith.constant 5.000000e-01 : f32
    %le3A_1706 = vector.broadcast %le3A_1705 : f32 to vector<16xf32>
    %le3A_1707 = arith.cmpf ole, %gather3A_1704, %le3A_1706 : vector<16xf32>
    %jit3A_1708 = arith.constant 1.000000e+01 : f32
    %broadcast_in_dim3A_1709 = vector.broadcast %jit3A_1708 : f32 to vector<16xf32>
    %select_n3A_1710 = arith.select %le3A_1707, %broadcast_in_dim3A_1709, %gather3A_1704 : vector<16xi1>, vector<16xf32>
    %gt3A_1711 = arith.constant 5.000000e-01 : f32
    %gt3A_1712 = vector.broadcast %gt3A_1711 : f32 to vector<16xf32>
    %gt3A_1713 = arith.cmpf ogt, %select_n3A_1710, %gt3A_1712 : vector<16xf32>
    %jit3A_1714 = arith.constant 1.000000e+00 : f32
    %broadcast_in_dim3A_1715 = vector.broadcast %jit3A_1714 : f32 to vector<16xf32>
    %select_n3A_1716 = arith.select %gt3A_1713, %broadcast_in_dim3A_1715, %select_n3A_1710 : vector<16xi1>, vector<16xf32>
    %swap3A_1717 = arith.constant 320 : index
    %swap3A_1718 = tpu.vector_load %arg6[%swap3A_1717] {strides = array<i32>} : memref<1024xf32, #tpu.memory_space<vmem>>, vector<16xf32>,
    %swap3A_1719 = vector.shape_cast %swap3A_1718 : vector<16xf32> to vector<16xf32>
    %swap3A_1720 = vector.shape_cast %select_n3A_1716 : vector<16xf32> to vector<16xf32>
    tpu.vector_store %arg6[%swap3A_1717], %swap3A_1720 {strides = array<i32>} : memref<1024xf32, #tpu.memory_space<vmem>>, vector<16xf32>,
    %get3A_1721 = arith.constant 336 : index
    %get3A_1722 = tpu.vector_load %arg5[%get3A_1721] {strides = array<i32>} : memref<1024xf32, #tpu.memory_space<vmem>>, vector<16xf32>,
    %get3A_1723 = vector.shape_cast %get3A_1722 : vector<16xf32> to vector<16xf32>
    %mul3A_1724 = vector.broadcast %squeeze3A : f32 to vector<16xf32>
    %mul3A_1725 = arith.mulf %get3A_1723, %mul3A_1724 : vector<16xf32>
    %add3A_1726 = vector.broadcast %squeeze3A_26 : f32 to vector<16xf32>
    %add3A_1727 = arith.addf %mul3A_1725, %add3A_1726 : vector<16xf32>
    %neg3A_1728 = arith.constant 0.000000e+00 : f32
    %neg3A_1729 = vector.broadcast %neg3A_1728 : f32 to vector<16xf32>
    %neg3A_1730 = arith.subf %neg3A_1729, %add3A_1727 : vector<16xf32>
    %exp3A_1731 = math.exp %neg3A_1730 : vector<16xf32>
    %add3A_1732 = arith.constant 1.000000e+00 : f32
    %add3A_1733 = vector.broadcast %add3A_1732 : f32 to vector<16xf32>
    %add3A_1734 = arith.addf %add3A_1733, %exp3A_1731 : vector<16xf32>
    %div3A_1735 = arith.constant 1.000000e+00 : f32
    %div3A_1736 = vector.broadcast %div3A_1735 : f32 to vector<16xf32>
    %div3A_1737 = arith.divf %div3A_1736, %add3A_1734 : vector<16xf32>
    %sub3A_1738 = arith.constant 1.000000e+00 : f32
    %sub3A_1739 = vector.broadcast %sub3A_1738 : f32 to vector<16xf32>
    %sub3A_1740 = arith.subf %sub3A_1739, %div3A_1737 : vector<16xf32>
    %add3A_1741 = arith.constant 336 : i32
    %add3A_1742 = arith.addi %mul3A_0, %add3A_1741 : i32
    %add3A_1743 = vector.broadcast %add3A_1742 : i32 to vector<16xi32>
    %add3A_1744 = arith.addi %add3A_1743, %iota3A : vector<16xi32>
    %mul3A_1745 = arith.constant -1640531527 : i32
    %mul3A_1746 = vector.broadcast %mul3A_1745 : i32 to vector<16xi32>
    %mul3A_1747 = arith.muli %add3A_1744, %mul3A_1746 : vector<16xi32>
    %shift_right_logical3A_1748 = arith.constant 15 : i32
    %shift_right_logical3A_1749 = vector.broadcast %shift_right_logical3A_1748 : i32 to vector<16xi32>
    %shift_right_logical3A_1750 = arith.shrui %mul3A_1747, %shift_right_logical3A_1749 : vector<16xi32>
    %xor3A_1751 = arith.xori %mul3A_1747, %shift_right_logical3A_1750 : vector<16xi32>
    %mul3A_1752 = arith.constant -2048144789 : i32
    %mul3A_1753 = vector.broadcast %mul3A_1752 : i32 to vector<16xi32>
    %mul3A_1754 = arith.muli %xor3A_1751, %mul3A_1753 : vector<16xi32>
    %shift_right_logical3A_1755 = arith.constant 13 : i32
    %shift_right_logical3A_1756 = vector.broadcast %shift_right_logical3A_1755 : i32 to vector<16xi32>
    %shift_right_logical3A_1757 = arith.shrui %mul3A_1754, %shift_right_logical3A_1756 : vector<16xi32>
    %xor3A_1758 = arith.xori %mul3A_1754, %shift_right_logical3A_1757 : vector<16xi32>
    %and3A_1759 = arith.constant 8388607 : i32
    %and3A_1760 = vector.broadcast %and3A_1759 : i32 to vector<16xi32>
    %and3A_1761 = arith.andi %xor3A_1758, %and3A_1760 : vector<16xi32>
    %convert_element_type3A_1762 = arith.sitofp %and3A_1761 : vector<16xi32> to vector<16xf32>
    %mul3A_1763 = arith.constant 1.1920929E-7 : f32
    %mul3A_1764 = vector.broadcast %mul3A_1763 : f32 to vector<16xf32>
    %mul3A_1765 = arith.mulf %convert_element_type3A_1762, %mul3A_1764 : vector<16xf32>
    %add3A_1766 = arith.constant 9.99999996E-13 : f32
    %add3A_1767 = vector.broadcast %add3A_1766 : f32 to vector<16xf32>
    %add3A_1768 = arith.addf %sub3A_1740, %add3A_1767 : vector<16xf32>
    %sub3A_1769 = arith.constant 1.000000e+00 : f32
    %sub3A_1770 = vector.broadcast %sub3A_1769 : f32 to vector<16xf32>
    %sub3A_1771 = arith.subf %sub3A_1770, %mul3A_1765 : vector<16xf32>
    %mul3A_1772 = arith.mulf %add3A_1768, %sub3A_1771 : vector<16xf32>
    %add3A_1773 = arith.constant 9.99999996E-13 : f32
    %add3A_1774 = vector.broadcast %add3A_1773 : f32 to vector<16xf32>
    %add3A_1775 = arith.addf %div3A_1737, %add3A_1774 : vector<16xf32>
    %mul3A_1776 = arith.mulf %add3A_1775, %mul3A_1765 : vector<16xf32>
    %gt3A_1777 = arith.cmpf ogt, %mul3A_1772, %mul3A_1776 : vector<16xf32>
    %jit3A_1778 = arith.constant 1 : i32
    %jit3A_1779 = arith.constant 0 : i32
    %broadcast_in_dim3A_1780 = vector.broadcast %jit3A_1778 : i32 to vector<16xi32>
    %broadcast_in_dim3A_1781 = vector.broadcast %jit3A_1779 : i32 to vector<16xi32>
    %select_n3A_1782 = arith.select %gt3A_1777, %broadcast_in_dim3A_1780, %broadcast_in_dim3A_1781 : vector<16xi1>, vector<16xi32>
    %broadcast_in_dim3A_1783 = vector.shape_cast %select_n3A_1782 : vector<16xi32> to vector<16x1xi32>
    %gather3A_1784 = vector.shape_cast %broadcast_in_dim3A_1783 : vector<16x1xi32> to vector<16xi32>
    %gather3A_1785 = tpu.dynamic_gather %select_n3A_22[%gather3A_1784] in [0] : vector<16xf32>, vector<16xi32> -> vector<16xf32>
    %le3A_1786 = arith.constant 5.000000e-01 : f32
    %le3A_1787 = vector.broadcast %le3A_1786 : f32 to vector<16xf32>
    %le3A_1788 = arith.cmpf ole, %gather3A_1785, %le3A_1787 : vector<16xf32>
    %jit3A_1789 = arith.constant 1.000000e+01 : f32
    %broadcast_in_dim3A_1790 = vector.broadcast %jit3A_1789 : f32 to vector<16xf32>
    %select_n3A_1791 = arith.select %le3A_1788, %broadcast_in_dim3A_1790, %gather3A_1785 : vector<16xi1>, vector<16xf32>
    %gt3A_1792 = arith.constant 5.000000e-01 : f32
    %gt3A_1793 = vector.broadcast %gt3A_1792 : f32 to vector<16xf32>
    %gt3A_1794 = arith.cmpf ogt, %select_n3A_1791, %gt3A_1793 : vector<16xf32>
    %jit3A_1795 = arith.constant 1.000000e+00 : f32
    %broadcast_in_dim3A_1796 = vector.broadcast %jit3A_1795 : f32 to vector<16xf32>
    %select_n3A_1797 = arith.select %gt3A_1794, %broadcast_in_dim3A_1796, %select_n3A_1791 : vector<16xi1>, vector<16xf32>
    %swap3A_1798 = arith.constant 336 : index
    %swap3A_1799 = tpu.vector_load %arg6[%swap3A_1798] {strides = array<i32>} : memref<1024xf32, #tpu.memory_space<vmem>>, vector<16xf32>,
    %swap3A_1800 = vector.shape_cast %swap3A_1799 : vector<16xf32> to vector<16xf32>
    %swap3A_1801 = vector.shape_cast %select_n3A_1797 : vector<16xf32> to vector<16xf32>
    tpu.vector_store %arg6[%swap3A_1798], %swap3A_1801 {strides = array<i32>} : memref<1024xf32, #tpu.memory_space<vmem>>, vector<16xf32>,
    %get3A_1802 = arith.constant 352 : index
    %get3A_1803 = tpu.vector_load %arg5[%get3A_1802] {strides = array<i32>} : memref<1024xf32, #tpu.memory_space<vmem>>, vector<16xf32>,
    %get3A_1804 = vector.shape_cast %get3A_1803 : vector<16xf32> to vector<16xf32>
    %mul3A_1805 = vector.broadcast %squeeze3A : f32 to vector<16xf32>
    %mul3A_1806 = arith.mulf %get3A_1804, %mul3A_1805 : vector<16xf32>
    %add3A_1807 = vector.broadcast %squeeze3A_26 : f32 to vector<16xf32>
    %add3A_1808 = arith.addf %mul3A_1806, %add3A_1807 : vector<16xf32>
    %neg3A_1809 = arith.constant 0.000000e+00 : f32
    %neg3A_1810 = vector.broadcast %neg3A_1809 : f32 to vector<16xf32>
    %neg3A_1811 = arith.subf %neg3A_1810, %add3A_1808 : vector<16xf32>
    %exp3A_1812 = math.exp %neg3A_1811 : vector<16xf32>
    %add3A_1813 = arith.constant 1.000000e+00 : f32
    %add3A_1814 = vector.broadcast %add3A_1813 : f32 to vector<16xf32>
    %add3A_1815 = arith.addf %add3A_1814, %exp3A_1812 : vector<16xf32>
    %div3A_1816 = arith.constant 1.000000e+00 : f32
    %div3A_1817 = vector.broadcast %div3A_1816 : f32 to vector<16xf32>
    %div3A_1818 = arith.divf %div3A_1817, %add3A_1815 : vector<16xf32>
    %sub3A_1819 = arith.constant 1.000000e+00 : f32
    %sub3A_1820 = vector.broadcast %sub3A_1819 : f32 to vector<16xf32>
    %sub3A_1821 = arith.subf %sub3A_1820, %div3A_1818 : vector<16xf32>
    %add3A_1822 = arith.constant 352 : i32
    %add3A_1823 = arith.addi %mul3A_0, %add3A_1822 : i32
    %add3A_1824 = vector.broadcast %add3A_1823 : i32 to vector<16xi32>
    %add3A_1825 = arith.addi %add3A_1824, %iota3A : vector<16xi32>
    %mul3A_1826 = arith.constant -1640531527 : i32
    %mul3A_1827 = vector.broadcast %mul3A_1826 : i32 to vector<16xi32>
    %mul3A_1828 = arith.muli %add3A_1825, %mul3A_1827 : vector<16xi32>
    %shift_right_logical3A_1829 = arith.constant 15 : i32
    %shift_right_logical3A_1830 = vector.broadcast %shift_right_logical3A_1829 : i32 to vector<16xi32>
    %shift_right_logical3A_1831 = arith.shrui %mul3A_1828, %shift_right_logical3A_1830 : vector<16xi32>
    %xor3A_1832 = arith.xori %mul3A_1828, %shift_right_logical3A_1831 : vector<16xi32>
    %mul3A_1833 = arith.constant -2048144789 : i32
    %mul3A_1834 = vector.broadcast %mul3A_1833 : i32 to vector<16xi32>
    %mul3A_1835 = arith.muli %xor3A_1832, %mul3A_1834 : vector<16xi32>
    %shift_right_logical3A_1836 = arith.constant 13 : i32
    %shift_right_logical3A_1837 = vector.broadcast %shift_right_logical3A_1836 : i32 to vector<16xi32>
    %shift_right_logical3A_1838 = arith.shrui %mul3A_1835, %shift_right_logical3A_1837 : vector<16xi32>
    %xor3A_1839 = arith.xori %mul3A_1835, %shift_right_logical3A_1838 : vector<16xi32>
    %and3A_1840 = arith.constant 8388607 : i32
    %and3A_1841 = vector.broadcast %and3A_1840 : i32 to vector<16xi32>
    %and3A_1842 = arith.andi %xor3A_1839, %and3A_1841 : vector<16xi32>
    %convert_element_type3A_1843 = arith.sitofp %and3A_1842 : vector<16xi32> to vector<16xf32>
    %mul3A_1844 = arith.constant 1.1920929E-7 : f32
    %mul3A_1845 = vector.broadcast %mul3A_1844 : f32 to vector<16xf32>
    %mul3A_1846 = arith.mulf %convert_element_type3A_1843, %mul3A_1845 : vector<16xf32>
    %add3A_1847 = arith.constant 9.99999996E-13 : f32
    %add3A_1848 = vector.broadcast %add3A_1847 : f32 to vector<16xf32>
    %add3A_1849 = arith.addf %sub3A_1821, %add3A_1848 : vector<16xf32>
    %sub3A_1850 = arith.constant 1.000000e+00 : f32
    %sub3A_1851 = vector.broadcast %sub3A_1850 : f32 to vector<16xf32>
    %sub3A_1852 = arith.subf %sub3A_1851, %mul3A_1846 : vector<16xf32>
    %mul3A_1853 = arith.mulf %add3A_1849, %sub3A_1852 : vector<16xf32>
    %add3A_1854 = arith.constant 9.99999996E-13 : f32
    %add3A_1855 = vector.broadcast %add3A_1854 : f32 to vector<16xf32>
    %add3A_1856 = arith.addf %div3A_1818, %add3A_1855 : vector<16xf32>
    %mul3A_1857 = arith.mulf %add3A_1856, %mul3A_1846 : vector<16xf32>
    %gt3A_1858 = arith.cmpf ogt, %mul3A_1853, %mul3A_1857 : vector<16xf32>
    %jit3A_1859 = arith.constant 1 : i32
    %jit3A_1860 = arith.constant 0 : i32
    %broadcast_in_dim3A_1861 = vector.broadcast %jit3A_1859 : i32 to vector<16xi32>
    %broadcast_in_dim3A_1862 = vector.broadcast %jit3A_1860 : i32 to vector<16xi32>
    %select_n3A_1863 = arith.select %gt3A_1858, %broadcast_in_dim3A_1861, %broadcast_in_dim3A_1862 : vector<16xi1>, vector<16xi32>
    %broadcast_in_dim3A_1864 = vector.shape_cast %select_n3A_1863 : vector<16xi32> to vector<16x1xi32>
    %gather3A_1865 = vector.shape_cast %broadcast_in_dim3A_1864 : vector<16x1xi32> to vector<16xi32>
    %gather3A_1866 = tpu.dynamic_gather %select_n3A_22[%gather3A_1865] in [0] : vector<16xf32>, vector<16xi32> -> vector<16xf32>
    %le3A_1867 = arith.constant 5.000000e-01 : f32
    %le3A_1868 = vector.broadcast %le3A_1867 : f32 to vector<16xf32>
    %le3A_1869 = arith.cmpf ole, %gather3A_1866, %le3A_1868 : vector<16xf32>
    %jit3A_1870 = arith.constant 1.000000e+01 : f32
    %broadcast_in_dim3A_1871 = vector.broadcast %jit3A_1870 : f32 to vector<16xf32>
    %select_n3A_1872 = arith.select %le3A_1869, %broadcast_in_dim3A_1871, %gather3A_1866 : vector<16xi1>, vector<16xf32>
    %gt3A_1873 = arith.constant 5.000000e-01 : f32
    %gt3A_1874 = vector.broadcast %gt3A_1873 : f32 to vector<16xf32>
    %gt3A_1875 = arith.cmpf ogt, %select_n3A_1872, %gt3A_1874 : vector<16xf32>
    %jit3A_1876 = arith.constant 1.000000e+00 : f32
    %broadcast_in_dim3A_1877 = vector.broadcast %jit3A_1876 : f32 to vector<16xf32>
    %select_n3A_1878 = arith.select %gt3A_1875, %broadcast_in_dim3A_1877, %select_n3A_1872 : vector<16xi1>, vector<16xf32>
    %swap3A_1879 = arith.constant 352 : index
    %swap3A_1880 = tpu.vector_load %arg6[%swap3A_1879] {strides = array<i32>} : memref<1024xf32, #tpu.memory_space<vmem>>, vector<16xf32>,
    %swap3A_1881 = vector.shape_cast %swap3A_1880 : vector<16xf32> to vector<16xf32>
    %swap3A_1882 = vector.shape_cast %select_n3A_1878 : vector<16xf32> to vector<16xf32>
    tpu.vector_store %arg6[%swap3A_1879], %swap3A_1882 {strides = array<i32>} : memref<1024xf32, #tpu.memory_space<vmem>>, vector<16xf32>,
    %get3A_1883 = arith.constant 368 : index
    %get3A_1884 = tpu.vector_load %arg5[%get3A_1883] {strides = array<i32>} : memref<1024xf32, #tpu.memory_space<vmem>>, vector<16xf32>,
    %get3A_1885 = vector.shape_cast %get3A_1884 : vector<16xf32> to vector<16xf32>
    %mul3A_1886 = vector.broadcast %squeeze3A : f32 to vector<16xf32>
    %mul3A_1887 = arith.mulf %get3A_1885, %mul3A_1886 : vector<16xf32>
    %add3A_1888 = vector.broadcast %squeeze3A_26 : f32 to vector<16xf32>
    %add3A_1889 = arith.addf %mul3A_1887, %add3A_1888 : vector<16xf32>
    %neg3A_1890 = arith.constant 0.000000e+00 : f32
    %neg3A_1891 = vector.broadcast %neg3A_1890 : f32 to vector<16xf32>
    %neg3A_1892 = arith.subf %neg3A_1891, %add3A_1889 : vector<16xf32>
    %exp3A_1893 = math.exp %neg3A_1892 : vector<16xf32>
    %add3A_1894 = arith.constant 1.000000e+00 : f32
    %add3A_1895 = vector.broadcast %add3A_1894 : f32 to vector<16xf32>
    %add3A_1896 = arith.addf %add3A_1895, %exp3A_1893 : vector<16xf32>
    %div3A_1897 = arith.constant 1.000000e+00 : f32
    %div3A_1898 = vector.broadcast %div3A_1897 : f32 to vector<16xf32>
    %div3A_1899 = arith.divf %div3A_1898, %add3A_1896 : vector<16xf32>
    %sub3A_1900 = arith.constant 1.000000e+00 : f32
    %sub3A_1901 = vector.broadcast %sub3A_1900 : f32 to vector<16xf32>
    %sub3A_1902 = arith.subf %sub3A_1901, %div3A_1899 : vector<16xf32>
    %add3A_1903 = arith.constant 368 : i32
    %add3A_1904 = arith.addi %mul3A_0, %add3A_1903 : i32
    %add3A_1905 = vector.broadcast %add3A_1904 : i32 to vector<16xi32>
    %add3A_1906 = arith.addi %add3A_1905, %iota3A : vector<16xi32>
    %mul3A_1907 = arith.constant -1640531527 : i32
    %mul3A_1908 = vector.broadcast %mul3A_1907 : i32 to vector<16xi32>
    %mul3A_1909 = arith.muli %add3A_1906, %mul3A_1908 : vector<16xi32>
    %shift_right_logical3A_1910 = arith.constant 15 : i32
    %shift_right_logical3A_1911 = vector.broadcast %shift_right_logical3A_1910 : i32 to vector<16xi32>
    %shift_right_logical3A_1912 = arith.shrui %mul3A_1909, %shift_right_logical3A_1911 : vector<16xi32>
    %xor3A_1913 = arith.xori %mul3A_1909, %shift_right_logical3A_1912 : vector<16xi32>
    %mul3A_1914 = arith.constant -2048144789 : i32
    %mul3A_1915 = vector.broadcast %mul3A_1914 : i32 to vector<16xi32>
    %mul3A_1916 = arith.muli %xor3A_1913, %mul3A_1915 : vector<16xi32>
    %shift_right_logical3A_1917 = arith.constant 13 : i32
    %shift_right_logical3A_1918 = vector.broadcast %shift_right_logical3A_1917 : i32 to vector<16xi32>
    %shift_right_logical3A_1919 = arith.shrui %mul3A_1916, %shift_right_logical3A_1918 : vector<16xi32>
    %xor3A_1920 = arith.xori %mul3A_1916, %shift_right_logical3A_1919 : vector<16xi32>
    %and3A_1921 = arith.constant 8388607 : i32
    %and3A_1922 = vector.broadcast %and3A_1921 : i32 to vector<16xi32>
    %and3A_1923 = arith.andi %xor3A_1920, %and3A_1922 : vector<16xi32>
    %convert_element_type3A_1924 = arith.sitofp %and3A_1923 : vector<16xi32> to vector<16xf32>
    %mul3A_1925 = arith.constant 1.1920929E-7 : f32
    %mul3A_1926 = vector.broadcast %mul3A_1925 : f32 to vector<16xf32>
    %mul3A_1927 = arith.mulf %convert_element_type3A_1924, %mul3A_1926 : vector<16xf32>
    %add3A_1928 = arith.constant 9.99999996E-13 : f32
    %add3A_1929 = vector.broadcast %add3A_1928 : f32 to vector<16xf32>
    %add3A_1930 = arith.addf %sub3A_1902, %add3A_1929 : vector<16xf32>
    %sub3A_1931 = arith.constant 1.000000e+00 : f32
    %sub3A_1932 = vector.broadcast %sub3A_1931 : f32 to vector<16xf32>
    %sub3A_1933 = arith.subf %sub3A_1932, %mul3A_1927 : vector<16xf32>
    %mul3A_1934 = arith.mulf %add3A_1930, %sub3A_1933 : vector<16xf32>
    %add3A_1935 = arith.constant 9.99999996E-13 : f32
    %add3A_1936 = vector.broadcast %add3A_1935 : f32 to vector<16xf32>
    %add3A_1937 = arith.addf %div3A_1899, %add3A_1936 : vector<16xf32>
    %mul3A_1938 = arith.mulf %add3A_1937, %mul3A_1927 : vector<16xf32>
    %gt3A_1939 = arith.cmpf ogt, %mul3A_1934, %mul3A_1938 : vector<16xf32>
    %jit3A_1940 = arith.constant 1 : i32
    %jit3A_1941 = arith.constant 0 : i32
    %broadcast_in_dim3A_1942 = vector.broadcast %jit3A_1940 : i32 to vector<16xi32>
    %broadcast_in_dim3A_1943 = vector.broadcast %jit3A_1941 : i32 to vector<16xi32>
    %select_n3A_1944 = arith.select %gt3A_1939, %broadcast_in_dim3A_1942, %broadcast_in_dim3A_1943 : vector<16xi1>, vector<16xi32>
    %broadcast_in_dim3A_1945 = vector.shape_cast %select_n3A_1944 : vector<16xi32> to vector<16x1xi32>
    %gather3A_1946 = vector.shape_cast %broadcast_in_dim3A_1945 : vector<16x1xi32> to vector<16xi32>
    %gather3A_1947 = tpu.dynamic_gather %select_n3A_22[%gather3A_1946] in [0] : vector<16xf32>, vector<16xi32> -> vector<16xf32>
    %le3A_1948 = arith.constant 5.000000e-01 : f32
    %le3A_1949 = vector.broadcast %le3A_1948 : f32 to vector<16xf32>
    %le3A_1950 = arith.cmpf ole, %gather3A_1947, %le3A_1949 : vector<16xf32>
    %jit3A_1951 = arith.constant 1.000000e+01 : f32
    %broadcast_in_dim3A_1952 = vector.broadcast %jit3A_1951 : f32 to vector<16xf32>
    %select_n3A_1953 = arith.select %le3A_1950, %broadcast_in_dim3A_1952, %gather3A_1947 : vector<16xi1>, vector<16xf32>
    %gt3A_1954 = arith.constant 5.000000e-01 : f32
    %gt3A_1955 = vector.broadcast %gt3A_1954 : f32 to vector<16xf32>
    %gt3A_1956 = arith.cmpf ogt, %select_n3A_1953, %gt3A_1955 : vector<16xf32>
    %jit3A_1957 = arith.constant 1.000000e+00 : f32
    %broadcast_in_dim3A_1958 = vector.broadcast %jit3A_1957 : f32 to vector<16xf32>
    %select_n3A_1959 = arith.select %gt3A_1956, %broadcast_in_dim3A_1958, %select_n3A_1953 : vector<16xi1>, vector<16xf32>
    %swap3A_1960 = arith.constant 368 : index
    %swap3A_1961 = tpu.vector_load %arg6[%swap3A_1960] {strides = array<i32>} : memref<1024xf32, #tpu.memory_space<vmem>>, vector<16xf32>,
    %swap3A_1962 = vector.shape_cast %swap3A_1961 : vector<16xf32> to vector<16xf32>
    %swap3A_1963 = vector.shape_cast %select_n3A_1959 : vector<16xf32> to vector<16xf32>
    tpu.vector_store %arg6[%swap3A_1960], %swap3A_1963 {strides = array<i32>} : memref<1024xf32, #tpu.memory_space<vmem>>, vector<16xf32>,
    %get3A_1964 = arith.constant 384 : index
    %get3A_1965 = tpu.vector_load %arg5[%get3A_1964] {strides = array<i32>} : memref<1024xf32, #tpu.memory_space<vmem>>, vector<16xf32>,
    %get3A_1966 = vector.shape_cast %get3A_1965 : vector<16xf32> to vector<16xf32>
    %mul3A_1967 = vector.broadcast %squeeze3A : f32 to vector<16xf32>
    %mul3A_1968 = arith.mulf %get3A_1966, %mul3A_1967 : vector<16xf32>
    %add3A_1969 = vector.broadcast %squeeze3A_26 : f32 to vector<16xf32>
    %add3A_1970 = arith.addf %mul3A_1968, %add3A_1969 : vector<16xf32>
    %neg3A_1971 = arith.constant 0.000000e+00 : f32
    %neg3A_1972 = vector.broadcast %neg3A_1971 : f32 to vector<16xf32>
    %neg3A_1973 = arith.subf %neg3A_1972, %add3A_1970 : vector<16xf32>
    %exp3A_1974 = math.exp %neg3A_1973 : vector<16xf32>
    %add3A_1975 = arith.constant 1.000000e+00 : f32
    %add3A_1976 = vector.broadcast %add3A_1975 : f32 to vector<16xf32>
    %add3A_1977 = arith.addf %add3A_1976, %exp3A_1974 : vector<16xf32>
    %div3A_1978 = arith.constant 1.000000e+00 : f32
    %div3A_1979 = vector.broadcast %div3A_1978 : f32 to vector<16xf32>
    %div3A_1980 = arith.divf %div3A_1979, %add3A_1977 : vector<16xf32>
    %sub3A_1981 = arith.constant 1.000000e+00 : f32
    %sub3A_1982 = vector.broadcast %sub3A_1981 : f32 to vector<16xf32>
    %sub3A_1983 = arith.subf %sub3A_1982, %div3A_1980 : vector<16xf32>
    %add3A_1984 = arith.constant 384 : i32
    %add3A_1985 = arith.addi %mul3A_0, %add3A_1984 : i32
    %add3A_1986 = vector.broadcast %add3A_1985 : i32 to vector<16xi32>
    %add3A_1987 = arith.addi %add3A_1986, %iota3A : vector<16xi32>
    %mul3A_1988 = arith.constant -1640531527 : i32
    %mul3A_1989 = vector.broadcast %mul3A_1988 : i32 to vector<16xi32>
    %mul3A_1990 = arith.muli %add3A_1987, %mul3A_1989 : vector<16xi32>
    %shift_right_logical3A_1991 = arith.constant 15 : i32
    %shift_right_logical3A_1992 = vector.broadcast %shift_right_logical3A_1991 : i32 to vector<16xi32>
    %shift_right_logical3A_1993 = arith.shrui %mul3A_1990, %shift_right_logical3A_1992 : vector<16xi32>
    %xor3A_1994 = arith.xori %mul3A_1990, %shift_right_logical3A_1993 : vector<16xi32>
    %mul3A_1995 = arith.constant -2048144789 : i32
    %mul3A_1996 = vector.broadcast %mul3A_1995 : i32 to vector<16xi32>
    %mul3A_1997 = arith.muli %xor3A_1994, %mul3A_1996 : vector<16xi32>
    %shift_right_logical3A_1998 = arith.constant 13 : i32
    %shift_right_logical3A_1999 = vector.broadcast %shift_right_logical3A_1998 : i32 to vector<16xi32>
    %shift_right_logical3A_2000 = arith.shrui %mul3A_1997, %shift_right_logical3A_1999 : vector<16xi32>
    %xor3A_2001 = arith.xori %mul3A_1997, %shift_right_logical3A_2000 : vector<16xi32>
    %and3A_2002 = arith.constant 8388607 : i32
    %and3A_2003 = vector.broadcast %and3A_2002 : i32 to vector<16xi32>
    %and3A_2004 = arith.andi %xor3A_2001, %and3A_2003 : vector<16xi32>
    %convert_element_type3A_2005 = arith.sitofp %and3A_2004 : vector<16xi32> to vector<16xf32>
    %mul3A_2006 = arith.constant 1.1920929E-7 : f32
    %mul3A_2007 = vector.broadcast %mul3A_2006 : f32 to vector<16xf32>
    %mul3A_2008 = arith.mulf %convert_element_type3A_2005, %mul3A_2007 : vector<16xf32>
    %add3A_2009 = arith.constant 9.99999996E-13 : f32
    %add3A_2010 = vector.broadcast %add3A_2009 : f32 to vector<16xf32>
    %add3A_2011 = arith.addf %sub3A_1983, %add3A_2010 : vector<16xf32>
    %sub3A_2012 = arith.constant 1.000000e+00 : f32
    %sub3A_2013 = vector.broadcast %sub3A_2012 : f32 to vector<16xf32>
    %sub3A_2014 = arith.subf %sub3A_2013, %mul3A_2008 : vector<16xf32>
    %mul3A_2015 = arith.mulf %add3A_2011, %sub3A_2014 : vector<16xf32>
    %add3A_2016 = arith.constant 9.99999996E-13 : f32
    %add3A_2017 = vector.broadcast %add3A_2016 : f32 to vector<16xf32>
    %add3A_2018 = arith.addf %div3A_1980, %add3A_2017 : vector<16xf32>
    %mul3A_2019 = arith.mulf %add3A_2018, %mul3A_2008 : vector<16xf32>
    %gt3A_2020 = arith.cmpf ogt, %mul3A_2015, %mul3A_2019 : vector<16xf32>
    %jit3A_2021 = arith.constant 1 : i32
    %jit3A_2022 = arith.constant 0 : i32
    %broadcast_in_dim3A_2023 = vector.broadcast %jit3A_2021 : i32 to vector<16xi32>
    %broadcast_in_dim3A_2024 = vector.broadcast %jit3A_2022 : i32 to vector<16xi32>
    %select_n3A_2025 = arith.select %gt3A_2020, %broadcast_in_dim3A_2023, %broadcast_in_dim3A_2024 : vector<16xi1>, vector<16xi32>
    %broadcast_in_dim3A_2026 = vector.shape_cast %select_n3A_2025 : vector<16xi32> to vector<16x1xi32>
    %gather3A_2027 = vector.shape_cast %broadcast_in_dim3A_2026 : vector<16x1xi32> to vector<16xi32>
    %gather3A_2028 = tpu.dynamic_gather %select_n3A_22[%gather3A_2027] in [0] : vector<16xf32>, vector<16xi32> -> vector<16xf32>
    %le3A_2029 = arith.constant 5.000000e-01 : f32
    %le3A_2030 = vector.broadcast %le3A_2029 : f32 to vector<16xf32>
    %le3A_2031 = arith.cmpf ole, %gather3A_2028, %le3A_2030 : vector<16xf32>
    %jit3A_2032 = arith.constant 1.000000e+01 : f32
    %broadcast_in_dim3A_2033 = vector.broadcast %jit3A_2032 : f32 to vector<16xf32>
    %select_n3A_2034 = arith.select %le3A_2031, %broadcast_in_dim3A_2033, %gather3A_2028 : vector<16xi1>, vector<16xf32>
    %gt3A_2035 = arith.constant 5.000000e-01 : f32
    %gt3A_2036 = vector.broadcast %gt3A_2035 : f32 to vector<16xf32>
    %gt3A_2037 = arith.cmpf ogt, %select_n3A_2034, %gt3A_2036 : vector<16xf32>
    %jit3A_2038 = arith.constant 1.000000e+00 : f32
    %broadcast_in_dim3A_2039 = vector.broadcast %jit3A_2038 : f32 to vector<16xf32>
    %select_n3A_2040 = arith.select %gt3A_2037, %broadcast_in_dim3A_2039, %select_n3A_2034 : vector<16xi1>, vector<16xf32>
    %swap3A_2041 = arith.constant 384 : index
    %swap3A_2042 = tpu.vector_load %arg6[%swap3A_2041] {strides = array<i32>} : memref<1024xf32, #tpu.memory_space<vmem>>, vector<16xf32>,
    %swap3A_2043 = vector.shape_cast %swap3A_2042 : vector<16xf32> to vector<16xf32>
    %swap3A_2044 = vector.shape_cast %select_n3A_2040 : vector<16xf32> to vector<16xf32>
    tpu.vector_store %arg6[%swap3A_2041], %swap3A_2044 {strides = array<i32>} : memref<1024xf32, #tpu.memory_space<vmem>>, vector<16xf32>,
    %get3A_2045 = arith.constant 400 : index
    %get3A_2046 = tpu.vector_load %arg5[%get3A_2045] {strides = array<i32>} : memref<1024xf32, #tpu.memory_space<vmem>>, vector<16xf32>,
    %get3A_2047 = vector.shape_cast %get3A_2046 : vector<16xf32> to vector<16xf32>
    %mul3A_2048 = vector.broadcast %squeeze3A : f32 to vector<16xf32>
    %mul3A_2049 = arith.mulf %get3A_2047, %mul3A_2048 : vector<16xf32>
    %add3A_2050 = vector.broadcast %squeeze3A_26 : f32 to vector<16xf32>
    %add3A_2051 = arith.addf %mul3A_2049, %add3A_2050 : vector<16xf32>
    %neg3A_2052 = arith.constant 0.000000e+00 : f32
    %neg3A_2053 = vector.broadcast %neg3A_2052 : f32 to vector<16xf32>
    %neg3A_2054 = arith.subf %neg3A_2053, %add3A_2051 : vector<16xf32>
    %exp3A_2055 = math.exp %neg3A_2054 : vector<16xf32>
    %add3A_2056 = arith.constant 1.000000e+00 : f32
    %add3A_2057 = vector.broadcast %add3A_2056 : f32 to vector<16xf32>
    %add3A_2058 = arith.addf %add3A_2057, %exp3A_2055 : vector<16xf32>
    %div3A_2059 = arith.constant 1.000000e+00 : f32
    %div3A_2060 = vector.broadcast %div3A_2059 : f32 to vector<16xf32>
    %div3A_2061 = arith.divf %div3A_2060, %add3A_2058 : vector<16xf32>
    %sub3A_2062 = arith.constant 1.000000e+00 : f32
    %sub3A_2063 = vector.broadcast %sub3A_2062 : f32 to vector<16xf32>
    %sub3A_2064 = arith.subf %sub3A_2063, %div3A_2061 : vector<16xf32>
    %add3A_2065 = arith.constant 400 : i32
    %add3A_2066 = arith.addi %mul3A_0, %add3A_2065 : i32
    %add3A_2067 = vector.broadcast %add3A_2066 : i32 to vector<16xi32>
    %add3A_2068 = arith.addi %add3A_2067, %iota3A : vector<16xi32>
    %mul3A_2069 = arith.constant -1640531527 : i32
    %mul3A_2070 = vector.broadcast %mul3A_2069 : i32 to vector<16xi32>
    %mul3A_2071 = arith.muli %add3A_2068, %mul3A_2070 : vector<16xi32>
    %shift_right_logical3A_2072 = arith.constant 15 : i32
    %shift_right_logical3A_2073 = vector.broadcast %shift_right_logical3A_2072 : i32 to vector<16xi32>
    %shift_right_logical3A_2074 = arith.shrui %mul3A_2071, %shift_right_logical3A_2073 : vector<16xi32>
    %xor3A_2075 = arith.xori %mul3A_2071, %shift_right_logical3A_2074 : vector<16xi32>
    %mul3A_2076 = arith.constant -2048144789 : i32
    %mul3A_2077 = vector.broadcast %mul3A_2076 : i32 to vector<16xi32>
    %mul3A_2078 = arith.muli %xor3A_2075, %mul3A_2077 : vector<16xi32>
    %shift_right_logical3A_2079 = arith.constant 13 : i32
    %shift_right_logical3A_2080 = vector.broadcast %shift_right_logical3A_2079 : i32 to vector<16xi32>
    %shift_right_logical3A_2081 = arith.shrui %mul3A_2078, %shift_right_logical3A_2080 : vector<16xi32>
    %xor3A_2082 = arith.xori %mul3A_2078, %shift_right_logical3A_2081 : vector<16xi32>
    %and3A_2083 = arith.constant 8388607 : i32
    %and3A_2084 = vector.broadcast %and3A_2083 : i32 to vector<16xi32>
    %and3A_2085 = arith.andi %xor3A_2082, %and3A_2084 : vector<16xi32>
    %convert_element_type3A_2086 = arith.sitofp %and3A_2085 : vector<16xi32> to vector<16xf32>
    %mul3A_2087 = arith.constant 1.1920929E-7 : f32
    %mul3A_2088 = vector.broadcast %mul3A_2087 : f32 to vector<16xf32>
    %mul3A_2089 = arith.mulf %convert_element_type3A_2086, %mul3A_2088 : vector<16xf32>
    %add3A_2090 = arith.constant 9.99999996E-13 : f32
    %add3A_2091 = vector.broadcast %add3A_2090 : f32 to vector<16xf32>
    %add3A_2092 = arith.addf %sub3A_2064, %add3A_2091 : vector<16xf32>
    %sub3A_2093 = arith.constant 1.000000e+00 : f32
    %sub3A_2094 = vector.broadcast %sub3A_2093 : f32 to vector<16xf32>
    %sub3A_2095 = arith.subf %sub3A_2094, %mul3A_2089 : vector<16xf32>
    %mul3A_2096 = arith.mulf %add3A_2092, %sub3A_2095 : vector<16xf32>
    %add3A_2097 = arith.constant 9.99999996E-13 : f32
    %add3A_2098 = vector.broadcast %add3A_2097 : f32 to vector<16xf32>
    %add3A_2099 = arith.addf %div3A_2061, %add3A_2098 : vector<16xf32>
    %mul3A_2100 = arith.mulf %add3A_2099, %mul3A_2089 : vector<16xf32>
    %gt3A_2101 = arith.cmpf ogt, %mul3A_2096, %mul3A_2100 : vector<16xf32>
    %jit3A_2102 = arith.constant 1 : i32
    %jit3A_2103 = arith.constant 0 : i32
    %broadcast_in_dim3A_2104 = vector.broadcast %jit3A_2102 : i32 to vector<16xi32>
    %broadcast_in_dim3A_2105 = vector.broadcast %jit3A_2103 : i32 to vector<16xi32>
    %select_n3A_2106 = arith.select %gt3A_2101, %broadcast_in_dim3A_2104, %broadcast_in_dim3A_2105 : vector<16xi1>, vector<16xi32>
    %broadcast_in_dim3A_2107 = vector.shape_cast %select_n3A_2106 : vector<16xi32> to vector<16x1xi32>
    %gather3A_2108 = vector.shape_cast %broadcast_in_dim3A_2107 : vector<16x1xi32> to vector<16xi32>
    %gather3A_2109 = tpu.dynamic_gather %select_n3A_22[%gather3A_2108] in [0] : vector<16xf32>, vector<16xi32> -> vector<16xf32>
    %le3A_2110 = arith.constant 5.000000e-01 : f32
    %le3A_2111 = vector.broadcast %le3A_2110 : f32 to vector<16xf32>
    %le3A_2112 = arith.cmpf ole, %gather3A_2109, %le3A_2111 : vector<16xf32>
    %jit3A_2113 = arith.constant 1.000000e+01 : f32
    %broadcast_in_dim3A_2114 = vector.broadcast %jit3A_2113 : f32 to vector<16xf32>
    %select_n3A_2115 = arith.select %le3A_2112, %broadcast_in_dim3A_2114, %gather3A_2109 : vector<16xi1>, vector<16xf32>
    %gt3A_2116 = arith.constant 5.000000e-01 : f32
    %gt3A_2117 = vector.broadcast %gt3A_2116 : f32 to vector<16xf32>
    %gt3A_2118 = arith.cmpf ogt, %select_n3A_2115, %gt3A_2117 : vector<16xf32>
    %jit3A_2119 = arith.constant 1.000000e+00 : f32
    %broadcast_in_dim3A_2120 = vector.broadcast %jit3A_2119 : f32 to vector<16xf32>
    %select_n3A_2121 = arith.select %gt3A_2118, %broadcast_in_dim3A_2120, %select_n3A_2115 : vector<16xi1>, vector<16xf32>
    %swap3A_2122 = arith.constant 400 : index
    %swap3A_2123 = tpu.vector_load %arg6[%swap3A_2122] {strides = array<i32>} : memref<1024xf32, #tpu.memory_space<vmem>>, vector<16xf32>,
    %swap3A_2124 = vector.shape_cast %swap3A_2123 : vector<16xf32> to vector<16xf32>
    %swap3A_2125 = vector.shape_cast %select_n3A_2121 : vector<16xf32> to vector<16xf32>
    tpu.vector_store %arg6[%swap3A_2122], %swap3A_2125 {strides = array<i32>} : memref<1024xf32, #tpu.memory_space<vmem>>, vector<16xf32>,
    %get3A_2126 = arith.constant 416 : index
    %get3A_2127 = tpu.vector_load %arg5[%get3A_2126] {strides = array<i32>} : memref<1024xf32, #tpu.memory_space<vmem>>, vector<16xf32>,
    %get3A_2128 = vector.shape_cast %get3A_2127 : vector<16xf32> to vector<16xf32>
    %mul3A_2129 = vector.broadcast %squeeze3A : f32 to vector<16xf32>
    %mul3A_2130 = arith.mulf %get3A_2128, %mul3A_2129 : vector<16xf32>
    %add3A_2131 = vector.broadcast %squeeze3A_26 : f32 to vector<16xf32>
    %add3A_2132 = arith.addf %mul3A_2130, %add3A_2131 : vector<16xf32>
    %neg3A_2133 = arith.constant 0.000000e+00 : f32
    %neg3A_2134 = vector.broadcast %neg3A_2133 : f32 to vector<16xf32>
    %neg3A_2135 = arith.subf %neg3A_2134, %add3A_2132 : vector<16xf32>
    %exp3A_2136 = math.exp %neg3A_2135 : vector<16xf32>
    %add3A_2137 = arith.constant 1.000000e+00 : f32
    %add3A_2138 = vector.broadcast %add3A_2137 : f32 to vector<16xf32>
    %add3A_2139 = arith.addf %add3A_2138, %exp3A_2136 : vector<16xf32>
    %div3A_2140 = arith.constant 1.000000e+00 : f32
    %div3A_2141 = vector.broadcast %div3A_2140 : f32 to vector<16xf32>
    %div3A_2142 = arith.divf %div3A_2141, %add3A_2139 : vector<16xf32>
    %sub3A_2143 = arith.constant 1.000000e+00 : f32
    %sub3A_2144 = vector.broadcast %sub3A_2143 : f32 to vector<16xf32>
    %sub3A_2145 = arith.subf %sub3A_2144, %div3A_2142 : vector<16xf32>
    %add3A_2146 = arith.constant 416 : i32
    %add3A_2147 = arith.addi %mul3A_0, %add3A_2146 : i32
    %add3A_2148 = vector.broadcast %add3A_2147 : i32 to vector<16xi32>
    %add3A_2149 = arith.addi %add3A_2148, %iota3A : vector<16xi32>
    %mul3A_2150 = arith.constant -1640531527 : i32
    %mul3A_2151 = vector.broadcast %mul3A_2150 : i32 to vector<16xi32>
    %mul3A_2152 = arith.muli %add3A_2149, %mul3A_2151 : vector<16xi32>
    %shift_right_logical3A_2153 = arith.constant 15 : i32
    %shift_right_logical3A_2154 = vector.broadcast %shift_right_logical3A_2153 : i32 to vector<16xi32>
    %shift_right_logical3A_2155 = arith.shrui %mul3A_2152, %shift_right_logical3A_2154 : vector<16xi32>
    %xor3A_2156 = arith.xori %mul3A_2152, %shift_right_logical3A_2155 : vector<16xi32>
    %mul3A_2157 = arith.constant -2048144789 : i32
    %mul3A_2158 = vector.broadcast %mul3A_2157 : i32 to vector<16xi32>
    %mul3A_2159 = arith.muli %xor3A_2156, %mul3A_2158 : vector<16xi32>
    %shift_right_logical3A_2160 = arith.constant 13 : i32
    %shift_right_logical3A_2161 = vector.broadcast %shift_right_logical3A_2160 : i32 to vector<16xi32>
    %shift_right_logical3A_2162 = arith.shrui %mul3A_2159, %shift_right_logical3A_2161 : vector<16xi32>
    %xor3A_2163 = arith.xori %mul3A_2159, %shift_right_logical3A_2162 : vector<16xi32>
    %and3A_2164 = arith.constant 8388607 : i32
    %and3A_2165 = vector.broadcast %and3A_2164 : i32 to vector<16xi32>
    %and3A_2166 = arith.andi %xor3A_2163, %and3A_2165 : vector<16xi32>
    %convert_element_type3A_2167 = arith.sitofp %and3A_2166 : vector<16xi32> to vector<16xf32>
    %mul3A_2168 = arith.constant 1.1920929E-7 : f32
    %mul3A_2169 = vector.broadcast %mul3A_2168 : f32 to vector<16xf32>
    %mul3A_2170 = arith.mulf %convert_element_type3A_2167, %mul3A_2169 : vector<16xf32>
    %add3A_2171 = arith.constant 9.99999996E-13 : f32
    %add3A_2172 = vector.broadcast %add3A_2171 : f32 to vector<16xf32>
    %add3A_2173 = arith.addf %sub3A_2145, %add3A_2172 : vector<16xf32>
    %sub3A_2174 = arith.constant 1.000000e+00 : f32
    %sub3A_2175 = vector.broadcast %sub3A_2174 : f32 to vector<16xf32>
    %sub3A_2176 = arith.subf %sub3A_2175, %mul3A_2170 : vector<16xf32>
    %mul3A_2177 = arith.mulf %add3A_2173, %sub3A_2176 : vector<16xf32>
    %add3A_2178 = arith.constant 9.99999996E-13 : f32
    %add3A_2179 = vector.broadcast %add3A_2178 : f32 to vector<16xf32>
    %add3A_2180 = arith.addf %div3A_2142, %add3A_2179 : vector<16xf32>
    %mul3A_2181 = arith.mulf %add3A_2180, %mul3A_2170 : vector<16xf32>
    %gt3A_2182 = arith.cmpf ogt, %mul3A_2177, %mul3A_2181 : vector<16xf32>
    %jit3A_2183 = arith.constant 1 : i32
    %jit3A_2184 = arith.constant 0 : i32
    %broadcast_in_dim3A_2185 = vector.broadcast %jit3A_2183 : i32 to vector<16xi32>
    %broadcast_in_dim3A_2186 = vector.broadcast %jit3A_2184 : i32 to vector<16xi32>
    %select_n3A_2187 = arith.select %gt3A_2182, %broadcast_in_dim3A_2185, %broadcast_in_dim3A_2186 : vector<16xi1>, vector<16xi32>
    %broadcast_in_dim3A_2188 = vector.shape_cast %select_n3A_2187 : vector<16xi32> to vector<16x1xi32>
    %gather3A_2189 = vector.shape_cast %broadcast_in_dim3A_2188 : vector<16x1xi32> to vector<16xi32>
    %gather3A_2190 = tpu.dynamic_gather %select_n3A_22[%gather3A_2189] in [0] : vector<16xf32>, vector<16xi32> -> vector<16xf32>
    %le3A_2191 = arith.constant 5.000000e-01 : f32
    %le3A_2192 = vector.broadcast %le3A_2191 : f32 to vector<16xf32>
    %le3A_2193 = arith.cmpf ole, %gather3A_2190, %le3A_2192 : vector<16xf32>
    %jit3A_2194 = arith.constant 1.000000e+01 : f32
    %broadcast_in_dim3A_2195 = vector.broadcast %jit3A_2194 : f32 to vector<16xf32>
    %select_n3A_2196 = arith.select %le3A_2193, %broadcast_in_dim3A_2195, %gather3A_2190 : vector<16xi1>, vector<16xf32>
    %gt3A_2197 = arith.constant 5.000000e-01 : f32
    %gt3A_2198 = vector.broadcast %gt3A_2197 : f32 to vector<16xf32>
    %gt3A_2199 = arith.cmpf ogt, %select_n3A_2196, %gt3A_2198 : vector<16xf32>
    %jit3A_2200 = arith.constant 1.000000e+00 : f32
    %broadcast_in_dim3A_2201 = vector.broadcast %jit3A_2200 : f32 to vector<16xf32>
    %select_n3A_2202 = arith.select %gt3A_2199, %broadcast_in_dim3A_2201, %select_n3A_2196 : vector<16xi1>, vector<16xf32>
    %swap3A_2203 = arith.constant 416 : index
    %swap3A_2204 = tpu.vector_load %arg6[%swap3A_2203] {strides = array<i32>} : memref<1024xf32, #tpu.memory_space<vmem>>, vector<16xf32>,
    %swap3A_2205 = vector.shape_cast %swap3A_2204 : vector<16xf32> to vector<16xf32>
    %swap3A_2206 = vector.shape_cast %select_n3A_2202 : vector<16xf32> to vector<16xf32>
    tpu.vector_store %arg6[%swap3A_2203], %swap3A_2206 {strides = array<i32>} : memref<1024xf32, #tpu.memory_space<vmem>>, vector<16xf32>,
    %get3A_2207 = arith.constant 432 : index
    %get3A_2208 = tpu.vector_load %arg5[%get3A_2207] {strides = array<i32>} : memref<1024xf32, #tpu.memory_space<vmem>>, vector<16xf32>,
    %get3A_2209 = vector.shape_cast %get3A_2208 : vector<16xf32> to vector<16xf32>
    %mul3A_2210 = vector.broadcast %squeeze3A : f32 to vector<16xf32>
    %mul3A_2211 = arith.mulf %get3A_2209, %mul3A_2210 : vector<16xf32>
    %add3A_2212 = vector.broadcast %squeeze3A_26 : f32 to vector<16xf32>
    %add3A_2213 = arith.addf %mul3A_2211, %add3A_2212 : vector<16xf32>
    %neg3A_2214 = arith.constant 0.000000e+00 : f32
    %neg3A_2215 = vector.broadcast %neg3A_2214 : f32 to vector<16xf32>
    %neg3A_2216 = arith.subf %neg3A_2215, %add3A_2213 : vector<16xf32>
    %exp3A_2217 = math.exp %neg3A_2216 : vector<16xf32>
    %add3A_2218 = arith.constant 1.000000e+00 : f32
    %add3A_2219 = vector.broadcast %add3A_2218 : f32 to vector<16xf32>
    %add3A_2220 = arith.addf %add3A_2219, %exp3A_2217 : vector<16xf32>
    %div3A_2221 = arith.constant 1.000000e+00 : f32
    %div3A_2222 = vector.broadcast %div3A_2221 : f32 to vector<16xf32>
    %div3A_2223 = arith.divf %div3A_2222, %add3A_2220 : vector<16xf32>
    %sub3A_2224 = arith.constant 1.000000e+00 : f32
    %sub3A_2225 = vector.broadcast %sub3A_2224 : f32 to vector<16xf32>
    %sub3A_2226 = arith.subf %sub3A_2225, %div3A_2223 : vector<16xf32>
    %add3A_2227 = arith.constant 432 : i32
    %add3A_2228 = arith.addi %mul3A_0, %add3A_2227 : i32
    %add3A_2229 = vector.broadcast %add3A_2228 : i32 to vector<16xi32>
    %add3A_2230 = arith.addi %add3A_2229, %iota3A : vector<16xi32>
    %mul3A_2231 = arith.constant -1640531527 : i32
    %mul3A_2232 = vector.broadcast %mul3A_2231 : i32 to vector<16xi32>
    %mul3A_2233 = arith.muli %add3A_2230, %mul3A_2232 : vector<16xi32>
    %shift_right_logical3A_2234 = arith.constant 15 : i32
    %shift_right_logical3A_2235 = vector.broadcast %shift_right_logical3A_2234 : i32 to vector<16xi32>
    %shift_right_logical3A_2236 = arith.shrui %mul3A_2233, %shift_right_logical3A_2235 : vector<16xi32>
    %xor3A_2237 = arith.xori %mul3A_2233, %shift_right_logical3A_2236 : vector<16xi32>
    %mul3A_2238 = arith.constant -2048144789 : i32
    %mul3A_2239 = vector.broadcast %mul3A_2238 : i32 to vector<16xi32>
    %mul3A_2240 = arith.muli %xor3A_2237, %mul3A_2239 : vector<16xi32>
    %shift_right_logical3A_2241 = arith.constant 13 : i32
    %shift_right_logical3A_2242 = vector.broadcast %shift_right_logical3A_2241 : i32 to vector<16xi32>
    %shift_right_logical3A_2243 = arith.shrui %mul3A_2240, %shift_right_logical3A_2242 : vector<16xi32>
    %xor3A_2244 = arith.xori %mul3A_2240, %shift_right_logical3A_2243 : vector<16xi32>
    %and3A_2245 = arith.constant 8388607 : i32
    %and3A_2246 = vector.broadcast %and3A_2245 : i32 to vector<16xi32>
    %and3A_2247 = arith.andi %xor3A_2244, %and3A_2246 : vector<16xi32>
    %convert_element_type3A_2248 = arith.sitofp %and3A_2247 : vector<16xi32> to vector<16xf32>
    %mul3A_2249 = arith.constant 1.1920929E-7 : f32
    %mul3A_2250 = vector.broadcast %mul3A_2249 : f32 to vector<16xf32>
    %mul3A_2251 = arith.mulf %convert_element_type3A_2248, %mul3A_2250 : vector<16xf32>
    %add3A_2252 = arith.constant 9.99999996E-13 : f32
    %add3A_2253 = vector.broadcast %add3A_2252 : f32 to vector<16xf32>
    %add3A_2254 = arith.addf %sub3A_2226, %add3A_2253 : vector<16xf32>
    %sub3A_2255 = arith.constant 1.000000e+00 : f32
    %sub3A_2256 = vector.broadcast %sub3A_2255 : f32 to vector<16xf32>
    %sub3A_2257 = arith.subf %sub3A_2256, %mul3A_2251 : vector<16xf32>
    %mul3A_2258 = arith.mulf %add3A_2254, %sub3A_2257 : vector<16xf32>
    %add3A_2259 = arith.constant 9.99999996E-13 : f32
    %add3A_2260 = vector.broadcast %add3A_2259 : f32 to vector<16xf32>
    %add3A_2261 = arith.addf %div3A_2223, %add3A_2260 : vector<16xf32>
    %mul3A_2262 = arith.mulf %add3A_2261, %mul3A_2251 : vector<16xf32>
    %gt3A_2263 = arith.cmpf ogt, %mul3A_2258, %mul3A_2262 : vector<16xf32>
    %jit3A_2264 = arith.constant 1 : i32
    %jit3A_2265 = arith.constant 0 : i32
    %broadcast_in_dim3A_2266 = vector.broadcast %jit3A_2264 : i32 to vector<16xi32>
    %broadcast_in_dim3A_2267 = vector.broadcast %jit3A_2265 : i32 to vector<16xi32>
    %select_n3A_2268 = arith.select %gt3A_2263, %broadcast_in_dim3A_2266, %broadcast_in_dim3A_2267 : vector<16xi1>, vector<16xi32>
    %broadcast_in_dim3A_2269 = vector.shape_cast %select_n3A_2268 : vector<16xi32> to vector<16x1xi32>
    %gather3A_2270 = vector.shape_cast %broadcast_in_dim3A_2269 : vector<16x1xi32> to vector<16xi32>
    %gather3A_2271 = tpu.dynamic_gather %select_n3A_22[%gather3A_2270] in [0] : vector<16xf32>, vector<16xi32> -> vector<16xf32>
    %le3A_2272 = arith.constant 5.000000e-01 : f32
    %le3A_2273 = vector.broadcast %le3A_2272 : f32 to vector<16xf32>
    %le3A_2274 = arith.cmpf ole, %gather3A_2271, %le3A_2273 : vector<16xf32>
    %jit3A_2275 = arith.constant 1.000000e+01 : f32
    %broadcast_in_dim3A_2276 = vector.broadcast %jit3A_2275 : f32 to vector<16xf32>
    %select_n3A_2277 = arith.select %le3A_2274, %broadcast_in_dim3A_2276, %gather3A_2271 : vector<16xi1>, vector<16xf32>
    %gt3A_2278 = arith.constant 5.000000e-01 : f32
    %gt3A_2279 = vector.broadcast %gt3A_2278 : f32 to vector<16xf32>
    %gt3A_2280 = arith.cmpf ogt, %select_n3A_2277, %gt3A_2279 : vector<16xf32>
    %jit3A_2281 = arith.constant 1.000000e+00 : f32
    %broadcast_in_dim3A_2282 = vector.broadcast %jit3A_2281 : f32 to vector<16xf32>
    %select_n3A_2283 = arith.select %gt3A_2280, %broadcast_in_dim3A_2282, %select_n3A_2277 : vector<16xi1>, vector<16xf32>
    %swap3A_2284 = arith.constant 432 : index
    %swap3A_2285 = tpu.vector_load %arg6[%swap3A_2284] {strides = array<i32>} : memref<1024xf32, #tpu.memory_space<vmem>>, vector<16xf32>,
    %swap3A_2286 = vector.shape_cast %swap3A_2285 : vector<16xf32> to vector<16xf32>
    %swap3A_2287 = vector.shape_cast %select_n3A_2283 : vector<16xf32> to vector<16xf32>
    tpu.vector_store %arg6[%swap3A_2284], %swap3A_2287 {strides = array<i32>} : memref<1024xf32, #tpu.memory_space<vmem>>, vector<16xf32>,
    %get3A_2288 = arith.constant 448 : index
    %get3A_2289 = tpu.vector_load %arg5[%get3A_2288] {strides = array<i32>} : memref<1024xf32, #tpu.memory_space<vmem>>, vector<16xf32>,
    %get3A_2290 = vector.shape_cast %get3A_2289 : vector<16xf32> to vector<16xf32>
    %mul3A_2291 = vector.broadcast %squeeze3A : f32 to vector<16xf32>
    %mul3A_2292 = arith.mulf %get3A_2290, %mul3A_2291 : vector<16xf32>
    %add3A_2293 = vector.broadcast %squeeze3A_26 : f32 to vector<16xf32>
    %add3A_2294 = arith.addf %mul3A_2292, %add3A_2293 : vector<16xf32>
    %neg3A_2295 = arith.constant 0.000000e+00 : f32
    %neg3A_2296 = vector.broadcast %neg3A_2295 : f32 to vector<16xf32>
    %neg3A_2297 = arith.subf %neg3A_2296, %add3A_2294 : vector<16xf32>
    %exp3A_2298 = math.exp %neg3A_2297 : vector<16xf32>
    %add3A_2299 = arith.constant 1.000000e+00 : f32
    %add3A_2300 = vector.broadcast %add3A_2299 : f32 to vector<16xf32>
    %add3A_2301 = arith.addf %add3A_2300, %exp3A_2298 : vector<16xf32>
    %div3A_2302 = arith.constant 1.000000e+00 : f32
    %div3A_2303 = vector.broadcast %div3A_2302 : f32 to vector<16xf32>
    %div3A_2304 = arith.divf %div3A_2303, %add3A_2301 : vector<16xf32>
    %sub3A_2305 = arith.constant 1.000000e+00 : f32
    %sub3A_2306 = vector.broadcast %sub3A_2305 : f32 to vector<16xf32>
    %sub3A_2307 = arith.subf %sub3A_2306, %div3A_2304 : vector<16xf32>
    %add3A_2308 = arith.constant 448 : i32
    %add3A_2309 = arith.addi %mul3A_0, %add3A_2308 : i32
    %add3A_2310 = vector.broadcast %add3A_2309 : i32 to vector<16xi32>
    %add3A_2311 = arith.addi %add3A_2310, %iota3A : vector<16xi32>
    %mul3A_2312 = arith.constant -1640531527 : i32
    %mul3A_2313 = vector.broadcast %mul3A_2312 : i32 to vector<16xi32>
    %mul3A_2314 = arith.muli %add3A_2311, %mul3A_2313 : vector<16xi32>
    %shift_right_logical3A_2315 = arith.constant 15 : i32
    %shift_right_logical3A_2316 = vector.broadcast %shift_right_logical3A_2315 : i32 to vector<16xi32>
    %shift_right_logical3A_2317 = arith.shrui %mul3A_2314, %shift_right_logical3A_2316 : vector<16xi32>
    %xor3A_2318 = arith.xori %mul3A_2314, %shift_right_logical3A_2317 : vector<16xi32>
    %mul3A_2319 = arith.constant -2048144789 : i32
    %mul3A_2320 = vector.broadcast %mul3A_2319 : i32 to vector<16xi32>
    %mul3A_2321 = arith.muli %xor3A_2318, %mul3A_2320 : vector<16xi32>
    %shift_right_logical3A_2322 = arith.constant 13 : i32
    %shift_right_logical3A_2323 = vector.broadcast %shift_right_logical3A_2322 : i32 to vector<16xi32>
    %shift_right_logical3A_2324 = arith.shrui %mul3A_2321, %shift_right_logical3A_2323 : vector<16xi32>
    %xor3A_2325 = arith.xori %mul3A_2321, %shift_right_logical3A_2324 : vector<16xi32>
    %and3A_2326 = arith.constant 8388607 : i32
    %and3A_2327 = vector.broadcast %and3A_2326 : i32 to vector<16xi32>
    %and3A_2328 = arith.andi %xor3A_2325, %and3A_2327 : vector<16xi32>
    %convert_element_type3A_2329 = arith.sitofp %and3A_2328 : vector<16xi32> to vector<16xf32>
    %mul3A_2330 = arith.constant 1.1920929E-7 : f32
    %mul3A_2331 = vector.broadcast %mul3A_2330 : f32 to vector<16xf32>
    %mul3A_2332 = arith.mulf %convert_element_type3A_2329, %mul3A_2331 : vector<16xf32>
    %add3A_2333 = arith.constant 9.99999996E-13 : f32
    %add3A_2334 = vector.broadcast %add3A_2333 : f32 to vector<16xf32>
    %add3A_2335 = arith.addf %sub3A_2307, %add3A_2334 : vector<16xf32>
    %sub3A_2336 = arith.constant 1.000000e+00 : f32
    %sub3A_2337 = vector.broadcast %sub3A_2336 : f32 to vector<16xf32>
    %sub3A_2338 = arith.subf %sub3A_2337, %mul3A_2332 : vector<16xf32>
    %mul3A_2339 = arith.mulf %add3A_2335, %sub3A_2338 : vector<16xf32>
    %add3A_2340 = arith.constant 9.99999996E-13 : f32
    %add3A_2341 = vector.broadcast %add3A_2340 : f32 to vector<16xf32>
    %add3A_2342 = arith.addf %div3A_2304, %add3A_2341 : vector<16xf32>
    %mul3A_2343 = arith.mulf %add3A_2342, %mul3A_2332 : vector<16xf32>
    %gt3A_2344 = arith.cmpf ogt, %mul3A_2339, %mul3A_2343 : vector<16xf32>
    %jit3A_2345 = arith.constant 1 : i32
    %jit3A_2346 = arith.constant 0 : i32
    %broadcast_in_dim3A_2347 = vector.broadcast %jit3A_2345 : i32 to vector<16xi32>
    %broadcast_in_dim3A_2348 = vector.broadcast %jit3A_2346 : i32 to vector<16xi32>
    %select_n3A_2349 = arith.select %gt3A_2344, %broadcast_in_dim3A_2347, %broadcast_in_dim3A_2348 : vector<16xi1>, vector<16xi32>
    %broadcast_in_dim3A_2350 = vector.shape_cast %select_n3A_2349 : vector<16xi32> to vector<16x1xi32>
    %gather3A_2351 = vector.shape_cast %broadcast_in_dim3A_2350 : vector<16x1xi32> to vector<16xi32>
    %gather3A_2352 = tpu.dynamic_gather %select_n3A_22[%gather3A_2351] in [0] : vector<16xf32>, vector<16xi32> -> vector<16xf32>
    %le3A_2353 = arith.constant 5.000000e-01 : f32
    %le3A_2354 = vector.broadcast %le3A_2353 : f32 to vector<16xf32>
    %le3A_2355 = arith.cmpf ole, %gather3A_2352, %le3A_2354 : vector<16xf32>
    %jit3A_2356 = arith.constant 1.000000e+01 : f32
    %broadcast_in_dim3A_2357 = vector.broadcast %jit3A_2356 : f32 to vector<16xf32>
    %select_n3A_2358 = arith.select %le3A_2355, %broadcast_in_dim3A_2357, %gather3A_2352 : vector<16xi1>, vector<16xf32>
    %gt3A_2359 = arith.constant 5.000000e-01 : f32
    %gt3A_2360 = vector.broadcast %gt3A_2359 : f32 to vector<16xf32>
    %gt3A_2361 = arith.cmpf ogt, %select_n3A_2358, %gt3A_2360 : vector<16xf32>
    %jit3A_2362 = arith.constant 1.000000e+00 : f32
    %broadcast_in_dim3A_2363 = vector.broadcast %jit3A_2362 : f32 to vector<16xf32>
    %select_n3A_2364 = arith.select %gt3A_2361, %broadcast_in_dim3A_2363, %select_n3A_2358 : vector<16xi1>, vector<16xf32>
    %swap3A_2365 = arith.constant 448 : index
    %swap3A_2366 = tpu.vector_load %arg6[%swap3A_2365] {strides = array<i32>} : memref<1024xf32, #tpu.memory_space<vmem>>, vector<16xf32>,
    %swap3A_2367 = vector.shape_cast %swap3A_2366 : vector<16xf32> to vector<16xf32>
    %swap3A_2368 = vector.shape_cast %select_n3A_2364 : vector<16xf32> to vector<16xf32>
    tpu.vector_store %arg6[%swap3A_2365], %swap3A_2368 {strides = array<i32>} : memref<1024xf32, #tpu.memory_space<vmem>>, vector<16xf32>,
    %get3A_2369 = arith.constant 464 : index
    %get3A_2370 = tpu.vector_load %arg5[%get3A_2369] {strides = array<i32>} : memref<1024xf32, #tpu.memory_space<vmem>>, vector<16xf32>,
    %get3A_2371 = vector.shape_cast %get3A_2370 : vector<16xf32> to vector<16xf32>
    %mul3A_2372 = vector.broadcast %squeeze3A : f32 to vector<16xf32>
    %mul3A_2373 = arith.mulf %get3A_2371, %mul3A_2372 : vector<16xf32>
    %add3A_2374 = vector.broadcast %squeeze3A_26 : f32 to vector<16xf32>
    %add3A_2375 = arith.addf %mul3A_2373, %add3A_2374 : vector<16xf32>
    %neg3A_2376 = arith.constant 0.000000e+00 : f32
    %neg3A_2377 = vector.broadcast %neg3A_2376 : f32 to vector<16xf32>
    %neg3A_2378 = arith.subf %neg3A_2377, %add3A_2375 : vector<16xf32>
    %exp3A_2379 = math.exp %neg3A_2378 : vector<16xf32>
    %add3A_2380 = arith.constant 1.000000e+00 : f32
    %add3A_2381 = vector.broadcast %add3A_2380 : f32 to vector<16xf32>
    %add3A_2382 = arith.addf %add3A_2381, %exp3A_2379 : vector<16xf32>
    %div3A_2383 = arith.constant 1.000000e+00 : f32
    %div3A_2384 = vector.broadcast %div3A_2383 : f32 to vector<16xf32>
    %div3A_2385 = arith.divf %div3A_2384, %add3A_2382 : vector<16xf32>
    %sub3A_2386 = arith.constant 1.000000e+00 : f32
    %sub3A_2387 = vector.broadcast %sub3A_2386 : f32 to vector<16xf32>
    %sub3A_2388 = arith.subf %sub3A_2387, %div3A_2385 : vector<16xf32>
    %add3A_2389 = arith.constant 464 : i32
    %add3A_2390 = arith.addi %mul3A_0, %add3A_2389 : i32
    %add3A_2391 = vector.broadcast %add3A_2390 : i32 to vector<16xi32>
    %add3A_2392 = arith.addi %add3A_2391, %iota3A : vector<16xi32>
    %mul3A_2393 = arith.constant -1640531527 : i32
    %mul3A_2394 = vector.broadcast %mul3A_2393 : i32 to vector<16xi32>
    %mul3A_2395 = arith.muli %add3A_2392, %mul3A_2394 : vector<16xi32>
    %shift_right_logical3A_2396 = arith.constant 15 : i32
    %shift_right_logical3A_2397 = vector.broadcast %shift_right_logical3A_2396 : i32 to vector<16xi32>
    %shift_right_logical3A_2398 = arith.shrui %mul3A_2395, %shift_right_logical3A_2397 : vector<16xi32>
    %xor3A_2399 = arith.xori %mul3A_2395, %shift_right_logical3A_2398 : vector<16xi32>
    %mul3A_2400 = arith.constant -2048144789 : i32
    %mul3A_2401 = vector.broadcast %mul3A_2400 : i32 to vector<16xi32>
    %mul3A_2402 = arith.muli %xor3A_2399, %mul3A_2401 : vector<16xi32>
    %shift_right_logical3A_2403 = arith.constant 13 : i32
    %shift_right_logical3A_2404 = vector.broadcast %shift_right_logical3A_2403 : i32 to vector<16xi32>
    %shift_right_logical3A_2405 = arith.shrui %mul3A_2402, %shift_right_logical3A_2404 : vector<16xi32>
    %xor3A_2406 = arith.xori %mul3A_2402, %shift_right_logical3A_2405 : vector<16xi32>
    %and3A_2407 = arith.constant 8388607 : i32
    %and3A_2408 = vector.broadcast %and3A_2407 : i32 to vector<16xi32>
    %and3A_2409 = arith.andi %xor3A_2406, %and3A_2408 : vector<16xi32>
    %convert_element_type3A_2410 = arith.sitofp %and3A_2409 : vector<16xi32> to vector<16xf32>
    %mul3A_2411 = arith.constant 1.1920929E-7 : f32
    %mul3A_2412 = vector.broadcast %mul3A_2411 : f32 to vector<16xf32>
    %mul3A_2413 = arith.mulf %convert_element_type3A_2410, %mul3A_2412 : vector<16xf32>
    %add3A_2414 = arith.constant 9.99999996E-13 : f32
    %add3A_2415 = vector.broadcast %add3A_2414 : f32 to vector<16xf32>
    %add3A_2416 = arith.addf %sub3A_2388, %add3A_2415 : vector<16xf32>
    %sub3A_2417 = arith.constant 1.000000e+00 : f32
    %sub3A_2418 = vector.broadcast %sub3A_2417 : f32 to vector<16xf32>
    %sub3A_2419 = arith.subf %sub3A_2418, %mul3A_2413 : vector<16xf32>
    %mul3A_2420 = arith.mulf %add3A_2416, %sub3A_2419 : vector<16xf32>
    %add3A_2421 = arith.constant 9.99999996E-13 : f32
    %add3A_2422 = vector.broadcast %add3A_2421 : f32 to vector<16xf32>
    %add3A_2423 = arith.addf %div3A_2385, %add3A_2422 : vector<16xf32>
    %mul3A_2424 = arith.mulf %add3A_2423, %mul3A_2413 : vector<16xf32>
    %gt3A_2425 = arith.cmpf ogt, %mul3A_2420, %mul3A_2424 : vector<16xf32>
    %jit3A_2426 = arith.constant 1 : i32
    %jit3A_2427 = arith.constant 0 : i32
    %broadcast_in_dim3A_2428 = vector.broadcast %jit3A_2426 : i32 to vector<16xi32>
    %broadcast_in_dim3A_2429 = vector.broadcast %jit3A_2427 : i32 to vector<16xi32>
    %select_n3A_2430 = arith.select %gt3A_2425, %broadcast_in_dim3A_2428, %broadcast_in_dim3A_2429 : vector<16xi1>, vector<16xi32>
    %broadcast_in_dim3A_2431 = vector.shape_cast %select_n3A_2430 : vector<16xi32> to vector<16x1xi32>
    %gather3A_2432 = vector.shape_cast %broadcast_in_dim3A_2431 : vector<16x1xi32> to vector<16xi32>
    %gather3A_2433 = tpu.dynamic_gather %select_n3A_22[%gather3A_2432] in [0] : vector<16xf32>, vector<16xi32> -> vector<16xf32>
    %le3A_2434 = arith.constant 5.000000e-01 : f32
    %le3A_2435 = vector.broadcast %le3A_2434 : f32 to vector<16xf32>
    %le3A_2436 = arith.cmpf ole, %gather3A_2433, %le3A_2435 : vector<16xf32>
    %jit3A_2437 = arith.constant 1.000000e+01 : f32
    %broadcast_in_dim3A_2438 = vector.broadcast %jit3A_2437 : f32 to vector<16xf32>
    %select_n3A_2439 = arith.select %le3A_2436, %broadcast_in_dim3A_2438, %gather3A_2433 : vector<16xi1>, vector<16xf32>
    %gt3A_2440 = arith.constant 5.000000e-01 : f32
    %gt3A_2441 = vector.broadcast %gt3A_2440 : f32 to vector<16xf32>
    %gt3A_2442 = arith.cmpf ogt, %select_n3A_2439, %gt3A_2441 : vector<16xf32>
    %jit3A_2443 = arith.constant 1.000000e+00 : f32
    %broadcast_in_dim3A_2444 = vector.broadcast %jit3A_2443 : f32 to vector<16xf32>
    %select_n3A_2445 = arith.select %gt3A_2442, %broadcast_in_dim3A_2444, %select_n3A_2439 : vector<16xi1>, vector<16xf32>
    %swap3A_2446 = arith.constant 464 : index
    %swap3A_2447 = tpu.vector_load %arg6[%swap3A_2446] {strides = array<i32>} : memref<1024xf32, #tpu.memory_space<vmem>>, vector<16xf32>,
    %swap3A_2448 = vector.shape_cast %swap3A_2447 : vector<16xf32> to vector<16xf32>
    %swap3A_2449 = vector.shape_cast %select_n3A_2445 : vector<16xf32> to vector<16xf32>
    tpu.vector_store %arg6[%swap3A_2446], %swap3A_2449 {strides = array<i32>} : memref<1024xf32, #tpu.memory_space<vmem>>, vector<16xf32>,
    %get3A_2450 = arith.constant 480 : index
    %get3A_2451 = tpu.vector_load %arg5[%get3A_2450] {strides = array<i32>} : memref<1024xf32, #tpu.memory_space<vmem>>, vector<16xf32>,
    %get3A_2452 = vector.shape_cast %get3A_2451 : vector<16xf32> to vector<16xf32>
    %mul3A_2453 = vector.broadcast %squeeze3A : f32 to vector<16xf32>
    %mul3A_2454 = arith.mulf %get3A_2452, %mul3A_2453 : vector<16xf32>
    %add3A_2455 = vector.broadcast %squeeze3A_26 : f32 to vector<16xf32>
    %add3A_2456 = arith.addf %mul3A_2454, %add3A_2455 : vector<16xf32>
    %neg3A_2457 = arith.constant 0.000000e+00 : f32
    %neg3A_2458 = vector.broadcast %neg3A_2457 : f32 to vector<16xf32>
    %neg3A_2459 = arith.subf %neg3A_2458, %add3A_2456 : vector<16xf32>
    %exp3A_2460 = math.exp %neg3A_2459 : vector<16xf32>
    %add3A_2461 = arith.constant 1.000000e+00 : f32
    %add3A_2462 = vector.broadcast %add3A_2461 : f32 to vector<16xf32>
    %add3A_2463 = arith.addf %add3A_2462, %exp3A_2460 : vector<16xf32>
    %div3A_2464 = arith.constant 1.000000e+00 : f32
    %div3A_2465 = vector.broadcast %div3A_2464 : f32 to vector<16xf32>
    %div3A_2466 = arith.divf %div3A_2465, %add3A_2463 : vector<16xf32>
    %sub3A_2467 = arith.constant 1.000000e+00 : f32
    %sub3A_2468 = vector.broadcast %sub3A_2467 : f32 to vector<16xf32>
    %sub3A_2469 = arith.subf %sub3A_2468, %div3A_2466 : vector<16xf32>
    %add3A_2470 = arith.constant 480 : i32
    %add3A_2471 = arith.addi %mul3A_0, %add3A_2470 : i32
    %add3A_2472 = vector.broadcast %add3A_2471 : i32 to vector<16xi32>
    %add3A_2473 = arith.addi %add3A_2472, %iota3A : vector<16xi32>
    %mul3A_2474 = arith.constant -1640531527 : i32
    %mul3A_2475 = vector.broadcast %mul3A_2474 : i32 to vector<16xi32>
    %mul3A_2476 = arith.muli %add3A_2473, %mul3A_2475 : vector<16xi32>
    %shift_right_logical3A_2477 = arith.constant 15 : i32
    %shift_right_logical3A_2478 = vector.broadcast %shift_right_logical3A_2477 : i32 to vector<16xi32>
    %shift_right_logical3A_2479 = arith.shrui %mul3A_2476, %shift_right_logical3A_2478 : vector<16xi32>
    %xor3A_2480 = arith.xori %mul3A_2476, %shift_right_logical3A_2479 : vector<16xi32>
    %mul3A_2481 = arith.constant -2048144789 : i32
    %mul3A_2482 = vector.broadcast %mul3A_2481 : i32 to vector<16xi32>
    %mul3A_2483 = arith.muli %xor3A_2480, %mul3A_2482 : vector<16xi32>
    %shift_right_logical3A_2484 = arith.constant 13 : i32
    %shift_right_logical3A_2485 = vector.broadcast %shift_right_logical3A_2484 : i32 to vector<16xi32>
    %shift_right_logical3A_2486 = arith.shrui %mul3A_2483, %shift_right_logical3A_2485 : vector<16xi32>
    %xor3A_2487 = arith.xori %mul3A_2483, %shift_right_logical3A_2486 : vector<16xi32>
    %and3A_2488 = arith.constant 8388607 : i32
    %and3A_2489 = vector.broadcast %and3A_2488 : i32 to vector<16xi32>
    %and3A_2490 = arith.andi %xor3A_2487, %and3A_2489 : vector<16xi32>
    %convert_element_type3A_2491 = arith.sitofp %and3A_2490 : vector<16xi32> to vector<16xf32>
    %mul3A_2492 = arith.constant 1.1920929E-7 : f32
    %mul3A_2493 = vector.broadcast %mul3A_2492 : f32 to vector<16xf32>
    %mul3A_2494 = arith.mulf %convert_element_type3A_2491, %mul3A_2493 : vector<16xf32>
    %add3A_2495 = arith.constant 9.99999996E-13 : f32
    %add3A_2496 = vector.broadcast %add3A_2495 : f32 to vector<16xf32>
    %add3A_2497 = arith.addf %sub3A_2469, %add3A_2496 : vector<16xf32>
    %sub3A_2498 = arith.constant 1.000000e+00 : f32
    %sub3A_2499 = vector.broadcast %sub3A_2498 : f32 to vector<16xf32>
    %sub3A_2500 = arith.subf %sub3A_2499, %mul3A_2494 : vector<16xf32>
    %mul3A_2501 = arith.mulf %add3A_2497, %sub3A_2500 : vector<16xf32>
    %add3A_2502 = arith.constant 9.99999996E-13 : f32
    %add3A_2503 = vector.broadcast %add3A_2502 : f32 to vector<16xf32>
    %add3A_2504 = arith.addf %div3A_2466, %add3A_2503 : vector<16xf32>
    %mul3A_2505 = arith.mulf %add3A_2504, %mul3A_2494 : vector<16xf32>
    %gt3A_2506 = arith.cmpf ogt, %mul3A_2501, %mul3A_2505 : vector<16xf32>
    %jit3A_2507 = arith.constant 1 : i32
    %jit3A_2508 = arith.constant 0 : i32
    %broadcast_in_dim3A_2509 = vector.broadcast %jit3A_2507 : i32 to vector<16xi32>
    %broadcast_in_dim3A_2510 = vector.broadcast %jit3A_2508 : i32 to vector<16xi32>
    %select_n3A_2511 = arith.select %gt3A_2506, %broadcast_in_dim3A_2509, %broadcast_in_dim3A_2510 : vector<16xi1>, vector<16xi32>
    %broadcast_in_dim3A_2512 = vector.shape_cast %select_n3A_2511 : vector<16xi32> to vector<16x1xi32>
    %gather3A_2513 = vector.shape_cast %broadcast_in_dim3A_2512 : vector<16x1xi32> to vector<16xi32>
    %gather3A_2514 = tpu.dynamic_gather %select_n3A_22[%gather3A_2513] in [0] : vector<16xf32>, vector<16xi32> -> vector<16xf32>
    %le3A_2515 = arith.constant 5.000000e-01 : f32
    %le3A_2516 = vector.broadcast %le3A_2515 : f32 to vector<16xf32>
    %le3A_2517 = arith.cmpf ole, %gather3A_2514, %le3A_2516 : vector<16xf32>
    %jit3A_2518 = arith.constant 1.000000e+01 : f32
    %broadcast_in_dim3A_2519 = vector.broadcast %jit3A_2518 : f32 to vector<16xf32>
    %select_n3A_2520 = arith.select %le3A_2517, %broadcast_in_dim3A_2519, %gather3A_2514 : vector<16xi1>, vector<16xf32>
    %gt3A_2521 = arith.constant 5.000000e-01 : f32
    %gt3A_2522 = vector.broadcast %gt3A_2521 : f32 to vector<16xf32>
    %gt3A_2523 = arith.cmpf ogt, %select_n3A_2520, %gt3A_2522 : vector<16xf32>
    %jit3A_2524 = arith.constant 1.000000e+00 : f32
    %broadcast_in_dim3A_2525 = vector.broadcast %jit3A_2524 : f32 to vector<16xf32>
    %select_n3A_2526 = arith.select %gt3A_2523, %broadcast_in_dim3A_2525, %select_n3A_2520 : vector<16xi1>, vector<16xf32>
    %swap3A_2527 = arith.constant 480 : index
    %swap3A_2528 = tpu.vector_load %arg6[%swap3A_2527] {strides = array<i32>} : memref<1024xf32, #tpu.memory_space<vmem>>, vector<16xf32>,
    %swap3A_2529 = vector.shape_cast %swap3A_2528 : vector<16xf32> to vector<16xf32>
    %swap3A_2530 = vector.shape_cast %select_n3A_2526 : vector<16xf32> to vector<16xf32>
    tpu.vector_store %arg6[%swap3A_2527], %swap3A_2530 {strides = array<i32>} : memref<1024xf32, #tpu.memory_space<vmem>>, vector<16xf32>,
    %get3A_2531 = arith.constant 496 : index
    %get3A_2532 = tpu.vector_load %arg5[%get3A_2531] {strides = array<i32>} : memref<1024xf32, #tpu.memory_space<vmem>>, vector<16xf32>,
    %get3A_2533 = vector.shape_cast %get3A_2532 : vector<16xf32> to vector<16xf32>
    %mul3A_2534 = vector.broadcast %squeeze3A : f32 to vector<16xf32>
    %mul3A_2535 = arith.mulf %get3A_2533, %mul3A_2534 : vector<16xf32>
    %add3A_2536 = vector.broadcast %squeeze3A_26 : f32 to vector<16xf32>
    %add3A_2537 = arith.addf %mul3A_2535, %add3A_2536 : vector<16xf32>
    %neg3A_2538 = arith.constant 0.000000e+00 : f32
    %neg3A_2539 = vector.broadcast %neg3A_2538 : f32 to vector<16xf32>
    %neg3A_2540 = arith.subf %neg3A_2539, %add3A_2537 : vector<16xf32>
    %exp3A_2541 = math.exp %neg3A_2540 : vector<16xf32>
    %add3A_2542 = arith.constant 1.000000e+00 : f32
    %add3A_2543 = vector.broadcast %add3A_2542 : f32 to vector<16xf32>
    %add3A_2544 = arith.addf %add3A_2543, %exp3A_2541 : vector<16xf32>
    %div3A_2545 = arith.constant 1.000000e+00 : f32
    %div3A_2546 = vector.broadcast %div3A_2545 : f32 to vector<16xf32>
    %div3A_2547 = arith.divf %div3A_2546, %add3A_2544 : vector<16xf32>
    %sub3A_2548 = arith.constant 1.000000e+00 : f32
    %sub3A_2549 = vector.broadcast %sub3A_2548 : f32 to vector<16xf32>
    %sub3A_2550 = arith.subf %sub3A_2549, %div3A_2547 : vector<16xf32>
    %add3A_2551 = arith.constant 496 : i32
    %add3A_2552 = arith.addi %mul3A_0, %add3A_2551 : i32
    %add3A_2553 = vector.broadcast %add3A_2552 : i32 to vector<16xi32>
    %add3A_2554 = arith.addi %add3A_2553, %iota3A : vector<16xi32>
    %mul3A_2555 = arith.constant -1640531527 : i32
    %mul3A_2556 = vector.broadcast %mul3A_2555 : i32 to vector<16xi32>
    %mul3A_2557 = arith.muli %add3A_2554, %mul3A_2556 : vector<16xi32>
    %shift_right_logical3A_2558 = arith.constant 15 : i32
    %shift_right_logical3A_2559 = vector.broadcast %shift_right_logical3A_2558 : i32 to vector<16xi32>
    %shift_right_logical3A_2560 = arith.shrui %mul3A_2557, %shift_right_logical3A_2559 : vector<16xi32>
    %xor3A_2561 = arith.xori %mul3A_2557, %shift_right_logical3A_2560 : vector<16xi32>
    %mul3A_2562 = arith.constant -2048144789 : i32
    %mul3A_2563 = vector.broadcast %mul3A_2562 : i32 to vector<16xi32>
    %mul3A_2564 = arith.muli %xor3A_2561, %mul3A_2563 : vector<16xi32>
    %shift_right_logical3A_2565 = arith.constant 13 : i32
    %shift_right_logical3A_2566 = vector.broadcast %shift_right_logical3A_2565 : i32 to vector<16xi32>
    %shift_right_logical3A_2567 = arith.shrui %mul3A_2564, %shift_right_logical3A_2566 : vector<16xi32>
    %xor3A_2568 = arith.xori %mul3A_2564, %shift_right_logical3A_2567 : vector<16xi32>
    %and3A_2569 = arith.constant 8388607 : i32
    %and3A_2570 = vector.broadcast %and3A_2569 : i32 to vector<16xi32>
    %and3A_2571 = arith.andi %xor3A_2568, %and3A_2570 : vector<16xi32>
    %convert_element_type3A_2572 = arith.sitofp %and3A_2571 : vector<16xi32> to vector<16xf32>
    %mul3A_2573 = arith.constant 1.1920929E-7 : f32
    %mul3A_2574 = vector.broadcast %mul3A_2573 : f32 to vector<16xf32>
    %mul3A_2575 = arith.mulf %convert_element_type3A_2572, %mul3A_2574 : vector<16xf32>
    %add3A_2576 = arith.constant 9.99999996E-13 : f32
    %add3A_2577 = vector.broadcast %add3A_2576 : f32 to vector<16xf32>
    %add3A_2578 = arith.addf %sub3A_2550, %add3A_2577 : vector<16xf32>
    %sub3A_2579 = arith.constant 1.000000e+00 : f32
    %sub3A_2580 = vector.broadcast %sub3A_2579 : f32 to vector<16xf32>
    %sub3A_2581 = arith.subf %sub3A_2580, %mul3A_2575 : vector<16xf32>
    %mul3A_2582 = arith.mulf %add3A_2578, %sub3A_2581 : vector<16xf32>
    %add3A_2583 = arith.constant 9.99999996E-13 : f32
    %add3A_2584 = vector.broadcast %add3A_2583 : f32 to vector<16xf32>
    %add3A_2585 = arith.addf %div3A_2547, %add3A_2584 : vector<16xf32>
    %mul3A_2586 = arith.mulf %add3A_2585, %mul3A_2575 : vector<16xf32>
    %gt3A_2587 = arith.cmpf ogt, %mul3A_2582, %mul3A_2586 : vector<16xf32>
    %jit3A_2588 = arith.constant 1 : i32
    %jit3A_2589 = arith.constant 0 : i32
    %broadcast_in_dim3A_2590 = vector.broadcast %jit3A_2588 : i32 to vector<16xi32>
    %broadcast_in_dim3A_2591 = vector.broadcast %jit3A_2589 : i32 to vector<16xi32>
    %select_n3A_2592 = arith.select %gt3A_2587, %broadcast_in_dim3A_2590, %broadcast_in_dim3A_2591 : vector<16xi1>, vector<16xi32>
    %broadcast_in_dim3A_2593 = vector.shape_cast %select_n3A_2592 : vector<16xi32> to vector<16x1xi32>
    %gather3A_2594 = vector.shape_cast %broadcast_in_dim3A_2593 : vector<16x1xi32> to vector<16xi32>
    %gather3A_2595 = tpu.dynamic_gather %select_n3A_22[%gather3A_2594] in [0] : vector<16xf32>, vector<16xi32> -> vector<16xf32>
    %le3A_2596 = arith.constant 5.000000e-01 : f32
    %le3A_2597 = vector.broadcast %le3A_2596 : f32 to vector<16xf32>
    %le3A_2598 = arith.cmpf ole, %gather3A_2595, %le3A_2597 : vector<16xf32>
    %jit3A_2599 = arith.constant 1.000000e+01 : f32
    %broadcast_in_dim3A_2600 = vector.broadcast %jit3A_2599 : f32 to vector<16xf32>
    %select_n3A_2601 = arith.select %le3A_2598, %broadcast_in_dim3A_2600, %gather3A_2595 : vector<16xi1>, vector<16xf32>
    %gt3A_2602 = arith.constant 5.000000e-01 : f32
    %gt3A_2603 = vector.broadcast %gt3A_2602 : f32 to vector<16xf32>
    %gt3A_2604 = arith.cmpf ogt, %select_n3A_2601, %gt3A_2603 : vector<16xf32>
    %jit3A_2605 = arith.constant 1.000000e+00 : f32
    %broadcast_in_dim3A_2606 = vector.broadcast %jit3A_2605 : f32 to vector<16xf32>
    %select_n3A_2607 = arith.select %gt3A_2604, %broadcast_in_dim3A_2606, %select_n3A_2601 : vector<16xi1>, vector<16xf32>
    %swap3A_2608 = arith.constant 496 : index
    %swap3A_2609 = tpu.vector_load %arg6[%swap3A_2608] {strides = array<i32>} : memref<1024xf32, #tpu.memory_space<vmem>>, vector<16xf32>,
    %swap3A_2610 = vector.shape_cast %swap3A_2609 : vector<16xf32> to vector<16xf32>
    %swap3A_2611 = vector.shape_cast %select_n3A_2607 : vector<16xf32> to vector<16xf32>
    tpu.vector_store %arg6[%swap3A_2608], %swap3A_2611 {strides = array<i32>} : memref<1024xf32, #tpu.memory_space<vmem>>, vector<16xf32>,
    %dma_start3A_2612 = arith.constant 0 : i32
    %dma_start3A_2613 = tpu.memref_slice %arg6[%dma_start3A_2612] : memref<1024xf32, #tpu.memory_space<vmem>> -> memref<512xf32, #tpu.memory_space<vmem>>
    %dma_start3A_2614 = tpu.memref_slice %arg4[%mul3A_0] : memref<16384xf32, #tpu.memory_space<hbm>> -> memref<512xf32, #tpu.memory_space<hbm>>
    %dma_start3A_2615 = tpu.memref_slice %arg4[%mul3A_0] : memref<16384xf32, #tpu.memory_space<hbm>> -> memref<512xf32, #tpu.memory_space<hbm>>
    %dma_start3A_2616 = arith.constant 0 : i32
    %dma_start3A_2617 = tpu.memref_slice %arg6[%dma_start3A_2616] : memref<1024xf32, #tpu.memory_space<vmem>> -> memref<512xf32, #tpu.memory_space<vmem>>
    tpu.enqueue_dma source(%dma_start3A_2617 : memref<512xf32, #tpu.memory_space<vmem>>) target(%dma_start3A_2615 : memref<512xf32, #tpu.memory_space<hbm>>) target_semaphore(%arg11 : memref<!tpu.dma_semaphore, #tpu.memory_space<semaphore_mem>>)
    %dma_wait3A_2618 = arith.constant 512 : i32
    %dma_wait3A_2619 = tpu.memref_slice %arg5[%dma_wait3A_2618] : memref<1024xf32, #tpu.memory_space<vmem>> -> memref<512xf32, #tpu.memory_space<vmem>>
    %dma_wait3A_2620 = tpu.memref_slice %arg2[%add3A_6] : memref<16384xf32, #tpu.memory_space<hbm>> -> memref<512xf32, #tpu.memory_space<hbm>>
    %dma_wait3A_2621 = arith.constant 512 : i32
    %dma_wait3A_2622 = tpu.memref_slice %arg5[%dma_wait3A_2621] : memref<1024xf32, #tpu.memory_space<vmem>> -> memref<512xf32, #tpu.memory_space<vmem>>
    %dma_wait3A_2623 = tpu.memref_slice %arg2[%add3A_6] : memref<16384xf32, #tpu.memory_space<hbm>> -> memref<512xf32, #tpu.memory_space<hbm>>
    tpu.wait_dma2 semaphore(%arg9 : memref<!tpu.dma_semaphore, #tpu.memory_space<semaphore_mem>>) src(%dma_wait3A_2623 : memref<512xf32, #tpu.memory_space<hbm>>) dst(%dma_wait3A_2622 : memref<512xf32, #tpu.memory_space<vmem>>)
    %get3A_2624 = arith.constant 512 : index
    %get3A_2625 = tpu.vector_load %arg5[%get3A_2624] {strides = array<i32>} : memref<1024xf32, #tpu.memory_space<vmem>>, vector<16xf32>,
    %get3A_2626 = vector.shape_cast %get3A_2625 : vector<16xf32> to vector<16xf32>
    %mul3A_2627 = vector.broadcast %squeeze3A : f32 to vector<16xf32>
    %mul3A_2628 = arith.mulf %get3A_2626, %mul3A_2627 : vector<16xf32>
    %add3A_2629 = vector.broadcast %squeeze3A_26 : f32 to vector<16xf32>
    %add3A_2630 = arith.addf %mul3A_2628, %add3A_2629 : vector<16xf32>
    %neg3A_2631 = arith.constant 0.000000e+00 : f32
    %neg3A_2632 = vector.broadcast %neg3A_2631 : f32 to vector<16xf32>
    %neg3A_2633 = arith.subf %neg3A_2632, %add3A_2630 : vector<16xf32>
    %exp3A_2634 = math.exp %neg3A_2633 : vector<16xf32>
    %add3A_2635 = arith.constant 1.000000e+00 : f32
    %add3A_2636 = vector.broadcast %add3A_2635 : f32 to vector<16xf32>
    %add3A_2637 = arith.addf %add3A_2636, %exp3A_2634 : vector<16xf32>
    %div3A_2638 = arith.constant 1.000000e+00 : f32
    %div3A_2639 = vector.broadcast %div3A_2638 : f32 to vector<16xf32>
    %div3A_2640 = arith.divf %div3A_2639, %add3A_2637 : vector<16xf32>
    %sub3A_2641 = arith.constant 1.000000e+00 : f32
    %sub3A_2642 = vector.broadcast %sub3A_2641 : f32 to vector<16xf32>
    %sub3A_2643 = arith.subf %sub3A_2642, %div3A_2640 : vector<16xf32>
    %add3A_2644 = arith.constant 512 : i32
    %add3A_2645 = arith.addi %mul3A_0, %add3A_2644 : i32
    %add3A_2646 = vector.broadcast %add3A_2645 : i32 to vector<16xi32>
    %add3A_2647 = arith.addi %add3A_2646, %iota3A : vector<16xi32>
    %mul3A_2648 = arith.constant -1640531527 : i32
    %mul3A_2649 = vector.broadcast %mul3A_2648 : i32 to vector<16xi32>
    %mul3A_2650 = arith.muli %add3A_2647, %mul3A_2649 : vector<16xi32>
    %shift_right_logical3A_2651 = arith.constant 15 : i32
    %shift_right_logical3A_2652 = vector.broadcast %shift_right_logical3A_2651 : i32 to vector<16xi32>
    %shift_right_logical3A_2653 = arith.shrui %mul3A_2650, %shift_right_logical3A_2652 : vector<16xi32>
    %xor3A_2654 = arith.xori %mul3A_2650, %shift_right_logical3A_2653 : vector<16xi32>
    %mul3A_2655 = arith.constant -2048144789 : i32
    %mul3A_2656 = vector.broadcast %mul3A_2655 : i32 to vector<16xi32>
    %mul3A_2657 = arith.muli %xor3A_2654, %mul3A_2656 : vector<16xi32>
    %shift_right_logical3A_2658 = arith.constant 13 : i32
    %shift_right_logical3A_2659 = vector.broadcast %shift_right_logical3A_2658 : i32 to vector<16xi32>
    %shift_right_logical3A_2660 = arith.shrui %mul3A_2657, %shift_right_logical3A_2659 : vector<16xi32>
    %xor3A_2661 = arith.xori %mul3A_2657, %shift_right_logical3A_2660 : vector<16xi32>
    %and3A_2662 = arith.constant 8388607 : i32
    %and3A_2663 = vector.broadcast %and3A_2662 : i32 to vector<16xi32>
    %and3A_2664 = arith.andi %xor3A_2661, %and3A_2663 : vector<16xi32>
    %convert_element_type3A_2665 = arith.sitofp %and3A_2664 : vector<16xi32> to vector<16xf32>
    %mul3A_2666 = arith.constant 1.1920929E-7 : f32
    %mul3A_2667 = vector.broadcast %mul3A_2666 : f32 to vector<16xf32>
    %mul3A_2668 = arith.mulf %convert_element_type3A_2665, %mul3A_2667 : vector<16xf32>
    %add3A_2669 = arith.constant 9.99999996E-13 : f32
    %add3A_2670 = vector.broadcast %add3A_2669 : f32 to vector<16xf32>
    %add3A_2671 = arith.addf %sub3A_2643, %add3A_2670 : vector<16xf32>
    %sub3A_2672 = arith.constant 1.000000e+00 : f32
    %sub3A_2673 = vector.broadcast %sub3A_2672 : f32 to vector<16xf32>
    %sub3A_2674 = arith.subf %sub3A_2673, %mul3A_2668 : vector<16xf32>
    %mul3A_2675 = arith.mulf %add3A_2671, %sub3A_2674 : vector<16xf32>
    %add3A_2676 = arith.constant 9.99999996E-13 : f32
    %add3A_2677 = vector.broadcast %add3A_2676 : f32 to vector<16xf32>
    %add3A_2678 = arith.addf %div3A_2640, %add3A_2677 : vector<16xf32>
    %mul3A_2679 = arith.mulf %add3A_2678, %mul3A_2668 : vector<16xf32>
    %gt3A_2680 = arith.cmpf ogt, %mul3A_2675, %mul3A_2679 : vector<16xf32>
    %jit3A_2681 = arith.constant 1 : i32
    %jit3A_2682 = arith.constant 0 : i32
    %broadcast_in_dim3A_2683 = vector.broadcast %jit3A_2681 : i32 to vector<16xi32>
    %broadcast_in_dim3A_2684 = vector.broadcast %jit3A_2682 : i32 to vector<16xi32>
    %select_n3A_2685 = arith.select %gt3A_2680, %broadcast_in_dim3A_2683, %broadcast_in_dim3A_2684 : vector<16xi1>, vector<16xi32>
    %broadcast_in_dim3A_2686 = vector.shape_cast %select_n3A_2685 : vector<16xi32> to vector<16x1xi32>
    %gather3A_2687 = vector.shape_cast %broadcast_in_dim3A_2686 : vector<16x1xi32> to vector<16xi32>
    %gather3A_2688 = tpu.dynamic_gather %select_n3A_22[%gather3A_2687] in [0] : vector<16xf32>, vector<16xi32> -> vector<16xf32>
    %le3A_2689 = arith.constant 5.000000e-01 : f32
    %le3A_2690 = vector.broadcast %le3A_2689 : f32 to vector<16xf32>
    %le3A_2691 = arith.cmpf ole, %gather3A_2688, %le3A_2690 : vector<16xf32>
    %jit3A_2692 = arith.constant 1.000000e+01 : f32
    %broadcast_in_dim3A_2693 = vector.broadcast %jit3A_2692 : f32 to vector<16xf32>
    %select_n3A_2694 = arith.select %le3A_2691, %broadcast_in_dim3A_2693, %gather3A_2688 : vector<16xi1>, vector<16xf32>
    %gt3A_2695 = arith.constant 5.000000e-01 : f32
    %gt3A_2696 = vector.broadcast %gt3A_2695 : f32 to vector<16xf32>
    %gt3A_2697 = arith.cmpf ogt, %select_n3A_2694, %gt3A_2696 : vector<16xf32>
    %jit3A_2698 = arith.constant 1.000000e+00 : f32
    %broadcast_in_dim3A_2699 = vector.broadcast %jit3A_2698 : f32 to vector<16xf32>
    %select_n3A_2700 = arith.select %gt3A_2697, %broadcast_in_dim3A_2699, %select_n3A_2694 : vector<16xi1>, vector<16xf32>
    %swap3A_2701 = arith.constant 512 : index
    %swap3A_2702 = tpu.vector_load %arg6[%swap3A_2701] {strides = array<i32>} : memref<1024xf32, #tpu.memory_space<vmem>>, vector<16xf32>,
    %swap3A_2703 = vector.shape_cast %swap3A_2702 : vector<16xf32> to vector<16xf32>
    %swap3A_2704 = vector.shape_cast %select_n3A_2700 : vector<16xf32> to vector<16xf32>
    tpu.vector_store %arg6[%swap3A_2701], %swap3A_2704 {strides = array<i32>} : memref<1024xf32, #tpu.memory_space<vmem>>, vector<16xf32>,
    %get3A_2705 = arith.constant 528 : index
    %get3A_2706 = tpu.vector_load %arg5[%get3A_2705] {strides = array<i32>} : memref<1024xf32, #tpu.memory_space<vmem>>, vector<16xf32>,
    %get3A_2707 = vector.shape_cast %get3A_2706 : vector<16xf32> to vector<16xf32>
    %mul3A_2708 = vector.broadcast %squeeze3A : f32 to vector<16xf32>
    %mul3A_2709 = arith.mulf %get3A_2707, %mul3A_2708 : vector<16xf32>
    %add3A_2710 = vector.broadcast %squeeze3A_26 : f32 to vector<16xf32>
    %add3A_2711 = arith.addf %mul3A_2709, %add3A_2710 : vector<16xf32>
    %neg3A_2712 = arith.constant 0.000000e+00 : f32
    %neg3A_2713 = vector.broadcast %neg3A_2712 : f32 to vector<16xf32>
    %neg3A_2714 = arith.subf %neg3A_2713, %add3A_2711 : vector<16xf32>
    %exp3A_2715 = math.exp %neg3A_2714 : vector<16xf32>
    %add3A_2716 = arith.constant 1.000000e+00 : f32
    %add3A_2717 = vector.broadcast %add3A_2716 : f32 to vector<16xf32>
    %add3A_2718 = arith.addf %add3A_2717, %exp3A_2715 : vector<16xf32>
    %div3A_2719 = arith.constant 1.000000e+00 : f32
    %div3A_2720 = vector.broadcast %div3A_2719 : f32 to vector<16xf32>
    %div3A_2721 = arith.divf %div3A_2720, %add3A_2718 : vector<16xf32>
    %sub3A_2722 = arith.constant 1.000000e+00 : f32
    %sub3A_2723 = vector.broadcast %sub3A_2722 : f32 to vector<16xf32>
    %sub3A_2724 = arith.subf %sub3A_2723, %div3A_2721 : vector<16xf32>
    %add3A_2725 = arith.constant 528 : i32
    %add3A_2726 = arith.addi %mul3A_0, %add3A_2725 : i32
    %add3A_2727 = vector.broadcast %add3A_2726 : i32 to vector<16xi32>
    %add3A_2728 = arith.addi %add3A_2727, %iota3A : vector<16xi32>
    %mul3A_2729 = arith.constant -1640531527 : i32
    %mul3A_2730 = vector.broadcast %mul3A_2729 : i32 to vector<16xi32>
    %mul3A_2731 = arith.muli %add3A_2728, %mul3A_2730 : vector<16xi32>
    %shift_right_logical3A_2732 = arith.constant 15 : i32
    %shift_right_logical3A_2733 = vector.broadcast %shift_right_logical3A_2732 : i32 to vector<16xi32>
    %shift_right_logical3A_2734 = arith.shrui %mul3A_2731, %shift_right_logical3A_2733 : vector<16xi32>
    %xor3A_2735 = arith.xori %mul3A_2731, %shift_right_logical3A_2734 : vector<16xi32>
    %mul3A_2736 = arith.constant -2048144789 : i32
    %mul3A_2737 = vector.broadcast %mul3A_2736 : i32 to vector<16xi32>
    %mul3A_2738 = arith.muli %xor3A_2735, %mul3A_2737 : vector<16xi32>
    %shift_right_logical3A_2739 = arith.constant 13 : i32
    %shift_right_logical3A_2740 = vector.broadcast %shift_right_logical3A_2739 : i32 to vector<16xi32>
    %shift_right_logical3A_2741 = arith.shrui %mul3A_2738, %shift_right_logical3A_2740 : vector<16xi32>
    %xor3A_2742 = arith.xori %mul3A_2738, %shift_right_logical3A_2741 : vector<16xi32>
    %and3A_2743 = arith.constant 8388607 : i32
    %and3A_2744 = vector.broadcast %and3A_2743 : i32 to vector<16xi32>
    %and3A_2745 = arith.andi %xor3A_2742, %and3A_2744 : vector<16xi32>
    %convert_element_type3A_2746 = arith.sitofp %and3A_2745 : vector<16xi32> to vector<16xf32>
    %mul3A_2747 = arith.constant 1.1920929E-7 : f32
    %mul3A_2748 = vector.broadcast %mul3A_2747 : f32 to vector<16xf32>
    %mul3A_2749 = arith.mulf %convert_element_type3A_2746, %mul3A_2748 : vector<16xf32>
    %add3A_2750 = arith.constant 9.99999996E-13 : f32
    %add3A_2751 = vector.broadcast %add3A_2750 : f32 to vector<16xf32>
    %add3A_2752 = arith.addf %sub3A_2724, %add3A_2751 : vector<16xf32>
    %sub3A_2753 = arith.constant 1.000000e+00 : f32
    %sub3A_2754 = vector.broadcast %sub3A_2753 : f32 to vector<16xf32>
    %sub3A_2755 = arith.subf %sub3A_2754, %mul3A_2749 : vector<16xf32>
    %mul3A_2756 = arith.mulf %add3A_2752, %sub3A_2755 : vector<16xf32>
    %add3A_2757 = arith.constant 9.99999996E-13 : f32
    %add3A_2758 = vector.broadcast %add3A_2757 : f32 to vector<16xf32>
    %add3A_2759 = arith.addf %div3A_2721, %add3A_2758 : vector<16xf32>
    %mul3A_2760 = arith.mulf %add3A_2759, %mul3A_2749 : vector<16xf32>
    %gt3A_2761 = arith.cmpf ogt, %mul3A_2756, %mul3A_2760 : vector<16xf32>
    %jit3A_2762 = arith.constant 1 : i32
    %jit3A_2763 = arith.constant 0 : i32
    %broadcast_in_dim3A_2764 = vector.broadcast %jit3A_2762 : i32 to vector<16xi32>
    %broadcast_in_dim3A_2765 = vector.broadcast %jit3A_2763 : i32 to vector<16xi32>
    %select_n3A_2766 = arith.select %gt3A_2761, %broadcast_in_dim3A_2764, %broadcast_in_dim3A_2765 : vector<16xi1>, vector<16xi32>
    %broadcast_in_dim3A_2767 = vector.shape_cast %select_n3A_2766 : vector<16xi32> to vector<16x1xi32>
    %gather3A_2768 = vector.shape_cast %broadcast_in_dim3A_2767 : vector<16x1xi32> to vector<16xi32>
    %gather3A_2769 = tpu.dynamic_gather %select_n3A_22[%gather3A_2768] in [0] : vector<16xf32>, vector<16xi32> -> vector<16xf32>
    %le3A_2770 = arith.constant 5.000000e-01 : f32
    %le3A_2771 = vector.broadcast %le3A_2770 : f32 to vector<16xf32>
    %le3A_2772 = arith.cmpf ole, %gather3A_2769, %le3A_2771 : vector<16xf32>
    %jit3A_2773 = arith.constant 1.000000e+01 : f32
    %broadcast_in_dim3A_2774 = vector.broadcast %jit3A_2773 : f32 to vector<16xf32>
    %select_n3A_2775 = arith.select %le3A_2772, %broadcast_in_dim3A_2774, %gather3A_2769 : vector<16xi1>, vector<16xf32>
    %gt3A_2776 = arith.constant 5.000000e-01 : f32
    %gt3A_2777 = vector.broadcast %gt3A_2776 : f32 to vector<16xf32>
    %gt3A_2778 = arith.cmpf ogt, %select_n3A_2775, %gt3A_2777 : vector<16xf32>
    %jit3A_2779 = arith.constant 1.000000e+00 : f32
    %broadcast_in_dim3A_2780 = vector.broadcast %jit3A_2779 : f32 to vector<16xf32>
    %select_n3A_2781 = arith.select %gt3A_2778, %broadcast_in_dim3A_2780, %select_n3A_2775 : vector<16xi1>, vector<16xf32>
    %swap3A_2782 = arith.constant 528 : index
    %swap3A_2783 = tpu.vector_load %arg6[%swap3A_2782] {strides = array<i32>} : memref<1024xf32, #tpu.memory_space<vmem>>, vector<16xf32>,
    %swap3A_2784 = vector.shape_cast %swap3A_2783 : vector<16xf32> to vector<16xf32>
    %swap3A_2785 = vector.shape_cast %select_n3A_2781 : vector<16xf32> to vector<16xf32>
    tpu.vector_store %arg6[%swap3A_2782], %swap3A_2785 {strides = array<i32>} : memref<1024xf32, #tpu.memory_space<vmem>>, vector<16xf32>,
    %get3A_2786 = arith.constant 544 : index
    %get3A_2787 = tpu.vector_load %arg5[%get3A_2786] {strides = array<i32>} : memref<1024xf32, #tpu.memory_space<vmem>>, vector<16xf32>,
    %get3A_2788 = vector.shape_cast %get3A_2787 : vector<16xf32> to vector<16xf32>
    %mul3A_2789 = vector.broadcast %squeeze3A : f32 to vector<16xf32>
    %mul3A_2790 = arith.mulf %get3A_2788, %mul3A_2789 : vector<16xf32>
    %add3A_2791 = vector.broadcast %squeeze3A_26 : f32 to vector<16xf32>
    %add3A_2792 = arith.addf %mul3A_2790, %add3A_2791 : vector<16xf32>
    %neg3A_2793 = arith.constant 0.000000e+00 : f32
    %neg3A_2794 = vector.broadcast %neg3A_2793 : f32 to vector<16xf32>
    %neg3A_2795 = arith.subf %neg3A_2794, %add3A_2792 : vector<16xf32>
    %exp3A_2796 = math.exp %neg3A_2795 : vector<16xf32>
    %add3A_2797 = arith.constant 1.000000e+00 : f32
    %add3A_2798 = vector.broadcast %add3A_2797 : f32 to vector<16xf32>
    %add3A_2799 = arith.addf %add3A_2798, %exp3A_2796 : vector<16xf32>
    %div3A_2800 = arith.constant 1.000000e+00 : f32
    %div3A_2801 = vector.broadcast %div3A_2800 : f32 to vector<16xf32>
    %div3A_2802 = arith.divf %div3A_2801, %add3A_2799 : vector<16xf32>
    %sub3A_2803 = arith.constant 1.000000e+00 : f32
    %sub3A_2804 = vector.broadcast %sub3A_2803 : f32 to vector<16xf32>
    %sub3A_2805 = arith.subf %sub3A_2804, %div3A_2802 : vector<16xf32>
    %add3A_2806 = arith.constant 544 : i32
    %add3A_2807 = arith.addi %mul3A_0, %add3A_2806 : i32
    %add3A_2808 = vector.broadcast %add3A_2807 : i32 to vector<16xi32>
    %add3A_2809 = arith.addi %add3A_2808, %iota3A : vector<16xi32>
    %mul3A_2810 = arith.constant -1640531527 : i32
    %mul3A_2811 = vector.broadcast %mul3A_2810 : i32 to vector<16xi32>
    %mul3A_2812 = arith.muli %add3A_2809, %mul3A_2811 : vector<16xi32>
    %shift_right_logical3A_2813 = arith.constant 15 : i32
    %shift_right_logical3A_2814 = vector.broadcast %shift_right_logical3A_2813 : i32 to vector<16xi32>
    %shift_right_logical3A_2815 = arith.shrui %mul3A_2812, %shift_right_logical3A_2814 : vector<16xi32>
    %xor3A_2816 = arith.xori %mul3A_2812, %shift_right_logical3A_2815 : vector<16xi32>
    %mul3A_2817 = arith.constant -2048144789 : i32
    %mul3A_2818 = vector.broadcast %mul3A_2817 : i32 to vector<16xi32>
    %mul3A_2819 = arith.muli %xor3A_2816, %mul3A_2818 : vector<16xi32>
    %shift_right_logical3A_2820 = arith.constant 13 : i32
    %shift_right_logical3A_2821 = vector.broadcast %shift_right_logical3A_2820 : i32 to vector<16xi32>
    %shift_right_logical3A_2822 = arith.shrui %mul3A_2819, %shift_right_logical3A_2821 : vector<16xi32>
    %xor3A_2823 = arith.xori %mul3A_2819, %shift_right_logical3A_2822 : vector<16xi32>
    %and3A_2824 = arith.constant 8388607 : i32
    %and3A_2825 = vector.broadcast %and3A_2824 : i32 to vector<16xi32>
    %and3A_2826 = arith.andi %xor3A_2823, %and3A_2825 : vector<16xi32>
    %convert_element_type3A_2827 = arith.sitofp %and3A_2826 : vector<16xi32> to vector<16xf32>
    %mul3A_2828 = arith.constant 1.1920929E-7 : f32
    %mul3A_2829 = vector.broadcast %mul3A_2828 : f32 to vector<16xf32>
    %mul3A_2830 = arith.mulf %convert_element_type3A_2827, %mul3A_2829 : vector<16xf32>
    %add3A_2831 = arith.constant 9.99999996E-13 : f32
    %add3A_2832 = vector.broadcast %add3A_2831 : f32 to vector<16xf32>
    %add3A_2833 = arith.addf %sub3A_2805, %add3A_2832 : vector<16xf32>
    %sub3A_2834 = arith.constant 1.000000e+00 : f32
    %sub3A_2835 = vector.broadcast %sub3A_2834 : f32 to vector<16xf32>
    %sub3A_2836 = arith.subf %sub3A_2835, %mul3A_2830 : vector<16xf32>
    %mul3A_2837 = arith.mulf %add3A_2833, %sub3A_2836 : vector<16xf32>
    %add3A_2838 = arith.constant 9.99999996E-13 : f32
    %add3A_2839 = vector.broadcast %add3A_2838 : f32 to vector<16xf32>
    %add3A_2840 = arith.addf %div3A_2802, %add3A_2839 : vector<16xf32>
    %mul3A_2841 = arith.mulf %add3A_2840, %mul3A_2830 : vector<16xf32>
    %gt3A_2842 = arith.cmpf ogt, %mul3A_2837, %mul3A_2841 : vector<16xf32>
    %jit3A_2843 = arith.constant 1 : i32
    %jit3A_2844 = arith.constant 0 : i32
    %broadcast_in_dim3A_2845 = vector.broadcast %jit3A_2843 : i32 to vector<16xi32>
    %broadcast_in_dim3A_2846 = vector.broadcast %jit3A_2844 : i32 to vector<16xi32>
    %select_n3A_2847 = arith.select %gt3A_2842, %broadcast_in_dim3A_2845, %broadcast_in_dim3A_2846 : vector<16xi1>, vector<16xi32>
    %broadcast_in_dim3A_2848 = vector.shape_cast %select_n3A_2847 : vector<16xi32> to vector<16x1xi32>
    %gather3A_2849 = vector.shape_cast %broadcast_in_dim3A_2848 : vector<16x1xi32> to vector<16xi32>
    %gather3A_2850 = tpu.dynamic_gather %select_n3A_22[%gather3A_2849] in [0] : vector<16xf32>, vector<16xi32> -> vector<16xf32>
    %le3A_2851 = arith.constant 5.000000e-01 : f32
    %le3A_2852 = vector.broadcast %le3A_2851 : f32 to vector<16xf32>
    %le3A_2853 = arith.cmpf ole, %gather3A_2850, %le3A_2852 : vector<16xf32>
    %jit3A_2854 = arith.constant 1.000000e+01 : f32
    %broadcast_in_dim3A_2855 = vector.broadcast %jit3A_2854 : f32 to vector<16xf32>
    %select_n3A_2856 = arith.select %le3A_2853, %broadcast_in_dim3A_2855, %gather3A_2850 : vector<16xi1>, vector<16xf32>
    %gt3A_2857 = arith.constant 5.000000e-01 : f32
    %gt3A_2858 = vector.broadcast %gt3A_2857 : f32 to vector<16xf32>
    %gt3A_2859 = arith.cmpf ogt, %select_n3A_2856, %gt3A_2858 : vector<16xf32>
    %jit3A_2860 = arith.constant 1.000000e+00 : f32
    %broadcast_in_dim3A_2861 = vector.broadcast %jit3A_2860 : f32 to vector<16xf32>
    %select_n3A_2862 = arith.select %gt3A_2859, %broadcast_in_dim3A_2861, %select_n3A_2856 : vector<16xi1>, vector<16xf32>
    %swap3A_2863 = arith.constant 544 : index
    %swap3A_2864 = tpu.vector_load %arg6[%swap3A_2863] {strides = array<i32>} : memref<1024xf32, #tpu.memory_space<vmem>>, vector<16xf32>,
    %swap3A_2865 = vector.shape_cast %swap3A_2864 : vector<16xf32> to vector<16xf32>
    %swap3A_2866 = vector.shape_cast %select_n3A_2862 : vector<16xf32> to vector<16xf32>
    tpu.vector_store %arg6[%swap3A_2863], %swap3A_2866 {strides = array<i32>} : memref<1024xf32, #tpu.memory_space<vmem>>, vector<16xf32>,
    %get3A_2867 = arith.constant 560 : index
    %get3A_2868 = tpu.vector_load %arg5[%get3A_2867] {strides = array<i32>} : memref<1024xf32, #tpu.memory_space<vmem>>, vector<16xf32>,
    %get3A_2869 = vector.shape_cast %get3A_2868 : vector<16xf32> to vector<16xf32>
    %mul3A_2870 = vector.broadcast %squeeze3A : f32 to vector<16xf32>
    %mul3A_2871 = arith.mulf %get3A_2869, %mul3A_2870 : vector<16xf32>
    %add3A_2872 = vector.broadcast %squeeze3A_26 : f32 to vector<16xf32>
    %add3A_2873 = arith.addf %mul3A_2871, %add3A_2872 : vector<16xf32>
    %neg3A_2874 = arith.constant 0.000000e+00 : f32
    %neg3A_2875 = vector.broadcast %neg3A_2874 : f32 to vector<16xf32>
    %neg3A_2876 = arith.subf %neg3A_2875, %add3A_2873 : vector<16xf32>
    %exp3A_2877 = math.exp %neg3A_2876 : vector<16xf32>
    %add3A_2878 = arith.constant 1.000000e+00 : f32
    %add3A_2879 = vector.broadcast %add3A_2878 : f32 to vector<16xf32>
    %add3A_2880 = arith.addf %add3A_2879, %exp3A_2877 : vector<16xf32>
    %div3A_2881 = arith.constant 1.000000e+00 : f32
    %div3A_2882 = vector.broadcast %div3A_2881 : f32 to vector<16xf32>
    %div3A_2883 = arith.divf %div3A_2882, %add3A_2880 : vector<16xf32>
    %sub3A_2884 = arith.constant 1.000000e+00 : f32
    %sub3A_2885 = vector.broadcast %sub3A_2884 : f32 to vector<16xf32>
    %sub3A_2886 = arith.subf %sub3A_2885, %div3A_2883 : vector<16xf32>
    %add3A_2887 = arith.constant 560 : i32
    %add3A_2888 = arith.addi %mul3A_0, %add3A_2887 : i32
    %add3A_2889 = vector.broadcast %add3A_2888 : i32 to vector<16xi32>
    %add3A_2890 = arith.addi %add3A_2889, %iota3A : vector<16xi32>
    %mul3A_2891 = arith.constant -1640531527 : i32
    %mul3A_2892 = vector.broadcast %mul3A_2891 : i32 to vector<16xi32>
    %mul3A_2893 = arith.muli %add3A_2890, %mul3A_2892 : vector<16xi32>
    %shift_right_logical3A_2894 = arith.constant 15 : i32
    %shift_right_logical3A_2895 = vector.broadcast %shift_right_logical3A_2894 : i32 to vector<16xi32>
    %shift_right_logical3A_2896 = arith.shrui %mul3A_2893, %shift_right_logical3A_2895 : vector<16xi32>
    %xor3A_2897 = arith.xori %mul3A_2893, %shift_right_logical3A_2896 : vector<16xi32>
    %mul3A_2898 = arith.constant -2048144789 : i32
    %mul3A_2899 = vector.broadcast %mul3A_2898 : i32 to vector<16xi32>
    %mul3A_2900 = arith.muli %xor3A_2897, %mul3A_2899 : vector<16xi32>
    %shift_right_logical3A_2901 = arith.constant 13 : i32
    %shift_right_logical3A_2902 = vector.broadcast %shift_right_logical3A_2901 : i32 to vector<16xi32>
    %shift_right_logical3A_2903 = arith.shrui %mul3A_2900, %shift_right_logical3A_2902 : vector<16xi32>
    %xor3A_2904 = arith.xori %mul3A_2900, %shift_right_logical3A_2903 : vector<16xi32>
    %and3A_2905 = arith.constant 8388607 : i32
    %and3A_2906 = vector.broadcast %and3A_2905 : i32 to vector<16xi32>
    %and3A_2907 = arith.andi %xor3A_2904, %and3A_2906 : vector<16xi32>
    %convert_element_type3A_2908 = arith.sitofp %and3A_2907 : vector<16xi32> to vector<16xf32>
    %mul3A_2909 = arith.constant 1.1920929E-7 : f32
    %mul3A_2910 = vector.broadcast %mul3A_2909 : f32 to vector<16xf32>
    %mul3A_2911 = arith.mulf %convert_element_type3A_2908, %mul3A_2910 : vector<16xf32>
    %add3A_2912 = arith.constant 9.99999996E-13 : f32
    %add3A_2913 = vector.broadcast %add3A_2912 : f32 to vector<16xf32>
    %add3A_2914 = arith.addf %sub3A_2886, %add3A_2913 : vector<16xf32>
    %sub3A_2915 = arith.constant 1.000000e+00 : f32
    %sub3A_2916 = vector.broadcast %sub3A_2915 : f32 to vector<16xf32>
    %sub3A_2917 = arith.subf %sub3A_2916, %mul3A_2911 : vector<16xf32>
    %mul3A_2918 = arith.mulf %add3A_2914, %sub3A_2917 : vector<16xf32>
    %add3A_2919 = arith.constant 9.99999996E-13 : f32
    %add3A_2920 = vector.broadcast %add3A_2919 : f32 to vector<16xf32>
    %add3A_2921 = arith.addf %div3A_2883, %add3A_2920 : vector<16xf32>
    %mul3A_2922 = arith.mulf %add3A_2921, %mul3A_2911 : vector<16xf32>
    %gt3A_2923 = arith.cmpf ogt, %mul3A_2918, %mul3A_2922 : vector<16xf32>
    %jit3A_2924 = arith.constant 1 : i32
    %jit3A_2925 = arith.constant 0 : i32
    %broadcast_in_dim3A_2926 = vector.broadcast %jit3A_2924 : i32 to vector<16xi32>
    %broadcast_in_dim3A_2927 = vector.broadcast %jit3A_2925 : i32 to vector<16xi32>
    %select_n3A_2928 = arith.select %gt3A_2923, %broadcast_in_dim3A_2926, %broadcast_in_dim3A_2927 : vector<16xi1>, vector<16xi32>
    %broadcast_in_dim3A_2929 = vector.shape_cast %select_n3A_2928 : vector<16xi32> to vector<16x1xi32>
    %gather3A_2930 = vector.shape_cast %broadcast_in_dim3A_2929 : vector<16x1xi32> to vector<16xi32>
    %gather3A_2931 = tpu.dynamic_gather %select_n3A_22[%gather3A_2930] in [0] : vector<16xf32>, vector<16xi32> -> vector<16xf32>
    %le3A_2932 = arith.constant 5.000000e-01 : f32
    %le3A_2933 = vector.broadcast %le3A_2932 : f32 to vector<16xf32>
    %le3A_2934 = arith.cmpf ole, %gather3A_2931, %le3A_2933 : vector<16xf32>
    %jit3A_2935 = arith.constant 1.000000e+01 : f32
    %broadcast_in_dim3A_2936 = vector.broadcast %jit3A_2935 : f32 to vector<16xf32>
    %select_n3A_2937 = arith.select %le3A_2934, %broadcast_in_dim3A_2936, %gather3A_2931 : vector<16xi1>, vector<16xf32>
    %gt3A_2938 = arith.constant 5.000000e-01 : f32
    %gt3A_2939 = vector.broadcast %gt3A_2938 : f32 to vector<16xf32>
    %gt3A_2940 = arith.cmpf ogt, %select_n3A_2937, %gt3A_2939 : vector<16xf32>
    %jit3A_2941 = arith.constant 1.000000e+00 : f32
    %broadcast_in_dim3A_2942 = vector.broadcast %jit3A_2941 : f32 to vector<16xf32>
    %select_n3A_2943 = arith.select %gt3A_2940, %broadcast_in_dim3A_2942, %select_n3A_2937 : vector<16xi1>, vector<16xf32>
    %swap3A_2944 = arith.constant 560 : index
    %swap3A_2945 = tpu.vector_load %arg6[%swap3A_2944] {strides = array<i32>} : memref<1024xf32, #tpu.memory_space<vmem>>, vector<16xf32>,
    %swap3A_2946 = vector.shape_cast %swap3A_2945 : vector<16xf32> to vector<16xf32>
    %swap3A_2947 = vector.shape_cast %select_n3A_2943 : vector<16xf32> to vector<16xf32>
    tpu.vector_store %arg6[%swap3A_2944], %swap3A_2947 {strides = array<i32>} : memref<1024xf32, #tpu.memory_space<vmem>>, vector<16xf32>,
    %get3A_2948 = arith.constant 576 : index
    %get3A_2949 = tpu.vector_load %arg5[%get3A_2948] {strides = array<i32>} : memref<1024xf32, #tpu.memory_space<vmem>>, vector<16xf32>,
    %get3A_2950 = vector.shape_cast %get3A_2949 : vector<16xf32> to vector<16xf32>
    %mul3A_2951 = vector.broadcast %squeeze3A : f32 to vector<16xf32>
    %mul3A_2952 = arith.mulf %get3A_2950, %mul3A_2951 : vector<16xf32>
    %add3A_2953 = vector.broadcast %squeeze3A_26 : f32 to vector<16xf32>
    %add3A_2954 = arith.addf %mul3A_2952, %add3A_2953 : vector<16xf32>
    %neg3A_2955 = arith.constant 0.000000e+00 : f32
    %neg3A_2956 = vector.broadcast %neg3A_2955 : f32 to vector<16xf32>
    %neg3A_2957 = arith.subf %neg3A_2956, %add3A_2954 : vector<16xf32>
    %exp3A_2958 = math.exp %neg3A_2957 : vector<16xf32>
    %add3A_2959 = arith.constant 1.000000e+00 : f32
    %add3A_2960 = vector.broadcast %add3A_2959 : f32 to vector<16xf32>
    %add3A_2961 = arith.addf %add3A_2960, %exp3A_2958 : vector<16xf32>
    %div3A_2962 = arith.constant 1.000000e+00 : f32
    %div3A_2963 = vector.broadcast %div3A_2962 : f32 to vector<16xf32>
    %div3A_2964 = arith.divf %div3A_2963, %add3A_2961 : vector<16xf32>
    %sub3A_2965 = arith.constant 1.000000e+00 : f32
    %sub3A_2966 = vector.broadcast %sub3A_2965 : f32 to vector<16xf32>
    %sub3A_2967 = arith.subf %sub3A_2966, %div3A_2964 : vector<16xf32>
    %add3A_2968 = arith.constant 576 : i32
    %add3A_2969 = arith.addi %mul3A_0, %add3A_2968 : i32
    %add3A_2970 = vector.broadcast %add3A_2969 : i32 to vector<16xi32>
    %add3A_2971 = arith.addi %add3A_2970, %iota3A : vector<16xi32>
    %mul3A_2972 = arith.constant -1640531527 : i32
    %mul3A_2973 = vector.broadcast %mul3A_2972 : i32 to vector<16xi32>
    %mul3A_2974 = arith.muli %add3A_2971, %mul3A_2973 : vector<16xi32>
    %shift_right_logical3A_2975 = arith.constant 15 : i32
    %shift_right_logical3A_2976 = vector.broadcast %shift_right_logical3A_2975 : i32 to vector<16xi32>
    %shift_right_logical3A_2977 = arith.shrui %mul3A_2974, %shift_right_logical3A_2976 : vector<16xi32>
    %xor3A_2978 = arith.xori %mul3A_2974, %shift_right_logical3A_2977 : vector<16xi32>
    %mul3A_2979 = arith.constant -2048144789 : i32
    %mul3A_2980 = vector.broadcast %mul3A_2979 : i32 to vector<16xi32>
    %mul3A_2981 = arith.muli %xor3A_2978, %mul3A_2980 : vector<16xi32>
    %shift_right_logical3A_2982 = arith.constant 13 : i32
    %shift_right_logical3A_2983 = vector.broadcast %shift_right_logical3A_2982 : i32 to vector<16xi32>
    %shift_right_logical3A_2984 = arith.shrui %mul3A_2981, %shift_right_logical3A_2983 : vector<16xi32>
    %xor3A_2985 = arith.xori %mul3A_2981, %shift_right_logical3A_2984 : vector<16xi32>
    %and3A_2986 = arith.constant 8388607 : i32
    %and3A_2987 = vector.broadcast %and3A_2986 : i32 to vector<16xi32>
    %and3A_2988 = arith.andi %xor3A_2985, %and3A_2987 : vector<16xi32>
    %convert_element_type3A_2989 = arith.sitofp %and3A_2988 : vector<16xi32> to vector<16xf32>
    %mul3A_2990 = arith.constant 1.1920929E-7 : f32
    %mul3A_2991 = vector.broadcast %mul3A_2990 : f32 to vector<16xf32>
    %mul3A_2992 = arith.mulf %convert_element_type3A_2989, %mul3A_2991 : vector<16xf32>
    %add3A_2993 = arith.constant 9.99999996E-13 : f32
    %add3A_2994 = vector.broadcast %add3A_2993 : f32 to vector<16xf32>
    %add3A_2995 = arith.addf %sub3A_2967, %add3A_2994 : vector<16xf32>
    %sub3A_2996 = arith.constant 1.000000e+00 : f32
    %sub3A_2997 = vector.broadcast %sub3A_2996 : f32 to vector<16xf32>
    %sub3A_2998 = arith.subf %sub3A_2997, %mul3A_2992 : vector<16xf32>
    %mul3A_2999 = arith.mulf %add3A_2995, %sub3A_2998 : vector<16xf32>
    %add3A_3000 = arith.constant 9.99999996E-13 : f32
    %add3A_3001 = vector.broadcast %add3A_3000 : f32 to vector<16xf32>
    %add3A_3002 = arith.addf %div3A_2964, %add3A_3001 : vector<16xf32>
    %mul3A_3003 = arith.mulf %add3A_3002, %mul3A_2992 : vector<16xf32>
    %gt3A_3004 = arith.cmpf ogt, %mul3A_2999, %mul3A_3003 : vector<16xf32>
    %jit3A_3005 = arith.constant 1 : i32
    %jit3A_3006 = arith.constant 0 : i32
    %broadcast_in_dim3A_3007 = vector.broadcast %jit3A_3005 : i32 to vector<16xi32>
    %broadcast_in_dim3A_3008 = vector.broadcast %jit3A_3006 : i32 to vector<16xi32>
    %select_n3A_3009 = arith.select %gt3A_3004, %broadcast_in_dim3A_3007, %broadcast_in_dim3A_3008 : vector<16xi1>, vector<16xi32>
    %broadcast_in_dim3A_3010 = vector.shape_cast %select_n3A_3009 : vector<16xi32> to vector<16x1xi32>
    %gather3A_3011 = vector.shape_cast %broadcast_in_dim3A_3010 : vector<16x1xi32> to vector<16xi32>
    %gather3A_3012 = tpu.dynamic_gather %select_n3A_22[%gather3A_3011] in [0] : vector<16xf32>, vector<16xi32> -> vector<16xf32>
    %le3A_3013 = arith.constant 5.000000e-01 : f32
    %le3A_3014 = vector.broadcast %le3A_3013 : f32 to vector<16xf32>
    %le3A_3015 = arith.cmpf ole, %gather3A_3012, %le3A_3014 : vector<16xf32>
    %jit3A_3016 = arith.constant 1.000000e+01 : f32
    %broadcast_in_dim3A_3017 = vector.broadcast %jit3A_3016 : f32 to vector<16xf32>
    %select_n3A_3018 = arith.select %le3A_3015, %broadcast_in_dim3A_3017, %gather3A_3012 : vector<16xi1>, vector<16xf32>
    %gt3A_3019 = arith.constant 5.000000e-01 : f32
    %gt3A_3020 = vector.broadcast %gt3A_3019 : f32 to vector<16xf32>
    %gt3A_3021 = arith.cmpf ogt, %select_n3A_3018, %gt3A_3020 : vector<16xf32>
    %jit3A_3022 = arith.constant 1.000000e+00 : f32
    %broadcast_in_dim3A_3023 = vector.broadcast %jit3A_3022 : f32 to vector<16xf32>
    %select_n3A_3024 = arith.select %gt3A_3021, %broadcast_in_dim3A_3023, %select_n3A_3018 : vector<16xi1>, vector<16xf32>
    %swap3A_3025 = arith.constant 576 : index
    %swap3A_3026 = tpu.vector_load %arg6[%swap3A_3025] {strides = array<i32>} : memref<1024xf32, #tpu.memory_space<vmem>>, vector<16xf32>,
    %swap3A_3027 = vector.shape_cast %swap3A_3026 : vector<16xf32> to vector<16xf32>
    %swap3A_3028 = vector.shape_cast %select_n3A_3024 : vector<16xf32> to vector<16xf32>
    tpu.vector_store %arg6[%swap3A_3025], %swap3A_3028 {strides = array<i32>} : memref<1024xf32, #tpu.memory_space<vmem>>, vector<16xf32>,
    %get3A_3029 = arith.constant 592 : index
    %get3A_3030 = tpu.vector_load %arg5[%get3A_3029] {strides = array<i32>} : memref<1024xf32, #tpu.memory_space<vmem>>, vector<16xf32>,
    %get3A_3031 = vector.shape_cast %get3A_3030 : vector<16xf32> to vector<16xf32>
    %mul3A_3032 = vector.broadcast %squeeze3A : f32 to vector<16xf32>
    %mul3A_3033 = arith.mulf %get3A_3031, %mul3A_3032 : vector<16xf32>
    %add3A_3034 = vector.broadcast %squeeze3A_26 : f32 to vector<16xf32>
    %add3A_3035 = arith.addf %mul3A_3033, %add3A_3034 : vector<16xf32>
    %neg3A_3036 = arith.constant 0.000000e+00 : f32
    %neg3A_3037 = vector.broadcast %neg3A_3036 : f32 to vector<16xf32>
    %neg3A_3038 = arith.subf %neg3A_3037, %add3A_3035 : vector<16xf32>
    %exp3A_3039 = math.exp %neg3A_3038 : vector<16xf32>
    %add3A_3040 = arith.constant 1.000000e+00 : f32
    %add3A_3041 = vector.broadcast %add3A_3040 : f32 to vector<16xf32>
    %add3A_3042 = arith.addf %add3A_3041, %exp3A_3039 : vector<16xf32>
    %div3A_3043 = arith.constant 1.000000e+00 : f32
    %div3A_3044 = vector.broadcast %div3A_3043 : f32 to vector<16xf32>
    %div3A_3045 = arith.divf %div3A_3044, %add3A_3042 : vector<16xf32>
    %sub3A_3046 = arith.constant 1.000000e+00 : f32
    %sub3A_3047 = vector.broadcast %sub3A_3046 : f32 to vector<16xf32>
    %sub3A_3048 = arith.subf %sub3A_3047, %div3A_3045 : vector<16xf32>
    %add3A_3049 = arith.constant 592 : i32
    %add3A_3050 = arith.addi %mul3A_0, %add3A_3049 : i32
    %add3A_3051 = vector.broadcast %add3A_3050 : i32 to vector<16xi32>
    %add3A_3052 = arith.addi %add3A_3051, %iota3A : vector<16xi32>
    %mul3A_3053 = arith.constant -1640531527 : i32
    %mul3A_3054 = vector.broadcast %mul3A_3053 : i32 to vector<16xi32>
    %mul3A_3055 = arith.muli %add3A_3052, %mul3A_3054 : vector<16xi32>
    %shift_right_logical3A_3056 = arith.constant 15 : i32
    %shift_right_logical3A_3057 = vector.broadcast %shift_right_logical3A_3056 : i32 to vector<16xi32>
    %shift_right_logical3A_3058 = arith.shrui %mul3A_3055, %shift_right_logical3A_3057 : vector<16xi32>
    %xor3A_3059 = arith.xori %mul3A_3055, %shift_right_logical3A_3058 : vector<16xi32>
    %mul3A_3060 = arith.constant -2048144789 : i32
    %mul3A_3061 = vector.broadcast %mul3A_3060 : i32 to vector<16xi32>
    %mul3A_3062 = arith.muli %xor3A_3059, %mul3A_3061 : vector<16xi32>
    %shift_right_logical3A_3063 = arith.constant 13 : i32
    %shift_right_logical3A_3064 = vector.broadcast %shift_right_logical3A_3063 : i32 to vector<16xi32>
    %shift_right_logical3A_3065 = arith.shrui %mul3A_3062, %shift_right_logical3A_3064 : vector<16xi32>
    %xor3A_3066 = arith.xori %mul3A_3062, %shift_right_logical3A_3065 : vector<16xi32>
    %and3A_3067 = arith.constant 8388607 : i32
    %and3A_3068 = vector.broadcast %and3A_3067 : i32 to vector<16xi32>
    %and3A_3069 = arith.andi %xor3A_3066, %and3A_3068 : vector<16xi32>
    %convert_element_type3A_3070 = arith.sitofp %and3A_3069 : vector<16xi32> to vector<16xf32>
    %mul3A_3071 = arith.constant 1.1920929E-7 : f32
    %mul3A_3072 = vector.broadcast %mul3A_3071 : f32 to vector<16xf32>
    %mul3A_3073 = arith.mulf %convert_element_type3A_3070, %mul3A_3072 : vector<16xf32>
    %add3A_3074 = arith.constant 9.99999996E-13 : f32
    %add3A_3075 = vector.broadcast %add3A_3074 : f32 to vector<16xf32>
    %add3A_3076 = arith.addf %sub3A_3048, %add3A_3075 : vector<16xf32>
    %sub3A_3077 = arith.constant 1.000000e+00 : f32
    %sub3A_3078 = vector.broadcast %sub3A_3077 : f32 to vector<16xf32>
    %sub3A_3079 = arith.subf %sub3A_3078, %mul3A_3073 : vector<16xf32>
    %mul3A_3080 = arith.mulf %add3A_3076, %sub3A_3079 : vector<16xf32>
    %add3A_3081 = arith.constant 9.99999996E-13 : f32
    %add3A_3082 = vector.broadcast %add3A_3081 : f32 to vector<16xf32>
    %add3A_3083 = arith.addf %div3A_3045, %add3A_3082 : vector<16xf32>
    %mul3A_3084 = arith.mulf %add3A_3083, %mul3A_3073 : vector<16xf32>
    %gt3A_3085 = arith.cmpf ogt, %mul3A_3080, %mul3A_3084 : vector<16xf32>
    %jit3A_3086 = arith.constant 1 : i32
    %jit3A_3087 = arith.constant 0 : i32
    %broadcast_in_dim3A_3088 = vector.broadcast %jit3A_3086 : i32 to vector<16xi32>
    %broadcast_in_dim3A_3089 = vector.broadcast %jit3A_3087 : i32 to vector<16xi32>
    %select_n3A_3090 = arith.select %gt3A_3085, %broadcast_in_dim3A_3088, %broadcast_in_dim3A_3089 : vector<16xi1>, vector<16xi32>
    %broadcast_in_dim3A_3091 = vector.shape_cast %select_n3A_3090 : vector<16xi32> to vector<16x1xi32>
    %gather3A_3092 = vector.shape_cast %broadcast_in_dim3A_3091 : vector<16x1xi32> to vector<16xi32>
    %gather3A_3093 = tpu.dynamic_gather %select_n3A_22[%gather3A_3092] in [0] : vector<16xf32>, vector<16xi32> -> vector<16xf32>
    %le3A_3094 = arith.constant 5.000000e-01 : f32
    %le3A_3095 = vector.broadcast %le3A_3094 : f32 to vector<16xf32>
    %le3A_3096 = arith.cmpf ole, %gather3A_3093, %le3A_3095 : vector<16xf32>
    %jit3A_3097 = arith.constant 1.000000e+01 : f32
    %broadcast_in_dim3A_3098 = vector.broadcast %jit3A_3097 : f32 to vector<16xf32>
    %select_n3A_3099 = arith.select %le3A_3096, %broadcast_in_dim3A_3098, %gather3A_3093 : vector<16xi1>, vector<16xf32>
    %gt3A_3100 = arith.constant 5.000000e-01 : f32
    %gt3A_3101 = vector.broadcast %gt3A_3100 : f32 to vector<16xf32>
    %gt3A_3102 = arith.cmpf ogt, %select_n3A_3099, %gt3A_3101 : vector<16xf32>
    %jit3A_3103 = arith.constant 1.000000e+00 : f32
    %broadcast_in_dim3A_3104 = vector.broadcast %jit3A_3103 : f32 to vector<16xf32>
    %select_n3A_3105 = arith.select %gt3A_3102, %broadcast_in_dim3A_3104, %select_n3A_3099 : vector<16xi1>, vector<16xf32>
    %swap3A_3106 = arith.constant 592 : index
    %swap3A_3107 = tpu.vector_load %arg6[%swap3A_3106] {strides = array<i32>} : memref<1024xf32, #tpu.memory_space<vmem>>, vector<16xf32>,
    %swap3A_3108 = vector.shape_cast %swap3A_3107 : vector<16xf32> to vector<16xf32>
    %swap3A_3109 = vector.shape_cast %select_n3A_3105 : vector<16xf32> to vector<16xf32>
    tpu.vector_store %arg6[%swap3A_3106], %swap3A_3109 {strides = array<i32>} : memref<1024xf32, #tpu.memory_space<vmem>>, vector<16xf32>,
    %get3A_3110 = arith.constant 608 : index
    %get3A_3111 = tpu.vector_load %arg5[%get3A_3110] {strides = array<i32>} : memref<1024xf32, #tpu.memory_space<vmem>>, vector<16xf32>,
    %get3A_3112 = vector.shape_cast %get3A_3111 : vector<16xf32> to vector<16xf32>
    %mul3A_3113 = vector.broadcast %squeeze3A : f32 to vector<16xf32>
    %mul3A_3114 = arith.mulf %get3A_3112, %mul3A_3113 : vector<16xf32>
    %add3A_3115 = vector.broadcast %squeeze3A_26 : f32 to vector<16xf32>
    %add3A_3116 = arith.addf %mul3A_3114, %add3A_3115 : vector<16xf32>
    %neg3A_3117 = arith.constant 0.000000e+00 : f32
    %neg3A_3118 = vector.broadcast %neg3A_3117 : f32 to vector<16xf32>
    %neg3A_3119 = arith.subf %neg3A_3118, %add3A_3116 : vector<16xf32>
    %exp3A_3120 = math.exp %neg3A_3119 : vector<16xf32>
    %add3A_3121 = arith.constant 1.000000e+00 : f32
    %add3A_3122 = vector.broadcast %add3A_3121 : f32 to vector<16xf32>
    %add3A_3123 = arith.addf %add3A_3122, %exp3A_3120 : vector<16xf32>
    %div3A_3124 = arith.constant 1.000000e+00 : f32
    %div3A_3125 = vector.broadcast %div3A_3124 : f32 to vector<16xf32>
    %div3A_3126 = arith.divf %div3A_3125, %add3A_3123 : vector<16xf32>
    %sub3A_3127 = arith.constant 1.000000e+00 : f32
    %sub3A_3128 = vector.broadcast %sub3A_3127 : f32 to vector<16xf32>
    %sub3A_3129 = arith.subf %sub3A_3128, %div3A_3126 : vector<16xf32>
    %add3A_3130 = arith.constant 608 : i32
    %add3A_3131 = arith.addi %mul3A_0, %add3A_3130 : i32
    %add3A_3132 = vector.broadcast %add3A_3131 : i32 to vector<16xi32>
    %add3A_3133 = arith.addi %add3A_3132, %iota3A : vector<16xi32>
    %mul3A_3134 = arith.constant -1640531527 : i32
    %mul3A_3135 = vector.broadcast %mul3A_3134 : i32 to vector<16xi32>
    %mul3A_3136 = arith.muli %add3A_3133, %mul3A_3135 : vector<16xi32>
    %shift_right_logical3A_3137 = arith.constant 15 : i32
    %shift_right_logical3A_3138 = vector.broadcast %shift_right_logical3A_3137 : i32 to vector<16xi32>
    %shift_right_logical3A_3139 = arith.shrui %mul3A_3136, %shift_right_logical3A_3138 : vector<16xi32>
    %xor3A_3140 = arith.xori %mul3A_3136, %shift_right_logical3A_3139 : vector<16xi32>
    %mul3A_3141 = arith.constant -2048144789 : i32
    %mul3A_3142 = vector.broadcast %mul3A_3141 : i32 to vector<16xi32>
    %mul3A_3143 = arith.muli %xor3A_3140, %mul3A_3142 : vector<16xi32>
    %shift_right_logical3A_3144 = arith.constant 13 : i32
    %shift_right_logical3A_3145 = vector.broadcast %shift_right_logical3A_3144 : i32 to vector<16xi32>
    %shift_right_logical3A_3146 = arith.shrui %mul3A_3143, %shift_right_logical3A_3145 : vector<16xi32>
    %xor3A_3147 = arith.xori %mul3A_3143, %shift_right_logical3A_3146 : vector<16xi32>
    %and3A_3148 = arith.constant 8388607 : i32
    %and3A_3149 = vector.broadcast %and3A_3148 : i32 to vector<16xi32>
    %and3A_3150 = arith.andi %xor3A_3147, %and3A_3149 : vector<16xi32>
    %convert_element_type3A_3151 = arith.sitofp %and3A_3150 : vector<16xi32> to vector<16xf32>
    %mul3A_3152 = arith.constant 1.1920929E-7 : f32
    %mul3A_3153 = vector.broadcast %mul3A_3152 : f32 to vector<16xf32>
    %mul3A_3154 = arith.mulf %convert_element_type3A_3151, %mul3A_3153 : vector<16xf32>
    %add3A_3155 = arith.constant 9.99999996E-13 : f32
    %add3A_3156 = vector.broadcast %add3A_3155 : f32 to vector<16xf32>
    %add3A_3157 = arith.addf %sub3A_3129, %add3A_3156 : vector<16xf32>
    %sub3A_3158 = arith.constant 1.000000e+00 : f32
    %sub3A_3159 = vector.broadcast %sub3A_3158 : f32 to vector<16xf32>
    %sub3A_3160 = arith.subf %sub3A_3159, %mul3A_3154 : vector<16xf32>
    %mul3A_3161 = arith.mulf %add3A_3157, %sub3A_3160 : vector<16xf32>
    %add3A_3162 = arith.constant 9.99999996E-13 : f32
    %add3A_3163 = vector.broadcast %add3A_3162 : f32 to vector<16xf32>
    %add3A_3164 = arith.addf %div3A_3126, %add3A_3163 : vector<16xf32>
    %mul3A_3165 = arith.mulf %add3A_3164, %mul3A_3154 : vector<16xf32>
    %gt3A_3166 = arith.cmpf ogt, %mul3A_3161, %mul3A_3165 : vector<16xf32>
    %jit3A_3167 = arith.constant 1 : i32
    %jit3A_3168 = arith.constant 0 : i32
    %broadcast_in_dim3A_3169 = vector.broadcast %jit3A_3167 : i32 to vector<16xi32>
    %broadcast_in_dim3A_3170 = vector.broadcast %jit3A_3168 : i32 to vector<16xi32>
    %select_n3A_3171 = arith.select %gt3A_3166, %broadcast_in_dim3A_3169, %broadcast_in_dim3A_3170 : vector<16xi1>, vector<16xi32>
    %broadcast_in_dim3A_3172 = vector.shape_cast %select_n3A_3171 : vector<16xi32> to vector<16x1xi32>
    %gather3A_3173 = vector.shape_cast %broadcast_in_dim3A_3172 : vector<16x1xi32> to vector<16xi32>
    %gather3A_3174 = tpu.dynamic_gather %select_n3A_22[%gather3A_3173] in [0] : vector<16xf32>, vector<16xi32> -> vector<16xf32>
    %le3A_3175 = arith.constant 5.000000e-01 : f32
    %le3A_3176 = vector.broadcast %le3A_3175 : f32 to vector<16xf32>
    %le3A_3177 = arith.cmpf ole, %gather3A_3174, %le3A_3176 : vector<16xf32>
    %jit3A_3178 = arith.constant 1.000000e+01 : f32
    %broadcast_in_dim3A_3179 = vector.broadcast %jit3A_3178 : f32 to vector<16xf32>
    %select_n3A_3180 = arith.select %le3A_3177, %broadcast_in_dim3A_3179, %gather3A_3174 : vector<16xi1>, vector<16xf32>
    %gt3A_3181 = arith.constant 5.000000e-01 : f32
    %gt3A_3182 = vector.broadcast %gt3A_3181 : f32 to vector<16xf32>
    %gt3A_3183 = arith.cmpf ogt, %select_n3A_3180, %gt3A_3182 : vector<16xf32>
    %jit3A_3184 = arith.constant 1.000000e+00 : f32
    %broadcast_in_dim3A_3185 = vector.broadcast %jit3A_3184 : f32 to vector<16xf32>
    %select_n3A_3186 = arith.select %gt3A_3183, %broadcast_in_dim3A_3185, %select_n3A_3180 : vector<16xi1>, vector<16xf32>
    %swap3A_3187 = arith.constant 608 : index
    %swap3A_3188 = tpu.vector_load %arg6[%swap3A_3187] {strides = array<i32>} : memref<1024xf32, #tpu.memory_space<vmem>>, vector<16xf32>,
    %swap3A_3189 = vector.shape_cast %swap3A_3188 : vector<16xf32> to vector<16xf32>
    %swap3A_3190 = vector.shape_cast %select_n3A_3186 : vector<16xf32> to vector<16xf32>
    tpu.vector_store %arg6[%swap3A_3187], %swap3A_3190 {strides = array<i32>} : memref<1024xf32, #tpu.memory_space<vmem>>, vector<16xf32>,
    %get3A_3191 = arith.constant 624 : index
    %get3A_3192 = tpu.vector_load %arg5[%get3A_3191] {strides = array<i32>} : memref<1024xf32, #tpu.memory_space<vmem>>, vector<16xf32>,
    %get3A_3193 = vector.shape_cast %get3A_3192 : vector<16xf32> to vector<16xf32>
    %mul3A_3194 = vector.broadcast %squeeze3A : f32 to vector<16xf32>
    %mul3A_3195 = arith.mulf %get3A_3193, %mul3A_3194 : vector<16xf32>
    %add3A_3196 = vector.broadcast %squeeze3A_26 : f32 to vector<16xf32>
    %add3A_3197 = arith.addf %mul3A_3195, %add3A_3196 : vector<16xf32>
    %neg3A_3198 = arith.constant 0.000000e+00 : f32
    %neg3A_3199 = vector.broadcast %neg3A_3198 : f32 to vector<16xf32>
    %neg3A_3200 = arith.subf %neg3A_3199, %add3A_3197 : vector<16xf32>
    %exp3A_3201 = math.exp %neg3A_3200 : vector<16xf32>
    %add3A_3202 = arith.constant 1.000000e+00 : f32
    %add3A_3203 = vector.broadcast %add3A_3202 : f32 to vector<16xf32>
    %add3A_3204 = arith.addf %add3A_3203, %exp3A_3201 : vector<16xf32>
    %div3A_3205 = arith.constant 1.000000e+00 : f32
    %div3A_3206 = vector.broadcast %div3A_3205 : f32 to vector<16xf32>
    %div3A_3207 = arith.divf %div3A_3206, %add3A_3204 : vector<16xf32>
    %sub3A_3208 = arith.constant 1.000000e+00 : f32
    %sub3A_3209 = vector.broadcast %sub3A_3208 : f32 to vector<16xf32>
    %sub3A_3210 = arith.subf %sub3A_3209, %div3A_3207 : vector<16xf32>
    %add3A_3211 = arith.constant 624 : i32
    %add3A_3212 = arith.addi %mul3A_0, %add3A_3211 : i32
    %add3A_3213 = vector.broadcast %add3A_3212 : i32 to vector<16xi32>
    %add3A_3214 = arith.addi %add3A_3213, %iota3A : vector<16xi32>
    %mul3A_3215 = arith.constant -1640531527 : i32
    %mul3A_3216 = vector.broadcast %mul3A_3215 : i32 to vector<16xi32>
    %mul3A_3217 = arith.muli %add3A_3214, %mul3A_3216 : vector<16xi32>
    %shift_right_logical3A_3218 = arith.constant 15 : i32
    %shift_right_logical3A_3219 = vector.broadcast %shift_right_logical3A_3218 : i32 to vector<16xi32>
    %shift_right_logical3A_3220 = arith.shrui %mul3A_3217, %shift_right_logical3A_3219 : vector<16xi32>
    %xor3A_3221 = arith.xori %mul3A_3217, %shift_right_logical3A_3220 : vector<16xi32>
    %mul3A_3222 = arith.constant -2048144789 : i32
    %mul3A_3223 = vector.broadcast %mul3A_3222 : i32 to vector<16xi32>
    %mul3A_3224 = arith.muli %xor3A_3221, %mul3A_3223 : vector<16xi32>
    %shift_right_logical3A_3225 = arith.constant 13 : i32
    %shift_right_logical3A_3226 = vector.broadcast %shift_right_logical3A_3225 : i32 to vector<16xi32>
    %shift_right_logical3A_3227 = arith.shrui %mul3A_3224, %shift_right_logical3A_3226 : vector<16xi32>
    %xor3A_3228 = arith.xori %mul3A_3224, %shift_right_logical3A_3227 : vector<16xi32>
    %and3A_3229 = arith.constant 8388607 : i32
    %and3A_3230 = vector.broadcast %and3A_3229 : i32 to vector<16xi32>
    %and3A_3231 = arith.andi %xor3A_3228, %and3A_3230 : vector<16xi32>
    %convert_element_type3A_3232 = arith.sitofp %and3A_3231 : vector<16xi32> to vector<16xf32>
    %mul3A_3233 = arith.constant 1.1920929E-7 : f32
    %mul3A_3234 = vector.broadcast %mul3A_3233 : f32 to vector<16xf32>
    %mul3A_3235 = arith.mulf %convert_element_type3A_3232, %mul3A_3234 : vector<16xf32>
    %add3A_3236 = arith.constant 9.99999996E-13 : f32
    %add3A_3237 = vector.broadcast %add3A_3236 : f32 to vector<16xf32>
    %add3A_3238 = arith.addf %sub3A_3210, %add3A_3237 : vector<16xf32>
    %sub3A_3239 = arith.constant 1.000000e+00 : f32
    %sub3A_3240 = vector.broadcast %sub3A_3239 : f32 to vector<16xf32>
    %sub3A_3241 = arith.subf %sub3A_3240, %mul3A_3235 : vector<16xf32>
    %mul3A_3242 = arith.mulf %add3A_3238, %sub3A_3241 : vector<16xf32>
    %add3A_3243 = arith.constant 9.99999996E-13 : f32
    %add3A_3244 = vector.broadcast %add3A_3243 : f32 to vector<16xf32>
    %add3A_3245 = arith.addf %div3A_3207, %add3A_3244 : vector<16xf32>
    %mul3A_3246 = arith.mulf %add3A_3245, %mul3A_3235 : vector<16xf32>
    %gt3A_3247 = arith.cmpf ogt, %mul3A_3242, %mul3A_3246 : vector<16xf32>
    %jit3A_3248 = arith.constant 1 : i32
    %jit3A_3249 = arith.constant 0 : i32
    %broadcast_in_dim3A_3250 = vector.broadcast %jit3A_3248 : i32 to vector<16xi32>
    %broadcast_in_dim3A_3251 = vector.broadcast %jit3A_3249 : i32 to vector<16xi32>
    %select_n3A_3252 = arith.select %gt3A_3247, %broadcast_in_dim3A_3250, %broadcast_in_dim3A_3251 : vector<16xi1>, vector<16xi32>
    %broadcast_in_dim3A_3253 = vector.shape_cast %select_n3A_3252 : vector<16xi32> to vector<16x1xi32>
    %gather3A_3254 = vector.shape_cast %broadcast_in_dim3A_3253 : vector<16x1xi32> to vector<16xi32>
    %gather3A_3255 = tpu.dynamic_gather %select_n3A_22[%gather3A_3254] in [0] : vector<16xf32>, vector<16xi32> -> vector<16xf32>
    %le3A_3256 = arith.constant 5.000000e-01 : f32
    %le3A_3257 = vector.broadcast %le3A_3256 : f32 to vector<16xf32>
    %le3A_3258 = arith.cmpf ole, %gather3A_3255, %le3A_3257 : vector<16xf32>
    %jit3A_3259 = arith.constant 1.000000e+01 : f32
    %broadcast_in_dim3A_3260 = vector.broadcast %jit3A_3259 : f32 to vector<16xf32>
    %select_n3A_3261 = arith.select %le3A_3258, %broadcast_in_dim3A_3260, %gather3A_3255 : vector<16xi1>, vector<16xf32>
    %gt3A_3262 = arith.constant 5.000000e-01 : f32
    %gt3A_3263 = vector.broadcast %gt3A_3262 : f32 to vector<16xf32>
    %gt3A_3264 = arith.cmpf ogt, %select_n3A_3261, %gt3A_3263 : vector<16xf32>
    %jit3A_3265 = arith.constant 1.000000e+00 : f32
    %broadcast_in_dim3A_3266 = vector.broadcast %jit3A_3265 : f32 to vector<16xf32>
    %select_n3A_3267 = arith.select %gt3A_3264, %broadcast_in_dim3A_3266, %select_n3A_3261 : vector<16xi1>, vector<16xf32>
    %swap3A_3268 = arith.constant 624 : index
    %swap3A_3269 = tpu.vector_load %arg6[%swap3A_3268] {strides = array<i32>} : memref<1024xf32, #tpu.memory_space<vmem>>, vector<16xf32>,
    %swap3A_3270 = vector.shape_cast %swap3A_3269 : vector<16xf32> to vector<16xf32>
    %swap3A_3271 = vector.shape_cast %select_n3A_3267 : vector<16xf32> to vector<16xf32>
    tpu.vector_store %arg6[%swap3A_3268], %swap3A_3271 {strides = array<i32>} : memref<1024xf32, #tpu.memory_space<vmem>>, vector<16xf32>,
    %get3A_3272 = arith.constant 640 : index
    %get3A_3273 = tpu.vector_load %arg5[%get3A_3272] {strides = array<i32>} : memref<1024xf32, #tpu.memory_space<vmem>>, vector<16xf32>,
    %get3A_3274 = vector.shape_cast %get3A_3273 : vector<16xf32> to vector<16xf32>
    %mul3A_3275 = vector.broadcast %squeeze3A : f32 to vector<16xf32>
    %mul3A_3276 = arith.mulf %get3A_3274, %mul3A_3275 : vector<16xf32>
    %add3A_3277 = vector.broadcast %squeeze3A_26 : f32 to vector<16xf32>
    %add3A_3278 = arith.addf %mul3A_3276, %add3A_3277 : vector<16xf32>
    %neg3A_3279 = arith.constant 0.000000e+00 : f32
    %neg3A_3280 = vector.broadcast %neg3A_3279 : f32 to vector<16xf32>
    %neg3A_3281 = arith.subf %neg3A_3280, %add3A_3278 : vector<16xf32>
    %exp3A_3282 = math.exp %neg3A_3281 : vector<16xf32>
    %add3A_3283 = arith.constant 1.000000e+00 : f32
    %add3A_3284 = vector.broadcast %add3A_3283 : f32 to vector<16xf32>
    %add3A_3285 = arith.addf %add3A_3284, %exp3A_3282 : vector<16xf32>
    %div3A_3286 = arith.constant 1.000000e+00 : f32
    %div3A_3287 = vector.broadcast %div3A_3286 : f32 to vector<16xf32>
    %div3A_3288 = arith.divf %div3A_3287, %add3A_3285 : vector<16xf32>
    %sub3A_3289 = arith.constant 1.000000e+00 : f32
    %sub3A_3290 = vector.broadcast %sub3A_3289 : f32 to vector<16xf32>
    %sub3A_3291 = arith.subf %sub3A_3290, %div3A_3288 : vector<16xf32>
    %add3A_3292 = arith.constant 640 : i32
    %add3A_3293 = arith.addi %mul3A_0, %add3A_3292 : i32
    %add3A_3294 = vector.broadcast %add3A_3293 : i32 to vector<16xi32>
    %add3A_3295 = arith.addi %add3A_3294, %iota3A : vector<16xi32>
    %mul3A_3296 = arith.constant -1640531527 : i32
    %mul3A_3297 = vector.broadcast %mul3A_3296 : i32 to vector<16xi32>
    %mul3A_3298 = arith.muli %add3A_3295, %mul3A_3297 : vector<16xi32>
    %shift_right_logical3A_3299 = arith.constant 15 : i32
    %shift_right_logical3A_3300 = vector.broadcast %shift_right_logical3A_3299 : i32 to vector<16xi32>
    %shift_right_logical3A_3301 = arith.shrui %mul3A_3298, %shift_right_logical3A_3300 : vector<16xi32>
    %xor3A_3302 = arith.xori %mul3A_3298, %shift_right_logical3A_3301 : vector<16xi32>
    %mul3A_3303 = arith.constant -2048144789 : i32
    %mul3A_3304 = vector.broadcast %mul3A_3303 : i32 to vector<16xi32>
    %mul3A_3305 = arith.muli %xor3A_3302, %mul3A_3304 : vector<16xi32>
    %shift_right_logical3A_3306 = arith.constant 13 : i32
    %shift_right_logical3A_3307 = vector.broadcast %shift_right_logical3A_3306 : i32 to vector<16xi32>
    %shift_right_logical3A_3308 = arith.shrui %mul3A_3305, %shift_right_logical3A_3307 : vector<16xi32>
    %xor3A_3309 = arith.xori %mul3A_3305, %shift_right_logical3A_3308 : vector<16xi32>
    %and3A_3310 = arith.constant 8388607 : i32
    %and3A_3311 = vector.broadcast %and3A_3310 : i32 to vector<16xi32>
    %and3A_3312 = arith.andi %xor3A_3309, %and3A_3311 : vector<16xi32>
    %convert_element_type3A_3313 = arith.sitofp %and3A_3312 : vector<16xi32> to vector<16xf32>
    %mul3A_3314 = arith.constant 1.1920929E-7 : f32
    %mul3A_3315 = vector.broadcast %mul3A_3314 : f32 to vector<16xf32>
    %mul3A_3316 = arith.mulf %convert_element_type3A_3313, %mul3A_3315 : vector<16xf32>
    %add3A_3317 = arith.constant 9.99999996E-13 : f32
    %add3A_3318 = vector.broadcast %add3A_3317 : f32 to vector<16xf32>
    %add3A_3319 = arith.addf %sub3A_3291, %add3A_3318 : vector<16xf32>
    %sub3A_3320 = arith.constant 1.000000e+00 : f32
    %sub3A_3321 = vector.broadcast %sub3A_3320 : f32 to vector<16xf32>
    %sub3A_3322 = arith.subf %sub3A_3321, %mul3A_3316 : vector<16xf32>
    %mul3A_3323 = arith.mulf %add3A_3319, %sub3A_3322 : vector<16xf32>
    %add3A_3324 = arith.constant 9.99999996E-13 : f32
    %add3A_3325 = vector.broadcast %add3A_3324 : f32 to vector<16xf32>
    %add3A_3326 = arith.addf %div3A_3288, %add3A_3325 : vector<16xf32>
    %mul3A_3327 = arith.mulf %add3A_3326, %mul3A_3316 : vector<16xf32>
    %gt3A_3328 = arith.cmpf ogt, %mul3A_3323, %mul3A_3327 : vector<16xf32>
    %jit3A_3329 = arith.constant 1 : i32
    %jit3A_3330 = arith.constant 0 : i32
    %broadcast_in_dim3A_3331 = vector.broadcast %jit3A_3329 : i32 to vector<16xi32>
    %broadcast_in_dim3A_3332 = vector.broadcast %jit3A_3330 : i32 to vector<16xi32>
    %select_n3A_3333 = arith.select %gt3A_3328, %broadcast_in_dim3A_3331, %broadcast_in_dim3A_3332 : vector<16xi1>, vector<16xi32>
    %broadcast_in_dim3A_3334 = vector.shape_cast %select_n3A_3333 : vector<16xi32> to vector<16x1xi32>
    %gather3A_3335 = vector.shape_cast %broadcast_in_dim3A_3334 : vector<16x1xi32> to vector<16xi32>
    %gather3A_3336 = tpu.dynamic_gather %select_n3A_22[%gather3A_3335] in [0] : vector<16xf32>, vector<16xi32> -> vector<16xf32>
    %le3A_3337 = arith.constant 5.000000e-01 : f32
    %le3A_3338 = vector.broadcast %le3A_3337 : f32 to vector<16xf32>
    %le3A_3339 = arith.cmpf ole, %gather3A_3336, %le3A_3338 : vector<16xf32>
    %jit3A_3340 = arith.constant 1.000000e+01 : f32
    %broadcast_in_dim3A_3341 = vector.broadcast %jit3A_3340 : f32 to vector<16xf32>
    %select_n3A_3342 = arith.select %le3A_3339, %broadcast_in_dim3A_3341, %gather3A_3336 : vector<16xi1>, vector<16xf32>
    %gt3A_3343 = arith.constant 5.000000e-01 : f32
    %gt3A_3344 = vector.broadcast %gt3A_3343 : f32 to vector<16xf32>
    %gt3A_3345 = arith.cmpf ogt, %select_n3A_3342, %gt3A_3344 : vector<16xf32>
    %jit3A_3346 = arith.constant 1.000000e+00 : f32
    %broadcast_in_dim3A_3347 = vector.broadcast %jit3A_3346 : f32 to vector<16xf32>
    %select_n3A_3348 = arith.select %gt3A_3345, %broadcast_in_dim3A_3347, %select_n3A_3342 : vector<16xi1>, vector<16xf32>
    %swap3A_3349 = arith.constant 640 : index
    %swap3A_3350 = tpu.vector_load %arg6[%swap3A_3349] {strides = array<i32>} : memref<1024xf32, #tpu.memory_space<vmem>>, vector<16xf32>,
    %swap3A_3351 = vector.shape_cast %swap3A_3350 : vector<16xf32> to vector<16xf32>
    %swap3A_3352 = vector.shape_cast %select_n3A_3348 : vector<16xf32> to vector<16xf32>
    tpu.vector_store %arg6[%swap3A_3349], %swap3A_3352 {strides = array<i32>} : memref<1024xf32, #tpu.memory_space<vmem>>, vector<16xf32>,
    %get3A_3353 = arith.constant 656 : index
    %get3A_3354 = tpu.vector_load %arg5[%get3A_3353] {strides = array<i32>} : memref<1024xf32, #tpu.memory_space<vmem>>, vector<16xf32>,
    %get3A_3355 = vector.shape_cast %get3A_3354 : vector<16xf32> to vector<16xf32>
    %mul3A_3356 = vector.broadcast %squeeze3A : f32 to vector<16xf32>
    %mul3A_3357 = arith.mulf %get3A_3355, %mul3A_3356 : vector<16xf32>
    %add3A_3358 = vector.broadcast %squeeze3A_26 : f32 to vector<16xf32>
    %add3A_3359 = arith.addf %mul3A_3357, %add3A_3358 : vector<16xf32>
    %neg3A_3360 = arith.constant 0.000000e+00 : f32
    %neg3A_3361 = vector.broadcast %neg3A_3360 : f32 to vector<16xf32>
    %neg3A_3362 = arith.subf %neg3A_3361, %add3A_3359 : vector<16xf32>
    %exp3A_3363 = math.exp %neg3A_3362 : vector<16xf32>
    %add3A_3364 = arith.constant 1.000000e+00 : f32
    %add3A_3365 = vector.broadcast %add3A_3364 : f32 to vector<16xf32>
    %add3A_3366 = arith.addf %add3A_3365, %exp3A_3363 : vector<16xf32>
    %div3A_3367 = arith.constant 1.000000e+00 : f32
    %div3A_3368 = vector.broadcast %div3A_3367 : f32 to vector<16xf32>
    %div3A_3369 = arith.divf %div3A_3368, %add3A_3366 : vector<16xf32>
    %sub3A_3370 = arith.constant 1.000000e+00 : f32
    %sub3A_3371 = vector.broadcast %sub3A_3370 : f32 to vector<16xf32>
    %sub3A_3372 = arith.subf %sub3A_3371, %div3A_3369 : vector<16xf32>
    %add3A_3373 = arith.constant 656 : i32
    %add3A_3374 = arith.addi %mul3A_0, %add3A_3373 : i32
    %add3A_3375 = vector.broadcast %add3A_3374 : i32 to vector<16xi32>
    %add3A_3376 = arith.addi %add3A_3375, %iota3A : vector<16xi32>
    %mul3A_3377 = arith.constant -1640531527 : i32
    %mul3A_3378 = vector.broadcast %mul3A_3377 : i32 to vector<16xi32>
    %mul3A_3379 = arith.muli %add3A_3376, %mul3A_3378 : vector<16xi32>
    %shift_right_logical3A_3380 = arith.constant 15 : i32
    %shift_right_logical3A_3381 = vector.broadcast %shift_right_logical3A_3380 : i32 to vector<16xi32>
    %shift_right_logical3A_3382 = arith.shrui %mul3A_3379, %shift_right_logical3A_3381 : vector<16xi32>
    %xor3A_3383 = arith.xori %mul3A_3379, %shift_right_logical3A_3382 : vector<16xi32>
    %mul3A_3384 = arith.constant -2048144789 : i32
    %mul3A_3385 = vector.broadcast %mul3A_3384 : i32 to vector<16xi32>
    %mul3A_3386 = arith.muli %xor3A_3383, %mul3A_3385 : vector<16xi32>
    %shift_right_logical3A_3387 = arith.constant 13 : i32
    %shift_right_logical3A_3388 = vector.broadcast %shift_right_logical3A_3387 : i32 to vector<16xi32>
    %shift_right_logical3A_3389 = arith.shrui %mul3A_3386, %shift_right_logical3A_3388 : vector<16xi32>
    %xor3A_3390 = arith.xori %mul3A_3386, %shift_right_logical3A_3389 : vector<16xi32>
    %and3A_3391 = arith.constant 8388607 : i32
    %and3A_3392 = vector.broadcast %and3A_3391 : i32 to vector<16xi32>
    %and3A_3393 = arith.andi %xor3A_3390, %and3A_3392 : vector<16xi32>
    %convert_element_type3A_3394 = arith.sitofp %and3A_3393 : vector<16xi32> to vector<16xf32>
    %mul3A_3395 = arith.constant 1.1920929E-7 : f32
    %mul3A_3396 = vector.broadcast %mul3A_3395 : f32 to vector<16xf32>
    %mul3A_3397 = arith.mulf %convert_element_type3A_3394, %mul3A_3396 : vector<16xf32>
    %add3A_3398 = arith.constant 9.99999996E-13 : f32
    %add3A_3399 = vector.broadcast %add3A_3398 : f32 to vector<16xf32>
    %add3A_3400 = arith.addf %sub3A_3372, %add3A_3399 : vector<16xf32>
    %sub3A_3401 = arith.constant 1.000000e+00 : f32
    %sub3A_3402 = vector.broadcast %sub3A_3401 : f32 to vector<16xf32>
    %sub3A_3403 = arith.subf %sub3A_3402, %mul3A_3397 : vector<16xf32>
    %mul3A_3404 = arith.mulf %add3A_3400, %sub3A_3403 : vector<16xf32>
    %add3A_3405 = arith.constant 9.99999996E-13 : f32
    %add3A_3406 = vector.broadcast %add3A_3405 : f32 to vector<16xf32>
    %add3A_3407 = arith.addf %div3A_3369, %add3A_3406 : vector<16xf32>
    %mul3A_3408 = arith.mulf %add3A_3407, %mul3A_3397 : vector<16xf32>
    %gt3A_3409 = arith.cmpf ogt, %mul3A_3404, %mul3A_3408 : vector<16xf32>
    %jit3A_3410 = arith.constant 1 : i32
    %jit3A_3411 = arith.constant 0 : i32
    %broadcast_in_dim3A_3412 = vector.broadcast %jit3A_3410 : i32 to vector<16xi32>
    %broadcast_in_dim3A_3413 = vector.broadcast %jit3A_3411 : i32 to vector<16xi32>
    %select_n3A_3414 = arith.select %gt3A_3409, %broadcast_in_dim3A_3412, %broadcast_in_dim3A_3413 : vector<16xi1>, vector<16xi32>
    %broadcast_in_dim3A_3415 = vector.shape_cast %select_n3A_3414 : vector<16xi32> to vector<16x1xi32>
    %gather3A_3416 = vector.shape_cast %broadcast_in_dim3A_3415 : vector<16x1xi32> to vector<16xi32>
    %gather3A_3417 = tpu.dynamic_gather %select_n3A_22[%gather3A_3416] in [0] : vector<16xf32>, vector<16xi32> -> vector<16xf32>
    %le3A_3418 = arith.constant 5.000000e-01 : f32
    %le3A_3419 = vector.broadcast %le3A_3418 : f32 to vector<16xf32>
    %le3A_3420 = arith.cmpf ole, %gather3A_3417, %le3A_3419 : vector<16xf32>
    %jit3A_3421 = arith.constant 1.000000e+01 : f32
    %broadcast_in_dim3A_3422 = vector.broadcast %jit3A_3421 : f32 to vector<16xf32>
    %select_n3A_3423 = arith.select %le3A_3420, %broadcast_in_dim3A_3422, %gather3A_3417 : vector<16xi1>, vector<16xf32>
    %gt3A_3424 = arith.constant 5.000000e-01 : f32
    %gt3A_3425 = vector.broadcast %gt3A_3424 : f32 to vector<16xf32>
    %gt3A_3426 = arith.cmpf ogt, %select_n3A_3423, %gt3A_3425 : vector<16xf32>
    %jit3A_3427 = arith.constant 1.000000e+00 : f32
    %broadcast_in_dim3A_3428 = vector.broadcast %jit3A_3427 : f32 to vector<16xf32>
    %select_n3A_3429 = arith.select %gt3A_3426, %broadcast_in_dim3A_3428, %select_n3A_3423 : vector<16xi1>, vector<16xf32>
    %swap3A_3430 = arith.constant 656 : index
    %swap3A_3431 = tpu.vector_load %arg6[%swap3A_3430] {strides = array<i32>} : memref<1024xf32, #tpu.memory_space<vmem>>, vector<16xf32>,
    %swap3A_3432 = vector.shape_cast %swap3A_3431 : vector<16xf32> to vector<16xf32>
    %swap3A_3433 = vector.shape_cast %select_n3A_3429 : vector<16xf32> to vector<16xf32>
    tpu.vector_store %arg6[%swap3A_3430], %swap3A_3433 {strides = array<i32>} : memref<1024xf32, #tpu.memory_space<vmem>>, vector<16xf32>,
    %get3A_3434 = arith.constant 672 : index
    %get3A_3435 = tpu.vector_load %arg5[%get3A_3434] {strides = array<i32>} : memref<1024xf32, #tpu.memory_space<vmem>>, vector<16xf32>,
    %get3A_3436 = vector.shape_cast %get3A_3435 : vector<16xf32> to vector<16xf32>
    %mul3A_3437 = vector.broadcast %squeeze3A : f32 to vector<16xf32>
    %mul3A_3438 = arith.mulf %get3A_3436, %mul3A_3437 : vector<16xf32>
    %add3A_3439 = vector.broadcast %squeeze3A_26 : f32 to vector<16xf32>
    %add3A_3440 = arith.addf %mul3A_3438, %add3A_3439 : vector<16xf32>
    %neg3A_3441 = arith.constant 0.000000e+00 : f32
    %neg3A_3442 = vector.broadcast %neg3A_3441 : f32 to vector<16xf32>
    %neg3A_3443 = arith.subf %neg3A_3442, %add3A_3440 : vector<16xf32>
    %exp3A_3444 = math.exp %neg3A_3443 : vector<16xf32>
    %add3A_3445 = arith.constant 1.000000e+00 : f32
    %add3A_3446 = vector.broadcast %add3A_3445 : f32 to vector<16xf32>
    %add3A_3447 = arith.addf %add3A_3446, %exp3A_3444 : vector<16xf32>
    %div3A_3448 = arith.constant 1.000000e+00 : f32
    %div3A_3449 = vector.broadcast %div3A_3448 : f32 to vector<16xf32>
    %div3A_3450 = arith.divf %div3A_3449, %add3A_3447 : vector<16xf32>
    %sub3A_3451 = arith.constant 1.000000e+00 : f32
    %sub3A_3452 = vector.broadcast %sub3A_3451 : f32 to vector<16xf32>
    %sub3A_3453 = arith.subf %sub3A_3452, %div3A_3450 : vector<16xf32>
    %add3A_3454 = arith.constant 672 : i32
    %add3A_3455 = arith.addi %mul3A_0, %add3A_3454 : i32
    %add3A_3456 = vector.broadcast %add3A_3455 : i32 to vector<16xi32>
    %add3A_3457 = arith.addi %add3A_3456, %iota3A : vector<16xi32>
    %mul3A_3458 = arith.constant -1640531527 : i32
    %mul3A_3459 = vector.broadcast %mul3A_3458 : i32 to vector<16xi32>
    %mul3A_3460 = arith.muli %add3A_3457, %mul3A_3459 : vector<16xi32>
    %shift_right_logical3A_3461 = arith.constant 15 : i32
    %shift_right_logical3A_3462 = vector.broadcast %shift_right_logical3A_3461 : i32 to vector<16xi32>
    %shift_right_logical3A_3463 = arith.shrui %mul3A_3460, %shift_right_logical3A_3462 : vector<16xi32>
    %xor3A_3464 = arith.xori %mul3A_3460, %shift_right_logical3A_3463 : vector<16xi32>
    %mul3A_3465 = arith.constant -2048144789 : i32
    %mul3A_3466 = vector.broadcast %mul3A_3465 : i32 to vector<16xi32>
    %mul3A_3467 = arith.muli %xor3A_3464, %mul3A_3466 : vector<16xi32>
    %shift_right_logical3A_3468 = arith.constant 13 : i32
    %shift_right_logical3A_3469 = vector.broadcast %shift_right_logical3A_3468 : i32 to vector<16xi32>
    %shift_right_logical3A_3470 = arith.shrui %mul3A_3467, %shift_right_logical3A_3469 : vector<16xi32>
    %xor3A_3471 = arith.xori %mul3A_3467, %shift_right_logical3A_3470 : vector<16xi32>
    %and3A_3472 = arith.constant 8388607 : i32
    %and3A_3473 = vector.broadcast %and3A_3472 : i32 to vector<16xi32>
    %and3A_3474 = arith.andi %xor3A_3471, %and3A_3473 : vector<16xi32>
    %convert_element_type3A_3475 = arith.sitofp %and3A_3474 : vector<16xi32> to vector<16xf32>
    %mul3A_3476 = arith.constant 1.1920929E-7 : f32
    %mul3A_3477 = vector.broadcast %mul3A_3476 : f32 to vector<16xf32>
    %mul3A_3478 = arith.mulf %convert_element_type3A_3475, %mul3A_3477 : vector<16xf32>
    %add3A_3479 = arith.constant 9.99999996E-13 : f32
    %add3A_3480 = vector.broadcast %add3A_3479 : f32 to vector<16xf32>
    %add3A_3481 = arith.addf %sub3A_3453, %add3A_3480 : vector<16xf32>
    %sub3A_3482 = arith.constant 1.000000e+00 : f32
    %sub3A_3483 = vector.broadcast %sub3A_3482 : f32 to vector<16xf32>
    %sub3A_3484 = arith.subf %sub3A_3483, %mul3A_3478 : vector<16xf32>
    %mul3A_3485 = arith.mulf %add3A_3481, %sub3A_3484 : vector<16xf32>
    %add3A_3486 = arith.constant 9.99999996E-13 : f32
    %add3A_3487 = vector.broadcast %add3A_3486 : f32 to vector<16xf32>
    %add3A_3488 = arith.addf %div3A_3450, %add3A_3487 : vector<16xf32>
    %mul3A_3489 = arith.mulf %add3A_3488, %mul3A_3478 : vector<16xf32>
    %gt3A_3490 = arith.cmpf ogt, %mul3A_3485, %mul3A_3489 : vector<16xf32>
    %jit3A_3491 = arith.constant 1 : i32
    %jit3A_3492 = arith.constant 0 : i32
    %broadcast_in_dim3A_3493 = vector.broadcast %jit3A_3491 : i32 to vector<16xi32>
    %broadcast_in_dim3A_3494 = vector.broadcast %jit3A_3492 : i32 to vector<16xi32>
    %select_n3A_3495 = arith.select %gt3A_3490, %broadcast_in_dim3A_3493, %broadcast_in_dim3A_3494 : vector<16xi1>, vector<16xi32>
    %broadcast_in_dim3A_3496 = vector.shape_cast %select_n3A_3495 : vector<16xi32> to vector<16x1xi32>
    %gather3A_3497 = vector.shape_cast %broadcast_in_dim3A_3496 : vector<16x1xi32> to vector<16xi32>
    %gather3A_3498 = tpu.dynamic_gather %select_n3A_22[%gather3A_3497] in [0] : vector<16xf32>, vector<16xi32> -> vector<16xf32>
    %le3A_3499 = arith.constant 5.000000e-01 : f32
    %le3A_3500 = vector.broadcast %le3A_3499 : f32 to vector<16xf32>
    %le3A_3501 = arith.cmpf ole, %gather3A_3498, %le3A_3500 : vector<16xf32>
    %jit3A_3502 = arith.constant 1.000000e+01 : f32
    %broadcast_in_dim3A_3503 = vector.broadcast %jit3A_3502 : f32 to vector<16xf32>
    %select_n3A_3504 = arith.select %le3A_3501, %broadcast_in_dim3A_3503, %gather3A_3498 : vector<16xi1>, vector<16xf32>
    %gt3A_3505 = arith.constant 5.000000e-01 : f32
    %gt3A_3506 = vector.broadcast %gt3A_3505 : f32 to vector<16xf32>
    %gt3A_3507 = arith.cmpf ogt, %select_n3A_3504, %gt3A_3506 : vector<16xf32>
    %jit3A_3508 = arith.constant 1.000000e+00 : f32
    %broadcast_in_dim3A_3509 = vector.broadcast %jit3A_3508 : f32 to vector<16xf32>
    %select_n3A_3510 = arith.select %gt3A_3507, %broadcast_in_dim3A_3509, %select_n3A_3504 : vector<16xi1>, vector<16xf32>
    %swap3A_3511 = arith.constant 672 : index
    %swap3A_3512 = tpu.vector_load %arg6[%swap3A_3511] {strides = array<i32>} : memref<1024xf32, #tpu.memory_space<vmem>>, vector<16xf32>,
    %swap3A_3513 = vector.shape_cast %swap3A_3512 : vector<16xf32> to vector<16xf32>
    %swap3A_3514 = vector.shape_cast %select_n3A_3510 : vector<16xf32> to vector<16xf32>
    tpu.vector_store %arg6[%swap3A_3511], %swap3A_3514 {strides = array<i32>} : memref<1024xf32, #tpu.memory_space<vmem>>, vector<16xf32>,
    %get3A_3515 = arith.constant 688 : index
    %get3A_3516 = tpu.vector_load %arg5[%get3A_3515] {strides = array<i32>} : memref<1024xf32, #tpu.memory_space<vmem>>, vector<16xf32>,
    %get3A_3517 = vector.shape_cast %get3A_3516 : vector<16xf32> to vector<16xf32>
    %mul3A_3518 = vector.broadcast %squeeze3A : f32 to vector<16xf32>
    %mul3A_3519 = arith.mulf %get3A_3517, %mul3A_3518 : vector<16xf32>
    %add3A_3520 = vector.broadcast %squeeze3A_26 : f32 to vector<16xf32>
    %add3A_3521 = arith.addf %mul3A_3519, %add3A_3520 : vector<16xf32>
    %neg3A_3522 = arith.constant 0.000000e+00 : f32
    %neg3A_3523 = vector.broadcast %neg3A_3522 : f32 to vector<16xf32>
    %neg3A_3524 = arith.subf %neg3A_3523, %add3A_3521 : vector<16xf32>
    %exp3A_3525 = math.exp %neg3A_3524 : vector<16xf32>
    %add3A_3526 = arith.constant 1.000000e+00 : f32
    %add3A_3527 = vector.broadcast %add3A_3526 : f32 to vector<16xf32>
    %add3A_3528 = arith.addf %add3A_3527, %exp3A_3525 : vector<16xf32>
    %div3A_3529 = arith.constant 1.000000e+00 : f32
    %div3A_3530 = vector.broadcast %div3A_3529 : f32 to vector<16xf32>
    %div3A_3531 = arith.divf %div3A_3530, %add3A_3528 : vector<16xf32>
    %sub3A_3532 = arith.constant 1.000000e+00 : f32
    %sub3A_3533 = vector.broadcast %sub3A_3532 : f32 to vector<16xf32>
    %sub3A_3534 = arith.subf %sub3A_3533, %div3A_3531 : vector<16xf32>
    %add3A_3535 = arith.constant 688 : i32
    %add3A_3536 = arith.addi %mul3A_0, %add3A_3535 : i32
    %add3A_3537 = vector.broadcast %add3A_3536 : i32 to vector<16xi32>
    %add3A_3538 = arith.addi %add3A_3537, %iota3A : vector<16xi32>
    %mul3A_3539 = arith.constant -1640531527 : i32
    %mul3A_3540 = vector.broadcast %mul3A_3539 : i32 to vector<16xi32>
    %mul3A_3541 = arith.muli %add3A_3538, %mul3A_3540 : vector<16xi32>
    %shift_right_logical3A_3542 = arith.constant 15 : i32
    %shift_right_logical3A_3543 = vector.broadcast %shift_right_logical3A_3542 : i32 to vector<16xi32>
    %shift_right_logical3A_3544 = arith.shrui %mul3A_3541, %shift_right_logical3A_3543 : vector<16xi32>
    %xor3A_3545 = arith.xori %mul3A_3541, %shift_right_logical3A_3544 : vector<16xi32>
    %mul3A_3546 = arith.constant -2048144789 : i32
    %mul3A_3547 = vector.broadcast %mul3A_3546 : i32 to vector<16xi32>
    %mul3A_3548 = arith.muli %xor3A_3545, %mul3A_3547 : vector<16xi32>
    %shift_right_logical3A_3549 = arith.constant 13 : i32
    %shift_right_logical3A_3550 = vector.broadcast %shift_right_logical3A_3549 : i32 to vector<16xi32>
    %shift_right_logical3A_3551 = arith.shrui %mul3A_3548, %shift_right_logical3A_3550 : vector<16xi32>
    %xor3A_3552 = arith.xori %mul3A_3548, %shift_right_logical3A_3551 : vector<16xi32>
    %and3A_3553 = arith.constant 8388607 : i32
    %and3A_3554 = vector.broadcast %and3A_3553 : i32 to vector<16xi32>
    %and3A_3555 = arith.andi %xor3A_3552, %and3A_3554 : vector<16xi32>
    %convert_element_type3A_3556 = arith.sitofp %and3A_3555 : vector<16xi32> to vector<16xf32>
    %mul3A_3557 = arith.constant 1.1920929E-7 : f32
    %mul3A_3558 = vector.broadcast %mul3A_3557 : f32 to vector<16xf32>
    %mul3A_3559 = arith.mulf %convert_element_type3A_3556, %mul3A_3558 : vector<16xf32>
    %add3A_3560 = arith.constant 9.99999996E-13 : f32
    %add3A_3561 = vector.broadcast %add3A_3560 : f32 to vector<16xf32>
    %add3A_3562 = arith.addf %sub3A_3534, %add3A_3561 : vector<16xf32>
    %sub3A_3563 = arith.constant 1.000000e+00 : f32
    %sub3A_3564 = vector.broadcast %sub3A_3563 : f32 to vector<16xf32>
    %sub3A_3565 = arith.subf %sub3A_3564, %mul3A_3559 : vector<16xf32>
    %mul3A_3566 = arith.mulf %add3A_3562, %sub3A_3565 : vector<16xf32>
    %add3A_3567 = arith.constant 9.99999996E-13 : f32
    %add3A_3568 = vector.broadcast %add3A_3567 : f32 to vector<16xf32>
    %add3A_3569 = arith.addf %div3A_3531, %add3A_3568 : vector<16xf32>
    %mul3A_3570 = arith.mulf %add3A_3569, %mul3A_3559 : vector<16xf32>
    %gt3A_3571 = arith.cmpf ogt, %mul3A_3566, %mul3A_3570 : vector<16xf32>
    %jit3A_3572 = arith.constant 1 : i32
    %jit3A_3573 = arith.constant 0 : i32
    %broadcast_in_dim3A_3574 = vector.broadcast %jit3A_3572 : i32 to vector<16xi32>
    %broadcast_in_dim3A_3575 = vector.broadcast %jit3A_3573 : i32 to vector<16xi32>
    %select_n3A_3576 = arith.select %gt3A_3571, %broadcast_in_dim3A_3574, %broadcast_in_dim3A_3575 : vector<16xi1>, vector<16xi32>
    %broadcast_in_dim3A_3577 = vector.shape_cast %select_n3A_3576 : vector<16xi32> to vector<16x1xi32>
    %gather3A_3578 = vector.shape_cast %broadcast_in_dim3A_3577 : vector<16x1xi32> to vector<16xi32>
    %gather3A_3579 = tpu.dynamic_gather %select_n3A_22[%gather3A_3578] in [0] : vector<16xf32>, vector<16xi32> -> vector<16xf32>
    %le3A_3580 = arith.constant 5.000000e-01 : f32
    %le3A_3581 = vector.broadcast %le3A_3580 : f32 to vector<16xf32>
    %le3A_3582 = arith.cmpf ole, %gather3A_3579, %le3A_3581 : vector<16xf32>
    %jit3A_3583 = arith.constant 1.000000e+01 : f32
    %broadcast_in_dim3A_3584 = vector.broadcast %jit3A_3583 : f32 to vector<16xf32>
    %select_n3A_3585 = arith.select %le3A_3582, %broadcast_in_dim3A_3584, %gather3A_3579 : vector<16xi1>, vector<16xf32>
    %gt3A_3586 = arith.constant 5.000000e-01 : f32
    %gt3A_3587 = vector.broadcast %gt3A_3586 : f32 to vector<16xf32>
    %gt3A_3588 = arith.cmpf ogt, %select_n3A_3585, %gt3A_3587 : vector<16xf32>
    %jit3A_3589 = arith.constant 1.000000e+00 : f32
    %broadcast_in_dim3A_3590 = vector.broadcast %jit3A_3589 : f32 to vector<16xf32>
    %select_n3A_3591 = arith.select %gt3A_3588, %broadcast_in_dim3A_3590, %select_n3A_3585 : vector<16xi1>, vector<16xf32>
    %swap3A_3592 = arith.constant 688 : index
    %swap3A_3593 = tpu.vector_load %arg6[%swap3A_3592] {strides = array<i32>} : memref<1024xf32, #tpu.memory_space<vmem>>, vector<16xf32>,
    %swap3A_3594 = vector.shape_cast %swap3A_3593 : vector<16xf32> to vector<16xf32>
    %swap3A_3595 = vector.shape_cast %select_n3A_3591 : vector<16xf32> to vector<16xf32>
    tpu.vector_store %arg6[%swap3A_3592], %swap3A_3595 {strides = array<i32>} : memref<1024xf32, #tpu.memory_space<vmem>>, vector<16xf32>,
    %get3A_3596 = arith.constant 704 : index
    %get3A_3597 = tpu.vector_load %arg5[%get3A_3596] {strides = array<i32>} : memref<1024xf32, #tpu.memory_space<vmem>>, vector<16xf32>,
    %get3A_3598 = vector.shape_cast %get3A_3597 : vector<16xf32> to vector<16xf32>
    %mul3A_3599 = vector.broadcast %squeeze3A : f32 to vector<16xf32>
    %mul3A_3600 = arith.mulf %get3A_3598, %mul3A_3599 : vector<16xf32>
    %add3A_3601 = vector.broadcast %squeeze3A_26 : f32 to vector<16xf32>
    %add3A_3602 = arith.addf %mul3A_3600, %add3A_3601 : vector<16xf32>
    %neg3A_3603 = arith.constant 0.000000e+00 : f32
    %neg3A_3604 = vector.broadcast %neg3A_3603 : f32 to vector<16xf32>
    %neg3A_3605 = arith.subf %neg3A_3604, %add3A_3602 : vector<16xf32>
    %exp3A_3606 = math.exp %neg3A_3605 : vector<16xf32>
    %add3A_3607 = arith.constant 1.000000e+00 : f32
    %add3A_3608 = vector.broadcast %add3A_3607 : f32 to vector<16xf32>
    %add3A_3609 = arith.addf %add3A_3608, %exp3A_3606 : vector<16xf32>
    %div3A_3610 = arith.constant 1.000000e+00 : f32
    %div3A_3611 = vector.broadcast %div3A_3610 : f32 to vector<16xf32>
    %div3A_3612 = arith.divf %div3A_3611, %add3A_3609 : vector<16xf32>
    %sub3A_3613 = arith.constant 1.000000e+00 : f32
    %sub3A_3614 = vector.broadcast %sub3A_3613 : f32 to vector<16xf32>
    %sub3A_3615 = arith.subf %sub3A_3614, %div3A_3612 : vector<16xf32>
    %add3A_3616 = arith.constant 704 : i32
    %add3A_3617 = arith.addi %mul3A_0, %add3A_3616 : i32
    %add3A_3618 = vector.broadcast %add3A_3617 : i32 to vector<16xi32>
    %add3A_3619 = arith.addi %add3A_3618, %iota3A : vector<16xi32>
    %mul3A_3620 = arith.constant -1640531527 : i32
    %mul3A_3621 = vector.broadcast %mul3A_3620 : i32 to vector<16xi32>
    %mul3A_3622 = arith.muli %add3A_3619, %mul3A_3621 : vector<16xi32>
    %shift_right_logical3A_3623 = arith.constant 15 : i32
    %shift_right_logical3A_3624 = vector.broadcast %shift_right_logical3A_3623 : i32 to vector<16xi32>
    %shift_right_logical3A_3625 = arith.shrui %mul3A_3622, %shift_right_logical3A_3624 : vector<16xi32>
    %xor3A_3626 = arith.xori %mul3A_3622, %shift_right_logical3A_3625 : vector<16xi32>
    %mul3A_3627 = arith.constant -2048144789 : i32
    %mul3A_3628 = vector.broadcast %mul3A_3627 : i32 to vector<16xi32>
    %mul3A_3629 = arith.muli %xor3A_3626, %mul3A_3628 : vector<16xi32>
    %shift_right_logical3A_3630 = arith.constant 13 : i32
    %shift_right_logical3A_3631 = vector.broadcast %shift_right_logical3A_3630 : i32 to vector<16xi32>
    %shift_right_logical3A_3632 = arith.shrui %mul3A_3629, %shift_right_logical3A_3631 : vector<16xi32>
    %xor3A_3633 = arith.xori %mul3A_3629, %shift_right_logical3A_3632 : vector<16xi32>
    %and3A_3634 = arith.constant 8388607 : i32
    %and3A_3635 = vector.broadcast %and3A_3634 : i32 to vector<16xi32>
    %and3A_3636 = arith.andi %xor3A_3633, %and3A_3635 : vector<16xi32>
    %convert_element_type3A_3637 = arith.sitofp %and3A_3636 : vector<16xi32> to vector<16xf32>
    %mul3A_3638 = arith.constant 1.1920929E-7 : f32
    %mul3A_3639 = vector.broadcast %mul3A_3638 : f32 to vector<16xf32>
    %mul3A_3640 = arith.mulf %convert_element_type3A_3637, %mul3A_3639 : vector<16xf32>
    %add3A_3641 = arith.constant 9.99999996E-13 : f32
    %add3A_3642 = vector.broadcast %add3A_3641 : f32 to vector<16xf32>
    %add3A_3643 = arith.addf %sub3A_3615, %add3A_3642 : vector<16xf32>
    %sub3A_3644 = arith.constant 1.000000e+00 : f32
    %sub3A_3645 = vector.broadcast %sub3A_3644 : f32 to vector<16xf32>
    %sub3A_3646 = arith.subf %sub3A_3645, %mul3A_3640 : vector<16xf32>
    %mul3A_3647 = arith.mulf %add3A_3643, %sub3A_3646 : vector<16xf32>
    %add3A_3648 = arith.constant 9.99999996E-13 : f32
    %add3A_3649 = vector.broadcast %add3A_3648 : f32 to vector<16xf32>
    %add3A_3650 = arith.addf %div3A_3612, %add3A_3649 : vector<16xf32>
    %mul3A_3651 = arith.mulf %add3A_3650, %mul3A_3640 : vector<16xf32>
    %gt3A_3652 = arith.cmpf ogt, %mul3A_3647, %mul3A_3651 : vector<16xf32>
    %jit3A_3653 = arith.constant 1 : i32
    %jit3A_3654 = arith.constant 0 : i32
    %broadcast_in_dim3A_3655 = vector.broadcast %jit3A_3653 : i32 to vector<16xi32>
    %broadcast_in_dim3A_3656 = vector.broadcast %jit3A_3654 : i32 to vector<16xi32>
    %select_n3A_3657 = arith.select %gt3A_3652, %broadcast_in_dim3A_3655, %broadcast_in_dim3A_3656 : vector<16xi1>, vector<16xi32>
    %broadcast_in_dim3A_3658 = vector.shape_cast %select_n3A_3657 : vector<16xi32> to vector<16x1xi32>
    %gather3A_3659 = vector.shape_cast %broadcast_in_dim3A_3658 : vector<16x1xi32> to vector<16xi32>
    %gather3A_3660 = tpu.dynamic_gather %select_n3A_22[%gather3A_3659] in [0] : vector<16xf32>, vector<16xi32> -> vector<16xf32>
    %le3A_3661 = arith.constant 5.000000e-01 : f32
    %le3A_3662 = vector.broadcast %le3A_3661 : f32 to vector<16xf32>
    %le3A_3663 = arith.cmpf ole, %gather3A_3660, %le3A_3662 : vector<16xf32>
    %jit3A_3664 = arith.constant 1.000000e+01 : f32
    %broadcast_in_dim3A_3665 = vector.broadcast %jit3A_3664 : f32 to vector<16xf32>
    %select_n3A_3666 = arith.select %le3A_3663, %broadcast_in_dim3A_3665, %gather3A_3660 : vector<16xi1>, vector<16xf32>
    %gt3A_3667 = arith.constant 5.000000e-01 : f32
    %gt3A_3668 = vector.broadcast %gt3A_3667 : f32 to vector<16xf32>
    %gt3A_3669 = arith.cmpf ogt, %select_n3A_3666, %gt3A_3668 : vector<16xf32>
    %jit3A_3670 = arith.constant 1.000000e+00 : f32
    %broadcast_in_dim3A_3671 = vector.broadcast %jit3A_3670 : f32 to vector<16xf32>
    %select_n3A_3672 = arith.select %gt3A_3669, %broadcast_in_dim3A_3671, %select_n3A_3666 : vector<16xi1>, vector<16xf32>
    %swap3A_3673 = arith.constant 704 : index
    %swap3A_3674 = tpu.vector_load %arg6[%swap3A_3673] {strides = array<i32>} : memref<1024xf32, #tpu.memory_space<vmem>>, vector<16xf32>,
    %swap3A_3675 = vector.shape_cast %swap3A_3674 : vector<16xf32> to vector<16xf32>
    %swap3A_3676 = vector.shape_cast %select_n3A_3672 : vector<16xf32> to vector<16xf32>
    tpu.vector_store %arg6[%swap3A_3673], %swap3A_3676 {strides = array<i32>} : memref<1024xf32, #tpu.memory_space<vmem>>, vector<16xf32>,
    %get3A_3677 = arith.constant 720 : index
    %get3A_3678 = tpu.vector_load %arg5[%get3A_3677] {strides = array<i32>} : memref<1024xf32, #tpu.memory_space<vmem>>, vector<16xf32>,
    %get3A_3679 = vector.shape_cast %get3A_3678 : vector<16xf32> to vector<16xf32>
    %mul3A_3680 = vector.broadcast %squeeze3A : f32 to vector<16xf32>
    %mul3A_3681 = arith.mulf %get3A_3679, %mul3A_3680 : vector<16xf32>
    %add3A_3682 = vector.broadcast %squeeze3A_26 : f32 to vector<16xf32>
    %add3A_3683 = arith.addf %mul3A_3681, %add3A_3682 : vector<16xf32>
    %neg3A_3684 = arith.constant 0.000000e+00 : f32
    %neg3A_3685 = vector.broadcast %neg3A_3684 : f32 to vector<16xf32>
    %neg3A_3686 = arith.subf %neg3A_3685, %add3A_3683 : vector<16xf32>
    %exp3A_3687 = math.exp %neg3A_3686 : vector<16xf32>
    %add3A_3688 = arith.constant 1.000000e+00 : f32
    %add3A_3689 = vector.broadcast %add3A_3688 : f32 to vector<16xf32>
    %add3A_3690 = arith.addf %add3A_3689, %exp3A_3687 : vector<16xf32>
    %div3A_3691 = arith.constant 1.000000e+00 : f32
    %div3A_3692 = vector.broadcast %div3A_3691 : f32 to vector<16xf32>
    %div3A_3693 = arith.divf %div3A_3692, %add3A_3690 : vector<16xf32>
    %sub3A_3694 = arith.constant 1.000000e+00 : f32
    %sub3A_3695 = vector.broadcast %sub3A_3694 : f32 to vector<16xf32>
    %sub3A_3696 = arith.subf %sub3A_3695, %div3A_3693 : vector<16xf32>
    %add3A_3697 = arith.constant 720 : i32
    %add3A_3698 = arith.addi %mul3A_0, %add3A_3697 : i32
    %add3A_3699 = vector.broadcast %add3A_3698 : i32 to vector<16xi32>
    %add3A_3700 = arith.addi %add3A_3699, %iota3A : vector<16xi32>
    %mul3A_3701 = arith.constant -1640531527 : i32
    %mul3A_3702 = vector.broadcast %mul3A_3701 : i32 to vector<16xi32>
    %mul3A_3703 = arith.muli %add3A_3700, %mul3A_3702 : vector<16xi32>
    %shift_right_logical3A_3704 = arith.constant 15 : i32
    %shift_right_logical3A_3705 = vector.broadcast %shift_right_logical3A_3704 : i32 to vector<16xi32>
    %shift_right_logical3A_3706 = arith.shrui %mul3A_3703, %shift_right_logical3A_3705 : vector<16xi32>
    %xor3A_3707 = arith.xori %mul3A_3703, %shift_right_logical3A_3706 : vector<16xi32>
    %mul3A_3708 = arith.constant -2048144789 : i32
    %mul3A_3709 = vector.broadcast %mul3A_3708 : i32 to vector<16xi32>
    %mul3A_3710 = arith.muli %xor3A_3707, %mul3A_3709 : vector<16xi32>
    %shift_right_logical3A_3711 = arith.constant 13 : i32
    %shift_right_logical3A_3712 = vector.broadcast %shift_right_logical3A_3711 : i32 to vector<16xi32>
    %shift_right_logical3A_3713 = arith.shrui %mul3A_3710, %shift_right_logical3A_3712 : vector<16xi32>
    %xor3A_3714 = arith.xori %mul3A_3710, %shift_right_logical3A_3713 : vector<16xi32>
    %and3A_3715 = arith.constant 8388607 : i32
    %and3A_3716 = vector.broadcast %and3A_3715 : i32 to vector<16xi32>
    %and3A_3717 = arith.andi %xor3A_3714, %and3A_3716 : vector<16xi32>
    %convert_element_type3A_3718 = arith.sitofp %and3A_3717 : vector<16xi32> to vector<16xf32>
    %mul3A_3719 = arith.constant 1.1920929E-7 : f32
    %mul3A_3720 = vector.broadcast %mul3A_3719 : f32 to vector<16xf32>
    %mul3A_3721 = arith.mulf %convert_element_type3A_3718, %mul3A_3720 : vector<16xf32>
    %add3A_3722 = arith.constant 9.99999996E-13 : f32
    %add3A_3723 = vector.broadcast %add3A_3722 : f32 to vector<16xf32>
    %add3A_3724 = arith.addf %sub3A_3696, %add3A_3723 : vector<16xf32>
    %sub3A_3725 = arith.constant 1.000000e+00 : f32
    %sub3A_3726 = vector.broadcast %sub3A_3725 : f32 to vector<16xf32>
    %sub3A_3727 = arith.subf %sub3A_3726, %mul3A_3721 : vector<16xf32>
    %mul3A_3728 = arith.mulf %add3A_3724, %sub3A_3727 : vector<16xf32>
    %add3A_3729 = arith.constant 9.99999996E-13 : f32
    %add3A_3730 = vector.broadcast %add3A_3729 : f32 to vector<16xf32>
    %add3A_3731 = arith.addf %div3A_3693, %add3A_3730 : vector<16xf32>
    %mul3A_3732 = arith.mulf %add3A_3731, %mul3A_3721 : vector<16xf32>
    %gt3A_3733 = arith.cmpf ogt, %mul3A_3728, %mul3A_3732 : vector<16xf32>
    %jit3A_3734 = arith.constant 1 : i32
    %jit3A_3735 = arith.constant 0 : i32
    %broadcast_in_dim3A_3736 = vector.broadcast %jit3A_3734 : i32 to vector<16xi32>
    %broadcast_in_dim3A_3737 = vector.broadcast %jit3A_3735 : i32 to vector<16xi32>
    %select_n3A_3738 = arith.select %gt3A_3733, %broadcast_in_dim3A_3736, %broadcast_in_dim3A_3737 : vector<16xi1>, vector<16xi32>
    %broadcast_in_dim3A_3739 = vector.shape_cast %select_n3A_3738 : vector<16xi32> to vector<16x1xi32>
    %gather3A_3740 = vector.shape_cast %broadcast_in_dim3A_3739 : vector<16x1xi32> to vector<16xi32>
    %gather3A_3741 = tpu.dynamic_gather %select_n3A_22[%gather3A_3740] in [0] : vector<16xf32>, vector<16xi32> -> vector<16xf32>
    %le3A_3742 = arith.constant 5.000000e-01 : f32
    %le3A_3743 = vector.broadcast %le3A_3742 : f32 to vector<16xf32>
    %le3A_3744 = arith.cmpf ole, %gather3A_3741, %le3A_3743 : vector<16xf32>
    %jit3A_3745 = arith.constant 1.000000e+01 : f32
    %broadcast_in_dim3A_3746 = vector.broadcast %jit3A_3745 : f32 to vector<16xf32>
    %select_n3A_3747 = arith.select %le3A_3744, %broadcast_in_dim3A_3746, %gather3A_3741 : vector<16xi1>, vector<16xf32>
    %gt3A_3748 = arith.constant 5.000000e-01 : f32
    %gt3A_3749 = vector.broadcast %gt3A_3748 : f32 to vector<16xf32>
    %gt3A_3750 = arith.cmpf ogt, %select_n3A_3747, %gt3A_3749 : vector<16xf32>
    %jit3A_3751 = arith.constant 1.000000e+00 : f32
    %broadcast_in_dim3A_3752 = vector.broadcast %jit3A_3751 : f32 to vector<16xf32>
    %select_n3A_3753 = arith.select %gt3A_3750, %broadcast_in_dim3A_3752, %select_n3A_3747 : vector<16xi1>, vector<16xf32>
    %swap3A_3754 = arith.constant 720 : index
    %swap3A_3755 = tpu.vector_load %arg6[%swap3A_3754] {strides = array<i32>} : memref<1024xf32, #tpu.memory_space<vmem>>, vector<16xf32>,
    %swap3A_3756 = vector.shape_cast %swap3A_3755 : vector<16xf32> to vector<16xf32>
    %swap3A_3757 = vector.shape_cast %select_n3A_3753 : vector<16xf32> to vector<16xf32>
    tpu.vector_store %arg6[%swap3A_3754], %swap3A_3757 {strides = array<i32>} : memref<1024xf32, #tpu.memory_space<vmem>>, vector<16xf32>,
    %get3A_3758 = arith.constant 736 : index
    %get3A_3759 = tpu.vector_load %arg5[%get3A_3758] {strides = array<i32>} : memref<1024xf32, #tpu.memory_space<vmem>>, vector<16xf32>,
    %get3A_3760 = vector.shape_cast %get3A_3759 : vector<16xf32> to vector<16xf32>
    %mul3A_3761 = vector.broadcast %squeeze3A : f32 to vector<16xf32>
    %mul3A_3762 = arith.mulf %get3A_3760, %mul3A_3761 : vector<16xf32>
    %add3A_3763 = vector.broadcast %squeeze3A_26 : f32 to vector<16xf32>
    %add3A_3764 = arith.addf %mul3A_3762, %add3A_3763 : vector<16xf32>
    %neg3A_3765 = arith.constant 0.000000e+00 : f32
    %neg3A_3766 = vector.broadcast %neg3A_3765 : f32 to vector<16xf32>
    %neg3A_3767 = arith.subf %neg3A_3766, %add3A_3764 : vector<16xf32>
    %exp3A_3768 = math.exp %neg3A_3767 : vector<16xf32>
    %add3A_3769 = arith.constant 1.000000e+00 : f32
    %add3A_3770 = vector.broadcast %add3A_3769 : f32 to vector<16xf32>
    %add3A_3771 = arith.addf %add3A_3770, %exp3A_3768 : vector<16xf32>
    %div3A_3772 = arith.constant 1.000000e+00 : f32
    %div3A_3773 = vector.broadcast %div3A_3772 : f32 to vector<16xf32>
    %div3A_3774 = arith.divf %div3A_3773, %add3A_3771 : vector<16xf32>
    %sub3A_3775 = arith.constant 1.000000e+00 : f32
    %sub3A_3776 = vector.broadcast %sub3A_3775 : f32 to vector<16xf32>
    %sub3A_3777 = arith.subf %sub3A_3776, %div3A_3774 : vector<16xf32>
    %add3A_3778 = arith.constant 736 : i32
    %add3A_3779 = arith.addi %mul3A_0, %add3A_3778 : i32
    %add3A_3780 = vector.broadcast %add3A_3779 : i32 to vector<16xi32>
    %add3A_3781 = arith.addi %add3A_3780, %iota3A : vector<16xi32>
    %mul3A_3782 = arith.constant -1640531527 : i32
    %mul3A_3783 = vector.broadcast %mul3A_3782 : i32 to vector<16xi32>
    %mul3A_3784 = arith.muli %add3A_3781, %mul3A_3783 : vector<16xi32>
    %shift_right_logical3A_3785 = arith.constant 15 : i32
    %shift_right_logical3A_3786 = vector.broadcast %shift_right_logical3A_3785 : i32 to vector<16xi32>
    %shift_right_logical3A_3787 = arith.shrui %mul3A_3784, %shift_right_logical3A_3786 : vector<16xi32>
    %xor3A_3788 = arith.xori %mul3A_3784, %shift_right_logical3A_3787 : vector<16xi32>
    %mul3A_3789 = arith.constant -2048144789 : i32
    %mul3A_3790 = vector.broadcast %mul3A_3789 : i32 to vector<16xi32>
    %mul3A_3791 = arith.muli %xor3A_3788, %mul3A_3790 : vector<16xi32>
    %shift_right_logical3A_3792 = arith.constant 13 : i32
    %shift_right_logical3A_3793 = vector.broadcast %shift_right_logical3A_3792 : i32 to vector<16xi32>
    %shift_right_logical3A_3794 = arith.shrui %mul3A_3791, %shift_right_logical3A_3793 : vector<16xi32>
    %xor3A_3795 = arith.xori %mul3A_3791, %shift_right_logical3A_3794 : vector<16xi32>
    %and3A_3796 = arith.constant 8388607 : i32
    %and3A_3797 = vector.broadcast %and3A_3796 : i32 to vector<16xi32>
    %and3A_3798 = arith.andi %xor3A_3795, %and3A_3797 : vector<16xi32>
    %convert_element_type3A_3799 = arith.sitofp %and3A_3798 : vector<16xi32> to vector<16xf32>
    %mul3A_3800 = arith.constant 1.1920929E-7 : f32
    %mul3A_3801 = vector.broadcast %mul3A_3800 : f32 to vector<16xf32>
    %mul3A_3802 = arith.mulf %convert_element_type3A_3799, %mul3A_3801 : vector<16xf32>
    %add3A_3803 = arith.constant 9.99999996E-13 : f32
    %add3A_3804 = vector.broadcast %add3A_3803 : f32 to vector<16xf32>
    %add3A_3805 = arith.addf %sub3A_3777, %add3A_3804 : vector<16xf32>
    %sub3A_3806 = arith.constant 1.000000e+00 : f32
    %sub3A_3807 = vector.broadcast %sub3A_3806 : f32 to vector<16xf32>
    %sub3A_3808 = arith.subf %sub3A_3807, %mul3A_3802 : vector<16xf32>
    %mul3A_3809 = arith.mulf %add3A_3805, %sub3A_3808 : vector<16xf32>
    %add3A_3810 = arith.constant 9.99999996E-13 : f32
    %add3A_3811 = vector.broadcast %add3A_3810 : f32 to vector<16xf32>
    %add3A_3812 = arith.addf %div3A_3774, %add3A_3811 : vector<16xf32>
    %mul3A_3813 = arith.mulf %add3A_3812, %mul3A_3802 : vector<16xf32>
    %gt3A_3814 = arith.cmpf ogt, %mul3A_3809, %mul3A_3813 : vector<16xf32>
    %jit3A_3815 = arith.constant 1 : i32
    %jit3A_3816 = arith.constant 0 : i32
    %broadcast_in_dim3A_3817 = vector.broadcast %jit3A_3815 : i32 to vector<16xi32>
    %broadcast_in_dim3A_3818 = vector.broadcast %jit3A_3816 : i32 to vector<16xi32>
    %select_n3A_3819 = arith.select %gt3A_3814, %broadcast_in_dim3A_3817, %broadcast_in_dim3A_3818 : vector<16xi1>, vector<16xi32>
    %broadcast_in_dim3A_3820 = vector.shape_cast %select_n3A_3819 : vector<16xi32> to vector<16x1xi32>
    %gather3A_3821 = vector.shape_cast %broadcast_in_dim3A_3820 : vector<16x1xi32> to vector<16xi32>
    %gather3A_3822 = tpu.dynamic_gather %select_n3A_22[%gather3A_3821] in [0] : vector<16xf32>, vector<16xi32> -> vector<16xf32>
    %le3A_3823 = arith.constant 5.000000e-01 : f32
    %le3A_3824 = vector.broadcast %le3A_3823 : f32 to vector<16xf32>
    %le3A_3825 = arith.cmpf ole, %gather3A_3822, %le3A_3824 : vector<16xf32>
    %jit3A_3826 = arith.constant 1.000000e+01 : f32
    %broadcast_in_dim3A_3827 = vector.broadcast %jit3A_3826 : f32 to vector<16xf32>
    %select_n3A_3828 = arith.select %le3A_3825, %broadcast_in_dim3A_3827, %gather3A_3822 : vector<16xi1>, vector<16xf32>
    %gt3A_3829 = arith.constant 5.000000e-01 : f32
    %gt3A_3830 = vector.broadcast %gt3A_3829 : f32 to vector<16xf32>
    %gt3A_3831 = arith.cmpf ogt, %select_n3A_3828, %gt3A_3830 : vector<16xf32>
    %jit3A_3832 = arith.constant 1.000000e+00 : f32
    %broadcast_in_dim3A_3833 = vector.broadcast %jit3A_3832 : f32 to vector<16xf32>
    %select_n3A_3834 = arith.select %gt3A_3831, %broadcast_in_dim3A_3833, %select_n3A_3828 : vector<16xi1>, vector<16xf32>
    %swap3A_3835 = arith.constant 736 : index
    %swap3A_3836 = tpu.vector_load %arg6[%swap3A_3835] {strides = array<i32>} : memref<1024xf32, #tpu.memory_space<vmem>>, vector<16xf32>,
    %swap3A_3837 = vector.shape_cast %swap3A_3836 : vector<16xf32> to vector<16xf32>
    %swap3A_3838 = vector.shape_cast %select_n3A_3834 : vector<16xf32> to vector<16xf32>
    tpu.vector_store %arg6[%swap3A_3835], %swap3A_3838 {strides = array<i32>} : memref<1024xf32, #tpu.memory_space<vmem>>, vector<16xf32>,
    %get3A_3839 = arith.constant 752 : index
    %get3A_3840 = tpu.vector_load %arg5[%get3A_3839] {strides = array<i32>} : memref<1024xf32, #tpu.memory_space<vmem>>, vector<16xf32>,
    %get3A_3841 = vector.shape_cast %get3A_3840 : vector<16xf32> to vector<16xf32>
    %mul3A_3842 = vector.broadcast %squeeze3A : f32 to vector<16xf32>
    %mul3A_3843 = arith.mulf %get3A_3841, %mul3A_3842 : vector<16xf32>
    %add3A_3844 = vector.broadcast %squeeze3A_26 : f32 to vector<16xf32>
    %add3A_3845 = arith.addf %mul3A_3843, %add3A_3844 : vector<16xf32>
    %neg3A_3846 = arith.constant 0.000000e+00 : f32
    %neg3A_3847 = vector.broadcast %neg3A_3846 : f32 to vector<16xf32>
    %neg3A_3848 = arith.subf %neg3A_3847, %add3A_3845 : vector<16xf32>
    %exp3A_3849 = math.exp %neg3A_3848 : vector<16xf32>
    %add3A_3850 = arith.constant 1.000000e+00 : f32
    %add3A_3851 = vector.broadcast %add3A_3850 : f32 to vector<16xf32>
    %add3A_3852 = arith.addf %add3A_3851, %exp3A_3849 : vector<16xf32>
    %div3A_3853 = arith.constant 1.000000e+00 : f32
    %div3A_3854 = vector.broadcast %div3A_3853 : f32 to vector<16xf32>
    %div3A_3855 = arith.divf %div3A_3854, %add3A_3852 : vector<16xf32>
    %sub3A_3856 = arith.constant 1.000000e+00 : f32
    %sub3A_3857 = vector.broadcast %sub3A_3856 : f32 to vector<16xf32>
    %sub3A_3858 = arith.subf %sub3A_3857, %div3A_3855 : vector<16xf32>
    %add3A_3859 = arith.constant 752 : i32
    %add3A_3860 = arith.addi %mul3A_0, %add3A_3859 : i32
    %add3A_3861 = vector.broadcast %add3A_3860 : i32 to vector<16xi32>
    %add3A_3862 = arith.addi %add3A_3861, %iota3A : vector<16xi32>
    %mul3A_3863 = arith.constant -1640531527 : i32
    %mul3A_3864 = vector.broadcast %mul3A_3863 : i32 to vector<16xi32>
    %mul3A_3865 = arith.muli %add3A_3862, %mul3A_3864 : vector<16xi32>
    %shift_right_logical3A_3866 = arith.constant 15 : i32
    %shift_right_logical3A_3867 = vector.broadcast %shift_right_logical3A_3866 : i32 to vector<16xi32>
    %shift_right_logical3A_3868 = arith.shrui %mul3A_3865, %shift_right_logical3A_3867 : vector<16xi32>
    %xor3A_3869 = arith.xori %mul3A_3865, %shift_right_logical3A_3868 : vector<16xi32>
    %mul3A_3870 = arith.constant -2048144789 : i32
    %mul3A_3871 = vector.broadcast %mul3A_3870 : i32 to vector<16xi32>
    %mul3A_3872 = arith.muli %xor3A_3869, %mul3A_3871 : vector<16xi32>
    %shift_right_logical3A_3873 = arith.constant 13 : i32
    %shift_right_logical3A_3874 = vector.broadcast %shift_right_logical3A_3873 : i32 to vector<16xi32>
    %shift_right_logical3A_3875 = arith.shrui %mul3A_3872, %shift_right_logical3A_3874 : vector<16xi32>
    %xor3A_3876 = arith.xori %mul3A_3872, %shift_right_logical3A_3875 : vector<16xi32>
    %and3A_3877 = arith.constant 8388607 : i32
    %and3A_3878 = vector.broadcast %and3A_3877 : i32 to vector<16xi32>
    %and3A_3879 = arith.andi %xor3A_3876, %and3A_3878 : vector<16xi32>
    %convert_element_type3A_3880 = arith.sitofp %and3A_3879 : vector<16xi32> to vector<16xf32>
    %mul3A_3881 = arith.constant 1.1920929E-7 : f32
    %mul3A_3882 = vector.broadcast %mul3A_3881 : f32 to vector<16xf32>
    %mul3A_3883 = arith.mulf %convert_element_type3A_3880, %mul3A_3882 : vector<16xf32>
    %add3A_3884 = arith.constant 9.99999996E-13 : f32
    %add3A_3885 = vector.broadcast %add3A_3884 : f32 to vector<16xf32>
    %add3A_3886 = arith.addf %sub3A_3858, %add3A_3885 : vector<16xf32>
    %sub3A_3887 = arith.constant 1.000000e+00 : f32
    %sub3A_3888 = vector.broadcast %sub3A_3887 : f32 to vector<16xf32>
    %sub3A_3889 = arith.subf %sub3A_3888, %mul3A_3883 : vector<16xf32>
    %mul3A_3890 = arith.mulf %add3A_3886, %sub3A_3889 : vector<16xf32>
    %add3A_3891 = arith.constant 9.99999996E-13 : f32
    %add3A_3892 = vector.broadcast %add3A_3891 : f32 to vector<16xf32>
    %add3A_3893 = arith.addf %div3A_3855, %add3A_3892 : vector<16xf32>
    %mul3A_3894 = arith.mulf %add3A_3893, %mul3A_3883 : vector<16xf32>
    %gt3A_3895 = arith.cmpf ogt, %mul3A_3890, %mul3A_3894 : vector<16xf32>
    %jit3A_3896 = arith.constant 1 : i32
    %jit3A_3897 = arith.constant 0 : i32
    %broadcast_in_dim3A_3898 = vector.broadcast %jit3A_3896 : i32 to vector<16xi32>
    %broadcast_in_dim3A_3899 = vector.broadcast %jit3A_3897 : i32 to vector<16xi32>
    %select_n3A_3900 = arith.select %gt3A_3895, %broadcast_in_dim3A_3898, %broadcast_in_dim3A_3899 : vector<16xi1>, vector<16xi32>
    %broadcast_in_dim3A_3901 = vector.shape_cast %select_n3A_3900 : vector<16xi32> to vector<16x1xi32>
    %gather3A_3902 = vector.shape_cast %broadcast_in_dim3A_3901 : vector<16x1xi32> to vector<16xi32>
    %gather3A_3903 = tpu.dynamic_gather %select_n3A_22[%gather3A_3902] in [0] : vector<16xf32>, vector<16xi32> -> vector<16xf32>
    %le3A_3904 = arith.constant 5.000000e-01 : f32
    %le3A_3905 = vector.broadcast %le3A_3904 : f32 to vector<16xf32>
    %le3A_3906 = arith.cmpf ole, %gather3A_3903, %le3A_3905 : vector<16xf32>
    %jit3A_3907 = arith.constant 1.000000e+01 : f32
    %broadcast_in_dim3A_3908 = vector.broadcast %jit3A_3907 : f32 to vector<16xf32>
    %select_n3A_3909 = arith.select %le3A_3906, %broadcast_in_dim3A_3908, %gather3A_3903 : vector<16xi1>, vector<16xf32>
    %gt3A_3910 = arith.constant 5.000000e-01 : f32
    %gt3A_3911 = vector.broadcast %gt3A_3910 : f32 to vector<16xf32>
    %gt3A_3912 = arith.cmpf ogt, %select_n3A_3909, %gt3A_3911 : vector<16xf32>
    %jit3A_3913 = arith.constant 1.000000e+00 : f32
    %broadcast_in_dim3A_3914 = vector.broadcast %jit3A_3913 : f32 to vector<16xf32>
    %select_n3A_3915 = arith.select %gt3A_3912, %broadcast_in_dim3A_3914, %select_n3A_3909 : vector<16xi1>, vector<16xf32>
    %swap3A_3916 = arith.constant 752 : index
    %swap3A_3917 = tpu.vector_load %arg6[%swap3A_3916] {strides = array<i32>} : memref<1024xf32, #tpu.memory_space<vmem>>, vector<16xf32>,
    %swap3A_3918 = vector.shape_cast %swap3A_3917 : vector<16xf32> to vector<16xf32>
    %swap3A_3919 = vector.shape_cast %select_n3A_3915 : vector<16xf32> to vector<16xf32>
    tpu.vector_store %arg6[%swap3A_3916], %swap3A_3919 {strides = array<i32>} : memref<1024xf32, #tpu.memory_space<vmem>>, vector<16xf32>,
    %get3A_3920 = arith.constant 768 : index
    %get3A_3921 = tpu.vector_load %arg5[%get3A_3920] {strides = array<i32>} : memref<1024xf32, #tpu.memory_space<vmem>>, vector<16xf32>,
    %get3A_3922 = vector.shape_cast %get3A_3921 : vector<16xf32> to vector<16xf32>
    %mul3A_3923 = vector.broadcast %squeeze3A : f32 to vector<16xf32>
    %mul3A_3924 = arith.mulf %get3A_3922, %mul3A_3923 : vector<16xf32>
    %add3A_3925 = vector.broadcast %squeeze3A_26 : f32 to vector<16xf32>
    %add3A_3926 = arith.addf %mul3A_3924, %add3A_3925 : vector<16xf32>
    %neg3A_3927 = arith.constant 0.000000e+00 : f32
    %neg3A_3928 = vector.broadcast %neg3A_3927 : f32 to vector<16xf32>
    %neg3A_3929 = arith.subf %neg3A_3928, %add3A_3926 : vector<16xf32>
    %exp3A_3930 = math.exp %neg3A_3929 : vector<16xf32>
    %add3A_3931 = arith.constant 1.000000e+00 : f32
    %add3A_3932 = vector.broadcast %add3A_3931 : f32 to vector<16xf32>
    %add3A_3933 = arith.addf %add3A_3932, %exp3A_3930 : vector<16xf32>
    %div3A_3934 = arith.constant 1.000000e+00 : f32
    %div3A_3935 = vector.broadcast %div3A_3934 : f32 to vector<16xf32>
    %div3A_3936 = arith.divf %div3A_3935, %add3A_3933 : vector<16xf32>
    %sub3A_3937 = arith.constant 1.000000e+00 : f32
    %sub3A_3938 = vector.broadcast %sub3A_3937 : f32 to vector<16xf32>
    %sub3A_3939 = arith.subf %sub3A_3938, %div3A_3936 : vector<16xf32>
    %add3A_3940 = arith.constant 768 : i32
    %add3A_3941 = arith.addi %mul3A_0, %add3A_3940 : i32
    %add3A_3942 = vector.broadcast %add3A_3941 : i32 to vector<16xi32>
    %add3A_3943 = arith.addi %add3A_3942, %iota3A : vector<16xi32>
    %mul3A_3944 = arith.constant -1640531527 : i32
    %mul3A_3945 = vector.broadcast %mul3A_3944 : i32 to vector<16xi32>
    %mul3A_3946 = arith.muli %add3A_3943, %mul3A_3945 : vector<16xi32>
    %shift_right_logical3A_3947 = arith.constant 15 : i32
    %shift_right_logical3A_3948 = vector.broadcast %shift_right_logical3A_3947 : i32 to vector<16xi32>
    %shift_right_logical3A_3949 = arith.shrui %mul3A_3946, %shift_right_logical3A_3948 : vector<16xi32>
    %xor3A_3950 = arith.xori %mul3A_3946, %shift_right_logical3A_3949 : vector<16xi32>
    %mul3A_3951 = arith.constant -2048144789 : i32
    %mul3A_3952 = vector.broadcast %mul3A_3951 : i32 to vector<16xi32>
    %mul3A_3953 = arith.muli %xor3A_3950, %mul3A_3952 : vector<16xi32>
    %shift_right_logical3A_3954 = arith.constant 13 : i32
    %shift_right_logical3A_3955 = vector.broadcast %shift_right_logical3A_3954 : i32 to vector<16xi32>
    %shift_right_logical3A_3956 = arith.shrui %mul3A_3953, %shift_right_logical3A_3955 : vector<16xi32>
    %xor3A_3957 = arith.xori %mul3A_3953, %shift_right_logical3A_3956 : vector<16xi32>
    %and3A_3958 = arith.constant 8388607 : i32
    %and3A_3959 = vector.broadcast %and3A_3958 : i32 to vector<16xi32>
    %and3A_3960 = arith.andi %xor3A_3957, %and3A_3959 : vector<16xi32>
    %convert_element_type3A_3961 = arith.sitofp %and3A_3960 : vector<16xi32> to vector<16xf32>
    %mul3A_3962 = arith.constant 1.1920929E-7 : f32
    %mul3A_3963 = vector.broadcast %mul3A_3962 : f32 to vector<16xf32>
    %mul3A_3964 = arith.mulf %convert_element_type3A_3961, %mul3A_3963 : vector<16xf32>
    %add3A_3965 = arith.constant 9.99999996E-13 : f32
    %add3A_3966 = vector.broadcast %add3A_3965 : f32 to vector<16xf32>
    %add3A_3967 = arith.addf %sub3A_3939, %add3A_3966 : vector<16xf32>
    %sub3A_3968 = arith.constant 1.000000e+00 : f32
    %sub3A_3969 = vector.broadcast %sub3A_3968 : f32 to vector<16xf32>
    %sub3A_3970 = arith.subf %sub3A_3969, %mul3A_3964 : vector<16xf32>
    %mul3A_3971 = arith.mulf %add3A_3967, %sub3A_3970 : vector<16xf32>
    %add3A_3972 = arith.constant 9.99999996E-13 : f32
    %add3A_3973 = vector.broadcast %add3A_3972 : f32 to vector<16xf32>
    %add3A_3974 = arith.addf %div3A_3936, %add3A_3973 : vector<16xf32>
    %mul3A_3975 = arith.mulf %add3A_3974, %mul3A_3964 : vector<16xf32>
    %gt3A_3976 = arith.cmpf ogt, %mul3A_3971, %mul3A_3975 : vector<16xf32>
    %jit3A_3977 = arith.constant 1 : i32
    %jit3A_3978 = arith.constant 0 : i32
    %broadcast_in_dim3A_3979 = vector.broadcast %jit3A_3977 : i32 to vector<16xi32>
    %broadcast_in_dim3A_3980 = vector.broadcast %jit3A_3978 : i32 to vector<16xi32>
    %select_n3A_3981 = arith.select %gt3A_3976, %broadcast_in_dim3A_3979, %broadcast_in_dim3A_3980 : vector<16xi1>, vector<16xi32>
    %broadcast_in_dim3A_3982 = vector.shape_cast %select_n3A_3981 : vector<16xi32> to vector<16x1xi32>
    %gather3A_3983 = vector.shape_cast %broadcast_in_dim3A_3982 : vector<16x1xi32> to vector<16xi32>
    %gather3A_3984 = tpu.dynamic_gather %select_n3A_22[%gather3A_3983] in [0] : vector<16xf32>, vector<16xi32> -> vector<16xf32>
    %le3A_3985 = arith.constant 5.000000e-01 : f32
    %le3A_3986 = vector.broadcast %le3A_3985 : f32 to vector<16xf32>
    %le3A_3987 = arith.cmpf ole, %gather3A_3984, %le3A_3986 : vector<16xf32>
    %jit3A_3988 = arith.constant 1.000000e+01 : f32
    %broadcast_in_dim3A_3989 = vector.broadcast %jit3A_3988 : f32 to vector<16xf32>
    %select_n3A_3990 = arith.select %le3A_3987, %broadcast_in_dim3A_3989, %gather3A_3984 : vector<16xi1>, vector<16xf32>
    %gt3A_3991 = arith.constant 5.000000e-01 : f32
    %gt3A_3992 = vector.broadcast %gt3A_3991 : f32 to vector<16xf32>
    %gt3A_3993 = arith.cmpf ogt, %select_n3A_3990, %gt3A_3992 : vector<16xf32>
    %jit3A_3994 = arith.constant 1.000000e+00 : f32
    %broadcast_in_dim3A_3995 = vector.broadcast %jit3A_3994 : f32 to vector<16xf32>
    %select_n3A_3996 = arith.select %gt3A_3993, %broadcast_in_dim3A_3995, %select_n3A_3990 : vector<16xi1>, vector<16xf32>
    %swap3A_3997 = arith.constant 768 : index
    %swap3A_3998 = tpu.vector_load %arg6[%swap3A_3997] {strides = array<i32>} : memref<1024xf32, #tpu.memory_space<vmem>>, vector<16xf32>,
    %swap3A_3999 = vector.shape_cast %swap3A_3998 : vector<16xf32> to vector<16xf32>
    %swap3A_4000 = vector.shape_cast %select_n3A_3996 : vector<16xf32> to vector<16xf32>
    tpu.vector_store %arg6[%swap3A_3997], %swap3A_4000 {strides = array<i32>} : memref<1024xf32, #tpu.memory_space<vmem>>, vector<16xf32>,
    %get3A_4001 = arith.constant 784 : index
    %get3A_4002 = tpu.vector_load %arg5[%get3A_4001] {strides = array<i32>} : memref<1024xf32, #tpu.memory_space<vmem>>, vector<16xf32>,
    %get3A_4003 = vector.shape_cast %get3A_4002 : vector<16xf32> to vector<16xf32>
    %mul3A_4004 = vector.broadcast %squeeze3A : f32 to vector<16xf32>
    %mul3A_4005 = arith.mulf %get3A_4003, %mul3A_4004 : vector<16xf32>
    %add3A_4006 = vector.broadcast %squeeze3A_26 : f32 to vector<16xf32>
    %add3A_4007 = arith.addf %mul3A_4005, %add3A_4006 : vector<16xf32>
    %neg3A_4008 = arith.constant 0.000000e+00 : f32
    %neg3A_4009 = vector.broadcast %neg3A_4008 : f32 to vector<16xf32>
    %neg3A_4010 = arith.subf %neg3A_4009, %add3A_4007 : vector<16xf32>
    %exp3A_4011 = math.exp %neg3A_4010 : vector<16xf32>
    %add3A_4012 = arith.constant 1.000000e+00 : f32
    %add3A_4013 = vector.broadcast %add3A_4012 : f32 to vector<16xf32>
    %add3A_4014 = arith.addf %add3A_4013, %exp3A_4011 : vector<16xf32>
    %div3A_4015 = arith.constant 1.000000e+00 : f32
    %div3A_4016 = vector.broadcast %div3A_4015 : f32 to vector<16xf32>
    %div3A_4017 = arith.divf %div3A_4016, %add3A_4014 : vector<16xf32>
    %sub3A_4018 = arith.constant 1.000000e+00 : f32
    %sub3A_4019 = vector.broadcast %sub3A_4018 : f32 to vector<16xf32>
    %sub3A_4020 = arith.subf %sub3A_4019, %div3A_4017 : vector<16xf32>
    %add3A_4021 = arith.constant 784 : i32
    %add3A_4022 = arith.addi %mul3A_0, %add3A_4021 : i32
    %add3A_4023 = vector.broadcast %add3A_4022 : i32 to vector<16xi32>
    %add3A_4024 = arith.addi %add3A_4023, %iota3A : vector<16xi32>
    %mul3A_4025 = arith.constant -1640531527 : i32
    %mul3A_4026 = vector.broadcast %mul3A_4025 : i32 to vector<16xi32>
    %mul3A_4027 = arith.muli %add3A_4024, %mul3A_4026 : vector<16xi32>
    %shift_right_logical3A_4028 = arith.constant 15 : i32
    %shift_right_logical3A_4029 = vector.broadcast %shift_right_logical3A_4028 : i32 to vector<16xi32>
    %shift_right_logical3A_4030 = arith.shrui %mul3A_4027, %shift_right_logical3A_4029 : vector<16xi32>
    %xor3A_4031 = arith.xori %mul3A_4027, %shift_right_logical3A_4030 : vector<16xi32>
    %mul3A_4032 = arith.constant -2048144789 : i32
    %mul3A_4033 = vector.broadcast %mul3A_4032 : i32 to vector<16xi32>
    %mul3A_4034 = arith.muli %xor3A_4031, %mul3A_4033 : vector<16xi32>
    %shift_right_logical3A_4035 = arith.constant 13 : i32
    %shift_right_logical3A_4036 = vector.broadcast %shift_right_logical3A_4035 : i32 to vector<16xi32>
    %shift_right_logical3A_4037 = arith.shrui %mul3A_4034, %shift_right_logical3A_4036 : vector<16xi32>
    %xor3A_4038 = arith.xori %mul3A_4034, %shift_right_logical3A_4037 : vector<16xi32>
    %and3A_4039 = arith.constant 8388607 : i32
    %and3A_4040 = vector.broadcast %and3A_4039 : i32 to vector<16xi32>
    %and3A_4041 = arith.andi %xor3A_4038, %and3A_4040 : vector<16xi32>
    %convert_element_type3A_4042 = arith.sitofp %and3A_4041 : vector<16xi32> to vector<16xf32>
    %mul3A_4043 = arith.constant 1.1920929E-7 : f32
    %mul3A_4044 = vector.broadcast %mul3A_4043 : f32 to vector<16xf32>
    %mul3A_4045 = arith.mulf %convert_element_type3A_4042, %mul3A_4044 : vector<16xf32>
    %add3A_4046 = arith.constant 9.99999996E-13 : f32
    %add3A_4047 = vector.broadcast %add3A_4046 : f32 to vector<16xf32>
    %add3A_4048 = arith.addf %sub3A_4020, %add3A_4047 : vector<16xf32>
    %sub3A_4049 = arith.constant 1.000000e+00 : f32
    %sub3A_4050 = vector.broadcast %sub3A_4049 : f32 to vector<16xf32>
    %sub3A_4051 = arith.subf %sub3A_4050, %mul3A_4045 : vector<16xf32>
    %mul3A_4052 = arith.mulf %add3A_4048, %sub3A_4051 : vector<16xf32>
    %add3A_4053 = arith.constant 9.99999996E-13 : f32
    %add3A_4054 = vector.broadcast %add3A_4053 : f32 to vector<16xf32>
    %add3A_4055 = arith.addf %div3A_4017, %add3A_4054 : vector<16xf32>
    %mul3A_4056 = arith.mulf %add3A_4055, %mul3A_4045 : vector<16xf32>
    %gt3A_4057 = arith.cmpf ogt, %mul3A_4052, %mul3A_4056 : vector<16xf32>
    %jit3A_4058 = arith.constant 1 : i32
    %jit3A_4059 = arith.constant 0 : i32
    %broadcast_in_dim3A_4060 = vector.broadcast %jit3A_4058 : i32 to vector<16xi32>
    %broadcast_in_dim3A_4061 = vector.broadcast %jit3A_4059 : i32 to vector<16xi32>
    %select_n3A_4062 = arith.select %gt3A_4057, %broadcast_in_dim3A_4060, %broadcast_in_dim3A_4061 : vector<16xi1>, vector<16xi32>
    %broadcast_in_dim3A_4063 = vector.shape_cast %select_n3A_4062 : vector<16xi32> to vector<16x1xi32>
    %gather3A_4064 = vector.shape_cast %broadcast_in_dim3A_4063 : vector<16x1xi32> to vector<16xi32>
    %gather3A_4065 = tpu.dynamic_gather %select_n3A_22[%gather3A_4064] in [0] : vector<16xf32>, vector<16xi32> -> vector<16xf32>
    %le3A_4066 = arith.constant 5.000000e-01 : f32
    %le3A_4067 = vector.broadcast %le3A_4066 : f32 to vector<16xf32>
    %le3A_4068 = arith.cmpf ole, %gather3A_4065, %le3A_4067 : vector<16xf32>
    %jit3A_4069 = arith.constant 1.000000e+01 : f32
    %broadcast_in_dim3A_4070 = vector.broadcast %jit3A_4069 : f32 to vector<16xf32>
    %select_n3A_4071 = arith.select %le3A_4068, %broadcast_in_dim3A_4070, %gather3A_4065 : vector<16xi1>, vector<16xf32>
    %gt3A_4072 = arith.constant 5.000000e-01 : f32
    %gt3A_4073 = vector.broadcast %gt3A_4072 : f32 to vector<16xf32>
    %gt3A_4074 = arith.cmpf ogt, %select_n3A_4071, %gt3A_4073 : vector<16xf32>
    %jit3A_4075 = arith.constant 1.000000e+00 : f32
    %broadcast_in_dim3A_4076 = vector.broadcast %jit3A_4075 : f32 to vector<16xf32>
    %select_n3A_4077 = arith.select %gt3A_4074, %broadcast_in_dim3A_4076, %select_n3A_4071 : vector<16xi1>, vector<16xf32>
    %swap3A_4078 = arith.constant 784 : index
    %swap3A_4079 = tpu.vector_load %arg6[%swap3A_4078] {strides = array<i32>} : memref<1024xf32, #tpu.memory_space<vmem>>, vector<16xf32>,
    %swap3A_4080 = vector.shape_cast %swap3A_4079 : vector<16xf32> to vector<16xf32>
    %swap3A_4081 = vector.shape_cast %select_n3A_4077 : vector<16xf32> to vector<16xf32>
    tpu.vector_store %arg6[%swap3A_4078], %swap3A_4081 {strides = array<i32>} : memref<1024xf32, #tpu.memory_space<vmem>>, vector<16xf32>,
    %get3A_4082 = arith.constant 800 : index
    %get3A_4083 = tpu.vector_load %arg5[%get3A_4082] {strides = array<i32>} : memref<1024xf32, #tpu.memory_space<vmem>>, vector<16xf32>,
    %get3A_4084 = vector.shape_cast %get3A_4083 : vector<16xf32> to vector<16xf32>
    %mul3A_4085 = vector.broadcast %squeeze3A : f32 to vector<16xf32>
    %mul3A_4086 = arith.mulf %get3A_4084, %mul3A_4085 : vector<16xf32>
    %add3A_4087 = vector.broadcast %squeeze3A_26 : f32 to vector<16xf32>
    %add3A_4088 = arith.addf %mul3A_4086, %add3A_4087 : vector<16xf32>
    %neg3A_4089 = arith.constant 0.000000e+00 : f32
    %neg3A_4090 = vector.broadcast %neg3A_4089 : f32 to vector<16xf32>
    %neg3A_4091 = arith.subf %neg3A_4090, %add3A_4088 : vector<16xf32>
    %exp3A_4092 = math.exp %neg3A_4091 : vector<16xf32>
    %add3A_4093 = arith.constant 1.000000e+00 : f32
    %add3A_4094 = vector.broadcast %add3A_4093 : f32 to vector<16xf32>
    %add3A_4095 = arith.addf %add3A_4094, %exp3A_4092 : vector<16xf32>
    %div3A_4096 = arith.constant 1.000000e+00 : f32
    %div3A_4097 = vector.broadcast %div3A_4096 : f32 to vector<16xf32>
    %div3A_4098 = arith.divf %div3A_4097, %add3A_4095 : vector<16xf32>
    %sub3A_4099 = arith.constant 1.000000e+00 : f32
    %sub3A_4100 = vector.broadcast %sub3A_4099 : f32 to vector<16xf32>
    %sub3A_4101 = arith.subf %sub3A_4100, %div3A_4098 : vector<16xf32>
    %add3A_4102 = arith.constant 800 : i32
    %add3A_4103 = arith.addi %mul3A_0, %add3A_4102 : i32
    %add3A_4104 = vector.broadcast %add3A_4103 : i32 to vector<16xi32>
    %add3A_4105 = arith.addi %add3A_4104, %iota3A : vector<16xi32>
    %mul3A_4106 = arith.constant -1640531527 : i32
    %mul3A_4107 = vector.broadcast %mul3A_4106 : i32 to vector<16xi32>
    %mul3A_4108 = arith.muli %add3A_4105, %mul3A_4107 : vector<16xi32>
    %shift_right_logical3A_4109 = arith.constant 15 : i32
    %shift_right_logical3A_4110 = vector.broadcast %shift_right_logical3A_4109 : i32 to vector<16xi32>
    %shift_right_logical3A_4111 = arith.shrui %mul3A_4108, %shift_right_logical3A_4110 : vector<16xi32>
    %xor3A_4112 = arith.xori %mul3A_4108, %shift_right_logical3A_4111 : vector<16xi32>
    %mul3A_4113 = arith.constant -2048144789 : i32
    %mul3A_4114 = vector.broadcast %mul3A_4113 : i32 to vector<16xi32>
    %mul3A_4115 = arith.muli %xor3A_4112, %mul3A_4114 : vector<16xi32>
    %shift_right_logical3A_4116 = arith.constant 13 : i32
    %shift_right_logical3A_4117 = vector.broadcast %shift_right_logical3A_4116 : i32 to vector<16xi32>
    %shift_right_logical3A_4118 = arith.shrui %mul3A_4115, %shift_right_logical3A_4117 : vector<16xi32>
    %xor3A_4119 = arith.xori %mul3A_4115, %shift_right_logical3A_4118 : vector<16xi32>
    %and3A_4120 = arith.constant 8388607 : i32
    %and3A_4121 = vector.broadcast %and3A_4120 : i32 to vector<16xi32>
    %and3A_4122 = arith.andi %xor3A_4119, %and3A_4121 : vector<16xi32>
    %convert_element_type3A_4123 = arith.sitofp %and3A_4122 : vector<16xi32> to vector<16xf32>
    %mul3A_4124 = arith.constant 1.1920929E-7 : f32
    %mul3A_4125 = vector.broadcast %mul3A_4124 : f32 to vector<16xf32>
    %mul3A_4126 = arith.mulf %convert_element_type3A_4123, %mul3A_4125 : vector<16xf32>
    %add3A_4127 = arith.constant 9.99999996E-13 : f32
    %add3A_4128 = vector.broadcast %add3A_4127 : f32 to vector<16xf32>
    %add3A_4129 = arith.addf %sub3A_4101, %add3A_4128 : vector<16xf32>
    %sub3A_4130 = arith.constant 1.000000e+00 : f32
    %sub3A_4131 = vector.broadcast %sub3A_4130 : f32 to vector<16xf32>
    %sub3A_4132 = arith.subf %sub3A_4131, %mul3A_4126 : vector<16xf32>
    %mul3A_4133 = arith.mulf %add3A_4129, %sub3A_4132 : vector<16xf32>
    %add3A_4134 = arith.constant 9.99999996E-13 : f32
    %add3A_4135 = vector.broadcast %add3A_4134 : f32 to vector<16xf32>
    %add3A_4136 = arith.addf %div3A_4098, %add3A_4135 : vector<16xf32>
    %mul3A_4137 = arith.mulf %add3A_4136, %mul3A_4126 : vector<16xf32>
    %gt3A_4138 = arith.cmpf ogt, %mul3A_4133, %mul3A_4137 : vector<16xf32>
    %jit3A_4139 = arith.constant 1 : i32
    %jit3A_4140 = arith.constant 0 : i32
    %broadcast_in_dim3A_4141 = vector.broadcast %jit3A_4139 : i32 to vector<16xi32>
    %broadcast_in_dim3A_4142 = vector.broadcast %jit3A_4140 : i32 to vector<16xi32>
    %select_n3A_4143 = arith.select %gt3A_4138, %broadcast_in_dim3A_4141, %broadcast_in_dim3A_4142 : vector<16xi1>, vector<16xi32>
    %broadcast_in_dim3A_4144 = vector.shape_cast %select_n3A_4143 : vector<16xi32> to vector<16x1xi32>
    %gather3A_4145 = vector.shape_cast %broadcast_in_dim3A_4144 : vector<16x1xi32> to vector<16xi32>
    %gather3A_4146 = tpu.dynamic_gather %select_n3A_22[%gather3A_4145] in [0] : vector<16xf32>, vector<16xi32> -> vector<16xf32>
    %le3A_4147 = arith.constant 5.000000e-01 : f32
    %le3A_4148 = vector.broadcast %le3A_4147 : f32 to vector<16xf32>
    %le3A_4149 = arith.cmpf ole, %gather3A_4146, %le3A_4148 : vector<16xf32>
    %jit3A_4150 = arith.constant 1.000000e+01 : f32
    %broadcast_in_dim3A_4151 = vector.broadcast %jit3A_4150 : f32 to vector<16xf32>
    %select_n3A_4152 = arith.select %le3A_4149, %broadcast_in_dim3A_4151, %gather3A_4146 : vector<16xi1>, vector<16xf32>
    %gt3A_4153 = arith.constant 5.000000e-01 : f32
    %gt3A_4154 = vector.broadcast %gt3A_4153 : f32 to vector<16xf32>
    %gt3A_4155 = arith.cmpf ogt, %select_n3A_4152, %gt3A_4154 : vector<16xf32>
    %jit3A_4156 = arith.constant 1.000000e+00 : f32
    %broadcast_in_dim3A_4157 = vector.broadcast %jit3A_4156 : f32 to vector<16xf32>
    %select_n3A_4158 = arith.select %gt3A_4155, %broadcast_in_dim3A_4157, %select_n3A_4152 : vector<16xi1>, vector<16xf32>
    %swap3A_4159 = arith.constant 800 : index
    %swap3A_4160 = tpu.vector_load %arg6[%swap3A_4159] {strides = array<i32>} : memref<1024xf32, #tpu.memory_space<vmem>>, vector<16xf32>,
    %swap3A_4161 = vector.shape_cast %swap3A_4160 : vector<16xf32> to vector<16xf32>
    %swap3A_4162 = vector.shape_cast %select_n3A_4158 : vector<16xf32> to vector<16xf32>
    tpu.vector_store %arg6[%swap3A_4159], %swap3A_4162 {strides = array<i32>} : memref<1024xf32, #tpu.memory_space<vmem>>, vector<16xf32>,
    %get3A_4163 = arith.constant 816 : index
    %get3A_4164 = tpu.vector_load %arg5[%get3A_4163] {strides = array<i32>} : memref<1024xf32, #tpu.memory_space<vmem>>, vector<16xf32>,
    %get3A_4165 = vector.shape_cast %get3A_4164 : vector<16xf32> to vector<16xf32>
    %mul3A_4166 = vector.broadcast %squeeze3A : f32 to vector<16xf32>
    %mul3A_4167 = arith.mulf %get3A_4165, %mul3A_4166 : vector<16xf32>
    %add3A_4168 = vector.broadcast %squeeze3A_26 : f32 to vector<16xf32>
    %add3A_4169 = arith.addf %mul3A_4167, %add3A_4168 : vector<16xf32>
    %neg3A_4170 = arith.constant 0.000000e+00 : f32
    %neg3A_4171 = vector.broadcast %neg3A_4170 : f32 to vector<16xf32>
    %neg3A_4172 = arith.subf %neg3A_4171, %add3A_4169 : vector<16xf32>
    %exp3A_4173 = math.exp %neg3A_4172 : vector<16xf32>
    %add3A_4174 = arith.constant 1.000000e+00 : f32
    %add3A_4175 = vector.broadcast %add3A_4174 : f32 to vector<16xf32>
    %add3A_4176 = arith.addf %add3A_4175, %exp3A_4173 : vector<16xf32>
    %div3A_4177 = arith.constant 1.000000e+00 : f32
    %div3A_4178 = vector.broadcast %div3A_4177 : f32 to vector<16xf32>
    %div3A_4179 = arith.divf %div3A_4178, %add3A_4176 : vector<16xf32>
    %sub3A_4180 = arith.constant 1.000000e+00 : f32
    %sub3A_4181 = vector.broadcast %sub3A_4180 : f32 to vector<16xf32>
    %sub3A_4182 = arith.subf %sub3A_4181, %div3A_4179 : vector<16xf32>
    %add3A_4183 = arith.constant 816 : i32
    %add3A_4184 = arith.addi %mul3A_0, %add3A_4183 : i32
    %add3A_4185 = vector.broadcast %add3A_4184 : i32 to vector<16xi32>
    %add3A_4186 = arith.addi %add3A_4185, %iota3A : vector<16xi32>
    %mul3A_4187 = arith.constant -1640531527 : i32
    %mul3A_4188 = vector.broadcast %mul3A_4187 : i32 to vector<16xi32>
    %mul3A_4189 = arith.muli %add3A_4186, %mul3A_4188 : vector<16xi32>
    %shift_right_logical3A_4190 = arith.constant 15 : i32
    %shift_right_logical3A_4191 = vector.broadcast %shift_right_logical3A_4190 : i32 to vector<16xi32>
    %shift_right_logical3A_4192 = arith.shrui %mul3A_4189, %shift_right_logical3A_4191 : vector<16xi32>
    %xor3A_4193 = arith.xori %mul3A_4189, %shift_right_logical3A_4192 : vector<16xi32>
    %mul3A_4194 = arith.constant -2048144789 : i32
    %mul3A_4195 = vector.broadcast %mul3A_4194 : i32 to vector<16xi32>
    %mul3A_4196 = arith.muli %xor3A_4193, %mul3A_4195 : vector<16xi32>
    %shift_right_logical3A_4197 = arith.constant 13 : i32
    %shift_right_logical3A_4198 = vector.broadcast %shift_right_logical3A_4197 : i32 to vector<16xi32>
    %shift_right_logical3A_4199 = arith.shrui %mul3A_4196, %shift_right_logical3A_4198 : vector<16xi32>
    %xor3A_4200 = arith.xori %mul3A_4196, %shift_right_logical3A_4199 : vector<16xi32>
    %and3A_4201 = arith.constant 8388607 : i32
    %and3A_4202 = vector.broadcast %and3A_4201 : i32 to vector<16xi32>
    %and3A_4203 = arith.andi %xor3A_4200, %and3A_4202 : vector<16xi32>
    %convert_element_type3A_4204 = arith.sitofp %and3A_4203 : vector<16xi32> to vector<16xf32>
    %mul3A_4205 = arith.constant 1.1920929E-7 : f32
    %mul3A_4206 = vector.broadcast %mul3A_4205 : f32 to vector<16xf32>
    %mul3A_4207 = arith.mulf %convert_element_type3A_4204, %mul3A_4206 : vector<16xf32>
    %add3A_4208 = arith.constant 9.99999996E-13 : f32
    %add3A_4209 = vector.broadcast %add3A_4208 : f32 to vector<16xf32>
    %add3A_4210 = arith.addf %sub3A_4182, %add3A_4209 : vector<16xf32>
    %sub3A_4211 = arith.constant 1.000000e+00 : f32
    %sub3A_4212 = vector.broadcast %sub3A_4211 : f32 to vector<16xf32>
    %sub3A_4213 = arith.subf %sub3A_4212, %mul3A_4207 : vector<16xf32>
    %mul3A_4214 = arith.mulf %add3A_4210, %sub3A_4213 : vector<16xf32>
    %add3A_4215 = arith.constant 9.99999996E-13 : f32
    %add3A_4216 = vector.broadcast %add3A_4215 : f32 to vector<16xf32>
    %add3A_4217 = arith.addf %div3A_4179, %add3A_4216 : vector<16xf32>
    %mul3A_4218 = arith.mulf %add3A_4217, %mul3A_4207 : vector<16xf32>
    %gt3A_4219 = arith.cmpf ogt, %mul3A_4214, %mul3A_4218 : vector<16xf32>
    %jit3A_4220 = arith.constant 1 : i32
    %jit3A_4221 = arith.constant 0 : i32
    %broadcast_in_dim3A_4222 = vector.broadcast %jit3A_4220 : i32 to vector<16xi32>
    %broadcast_in_dim3A_4223 = vector.broadcast %jit3A_4221 : i32 to vector<16xi32>
    %select_n3A_4224 = arith.select %gt3A_4219, %broadcast_in_dim3A_4222, %broadcast_in_dim3A_4223 : vector<16xi1>, vector<16xi32>
    %broadcast_in_dim3A_4225 = vector.shape_cast %select_n3A_4224 : vector<16xi32> to vector<16x1xi32>
    %gather3A_4226 = vector.shape_cast %broadcast_in_dim3A_4225 : vector<16x1xi32> to vector<16xi32>
    %gather3A_4227 = tpu.dynamic_gather %select_n3A_22[%gather3A_4226] in [0] : vector<16xf32>, vector<16xi32> -> vector<16xf32>
    %le3A_4228 = arith.constant 5.000000e-01 : f32
    %le3A_4229 = vector.broadcast %le3A_4228 : f32 to vector<16xf32>
    %le3A_4230 = arith.cmpf ole, %gather3A_4227, %le3A_4229 : vector<16xf32>
    %jit3A_4231 = arith.constant 1.000000e+01 : f32
    %broadcast_in_dim3A_4232 = vector.broadcast %jit3A_4231 : f32 to vector<16xf32>
    %select_n3A_4233 = arith.select %le3A_4230, %broadcast_in_dim3A_4232, %gather3A_4227 : vector<16xi1>, vector<16xf32>
    %gt3A_4234 = arith.constant 5.000000e-01 : f32
    %gt3A_4235 = vector.broadcast %gt3A_4234 : f32 to vector<16xf32>
    %gt3A_4236 = arith.cmpf ogt, %select_n3A_4233, %gt3A_4235 : vector<16xf32>
    %jit3A_4237 = arith.constant 1.000000e+00 : f32
    %broadcast_in_dim3A_4238 = vector.broadcast %jit3A_4237 : f32 to vector<16xf32>
    %select_n3A_4239 = arith.select %gt3A_4236, %broadcast_in_dim3A_4238, %select_n3A_4233 : vector<16xi1>, vector<16xf32>
    %swap3A_4240 = arith.constant 816 : index
    %swap3A_4241 = tpu.vector_load %arg6[%swap3A_4240] {strides = array<i32>} : memref<1024xf32, #tpu.memory_space<vmem>>, vector<16xf32>,
    %swap3A_4242 = vector.shape_cast %swap3A_4241 : vector<16xf32> to vector<16xf32>
    %swap3A_4243 = vector.shape_cast %select_n3A_4239 : vector<16xf32> to vector<16xf32>
    tpu.vector_store %arg6[%swap3A_4240], %swap3A_4243 {strides = array<i32>} : memref<1024xf32, #tpu.memory_space<vmem>>, vector<16xf32>,
    %get3A_4244 = arith.constant 832 : index
    %get3A_4245 = tpu.vector_load %arg5[%get3A_4244] {strides = array<i32>} : memref<1024xf32, #tpu.memory_space<vmem>>, vector<16xf32>,
    %get3A_4246 = vector.shape_cast %get3A_4245 : vector<16xf32> to vector<16xf32>
    %mul3A_4247 = vector.broadcast %squeeze3A : f32 to vector<16xf32>
    %mul3A_4248 = arith.mulf %get3A_4246, %mul3A_4247 : vector<16xf32>
    %add3A_4249 = vector.broadcast %squeeze3A_26 : f32 to vector<16xf32>
    %add3A_4250 = arith.addf %mul3A_4248, %add3A_4249 : vector<16xf32>
    %neg3A_4251 = arith.constant 0.000000e+00 : f32
    %neg3A_4252 = vector.broadcast %neg3A_4251 : f32 to vector<16xf32>
    %neg3A_4253 = arith.subf %neg3A_4252, %add3A_4250 : vector<16xf32>
    %exp3A_4254 = math.exp %neg3A_4253 : vector<16xf32>
    %add3A_4255 = arith.constant 1.000000e+00 : f32
    %add3A_4256 = vector.broadcast %add3A_4255 : f32 to vector<16xf32>
    %add3A_4257 = arith.addf %add3A_4256, %exp3A_4254 : vector<16xf32>
    %div3A_4258 = arith.constant 1.000000e+00 : f32
    %div3A_4259 = vector.broadcast %div3A_4258 : f32 to vector<16xf32>
    %div3A_4260 = arith.divf %div3A_4259, %add3A_4257 : vector<16xf32>
    %sub3A_4261 = arith.constant 1.000000e+00 : f32
    %sub3A_4262 = vector.broadcast %sub3A_4261 : f32 to vector<16xf32>
    %sub3A_4263 = arith.subf %sub3A_4262, %div3A_4260 : vector<16xf32>
    %add3A_4264 = arith.constant 832 : i32
    %add3A_4265 = arith.addi %mul3A_0, %add3A_4264 : i32
    %add3A_4266 = vector.broadcast %add3A_4265 : i32 to vector<16xi32>
    %add3A_4267 = arith.addi %add3A_4266, %iota3A : vector<16xi32>
    %mul3A_4268 = arith.constant -1640531527 : i32
    %mul3A_4269 = vector.broadcast %mul3A_4268 : i32 to vector<16xi32>
    %mul3A_4270 = arith.muli %add3A_4267, %mul3A_4269 : vector<16xi32>
    %shift_right_logical3A_4271 = arith.constant 15 : i32
    %shift_right_logical3A_4272 = vector.broadcast %shift_right_logical3A_4271 : i32 to vector<16xi32>
    %shift_right_logical3A_4273 = arith.shrui %mul3A_4270, %shift_right_logical3A_4272 : vector<16xi32>
    %xor3A_4274 = arith.xori %mul3A_4270, %shift_right_logical3A_4273 : vector<16xi32>
    %mul3A_4275 = arith.constant -2048144789 : i32
    %mul3A_4276 = vector.broadcast %mul3A_4275 : i32 to vector<16xi32>
    %mul3A_4277 = arith.muli %xor3A_4274, %mul3A_4276 : vector<16xi32>
    %shift_right_logical3A_4278 = arith.constant 13 : i32
    %shift_right_logical3A_4279 = vector.broadcast %shift_right_logical3A_4278 : i32 to vector<16xi32>
    %shift_right_logical3A_4280 = arith.shrui %mul3A_4277, %shift_right_logical3A_4279 : vector<16xi32>
    %xor3A_4281 = arith.xori %mul3A_4277, %shift_right_logical3A_4280 : vector<16xi32>
    %and3A_4282 = arith.constant 8388607 : i32
    %and3A_4283 = vector.broadcast %and3A_4282 : i32 to vector<16xi32>
    %and3A_4284 = arith.andi %xor3A_4281, %and3A_4283 : vector<16xi32>
    %convert_element_type3A_4285 = arith.sitofp %and3A_4284 : vector<16xi32> to vector<16xf32>
    %mul3A_4286 = arith.constant 1.1920929E-7 : f32
    %mul3A_4287 = vector.broadcast %mul3A_4286 : f32 to vector<16xf32>
    %mul3A_4288 = arith.mulf %convert_element_type3A_4285, %mul3A_4287 : vector<16xf32>
    %add3A_4289 = arith.constant 9.99999996E-13 : f32
    %add3A_4290 = vector.broadcast %add3A_4289 : f32 to vector<16xf32>
    %add3A_4291 = arith.addf %sub3A_4263, %add3A_4290 : vector<16xf32>
    %sub3A_4292 = arith.constant 1.000000e+00 : f32
    %sub3A_4293 = vector.broadcast %sub3A_4292 : f32 to vector<16xf32>
    %sub3A_4294 = arith.subf %sub3A_4293, %mul3A_4288 : vector<16xf32>
    %mul3A_4295 = arith.mulf %add3A_4291, %sub3A_4294 : vector<16xf32>
    %add3A_4296 = arith.constant 9.99999996E-13 : f32
    %add3A_4297 = vector.broadcast %add3A_4296 : f32 to vector<16xf32>
    %add3A_4298 = arith.addf %div3A_4260, %add3A_4297 : vector<16xf32>
    %mul3A_4299 = arith.mulf %add3A_4298, %mul3A_4288 : vector<16xf32>
    %gt3A_4300 = arith.cmpf ogt, %mul3A_4295, %mul3A_4299 : vector<16xf32>
    %jit3A_4301 = arith.constant 1 : i32
    %jit3A_4302 = arith.constant 0 : i32
    %broadcast_in_dim3A_4303 = vector.broadcast %jit3A_4301 : i32 to vector<16xi32>
    %broadcast_in_dim3A_4304 = vector.broadcast %jit3A_4302 : i32 to vector<16xi32>
    %select_n3A_4305 = arith.select %gt3A_4300, %broadcast_in_dim3A_4303, %broadcast_in_dim3A_4304 : vector<16xi1>, vector<16xi32>
    %broadcast_in_dim3A_4306 = vector.shape_cast %select_n3A_4305 : vector<16xi32> to vector<16x1xi32>
    %gather3A_4307 = vector.shape_cast %broadcast_in_dim3A_4306 : vector<16x1xi32> to vector<16xi32>
    %gather3A_4308 = tpu.dynamic_gather %select_n3A_22[%gather3A_4307] in [0] : vector<16xf32>, vector<16xi32> -> vector<16xf32>
    %le3A_4309 = arith.constant 5.000000e-01 : f32
    %le3A_4310 = vector.broadcast %le3A_4309 : f32 to vector<16xf32>
    %le3A_4311 = arith.cmpf ole, %gather3A_4308, %le3A_4310 : vector<16xf32>
    %jit3A_4312 = arith.constant 1.000000e+01 : f32
    %broadcast_in_dim3A_4313 = vector.broadcast %jit3A_4312 : f32 to vector<16xf32>
    %select_n3A_4314 = arith.select %le3A_4311, %broadcast_in_dim3A_4313, %gather3A_4308 : vector<16xi1>, vector<16xf32>
    %gt3A_4315 = arith.constant 5.000000e-01 : f32
    %gt3A_4316 = vector.broadcast %gt3A_4315 : f32 to vector<16xf32>
    %gt3A_4317 = arith.cmpf ogt, %select_n3A_4314, %gt3A_4316 : vector<16xf32>
    %jit3A_4318 = arith.constant 1.000000e+00 : f32
    %broadcast_in_dim3A_4319 = vector.broadcast %jit3A_4318 : f32 to vector<16xf32>
    %select_n3A_4320 = arith.select %gt3A_4317, %broadcast_in_dim3A_4319, %select_n3A_4314 : vector<16xi1>, vector<16xf32>
    %swap3A_4321 = arith.constant 832 : index
    %swap3A_4322 = tpu.vector_load %arg6[%swap3A_4321] {strides = array<i32>} : memref<1024xf32, #tpu.memory_space<vmem>>, vector<16xf32>,
    %swap3A_4323 = vector.shape_cast %swap3A_4322 : vector<16xf32> to vector<16xf32>
    %swap3A_4324 = vector.shape_cast %select_n3A_4320 : vector<16xf32> to vector<16xf32>
    tpu.vector_store %arg6[%swap3A_4321], %swap3A_4324 {strides = array<i32>} : memref<1024xf32, #tpu.memory_space<vmem>>, vector<16xf32>,
    %get3A_4325 = arith.constant 848 : index
    %get3A_4326 = tpu.vector_load %arg5[%get3A_4325] {strides = array<i32>} : memref<1024xf32, #tpu.memory_space<vmem>>, vector<16xf32>,
    %get3A_4327 = vector.shape_cast %get3A_4326 : vector<16xf32> to vector<16xf32>
    %mul3A_4328 = vector.broadcast %squeeze3A : f32 to vector<16xf32>
    %mul3A_4329 = arith.mulf %get3A_4327, %mul3A_4328 : vector<16xf32>
    %add3A_4330 = vector.broadcast %squeeze3A_26 : f32 to vector<16xf32>
    %add3A_4331 = arith.addf %mul3A_4329, %add3A_4330 : vector<16xf32>
    %neg3A_4332 = arith.constant 0.000000e+00 : f32
    %neg3A_4333 = vector.broadcast %neg3A_4332 : f32 to vector<16xf32>
    %neg3A_4334 = arith.subf %neg3A_4333, %add3A_4331 : vector<16xf32>
    %exp3A_4335 = math.exp %neg3A_4334 : vector<16xf32>
    %add3A_4336 = arith.constant 1.000000e+00 : f32
    %add3A_4337 = vector.broadcast %add3A_4336 : f32 to vector<16xf32>
    %add3A_4338 = arith.addf %add3A_4337, %exp3A_4335 : vector<16xf32>
    %div3A_4339 = arith.constant 1.000000e+00 : f32
    %div3A_4340 = vector.broadcast %div3A_4339 : f32 to vector<16xf32>
    %div3A_4341 = arith.divf %div3A_4340, %add3A_4338 : vector<16xf32>
    %sub3A_4342 = arith.constant 1.000000e+00 : f32
    %sub3A_4343 = vector.broadcast %sub3A_4342 : f32 to vector<16xf32>
    %sub3A_4344 = arith.subf %sub3A_4343, %div3A_4341 : vector<16xf32>
    %add3A_4345 = arith.constant 848 : i32
    %add3A_4346 = arith.addi %mul3A_0, %add3A_4345 : i32
    %add3A_4347 = vector.broadcast %add3A_4346 : i32 to vector<16xi32>
    %add3A_4348 = arith.addi %add3A_4347, %iota3A : vector<16xi32>
    %mul3A_4349 = arith.constant -1640531527 : i32
    %mul3A_4350 = vector.broadcast %mul3A_4349 : i32 to vector<16xi32>
    %mul3A_4351 = arith.muli %add3A_4348, %mul3A_4350 : vector<16xi32>
    %shift_right_logical3A_4352 = arith.constant 15 : i32
    %shift_right_logical3A_4353 = vector.broadcast %shift_right_logical3A_4352 : i32 to vector<16xi32>
    %shift_right_logical3A_4354 = arith.shrui %mul3A_4351, %shift_right_logical3A_4353 : vector<16xi32>
    %xor3A_4355 = arith.xori %mul3A_4351, %shift_right_logical3A_4354 : vector<16xi32>
    %mul3A_4356 = arith.constant -2048144789 : i32
    %mul3A_4357 = vector.broadcast %mul3A_4356 : i32 to vector<16xi32>
    %mul3A_4358 = arith.muli %xor3A_4355, %mul3A_4357 : vector<16xi32>
    %shift_right_logical3A_4359 = arith.constant 13 : i32
    %shift_right_logical3A_4360 = vector.broadcast %shift_right_logical3A_4359 : i32 to vector<16xi32>
    %shift_right_logical3A_4361 = arith.shrui %mul3A_4358, %shift_right_logical3A_4360 : vector<16xi32>
    %xor3A_4362 = arith.xori %mul3A_4358, %shift_right_logical3A_4361 : vector<16xi32>
    %and3A_4363 = arith.constant 8388607 : i32
    %and3A_4364 = vector.broadcast %and3A_4363 : i32 to vector<16xi32>
    %and3A_4365 = arith.andi %xor3A_4362, %and3A_4364 : vector<16xi32>
    %convert_element_type3A_4366 = arith.sitofp %and3A_4365 : vector<16xi32> to vector<16xf32>
    %mul3A_4367 = arith.constant 1.1920929E-7 : f32
    %mul3A_4368 = vector.broadcast %mul3A_4367 : f32 to vector<16xf32>
    %mul3A_4369 = arith.mulf %convert_element_type3A_4366, %mul3A_4368 : vector<16xf32>
    %add3A_4370 = arith.constant 9.99999996E-13 : f32
    %add3A_4371 = vector.broadcast %add3A_4370 : f32 to vector<16xf32>
    %add3A_4372 = arith.addf %sub3A_4344, %add3A_4371 : vector<16xf32>
    %sub3A_4373 = arith.constant 1.000000e+00 : f32
    %sub3A_4374 = vector.broadcast %sub3A_4373 : f32 to vector<16xf32>
    %sub3A_4375 = arith.subf %sub3A_4374, %mul3A_4369 : vector<16xf32>
    %mul3A_4376 = arith.mulf %add3A_4372, %sub3A_4375 : vector<16xf32>
    %add3A_4377 = arith.constant 9.99999996E-13 : f32
    %add3A_4378 = vector.broadcast %add3A_4377 : f32 to vector<16xf32>
    %add3A_4379 = arith.addf %div3A_4341, %add3A_4378 : vector<16xf32>
    %mul3A_4380 = arith.mulf %add3A_4379, %mul3A_4369 : vector<16xf32>
    %gt3A_4381 = arith.cmpf ogt, %mul3A_4376, %mul3A_4380 : vector<16xf32>
    %jit3A_4382 = arith.constant 1 : i32
    %jit3A_4383 = arith.constant 0 : i32
    %broadcast_in_dim3A_4384 = vector.broadcast %jit3A_4382 : i32 to vector<16xi32>
    %broadcast_in_dim3A_4385 = vector.broadcast %jit3A_4383 : i32 to vector<16xi32>
    %select_n3A_4386 = arith.select %gt3A_4381, %broadcast_in_dim3A_4384, %broadcast_in_dim3A_4385 : vector<16xi1>, vector<16xi32>
    %broadcast_in_dim3A_4387 = vector.shape_cast %select_n3A_4386 : vector<16xi32> to vector<16x1xi32>
    %gather3A_4388 = vector.shape_cast %broadcast_in_dim3A_4387 : vector<16x1xi32> to vector<16xi32>
    %gather3A_4389 = tpu.dynamic_gather %select_n3A_22[%gather3A_4388] in [0] : vector<16xf32>, vector<16xi32> -> vector<16xf32>
    %le3A_4390 = arith.constant 5.000000e-01 : f32
    %le3A_4391 = vector.broadcast %le3A_4390 : f32 to vector<16xf32>
    %le3A_4392 = arith.cmpf ole, %gather3A_4389, %le3A_4391 : vector<16xf32>
    %jit3A_4393 = arith.constant 1.000000e+01 : f32
    %broadcast_in_dim3A_4394 = vector.broadcast %jit3A_4393 : f32 to vector<16xf32>
    %select_n3A_4395 = arith.select %le3A_4392, %broadcast_in_dim3A_4394, %gather3A_4389 : vector<16xi1>, vector<16xf32>
    %gt3A_4396 = arith.constant 5.000000e-01 : f32
    %gt3A_4397 = vector.broadcast %gt3A_4396 : f32 to vector<16xf32>
    %gt3A_4398 = arith.cmpf ogt, %select_n3A_4395, %gt3A_4397 : vector<16xf32>
    %jit3A_4399 = arith.constant 1.000000e+00 : f32
    %broadcast_in_dim3A_4400 = vector.broadcast %jit3A_4399 : f32 to vector<16xf32>
    %select_n3A_4401 = arith.select %gt3A_4398, %broadcast_in_dim3A_4400, %select_n3A_4395 : vector<16xi1>, vector<16xf32>
    %swap3A_4402 = arith.constant 848 : index
    %swap3A_4403 = tpu.vector_load %arg6[%swap3A_4402] {strides = array<i32>} : memref<1024xf32, #tpu.memory_space<vmem>>, vector<16xf32>,
    %swap3A_4404 = vector.shape_cast %swap3A_4403 : vector<16xf32> to vector<16xf32>
    %swap3A_4405 = vector.shape_cast %select_n3A_4401 : vector<16xf32> to vector<16xf32>
    tpu.vector_store %arg6[%swap3A_4402], %swap3A_4405 {strides = array<i32>} : memref<1024xf32, #tpu.memory_space<vmem>>, vector<16xf32>,
    %get3A_4406 = arith.constant 864 : index
    %get3A_4407 = tpu.vector_load %arg5[%get3A_4406] {strides = array<i32>} : memref<1024xf32, #tpu.memory_space<vmem>>, vector<16xf32>,
    %get3A_4408 = vector.shape_cast %get3A_4407 : vector<16xf32> to vector<16xf32>
    %mul3A_4409 = vector.broadcast %squeeze3A : f32 to vector<16xf32>
    %mul3A_4410 = arith.mulf %get3A_4408, %mul3A_4409 : vector<16xf32>
    %add3A_4411 = vector.broadcast %squeeze3A_26 : f32 to vector<16xf32>
    %add3A_4412 = arith.addf %mul3A_4410, %add3A_4411 : vector<16xf32>
    %neg3A_4413 = arith.constant 0.000000e+00 : f32
    %neg3A_4414 = vector.broadcast %neg3A_4413 : f32 to vector<16xf32>
    %neg3A_4415 = arith.subf %neg3A_4414, %add3A_4412 : vector<16xf32>
    %exp3A_4416 = math.exp %neg3A_4415 : vector<16xf32>
    %add3A_4417 = arith.constant 1.000000e+00 : f32
    %add3A_4418 = vector.broadcast %add3A_4417 : f32 to vector<16xf32>
    %add3A_4419 = arith.addf %add3A_4418, %exp3A_4416 : vector<16xf32>
    %div3A_4420 = arith.constant 1.000000e+00 : f32
    %div3A_4421 = vector.broadcast %div3A_4420 : f32 to vector<16xf32>
    %div3A_4422 = arith.divf %div3A_4421, %add3A_4419 : vector<16xf32>
    %sub3A_4423 = arith.constant 1.000000e+00 : f32
    %sub3A_4424 = vector.broadcast %sub3A_4423 : f32 to vector<16xf32>
    %sub3A_4425 = arith.subf %sub3A_4424, %div3A_4422 : vector<16xf32>
    %add3A_4426 = arith.constant 864 : i32
    %add3A_4427 = arith.addi %mul3A_0, %add3A_4426 : i32
    %add3A_4428 = vector.broadcast %add3A_4427 : i32 to vector<16xi32>
    %add3A_4429 = arith.addi %add3A_4428, %iota3A : vector<16xi32>
    %mul3A_4430 = arith.constant -1640531527 : i32
    %mul3A_4431 = vector.broadcast %mul3A_4430 : i32 to vector<16xi32>
    %mul3A_4432 = arith.muli %add3A_4429, %mul3A_4431 : vector<16xi32>
    %shift_right_logical3A_4433 = arith.constant 15 : i32
    %shift_right_logical3A_4434 = vector.broadcast %shift_right_logical3A_4433 : i32 to vector<16xi32>
    %shift_right_logical3A_4435 = arith.shrui %mul3A_4432, %shift_right_logical3A_4434 : vector<16xi32>
    %xor3A_4436 = arith.xori %mul3A_4432, %shift_right_logical3A_4435 : vector<16xi32>
    %mul3A_4437 = arith.constant -2048144789 : i32
    %mul3A_4438 = vector.broadcast %mul3A_4437 : i32 to vector<16xi32>
    %mul3A_4439 = arith.muli %xor3A_4436, %mul3A_4438 : vector<16xi32>
    %shift_right_logical3A_4440 = arith.constant 13 : i32
    %shift_right_logical3A_4441 = vector.broadcast %shift_right_logical3A_4440 : i32 to vector<16xi32>
    %shift_right_logical3A_4442 = arith.shrui %mul3A_4439, %shift_right_logical3A_4441 : vector<16xi32>
    %xor3A_4443 = arith.xori %mul3A_4439, %shift_right_logical3A_4442 : vector<16xi32>
    %and3A_4444 = arith.constant 8388607 : i32
    %and3A_4445 = vector.broadcast %and3A_4444 : i32 to vector<16xi32>
    %and3A_4446 = arith.andi %xor3A_4443, %and3A_4445 : vector<16xi32>
    %convert_element_type3A_4447 = arith.sitofp %and3A_4446 : vector<16xi32> to vector<16xf32>
    %mul3A_4448 = arith.constant 1.1920929E-7 : f32
    %mul3A_4449 = vector.broadcast %mul3A_4448 : f32 to vector<16xf32>
    %mul3A_4450 = arith.mulf %convert_element_type3A_4447, %mul3A_4449 : vector<16xf32>
    %add3A_4451 = arith.constant 9.99999996E-13 : f32
    %add3A_4452 = vector.broadcast %add3A_4451 : f32 to vector<16xf32>
    %add3A_4453 = arith.addf %sub3A_4425, %add3A_4452 : vector<16xf32>
    %sub3A_4454 = arith.constant 1.000000e+00 : f32
    %sub3A_4455 = vector.broadcast %sub3A_4454 : f32 to vector<16xf32>
    %sub3A_4456 = arith.subf %sub3A_4455, %mul3A_4450 : vector<16xf32>
    %mul3A_4457 = arith.mulf %add3A_4453, %sub3A_4456 : vector<16xf32>
    %add3A_4458 = arith.constant 9.99999996E-13 : f32
    %add3A_4459 = vector.broadcast %add3A_4458 : f32 to vector<16xf32>
    %add3A_4460 = arith.addf %div3A_4422, %add3A_4459 : vector<16xf32>
    %mul3A_4461 = arith.mulf %add3A_4460, %mul3A_4450 : vector<16xf32>
    %gt3A_4462 = arith.cmpf ogt, %mul3A_4457, %mul3A_4461 : vector<16xf32>
    %jit3A_4463 = arith.constant 1 : i32
    %jit3A_4464 = arith.constant 0 : i32
    %broadcast_in_dim3A_4465 = vector.broadcast %jit3A_4463 : i32 to vector<16xi32>
    %broadcast_in_dim3A_4466 = vector.broadcast %jit3A_4464 : i32 to vector<16xi32>
    %select_n3A_4467 = arith.select %gt3A_4462, %broadcast_in_dim3A_4465, %broadcast_in_dim3A_4466 : vector<16xi1>, vector<16xi32>
    %broadcast_in_dim3A_4468 = vector.shape_cast %select_n3A_4467 : vector<16xi32> to vector<16x1xi32>
    %gather3A_4469 = vector.shape_cast %broadcast_in_dim3A_4468 : vector<16x1xi32> to vector<16xi32>
    %gather3A_4470 = tpu.dynamic_gather %select_n3A_22[%gather3A_4469] in [0] : vector<16xf32>, vector<16xi32> -> vector<16xf32>
    %le3A_4471 = arith.constant 5.000000e-01 : f32
    %le3A_4472 = vector.broadcast %le3A_4471 : f32 to vector<16xf32>
    %le3A_4473 = arith.cmpf ole, %gather3A_4470, %le3A_4472 : vector<16xf32>
    %jit3A_4474 = arith.constant 1.000000e+01 : f32
    %broadcast_in_dim3A_4475 = vector.broadcast %jit3A_4474 : f32 to vector<16xf32>
    %select_n3A_4476 = arith.select %le3A_4473, %broadcast_in_dim3A_4475, %gather3A_4470 : vector<16xi1>, vector<16xf32>
    %gt3A_4477 = arith.constant 5.000000e-01 : f32
    %gt3A_4478 = vector.broadcast %gt3A_4477 : f32 to vector<16xf32>
    %gt3A_4479 = arith.cmpf ogt, %select_n3A_4476, %gt3A_4478 : vector<16xf32>
    %jit3A_4480 = arith.constant 1.000000e+00 : f32
    %broadcast_in_dim3A_4481 = vector.broadcast %jit3A_4480 : f32 to vector<16xf32>
    %select_n3A_4482 = arith.select %gt3A_4479, %broadcast_in_dim3A_4481, %select_n3A_4476 : vector<16xi1>, vector<16xf32>
    %swap3A_4483 = arith.constant 864 : index
    %swap3A_4484 = tpu.vector_load %arg6[%swap3A_4483] {strides = array<i32>} : memref<1024xf32, #tpu.memory_space<vmem>>, vector<16xf32>,
    %swap3A_4485 = vector.shape_cast %swap3A_4484 : vector<16xf32> to vector<16xf32>
    %swap3A_4486 = vector.shape_cast %select_n3A_4482 : vector<16xf32> to vector<16xf32>
    tpu.vector_store %arg6[%swap3A_4483], %swap3A_4486 {strides = array<i32>} : memref<1024xf32, #tpu.memory_space<vmem>>, vector<16xf32>,
    %get3A_4487 = arith.constant 880 : index
    %get3A_4488 = tpu.vector_load %arg5[%get3A_4487] {strides = array<i32>} : memref<1024xf32, #tpu.memory_space<vmem>>, vector<16xf32>,
    %get3A_4489 = vector.shape_cast %get3A_4488 : vector<16xf32> to vector<16xf32>
    %mul3A_4490 = vector.broadcast %squeeze3A : f32 to vector<16xf32>
    %mul3A_4491 = arith.mulf %get3A_4489, %mul3A_4490 : vector<16xf32>
    %add3A_4492 = vector.broadcast %squeeze3A_26 : f32 to vector<16xf32>
    %add3A_4493 = arith.addf %mul3A_4491, %add3A_4492 : vector<16xf32>
    %neg3A_4494 = arith.constant 0.000000e+00 : f32
    %neg3A_4495 = vector.broadcast %neg3A_4494 : f32 to vector<16xf32>
    %neg3A_4496 = arith.subf %neg3A_4495, %add3A_4493 : vector<16xf32>
    %exp3A_4497 = math.exp %neg3A_4496 : vector<16xf32>
    %add3A_4498 = arith.constant 1.000000e+00 : f32
    %add3A_4499 = vector.broadcast %add3A_4498 : f32 to vector<16xf32>
    %add3A_4500 = arith.addf %add3A_4499, %exp3A_4497 : vector<16xf32>
    %div3A_4501 = arith.constant 1.000000e+00 : f32
    %div3A_4502 = vector.broadcast %div3A_4501 : f32 to vector<16xf32>
    %div3A_4503 = arith.divf %div3A_4502, %add3A_4500 : vector<16xf32>
    %sub3A_4504 = arith.constant 1.000000e+00 : f32
    %sub3A_4505 = vector.broadcast %sub3A_4504 : f32 to vector<16xf32>
    %sub3A_4506 = arith.subf %sub3A_4505, %div3A_4503 : vector<16xf32>
    %add3A_4507 = arith.constant 880 : i32
    %add3A_4508 = arith.addi %mul3A_0, %add3A_4507 : i32
    %add3A_4509 = vector.broadcast %add3A_4508 : i32 to vector<16xi32>
    %add3A_4510 = arith.addi %add3A_4509, %iota3A : vector<16xi32>
    %mul3A_4511 = arith.constant -1640531527 : i32
    %mul3A_4512 = vector.broadcast %mul3A_4511 : i32 to vector<16xi32>
    %mul3A_4513 = arith.muli %add3A_4510, %mul3A_4512 : vector<16xi32>
    %shift_right_logical3A_4514 = arith.constant 15 : i32
    %shift_right_logical3A_4515 = vector.broadcast %shift_right_logical3A_4514 : i32 to vector<16xi32>
    %shift_right_logical3A_4516 = arith.shrui %mul3A_4513, %shift_right_logical3A_4515 : vector<16xi32>
    %xor3A_4517 = arith.xori %mul3A_4513, %shift_right_logical3A_4516 : vector<16xi32>
    %mul3A_4518 = arith.constant -2048144789 : i32
    %mul3A_4519 = vector.broadcast %mul3A_4518 : i32 to vector<16xi32>
    %mul3A_4520 = arith.muli %xor3A_4517, %mul3A_4519 : vector<16xi32>
    %shift_right_logical3A_4521 = arith.constant 13 : i32
    %shift_right_logical3A_4522 = vector.broadcast %shift_right_logical3A_4521 : i32 to vector<16xi32>
    %shift_right_logical3A_4523 = arith.shrui %mul3A_4520, %shift_right_logical3A_4522 : vector<16xi32>
    %xor3A_4524 = arith.xori %mul3A_4520, %shift_right_logical3A_4523 : vector<16xi32>
    %and3A_4525 = arith.constant 8388607 : i32
    %and3A_4526 = vector.broadcast %and3A_4525 : i32 to vector<16xi32>
    %and3A_4527 = arith.andi %xor3A_4524, %and3A_4526 : vector<16xi32>
    %convert_element_type3A_4528 = arith.sitofp %and3A_4527 : vector<16xi32> to vector<16xf32>
    %mul3A_4529 = arith.constant 1.1920929E-7 : f32
    %mul3A_4530 = vector.broadcast %mul3A_4529 : f32 to vector<16xf32>
    %mul3A_4531 = arith.mulf %convert_element_type3A_4528, %mul3A_4530 : vector<16xf32>
    %add3A_4532 = arith.constant 9.99999996E-13 : f32
    %add3A_4533 = vector.broadcast %add3A_4532 : f32 to vector<16xf32>
    %add3A_4534 = arith.addf %sub3A_4506, %add3A_4533 : vector<16xf32>
    %sub3A_4535 = arith.constant 1.000000e+00 : f32
    %sub3A_4536 = vector.broadcast %sub3A_4535 : f32 to vector<16xf32>
    %sub3A_4537 = arith.subf %sub3A_4536, %mul3A_4531 : vector<16xf32>
    %mul3A_4538 = arith.mulf %add3A_4534, %sub3A_4537 : vector<16xf32>
    %add3A_4539 = arith.constant 9.99999996E-13 : f32
    %add3A_4540 = vector.broadcast %add3A_4539 : f32 to vector<16xf32>
    %add3A_4541 = arith.addf %div3A_4503, %add3A_4540 : vector<16xf32>
    %mul3A_4542 = arith.mulf %add3A_4541, %mul3A_4531 : vector<16xf32>
    %gt3A_4543 = arith.cmpf ogt, %mul3A_4538, %mul3A_4542 : vector<16xf32>
    %jit3A_4544 = arith.constant 1 : i32
    %jit3A_4545 = arith.constant 0 : i32
    %broadcast_in_dim3A_4546 = vector.broadcast %jit3A_4544 : i32 to vector<16xi32>
    %broadcast_in_dim3A_4547 = vector.broadcast %jit3A_4545 : i32 to vector<16xi32>
    %select_n3A_4548 = arith.select %gt3A_4543, %broadcast_in_dim3A_4546, %broadcast_in_dim3A_4547 : vector<16xi1>, vector<16xi32>
    %broadcast_in_dim3A_4549 = vector.shape_cast %select_n3A_4548 : vector<16xi32> to vector<16x1xi32>
    %gather3A_4550 = vector.shape_cast %broadcast_in_dim3A_4549 : vector<16x1xi32> to vector<16xi32>
    %gather3A_4551 = tpu.dynamic_gather %select_n3A_22[%gather3A_4550] in [0] : vector<16xf32>, vector<16xi32> -> vector<16xf32>
    %le3A_4552 = arith.constant 5.000000e-01 : f32
    %le3A_4553 = vector.broadcast %le3A_4552 : f32 to vector<16xf32>
    %le3A_4554 = arith.cmpf ole, %gather3A_4551, %le3A_4553 : vector<16xf32>
    %jit3A_4555 = arith.constant 1.000000e+01 : f32
    %broadcast_in_dim3A_4556 = vector.broadcast %jit3A_4555 : f32 to vector<16xf32>
    %select_n3A_4557 = arith.select %le3A_4554, %broadcast_in_dim3A_4556, %gather3A_4551 : vector<16xi1>, vector<16xf32>
    %gt3A_4558 = arith.constant 5.000000e-01 : f32
    %gt3A_4559 = vector.broadcast %gt3A_4558 : f32 to vector<16xf32>
    %gt3A_4560 = arith.cmpf ogt, %select_n3A_4557, %gt3A_4559 : vector<16xf32>
    %jit3A_4561 = arith.constant 1.000000e+00 : f32
    %broadcast_in_dim3A_4562 = vector.broadcast %jit3A_4561 : f32 to vector<16xf32>
    %select_n3A_4563 = arith.select %gt3A_4560, %broadcast_in_dim3A_4562, %select_n3A_4557 : vector<16xi1>, vector<16xf32>
    %swap3A_4564 = arith.constant 880 : index
    %swap3A_4565 = tpu.vector_load %arg6[%swap3A_4564] {strides = array<i32>} : memref<1024xf32, #tpu.memory_space<vmem>>, vector<16xf32>,
    %swap3A_4566 = vector.shape_cast %swap3A_4565 : vector<16xf32> to vector<16xf32>
    %swap3A_4567 = vector.shape_cast %select_n3A_4563 : vector<16xf32> to vector<16xf32>
    tpu.vector_store %arg6[%swap3A_4564], %swap3A_4567 {strides = array<i32>} : memref<1024xf32, #tpu.memory_space<vmem>>, vector<16xf32>,
    %get3A_4568 = arith.constant 896 : index
    %get3A_4569 = tpu.vector_load %arg5[%get3A_4568] {strides = array<i32>} : memref<1024xf32, #tpu.memory_space<vmem>>, vector<16xf32>,
    %get3A_4570 = vector.shape_cast %get3A_4569 : vector<16xf32> to vector<16xf32>
    %mul3A_4571 = vector.broadcast %squeeze3A : f32 to vector<16xf32>
    %mul3A_4572 = arith.mulf %get3A_4570, %mul3A_4571 : vector<16xf32>
    %add3A_4573 = vector.broadcast %squeeze3A_26 : f32 to vector<16xf32>
    %add3A_4574 = arith.addf %mul3A_4572, %add3A_4573 : vector<16xf32>
    %neg3A_4575 = arith.constant 0.000000e+00 : f32
    %neg3A_4576 = vector.broadcast %neg3A_4575 : f32 to vector<16xf32>
    %neg3A_4577 = arith.subf %neg3A_4576, %add3A_4574 : vector<16xf32>
    %exp3A_4578 = math.exp %neg3A_4577 : vector<16xf32>
    %add3A_4579 = arith.constant 1.000000e+00 : f32
    %add3A_4580 = vector.broadcast %add3A_4579 : f32 to vector<16xf32>
    %add3A_4581 = arith.addf %add3A_4580, %exp3A_4578 : vector<16xf32>
    %div3A_4582 = arith.constant 1.000000e+00 : f32
    %div3A_4583 = vector.broadcast %div3A_4582 : f32 to vector<16xf32>
    %div3A_4584 = arith.divf %div3A_4583, %add3A_4581 : vector<16xf32>
    %sub3A_4585 = arith.constant 1.000000e+00 : f32
    %sub3A_4586 = vector.broadcast %sub3A_4585 : f32 to vector<16xf32>
    %sub3A_4587 = arith.subf %sub3A_4586, %div3A_4584 : vector<16xf32>
    %add3A_4588 = arith.constant 896 : i32
    %add3A_4589 = arith.addi %mul3A_0, %add3A_4588 : i32
    %add3A_4590 = vector.broadcast %add3A_4589 : i32 to vector<16xi32>
    %add3A_4591 = arith.addi %add3A_4590, %iota3A : vector<16xi32>
    %mul3A_4592 = arith.constant -1640531527 : i32
    %mul3A_4593 = vector.broadcast %mul3A_4592 : i32 to vector<16xi32>
    %mul3A_4594 = arith.muli %add3A_4591, %mul3A_4593 : vector<16xi32>
    %shift_right_logical3A_4595 = arith.constant 15 : i32
    %shift_right_logical3A_4596 = vector.broadcast %shift_right_logical3A_4595 : i32 to vector<16xi32>
    %shift_right_logical3A_4597 = arith.shrui %mul3A_4594, %shift_right_logical3A_4596 : vector<16xi32>
    %xor3A_4598 = arith.xori %mul3A_4594, %shift_right_logical3A_4597 : vector<16xi32>
    %mul3A_4599 = arith.constant -2048144789 : i32
    %mul3A_4600 = vector.broadcast %mul3A_4599 : i32 to vector<16xi32>
    %mul3A_4601 = arith.muli %xor3A_4598, %mul3A_4600 : vector<16xi32>
    %shift_right_logical3A_4602 = arith.constant 13 : i32
    %shift_right_logical3A_4603 = vector.broadcast %shift_right_logical3A_4602 : i32 to vector<16xi32>
    %shift_right_logical3A_4604 = arith.shrui %mul3A_4601, %shift_right_logical3A_4603 : vector<16xi32>
    %xor3A_4605 = arith.xori %mul3A_4601, %shift_right_logical3A_4604 : vector<16xi32>
    %and3A_4606 = arith.constant 8388607 : i32
    %and3A_4607 = vector.broadcast %and3A_4606 : i32 to vector<16xi32>
    %and3A_4608 = arith.andi %xor3A_4605, %and3A_4607 : vector<16xi32>
    %convert_element_type3A_4609 = arith.sitofp %and3A_4608 : vector<16xi32> to vector<16xf32>
    %mul3A_4610 = arith.constant 1.1920929E-7 : f32
    %mul3A_4611 = vector.broadcast %mul3A_4610 : f32 to vector<16xf32>
    %mul3A_4612 = arith.mulf %convert_element_type3A_4609, %mul3A_4611 : vector<16xf32>
    %add3A_4613 = arith.constant 9.99999996E-13 : f32
    %add3A_4614 = vector.broadcast %add3A_4613 : f32 to vector<16xf32>
    %add3A_4615 = arith.addf %sub3A_4587, %add3A_4614 : vector<16xf32>
    %sub3A_4616 = arith.constant 1.000000e+00 : f32
    %sub3A_4617 = vector.broadcast %sub3A_4616 : f32 to vector<16xf32>
    %sub3A_4618 = arith.subf %sub3A_4617, %mul3A_4612 : vector<16xf32>
    %mul3A_4619 = arith.mulf %add3A_4615, %sub3A_4618 : vector<16xf32>
    %add3A_4620 = arith.constant 9.99999996E-13 : f32
    %add3A_4621 = vector.broadcast %add3A_4620 : f32 to vector<16xf32>
    %add3A_4622 = arith.addf %div3A_4584, %add3A_4621 : vector<16xf32>
    %mul3A_4623 = arith.mulf %add3A_4622, %mul3A_4612 : vector<16xf32>
    %gt3A_4624 = arith.cmpf ogt, %mul3A_4619, %mul3A_4623 : vector<16xf32>
    %jit3A_4625 = arith.constant 1 : i32
    %jit3A_4626 = arith.constant 0 : i32
    %broadcast_in_dim3A_4627 = vector.broadcast %jit3A_4625 : i32 to vector<16xi32>
    %broadcast_in_dim3A_4628 = vector.broadcast %jit3A_4626 : i32 to vector<16xi32>
    %select_n3A_4629 = arith.select %gt3A_4624, %broadcast_in_dim3A_4627, %broadcast_in_dim3A_4628 : vector<16xi1>, vector<16xi32>
    %broadcast_in_dim3A_4630 = vector.shape_cast %select_n3A_4629 : vector<16xi32> to vector<16x1xi32>
    %gather3A_4631 = vector.shape_cast %broadcast_in_dim3A_4630 : vector<16x1xi32> to vector<16xi32>
    %gather3A_4632 = tpu.dynamic_gather %select_n3A_22[%gather3A_4631] in [0] : vector<16xf32>, vector<16xi32> -> vector<16xf32>
    %le3A_4633 = arith.constant 5.000000e-01 : f32
    %le3A_4634 = vector.broadcast %le3A_4633 : f32 to vector<16xf32>
    %le3A_4635 = arith.cmpf ole, %gather3A_4632, %le3A_4634 : vector<16xf32>
    %jit3A_4636 = arith.constant 1.000000e+01 : f32
    %broadcast_in_dim3A_4637 = vector.broadcast %jit3A_4636 : f32 to vector<16xf32>
    %select_n3A_4638 = arith.select %le3A_4635, %broadcast_in_dim3A_4637, %gather3A_4632 : vector<16xi1>, vector<16xf32>
    %gt3A_4639 = arith.constant 5.000000e-01 : f32
    %gt3A_4640 = vector.broadcast %gt3A_4639 : f32 to vector<16xf32>
    %gt3A_4641 = arith.cmpf ogt, %select_n3A_4638, %gt3A_4640 : vector<16xf32>
    %jit3A_4642 = arith.constant 1.000000e+00 : f32
    %broadcast_in_dim3A_4643 = vector.broadcast %jit3A_4642 : f32 to vector<16xf32>
    %select_n3A_4644 = arith.select %gt3A_4641, %broadcast_in_dim3A_4643, %select_n3A_4638 : vector<16xi1>, vector<16xf32>
    %swap3A_4645 = arith.constant 896 : index
    %swap3A_4646 = tpu.vector_load %arg6[%swap3A_4645] {strides = array<i32>} : memref<1024xf32, #tpu.memory_space<vmem>>, vector<16xf32>,
    %swap3A_4647 = vector.shape_cast %swap3A_4646 : vector<16xf32> to vector<16xf32>
    %swap3A_4648 = vector.shape_cast %select_n3A_4644 : vector<16xf32> to vector<16xf32>
    tpu.vector_store %arg6[%swap3A_4645], %swap3A_4648 {strides = array<i32>} : memref<1024xf32, #tpu.memory_space<vmem>>, vector<16xf32>,
    %get3A_4649 = arith.constant 912 : index
    %get3A_4650 = tpu.vector_load %arg5[%get3A_4649] {strides = array<i32>} : memref<1024xf32, #tpu.memory_space<vmem>>, vector<16xf32>,
    %get3A_4651 = vector.shape_cast %get3A_4650 : vector<16xf32> to vector<16xf32>
    %mul3A_4652 = vector.broadcast %squeeze3A : f32 to vector<16xf32>
    %mul3A_4653 = arith.mulf %get3A_4651, %mul3A_4652 : vector<16xf32>
    %add3A_4654 = vector.broadcast %squeeze3A_26 : f32 to vector<16xf32>
    %add3A_4655 = arith.addf %mul3A_4653, %add3A_4654 : vector<16xf32>
    %neg3A_4656 = arith.constant 0.000000e+00 : f32
    %neg3A_4657 = vector.broadcast %neg3A_4656 : f32 to vector<16xf32>
    %neg3A_4658 = arith.subf %neg3A_4657, %add3A_4655 : vector<16xf32>
    %exp3A_4659 = math.exp %neg3A_4658 : vector<16xf32>
    %add3A_4660 = arith.constant 1.000000e+00 : f32
    %add3A_4661 = vector.broadcast %add3A_4660 : f32 to vector<16xf32>
    %add3A_4662 = arith.addf %add3A_4661, %exp3A_4659 : vector<16xf32>
    %div3A_4663 = arith.constant 1.000000e+00 : f32
    %div3A_4664 = vector.broadcast %div3A_4663 : f32 to vector<16xf32>
    %div3A_4665 = arith.divf %div3A_4664, %add3A_4662 : vector<16xf32>
    %sub3A_4666 = arith.constant 1.000000e+00 : f32
    %sub3A_4667 = vector.broadcast %sub3A_4666 : f32 to vector<16xf32>
    %sub3A_4668 = arith.subf %sub3A_4667, %div3A_4665 : vector<16xf32>
    %add3A_4669 = arith.constant 912 : i32
    %add3A_4670 = arith.addi %mul3A_0, %add3A_4669 : i32
    %add3A_4671 = vector.broadcast %add3A_4670 : i32 to vector<16xi32>
    %add3A_4672 = arith.addi %add3A_4671, %iota3A : vector<16xi32>
    %mul3A_4673 = arith.constant -1640531527 : i32
    %mul3A_4674 = vector.broadcast %mul3A_4673 : i32 to vector<16xi32>
    %mul3A_4675 = arith.muli %add3A_4672, %mul3A_4674 : vector<16xi32>
    %shift_right_logical3A_4676 = arith.constant 15 : i32
    %shift_right_logical3A_4677 = vector.broadcast %shift_right_logical3A_4676 : i32 to vector<16xi32>
    %shift_right_logical3A_4678 = arith.shrui %mul3A_4675, %shift_right_logical3A_4677 : vector<16xi32>
    %xor3A_4679 = arith.xori %mul3A_4675, %shift_right_logical3A_4678 : vector<16xi32>
    %mul3A_4680 = arith.constant -2048144789 : i32
    %mul3A_4681 = vector.broadcast %mul3A_4680 : i32 to vector<16xi32>
    %mul3A_4682 = arith.muli %xor3A_4679, %mul3A_4681 : vector<16xi32>
    %shift_right_logical3A_4683 = arith.constant 13 : i32
    %shift_right_logical3A_4684 = vector.broadcast %shift_right_logical3A_4683 : i32 to vector<16xi32>
    %shift_right_logical3A_4685 = arith.shrui %mul3A_4682, %shift_right_logical3A_4684 : vector<16xi32>
    %xor3A_4686 = arith.xori %mul3A_4682, %shift_right_logical3A_4685 : vector<16xi32>
    %and3A_4687 = arith.constant 8388607 : i32
    %and3A_4688 = vector.broadcast %and3A_4687 : i32 to vector<16xi32>
    %and3A_4689 = arith.andi %xor3A_4686, %and3A_4688 : vector<16xi32>
    %convert_element_type3A_4690 = arith.sitofp %and3A_4689 : vector<16xi32> to vector<16xf32>
    %mul3A_4691 = arith.constant 1.1920929E-7 : f32
    %mul3A_4692 = vector.broadcast %mul3A_4691 : f32 to vector<16xf32>
    %mul3A_4693 = arith.mulf %convert_element_type3A_4690, %mul3A_4692 : vector<16xf32>
    %add3A_4694 = arith.constant 9.99999996E-13 : f32
    %add3A_4695 = vector.broadcast %add3A_4694 : f32 to vector<16xf32>
    %add3A_4696 = arith.addf %sub3A_4668, %add3A_4695 : vector<16xf32>
    %sub3A_4697 = arith.constant 1.000000e+00 : f32
    %sub3A_4698 = vector.broadcast %sub3A_4697 : f32 to vector<16xf32>
    %sub3A_4699 = arith.subf %sub3A_4698, %mul3A_4693 : vector<16xf32>
    %mul3A_4700 = arith.mulf %add3A_4696, %sub3A_4699 : vector<16xf32>
    %add3A_4701 = arith.constant 9.99999996E-13 : f32
    %add3A_4702 = vector.broadcast %add3A_4701 : f32 to vector<16xf32>
    %add3A_4703 = arith.addf %div3A_4665, %add3A_4702 : vector<16xf32>
    %mul3A_4704 = arith.mulf %add3A_4703, %mul3A_4693 : vector<16xf32>
    %gt3A_4705 = arith.cmpf ogt, %mul3A_4700, %mul3A_4704 : vector<16xf32>
    %jit3A_4706 = arith.constant 1 : i32
    %jit3A_4707 = arith.constant 0 : i32
    %broadcast_in_dim3A_4708 = vector.broadcast %jit3A_4706 : i32 to vector<16xi32>
    %broadcast_in_dim3A_4709 = vector.broadcast %jit3A_4707 : i32 to vector<16xi32>
    %select_n3A_4710 = arith.select %gt3A_4705, %broadcast_in_dim3A_4708, %broadcast_in_dim3A_4709 : vector<16xi1>, vector<16xi32>
    %broadcast_in_dim3A_4711 = vector.shape_cast %select_n3A_4710 : vector<16xi32> to vector<16x1xi32>
    %gather3A_4712 = vector.shape_cast %broadcast_in_dim3A_4711 : vector<16x1xi32> to vector<16xi32>
    %gather3A_4713 = tpu.dynamic_gather %select_n3A_22[%gather3A_4712] in [0] : vector<16xf32>, vector<16xi32> -> vector<16xf32>
    %le3A_4714 = arith.constant 5.000000e-01 : f32
    %le3A_4715 = vector.broadcast %le3A_4714 : f32 to vector<16xf32>
    %le3A_4716 = arith.cmpf ole, %gather3A_4713, %le3A_4715 : vector<16xf32>
    %jit3A_4717 = arith.constant 1.000000e+01 : f32
    %broadcast_in_dim3A_4718 = vector.broadcast %jit3A_4717 : f32 to vector<16xf32>
    %select_n3A_4719 = arith.select %le3A_4716, %broadcast_in_dim3A_4718, %gather3A_4713 : vector<16xi1>, vector<16xf32>
    %gt3A_4720 = arith.constant 5.000000e-01 : f32
    %gt3A_4721 = vector.broadcast %gt3A_4720 : f32 to vector<16xf32>
    %gt3A_4722 = arith.cmpf ogt, %select_n3A_4719, %gt3A_4721 : vector<16xf32>
    %jit3A_4723 = arith.constant 1.000000e+00 : f32
    %broadcast_in_dim3A_4724 = vector.broadcast %jit3A_4723 : f32 to vector<16xf32>
    %select_n3A_4725 = arith.select %gt3A_4722, %broadcast_in_dim3A_4724, %select_n3A_4719 : vector<16xi1>, vector<16xf32>
    %swap3A_4726 = arith.constant 912 : index
    %swap3A_4727 = tpu.vector_load %arg6[%swap3A_4726] {strides = array<i32>} : memref<1024xf32, #tpu.memory_space<vmem>>, vector<16xf32>,
    %swap3A_4728 = vector.shape_cast %swap3A_4727 : vector<16xf32> to vector<16xf32>
    %swap3A_4729 = vector.shape_cast %select_n3A_4725 : vector<16xf32> to vector<16xf32>
    tpu.vector_store %arg6[%swap3A_4726], %swap3A_4729 {strides = array<i32>} : memref<1024xf32, #tpu.memory_space<vmem>>, vector<16xf32>,
    %get3A_4730 = arith.constant 928 : index
    %get3A_4731 = tpu.vector_load %arg5[%get3A_4730] {strides = array<i32>} : memref<1024xf32, #tpu.memory_space<vmem>>, vector<16xf32>,
    %get3A_4732 = vector.shape_cast %get3A_4731 : vector<16xf32> to vector<16xf32>
    %mul3A_4733 = vector.broadcast %squeeze3A : f32 to vector<16xf32>
    %mul3A_4734 = arith.mulf %get3A_4732, %mul3A_4733 : vector<16xf32>
    %add3A_4735 = vector.broadcast %squeeze3A_26 : f32 to vector<16xf32>
    %add3A_4736 = arith.addf %mul3A_4734, %add3A_4735 : vector<16xf32>
    %neg3A_4737 = arith.constant 0.000000e+00 : f32
    %neg3A_4738 = vector.broadcast %neg3A_4737 : f32 to vector<16xf32>
    %neg3A_4739 = arith.subf %neg3A_4738, %add3A_4736 : vector<16xf32>
    %exp3A_4740 = math.exp %neg3A_4739 : vector<16xf32>
    %add3A_4741 = arith.constant 1.000000e+00 : f32
    %add3A_4742 = vector.broadcast %add3A_4741 : f32 to vector<16xf32>
    %add3A_4743 = arith.addf %add3A_4742, %exp3A_4740 : vector<16xf32>
    %div3A_4744 = arith.constant 1.000000e+00 : f32
    %div3A_4745 = vector.broadcast %div3A_4744 : f32 to vector<16xf32>
    %div3A_4746 = arith.divf %div3A_4745, %add3A_4743 : vector<16xf32>
    %sub3A_4747 = arith.constant 1.000000e+00 : f32
    %sub3A_4748 = vector.broadcast %sub3A_4747 : f32 to vector<16xf32>
    %sub3A_4749 = arith.subf %sub3A_4748, %div3A_4746 : vector<16xf32>
    %add3A_4750 = arith.constant 928 : i32
    %add3A_4751 = arith.addi %mul3A_0, %add3A_4750 : i32
    %add3A_4752 = vector.broadcast %add3A_4751 : i32 to vector<16xi32>
    %add3A_4753 = arith.addi %add3A_4752, %iota3A : vector<16xi32>
    %mul3A_4754 = arith.constant -1640531527 : i32
    %mul3A_4755 = vector.broadcast %mul3A_4754 : i32 to vector<16xi32>
    %mul3A_4756 = arith.muli %add3A_4753, %mul3A_4755 : vector<16xi32>
    %shift_right_logical3A_4757 = arith.constant 15 : i32
    %shift_right_logical3A_4758 = vector.broadcast %shift_right_logical3A_4757 : i32 to vector<16xi32>
    %shift_right_logical3A_4759 = arith.shrui %mul3A_4756, %shift_right_logical3A_4758 : vector<16xi32>
    %xor3A_4760 = arith.xori %mul3A_4756, %shift_right_logical3A_4759 : vector<16xi32>
    %mul3A_4761 = arith.constant -2048144789 : i32
    %mul3A_4762 = vector.broadcast %mul3A_4761 : i32 to vector<16xi32>
    %mul3A_4763 = arith.muli %xor3A_4760, %mul3A_4762 : vector<16xi32>
    %shift_right_logical3A_4764 = arith.constant 13 : i32
    %shift_right_logical3A_4765 = vector.broadcast %shift_right_logical3A_4764 : i32 to vector<16xi32>
    %shift_right_logical3A_4766 = arith.shrui %mul3A_4763, %shift_right_logical3A_4765 : vector<16xi32>
    %xor3A_4767 = arith.xori %mul3A_4763, %shift_right_logical3A_4766 : vector<16xi32>
    %and3A_4768 = arith.constant 8388607 : i32
    %and3A_4769 = vector.broadcast %and3A_4768 : i32 to vector<16xi32>
    %and3A_4770 = arith.andi %xor3A_4767, %and3A_4769 : vector<16xi32>
    %convert_element_type3A_4771 = arith.sitofp %and3A_4770 : vector<16xi32> to vector<16xf32>
    %mul3A_4772 = arith.constant 1.1920929E-7 : f32
    %mul3A_4773 = vector.broadcast %mul3A_4772 : f32 to vector<16xf32>
    %mul3A_4774 = arith.mulf %convert_element_type3A_4771, %mul3A_4773 : vector<16xf32>
    %add3A_4775 = arith.constant 9.99999996E-13 : f32
    %add3A_4776 = vector.broadcast %add3A_4775 : f32 to vector<16xf32>
    %add3A_4777 = arith.addf %sub3A_4749, %add3A_4776 : vector<16xf32>
    %sub3A_4778 = arith.constant 1.000000e+00 : f32
    %sub3A_4779 = vector.broadcast %sub3A_4778 : f32 to vector<16xf32>
    %sub3A_4780 = arith.subf %sub3A_4779, %mul3A_4774 : vector<16xf32>
    %mul3A_4781 = arith.mulf %add3A_4777, %sub3A_4780 : vector<16xf32>
    %add3A_4782 = arith.constant 9.99999996E-13 : f32
    %add3A_4783 = vector.broadcast %add3A_4782 : f32 to vector<16xf32>
    %add3A_4784 = arith.addf %div3A_4746, %add3A_4783 : vector<16xf32>
    %mul3A_4785 = arith.mulf %add3A_4784, %mul3A_4774 : vector<16xf32>
    %gt3A_4786 = arith.cmpf ogt, %mul3A_4781, %mul3A_4785 : vector<16xf32>
    %jit3A_4787 = arith.constant 1 : i32
    %jit3A_4788 = arith.constant 0 : i32
    %broadcast_in_dim3A_4789 = vector.broadcast %jit3A_4787 : i32 to vector<16xi32>
    %broadcast_in_dim3A_4790 = vector.broadcast %jit3A_4788 : i32 to vector<16xi32>
    %select_n3A_4791 = arith.select %gt3A_4786, %broadcast_in_dim3A_4789, %broadcast_in_dim3A_4790 : vector<16xi1>, vector<16xi32>
    %broadcast_in_dim3A_4792 = vector.shape_cast %select_n3A_4791 : vector<16xi32> to vector<16x1xi32>
    %gather3A_4793 = vector.shape_cast %broadcast_in_dim3A_4792 : vector<16x1xi32> to vector<16xi32>
    %gather3A_4794 = tpu.dynamic_gather %select_n3A_22[%gather3A_4793] in [0] : vector<16xf32>, vector<16xi32> -> vector<16xf32>
    %le3A_4795 = arith.constant 5.000000e-01 : f32
    %le3A_4796 = vector.broadcast %le3A_4795 : f32 to vector<16xf32>
    %le3A_4797 = arith.cmpf ole, %gather3A_4794, %le3A_4796 : vector<16xf32>
    %jit3A_4798 = arith.constant 1.000000e+01 : f32
    %broadcast_in_dim3A_4799 = vector.broadcast %jit3A_4798 : f32 to vector<16xf32>
    %select_n3A_4800 = arith.select %le3A_4797, %broadcast_in_dim3A_4799, %gather3A_4794 : vector<16xi1>, vector<16xf32>
    %gt3A_4801 = arith.constant 5.000000e-01 : f32
    %gt3A_4802 = vector.broadcast %gt3A_4801 : f32 to vector<16xf32>
    %gt3A_4803 = arith.cmpf ogt, %select_n3A_4800, %gt3A_4802 : vector<16xf32>
    %jit3A_4804 = arith.constant 1.000000e+00 : f32
    %broadcast_in_dim3A_4805 = vector.broadcast %jit3A_4804 : f32 to vector<16xf32>
    %select_n3A_4806 = arith.select %gt3A_4803, %broadcast_in_dim3A_4805, %select_n3A_4800 : vector<16xi1>, vector<16xf32>
    %swap3A_4807 = arith.constant 928 : index
    %swap3A_4808 = tpu.vector_load %arg6[%swap3A_4807] {strides = array<i32>} : memref<1024xf32, #tpu.memory_space<vmem>>, vector<16xf32>,
    %swap3A_4809 = vector.shape_cast %swap3A_4808 : vector<16xf32> to vector<16xf32>
    %swap3A_4810 = vector.shape_cast %select_n3A_4806 : vector<16xf32> to vector<16xf32>
    tpu.vector_store %arg6[%swap3A_4807], %swap3A_4810 {strides = array<i32>} : memref<1024xf32, #tpu.memory_space<vmem>>, vector<16xf32>,
    %get3A_4811 = arith.constant 944 : index
    %get3A_4812 = tpu.vector_load %arg5[%get3A_4811] {strides = array<i32>} : memref<1024xf32, #tpu.memory_space<vmem>>, vector<16xf32>,
    %get3A_4813 = vector.shape_cast %get3A_4812 : vector<16xf32> to vector<16xf32>
    %mul3A_4814 = vector.broadcast %squeeze3A : f32 to vector<16xf32>
    %mul3A_4815 = arith.mulf %get3A_4813, %mul3A_4814 : vector<16xf32>
    %add3A_4816 = vector.broadcast %squeeze3A_26 : f32 to vector<16xf32>
    %add3A_4817 = arith.addf %mul3A_4815, %add3A_4816 : vector<16xf32>
    %neg3A_4818 = arith.constant 0.000000e+00 : f32
    %neg3A_4819 = vector.broadcast %neg3A_4818 : f32 to vector<16xf32>
    %neg3A_4820 = arith.subf %neg3A_4819, %add3A_4817 : vector<16xf32>
    %exp3A_4821 = math.exp %neg3A_4820 : vector<16xf32>
    %add3A_4822 = arith.constant 1.000000e+00 : f32
    %add3A_4823 = vector.broadcast %add3A_4822 : f32 to vector<16xf32>
    %add3A_4824 = arith.addf %add3A_4823, %exp3A_4821 : vector<16xf32>
    %div3A_4825 = arith.constant 1.000000e+00 : f32
    %div3A_4826 = vector.broadcast %div3A_4825 : f32 to vector<16xf32>
    %div3A_4827 = arith.divf %div3A_4826, %add3A_4824 : vector<16xf32>
    %sub3A_4828 = arith.constant 1.000000e+00 : f32
    %sub3A_4829 = vector.broadcast %sub3A_4828 : f32 to vector<16xf32>
    %sub3A_4830 = arith.subf %sub3A_4829, %div3A_4827 : vector<16xf32>
    %add3A_4831 = arith.constant 944 : i32
    %add3A_4832 = arith.addi %mul3A_0, %add3A_4831 : i32
    %add3A_4833 = vector.broadcast %add3A_4832 : i32 to vector<16xi32>
    %add3A_4834 = arith.addi %add3A_4833, %iota3A : vector<16xi32>
    %mul3A_4835 = arith.constant -1640531527 : i32
    %mul3A_4836 = vector.broadcast %mul3A_4835 : i32 to vector<16xi32>
    %mul3A_4837 = arith.muli %add3A_4834, %mul3A_4836 : vector<16xi32>
    %shift_right_logical3A_4838 = arith.constant 15 : i32
    %shift_right_logical3A_4839 = vector.broadcast %shift_right_logical3A_4838 : i32 to vector<16xi32>
    %shift_right_logical3A_4840 = arith.shrui %mul3A_4837, %shift_right_logical3A_4839 : vector<16xi32>
    %xor3A_4841 = arith.xori %mul3A_4837, %shift_right_logical3A_4840 : vector<16xi32>
    %mul3A_4842 = arith.constant -2048144789 : i32
    %mul3A_4843 = vector.broadcast %mul3A_4842 : i32 to vector<16xi32>
    %mul3A_4844 = arith.muli %xor3A_4841, %mul3A_4843 : vector<16xi32>
    %shift_right_logical3A_4845 = arith.constant 13 : i32
    %shift_right_logical3A_4846 = vector.broadcast %shift_right_logical3A_4845 : i32 to vector<16xi32>
    %shift_right_logical3A_4847 = arith.shrui %mul3A_4844, %shift_right_logical3A_4846 : vector<16xi32>
    %xor3A_4848 = arith.xori %mul3A_4844, %shift_right_logical3A_4847 : vector<16xi32>
    %and3A_4849 = arith.constant 8388607 : i32
    %and3A_4850 = vector.broadcast %and3A_4849 : i32 to vector<16xi32>
    %and3A_4851 = arith.andi %xor3A_4848, %and3A_4850 : vector<16xi32>
    %convert_element_type3A_4852 = arith.sitofp %and3A_4851 : vector<16xi32> to vector<16xf32>
    %mul3A_4853 = arith.constant 1.1920929E-7 : f32
    %mul3A_4854 = vector.broadcast %mul3A_4853 : f32 to vector<16xf32>
    %mul3A_4855 = arith.mulf %convert_element_type3A_4852, %mul3A_4854 : vector<16xf32>
    %add3A_4856 = arith.constant 9.99999996E-13 : f32
    %add3A_4857 = vector.broadcast %add3A_4856 : f32 to vector<16xf32>
    %add3A_4858 = arith.addf %sub3A_4830, %add3A_4857 : vector<16xf32>
    %sub3A_4859 = arith.constant 1.000000e+00 : f32
    %sub3A_4860 = vector.broadcast %sub3A_4859 : f32 to vector<16xf32>
    %sub3A_4861 = arith.subf %sub3A_4860, %mul3A_4855 : vector<16xf32>
    %mul3A_4862 = arith.mulf %add3A_4858, %sub3A_4861 : vector<16xf32>
    %add3A_4863 = arith.constant 9.99999996E-13 : f32
    %add3A_4864 = vector.broadcast %add3A_4863 : f32 to vector<16xf32>
    %add3A_4865 = arith.addf %div3A_4827, %add3A_4864 : vector<16xf32>
    %mul3A_4866 = arith.mulf %add3A_4865, %mul3A_4855 : vector<16xf32>
    %gt3A_4867 = arith.cmpf ogt, %mul3A_4862, %mul3A_4866 : vector<16xf32>
    %jit3A_4868 = arith.constant 1 : i32
    %jit3A_4869 = arith.constant 0 : i32
    %broadcast_in_dim3A_4870 = vector.broadcast %jit3A_4868 : i32 to vector<16xi32>
    %broadcast_in_dim3A_4871 = vector.broadcast %jit3A_4869 : i32 to vector<16xi32>
    %select_n3A_4872 = arith.select %gt3A_4867, %broadcast_in_dim3A_4870, %broadcast_in_dim3A_4871 : vector<16xi1>, vector<16xi32>
    %broadcast_in_dim3A_4873 = vector.shape_cast %select_n3A_4872 : vector<16xi32> to vector<16x1xi32>
    %gather3A_4874 = vector.shape_cast %broadcast_in_dim3A_4873 : vector<16x1xi32> to vector<16xi32>
    %gather3A_4875 = tpu.dynamic_gather %select_n3A_22[%gather3A_4874] in [0] : vector<16xf32>, vector<16xi32> -> vector<16xf32>
    %le3A_4876 = arith.constant 5.000000e-01 : f32
    %le3A_4877 = vector.broadcast %le3A_4876 : f32 to vector<16xf32>
    %le3A_4878 = arith.cmpf ole, %gather3A_4875, %le3A_4877 : vector<16xf32>
    %jit3A_4879 = arith.constant 1.000000e+01 : f32
    %broadcast_in_dim3A_4880 = vector.broadcast %jit3A_4879 : f32 to vector<16xf32>
    %select_n3A_4881 = arith.select %le3A_4878, %broadcast_in_dim3A_4880, %gather3A_4875 : vector<16xi1>, vector<16xf32>
    %gt3A_4882 = arith.constant 5.000000e-01 : f32
    %gt3A_4883 = vector.broadcast %gt3A_4882 : f32 to vector<16xf32>
    %gt3A_4884 = arith.cmpf ogt, %select_n3A_4881, %gt3A_4883 : vector<16xf32>
    %jit3A_4885 = arith.constant 1.000000e+00 : f32
    %broadcast_in_dim3A_4886 = vector.broadcast %jit3A_4885 : f32 to vector<16xf32>
    %select_n3A_4887 = arith.select %gt3A_4884, %broadcast_in_dim3A_4886, %select_n3A_4881 : vector<16xi1>, vector<16xf32>
    %swap3A_4888 = arith.constant 944 : index
    %swap3A_4889 = tpu.vector_load %arg6[%swap3A_4888] {strides = array<i32>} : memref<1024xf32, #tpu.memory_space<vmem>>, vector<16xf32>,
    %swap3A_4890 = vector.shape_cast %swap3A_4889 : vector<16xf32> to vector<16xf32>
    %swap3A_4891 = vector.shape_cast %select_n3A_4887 : vector<16xf32> to vector<16xf32>
    tpu.vector_store %arg6[%swap3A_4888], %swap3A_4891 {strides = array<i32>} : memref<1024xf32, #tpu.memory_space<vmem>>, vector<16xf32>,
    %get3A_4892 = arith.constant 960 : index
    %get3A_4893 = tpu.vector_load %arg5[%get3A_4892] {strides = array<i32>} : memref<1024xf32, #tpu.memory_space<vmem>>, vector<16xf32>,
    %get3A_4894 = vector.shape_cast %get3A_4893 : vector<16xf32> to vector<16xf32>
    %mul3A_4895 = vector.broadcast %squeeze3A : f32 to vector<16xf32>
    %mul3A_4896 = arith.mulf %get3A_4894, %mul3A_4895 : vector<16xf32>
    %add3A_4897 = vector.broadcast %squeeze3A_26 : f32 to vector<16xf32>
    %add3A_4898 = arith.addf %mul3A_4896, %add3A_4897 : vector<16xf32>
    %neg3A_4899 = arith.constant 0.000000e+00 : f32
    %neg3A_4900 = vector.broadcast %neg3A_4899 : f32 to vector<16xf32>
    %neg3A_4901 = arith.subf %neg3A_4900, %add3A_4898 : vector<16xf32>
    %exp3A_4902 = math.exp %neg3A_4901 : vector<16xf32>
    %add3A_4903 = arith.constant 1.000000e+00 : f32
    %add3A_4904 = vector.broadcast %add3A_4903 : f32 to vector<16xf32>
    %add3A_4905 = arith.addf %add3A_4904, %exp3A_4902 : vector<16xf32>
    %div3A_4906 = arith.constant 1.000000e+00 : f32
    %div3A_4907 = vector.broadcast %div3A_4906 : f32 to vector<16xf32>
    %div3A_4908 = arith.divf %div3A_4907, %add3A_4905 : vector<16xf32>
    %sub3A_4909 = arith.constant 1.000000e+00 : f32
    %sub3A_4910 = vector.broadcast %sub3A_4909 : f32 to vector<16xf32>
    %sub3A_4911 = arith.subf %sub3A_4910, %div3A_4908 : vector<16xf32>
    %add3A_4912 = arith.constant 960 : i32
    %add3A_4913 = arith.addi %mul3A_0, %add3A_4912 : i32
    %add3A_4914 = vector.broadcast %add3A_4913 : i32 to vector<16xi32>
    %add3A_4915 = arith.addi %add3A_4914, %iota3A : vector<16xi32>
    %mul3A_4916 = arith.constant -1640531527 : i32
    %mul3A_4917 = vector.broadcast %mul3A_4916 : i32 to vector<16xi32>
    %mul3A_4918 = arith.muli %add3A_4915, %mul3A_4917 : vector<16xi32>
    %shift_right_logical3A_4919 = arith.constant 15 : i32
    %shift_right_logical3A_4920 = vector.broadcast %shift_right_logical3A_4919 : i32 to vector<16xi32>
    %shift_right_logical3A_4921 = arith.shrui %mul3A_4918, %shift_right_logical3A_4920 : vector<16xi32>
    %xor3A_4922 = arith.xori %mul3A_4918, %shift_right_logical3A_4921 : vector<16xi32>
    %mul3A_4923 = arith.constant -2048144789 : i32
    %mul3A_4924 = vector.broadcast %mul3A_4923 : i32 to vector<16xi32>
    %mul3A_4925 = arith.muli %xor3A_4922, %mul3A_4924 : vector<16xi32>
    %shift_right_logical3A_4926 = arith.constant 13 : i32
    %shift_right_logical3A_4927 = vector.broadcast %shift_right_logical3A_4926 : i32 to vector<16xi32>
    %shift_right_logical3A_4928 = arith.shrui %mul3A_4925, %shift_right_logical3A_4927 : vector<16xi32>
    %xor3A_4929 = arith.xori %mul3A_4925, %shift_right_logical3A_4928 : vector<16xi32>
    %and3A_4930 = arith.constant 8388607 : i32
    %and3A_4931 = vector.broadcast %and3A_4930 : i32 to vector<16xi32>
    %and3A_4932 = arith.andi %xor3A_4929, %and3A_4931 : vector<16xi32>
    %convert_element_type3A_4933 = arith.sitofp %and3A_4932 : vector<16xi32> to vector<16xf32>
    %mul3A_4934 = arith.constant 1.1920929E-7 : f32
    %mul3A_4935 = vector.broadcast %mul3A_4934 : f32 to vector<16xf32>
    %mul3A_4936 = arith.mulf %convert_element_type3A_4933, %mul3A_4935 : vector<16xf32>
    %add3A_4937 = arith.constant 9.99999996E-13 : f32
    %add3A_4938 = vector.broadcast %add3A_4937 : f32 to vector<16xf32>
    %add3A_4939 = arith.addf %sub3A_4911, %add3A_4938 : vector<16xf32>
    %sub3A_4940 = arith.constant 1.000000e+00 : f32
    %sub3A_4941 = vector.broadcast %sub3A_4940 : f32 to vector<16xf32>
    %sub3A_4942 = arith.subf %sub3A_4941, %mul3A_4936 : vector<16xf32>
    %mul3A_4943 = arith.mulf %add3A_4939, %sub3A_4942 : vector<16xf32>
    %add3A_4944 = arith.constant 9.99999996E-13 : f32
    %add3A_4945 = vector.broadcast %add3A_4944 : f32 to vector<16xf32>
    %add3A_4946 = arith.addf %div3A_4908, %add3A_4945 : vector<16xf32>
    %mul3A_4947 = arith.mulf %add3A_4946, %mul3A_4936 : vector<16xf32>
    %gt3A_4948 = arith.cmpf ogt, %mul3A_4943, %mul3A_4947 : vector<16xf32>
    %jit3A_4949 = arith.constant 1 : i32
    %jit3A_4950 = arith.constant 0 : i32
    %broadcast_in_dim3A_4951 = vector.broadcast %jit3A_4949 : i32 to vector<16xi32>
    %broadcast_in_dim3A_4952 = vector.broadcast %jit3A_4950 : i32 to vector<16xi32>
    %select_n3A_4953 = arith.select %gt3A_4948, %broadcast_in_dim3A_4951, %broadcast_in_dim3A_4952 : vector<16xi1>, vector<16xi32>
    %broadcast_in_dim3A_4954 = vector.shape_cast %select_n3A_4953 : vector<16xi32> to vector<16x1xi32>
    %gather3A_4955 = vector.shape_cast %broadcast_in_dim3A_4954 : vector<16x1xi32> to vector<16xi32>
    %gather3A_4956 = tpu.dynamic_gather %select_n3A_22[%gather3A_4955] in [0] : vector<16xf32>, vector<16xi32> -> vector<16xf32>
    %le3A_4957 = arith.constant 5.000000e-01 : f32
    %le3A_4958 = vector.broadcast %le3A_4957 : f32 to vector<16xf32>
    %le3A_4959 = arith.cmpf ole, %gather3A_4956, %le3A_4958 : vector<16xf32>
    %jit3A_4960 = arith.constant 1.000000e+01 : f32
    %broadcast_in_dim3A_4961 = vector.broadcast %jit3A_4960 : f32 to vector<16xf32>
    %select_n3A_4962 = arith.select %le3A_4959, %broadcast_in_dim3A_4961, %gather3A_4956 : vector<16xi1>, vector<16xf32>
    %gt3A_4963 = arith.constant 5.000000e-01 : f32
    %gt3A_4964 = vector.broadcast %gt3A_4963 : f32 to vector<16xf32>
    %gt3A_4965 = arith.cmpf ogt, %select_n3A_4962, %gt3A_4964 : vector<16xf32>
    %jit3A_4966 = arith.constant 1.000000e+00 : f32
    %broadcast_in_dim3A_4967 = vector.broadcast %jit3A_4966 : f32 to vector<16xf32>
    %select_n3A_4968 = arith.select %gt3A_4965, %broadcast_in_dim3A_4967, %select_n3A_4962 : vector<16xi1>, vector<16xf32>
    %swap3A_4969 = arith.constant 960 : index
    %swap3A_4970 = tpu.vector_load %arg6[%swap3A_4969] {strides = array<i32>} : memref<1024xf32, #tpu.memory_space<vmem>>, vector<16xf32>,
    %swap3A_4971 = vector.shape_cast %swap3A_4970 : vector<16xf32> to vector<16xf32>
    %swap3A_4972 = vector.shape_cast %select_n3A_4968 : vector<16xf32> to vector<16xf32>
    tpu.vector_store %arg6[%swap3A_4969], %swap3A_4972 {strides = array<i32>} : memref<1024xf32, #tpu.memory_space<vmem>>, vector<16xf32>,
    %get3A_4973 = arith.constant 976 : index
    %get3A_4974 = tpu.vector_load %arg5[%get3A_4973] {strides = array<i32>} : memref<1024xf32, #tpu.memory_space<vmem>>, vector<16xf32>,
    %get3A_4975 = vector.shape_cast %get3A_4974 : vector<16xf32> to vector<16xf32>
    %mul3A_4976 = vector.broadcast %squeeze3A : f32 to vector<16xf32>
    %mul3A_4977 = arith.mulf %get3A_4975, %mul3A_4976 : vector<16xf32>
    %add3A_4978 = vector.broadcast %squeeze3A_26 : f32 to vector<16xf32>
    %add3A_4979 = arith.addf %mul3A_4977, %add3A_4978 : vector<16xf32>
    %neg3A_4980 = arith.constant 0.000000e+00 : f32
    %neg3A_4981 = vector.broadcast %neg3A_4980 : f32 to vector<16xf32>
    %neg3A_4982 = arith.subf %neg3A_4981, %add3A_4979 : vector<16xf32>
    %exp3A_4983 = math.exp %neg3A_4982 : vector<16xf32>
    %add3A_4984 = arith.constant 1.000000e+00 : f32
    %add3A_4985 = vector.broadcast %add3A_4984 : f32 to vector<16xf32>
    %add3A_4986 = arith.addf %add3A_4985, %exp3A_4983 : vector<16xf32>
    %div3A_4987 = arith.constant 1.000000e+00 : f32
    %div3A_4988 = vector.broadcast %div3A_4987 : f32 to vector<16xf32>
    %div3A_4989 = arith.divf %div3A_4988, %add3A_4986 : vector<16xf32>
    %sub3A_4990 = arith.constant 1.000000e+00 : f32
    %sub3A_4991 = vector.broadcast %sub3A_4990 : f32 to vector<16xf32>
    %sub3A_4992 = arith.subf %sub3A_4991, %div3A_4989 : vector<16xf32>
    %add3A_4993 = arith.constant 976 : i32
    %add3A_4994 = arith.addi %mul3A_0, %add3A_4993 : i32
    %add3A_4995 = vector.broadcast %add3A_4994 : i32 to vector<16xi32>
    %add3A_4996 = arith.addi %add3A_4995, %iota3A : vector<16xi32>
    %mul3A_4997 = arith.constant -1640531527 : i32
    %mul3A_4998 = vector.broadcast %mul3A_4997 : i32 to vector<16xi32>
    %mul3A_4999 = arith.muli %add3A_4996, %mul3A_4998 : vector<16xi32>
    %shift_right_logical3A_5000 = arith.constant 15 : i32
    %shift_right_logical3A_5001 = vector.broadcast %shift_right_logical3A_5000 : i32 to vector<16xi32>
    %shift_right_logical3A_5002 = arith.shrui %mul3A_4999, %shift_right_logical3A_5001 : vector<16xi32>
    %xor3A_5003 = arith.xori %mul3A_4999, %shift_right_logical3A_5002 : vector<16xi32>
    %mul3A_5004 = arith.constant -2048144789 : i32
    %mul3A_5005 = vector.broadcast %mul3A_5004 : i32 to vector<16xi32>
    %mul3A_5006 = arith.muli %xor3A_5003, %mul3A_5005 : vector<16xi32>
    %shift_right_logical3A_5007 = arith.constant 13 : i32
    %shift_right_logical3A_5008 = vector.broadcast %shift_right_logical3A_5007 : i32 to vector<16xi32>
    %shift_right_logical3A_5009 = arith.shrui %mul3A_5006, %shift_right_logical3A_5008 : vector<16xi32>
    %xor3A_5010 = arith.xori %mul3A_5006, %shift_right_logical3A_5009 : vector<16xi32>
    %and3A_5011 = arith.constant 8388607 : i32
    %and3A_5012 = vector.broadcast %and3A_5011 : i32 to vector<16xi32>
    %and3A_5013 = arith.andi %xor3A_5010, %and3A_5012 : vector<16xi32>
    %convert_element_type3A_5014 = arith.sitofp %and3A_5013 : vector<16xi32> to vector<16xf32>
    %mul3A_5015 = arith.constant 1.1920929E-7 : f32
    %mul3A_5016 = vector.broadcast %mul3A_5015 : f32 to vector<16xf32>
    %mul3A_5017 = arith.mulf %convert_element_type3A_5014, %mul3A_5016 : vector<16xf32>
    %add3A_5018 = arith.constant 9.99999996E-13 : f32
    %add3A_5019 = vector.broadcast %add3A_5018 : f32 to vector<16xf32>
    %add3A_5020 = arith.addf %sub3A_4992, %add3A_5019 : vector<16xf32>
    %sub3A_5021 = arith.constant 1.000000e+00 : f32
    %sub3A_5022 = vector.broadcast %sub3A_5021 : f32 to vector<16xf32>
    %sub3A_5023 = arith.subf %sub3A_5022, %mul3A_5017 : vector<16xf32>
    %mul3A_5024 = arith.mulf %add3A_5020, %sub3A_5023 : vector<16xf32>
    %add3A_5025 = arith.constant 9.99999996E-13 : f32
    %add3A_5026 = vector.broadcast %add3A_5025 : f32 to vector<16xf32>
    %add3A_5027 = arith.addf %div3A_4989, %add3A_5026 : vector<16xf32>
    %mul3A_5028 = arith.mulf %add3A_5027, %mul3A_5017 : vector<16xf32>
    %gt3A_5029 = arith.cmpf ogt, %mul3A_5024, %mul3A_5028 : vector<16xf32>
    %jit3A_5030 = arith.constant 1 : i32
    %jit3A_5031 = arith.constant 0 : i32
    %broadcast_in_dim3A_5032 = vector.broadcast %jit3A_5030 : i32 to vector<16xi32>
    %broadcast_in_dim3A_5033 = vector.broadcast %jit3A_5031 : i32 to vector<16xi32>
    %select_n3A_5034 = arith.select %gt3A_5029, %broadcast_in_dim3A_5032, %broadcast_in_dim3A_5033 : vector<16xi1>, vector<16xi32>
    %broadcast_in_dim3A_5035 = vector.shape_cast %select_n3A_5034 : vector<16xi32> to vector<16x1xi32>
    %gather3A_5036 = vector.shape_cast %broadcast_in_dim3A_5035 : vector<16x1xi32> to vector<16xi32>
    %gather3A_5037 = tpu.dynamic_gather %select_n3A_22[%gather3A_5036] in [0] : vector<16xf32>, vector<16xi32> -> vector<16xf32>
    %le3A_5038 = arith.constant 5.000000e-01 : f32
    %le3A_5039 = vector.broadcast %le3A_5038 : f32 to vector<16xf32>
    %le3A_5040 = arith.cmpf ole, %gather3A_5037, %le3A_5039 : vector<16xf32>
    %jit3A_5041 = arith.constant 1.000000e+01 : f32
    %broadcast_in_dim3A_5042 = vector.broadcast %jit3A_5041 : f32 to vector<16xf32>
    %select_n3A_5043 = arith.select %le3A_5040, %broadcast_in_dim3A_5042, %gather3A_5037 : vector<16xi1>, vector<16xf32>
    %gt3A_5044 = arith.constant 5.000000e-01 : f32
    %gt3A_5045 = vector.broadcast %gt3A_5044 : f32 to vector<16xf32>
    %gt3A_5046 = arith.cmpf ogt, %select_n3A_5043, %gt3A_5045 : vector<16xf32>
    %jit3A_5047 = arith.constant 1.000000e+00 : f32
    %broadcast_in_dim3A_5048 = vector.broadcast %jit3A_5047 : f32 to vector<16xf32>
    %select_n3A_5049 = arith.select %gt3A_5046, %broadcast_in_dim3A_5048, %select_n3A_5043 : vector<16xi1>, vector<16xf32>
    %swap3A_5050 = arith.constant 976 : index
    %swap3A_5051 = tpu.vector_load %arg6[%swap3A_5050] {strides = array<i32>} : memref<1024xf32, #tpu.memory_space<vmem>>, vector<16xf32>,
    %swap3A_5052 = vector.shape_cast %swap3A_5051 : vector<16xf32> to vector<16xf32>
    %swap3A_5053 = vector.shape_cast %select_n3A_5049 : vector<16xf32> to vector<16xf32>
    tpu.vector_store %arg6[%swap3A_5050], %swap3A_5053 {strides = array<i32>} : memref<1024xf32, #tpu.memory_space<vmem>>, vector<16xf32>,
    %get3A_5054 = arith.constant 992 : index
    %get3A_5055 = tpu.vector_load %arg5[%get3A_5054] {strides = array<i32>} : memref<1024xf32, #tpu.memory_space<vmem>>, vector<16xf32>,
    %get3A_5056 = vector.shape_cast %get3A_5055 : vector<16xf32> to vector<16xf32>
    %mul3A_5057 = vector.broadcast %squeeze3A : f32 to vector<16xf32>
    %mul3A_5058 = arith.mulf %get3A_5056, %mul3A_5057 : vector<16xf32>
    %add3A_5059 = vector.broadcast %squeeze3A_26 : f32 to vector<16xf32>
    %add3A_5060 = arith.addf %mul3A_5058, %add3A_5059 : vector<16xf32>
    %neg3A_5061 = arith.constant 0.000000e+00 : f32
    %neg3A_5062 = vector.broadcast %neg3A_5061 : f32 to vector<16xf32>
    %neg3A_5063 = arith.subf %neg3A_5062, %add3A_5060 : vector<16xf32>
    %exp3A_5064 = math.exp %neg3A_5063 : vector<16xf32>
    %add3A_5065 = arith.constant 1.000000e+00 : f32
    %add3A_5066 = vector.broadcast %add3A_5065 : f32 to vector<16xf32>
    %add3A_5067 = arith.addf %add3A_5066, %exp3A_5064 : vector<16xf32>
    %div3A_5068 = arith.constant 1.000000e+00 : f32
    %div3A_5069 = vector.broadcast %div3A_5068 : f32 to vector<16xf32>
    %div3A_5070 = arith.divf %div3A_5069, %add3A_5067 : vector<16xf32>
    %sub3A_5071 = arith.constant 1.000000e+00 : f32
    %sub3A_5072 = vector.broadcast %sub3A_5071 : f32 to vector<16xf32>
    %sub3A_5073 = arith.subf %sub3A_5072, %div3A_5070 : vector<16xf32>
    %add3A_5074 = arith.constant 992 : i32
    %add3A_5075 = arith.addi %mul3A_0, %add3A_5074 : i32
    %add3A_5076 = vector.broadcast %add3A_5075 : i32 to vector<16xi32>
    %add3A_5077 = arith.addi %add3A_5076, %iota3A : vector<16xi32>
    %mul3A_5078 = arith.constant -1640531527 : i32
    %mul3A_5079 = vector.broadcast %mul3A_5078 : i32 to vector<16xi32>
    %mul3A_5080 = arith.muli %add3A_5077, %mul3A_5079 : vector<16xi32>
    %shift_right_logical3A_5081 = arith.constant 15 : i32
    %shift_right_logical3A_5082 = vector.broadcast %shift_right_logical3A_5081 : i32 to vector<16xi32>
    %shift_right_logical3A_5083 = arith.shrui %mul3A_5080, %shift_right_logical3A_5082 : vector<16xi32>
    %xor3A_5084 = arith.xori %mul3A_5080, %shift_right_logical3A_5083 : vector<16xi32>
    %mul3A_5085 = arith.constant -2048144789 : i32
    %mul3A_5086 = vector.broadcast %mul3A_5085 : i32 to vector<16xi32>
    %mul3A_5087 = arith.muli %xor3A_5084, %mul3A_5086 : vector<16xi32>
    %shift_right_logical3A_5088 = arith.constant 13 : i32
    %shift_right_logical3A_5089 = vector.broadcast %shift_right_logical3A_5088 : i32 to vector<16xi32>
    %shift_right_logical3A_5090 = arith.shrui %mul3A_5087, %shift_right_logical3A_5089 : vector<16xi32>
    %xor3A_5091 = arith.xori %mul3A_5087, %shift_right_logical3A_5090 : vector<16xi32>
    %and3A_5092 = arith.constant 8388607 : i32
    %and3A_5093 = vector.broadcast %and3A_5092 : i32 to vector<16xi32>
    %and3A_5094 = arith.andi %xor3A_5091, %and3A_5093 : vector<16xi32>
    %convert_element_type3A_5095 = arith.sitofp %and3A_5094 : vector<16xi32> to vector<16xf32>
    %mul3A_5096 = arith.constant 1.1920929E-7 : f32
    %mul3A_5097 = vector.broadcast %mul3A_5096 : f32 to vector<16xf32>
    %mul3A_5098 = arith.mulf %convert_element_type3A_5095, %mul3A_5097 : vector<16xf32>
    %add3A_5099 = arith.constant 9.99999996E-13 : f32
    %add3A_5100 = vector.broadcast %add3A_5099 : f32 to vector<16xf32>
    %add3A_5101 = arith.addf %sub3A_5073, %add3A_5100 : vector<16xf32>
    %sub3A_5102 = arith.constant 1.000000e+00 : f32
    %sub3A_5103 = vector.broadcast %sub3A_5102 : f32 to vector<16xf32>
    %sub3A_5104 = arith.subf %sub3A_5103, %mul3A_5098 : vector<16xf32>
    %mul3A_5105 = arith.mulf %add3A_5101, %sub3A_5104 : vector<16xf32>
    %add3A_5106 = arith.constant 9.99999996E-13 : f32
    %add3A_5107 = vector.broadcast %add3A_5106 : f32 to vector<16xf32>
    %add3A_5108 = arith.addf %div3A_5070, %add3A_5107 : vector<16xf32>
    %mul3A_5109 = arith.mulf %add3A_5108, %mul3A_5098 : vector<16xf32>
    %gt3A_5110 = arith.cmpf ogt, %mul3A_5105, %mul3A_5109 : vector<16xf32>
    %jit3A_5111 = arith.constant 1 : i32
    %jit3A_5112 = arith.constant 0 : i32
    %broadcast_in_dim3A_5113 = vector.broadcast %jit3A_5111 : i32 to vector<16xi32>
    %broadcast_in_dim3A_5114 = vector.broadcast %jit3A_5112 : i32 to vector<16xi32>
    %select_n3A_5115 = arith.select %gt3A_5110, %broadcast_in_dim3A_5113, %broadcast_in_dim3A_5114 : vector<16xi1>, vector<16xi32>
    %broadcast_in_dim3A_5116 = vector.shape_cast %select_n3A_5115 : vector<16xi32> to vector<16x1xi32>
    %gather3A_5117 = vector.shape_cast %broadcast_in_dim3A_5116 : vector<16x1xi32> to vector<16xi32>
    %gather3A_5118 = tpu.dynamic_gather %select_n3A_22[%gather3A_5117] in [0] : vector<16xf32>, vector<16xi32> -> vector<16xf32>
    %le3A_5119 = arith.constant 5.000000e-01 : f32
    %le3A_5120 = vector.broadcast %le3A_5119 : f32 to vector<16xf32>
    %le3A_5121 = arith.cmpf ole, %gather3A_5118, %le3A_5120 : vector<16xf32>
    %jit3A_5122 = arith.constant 1.000000e+01 : f32
    %broadcast_in_dim3A_5123 = vector.broadcast %jit3A_5122 : f32 to vector<16xf32>
    %select_n3A_5124 = arith.select %le3A_5121, %broadcast_in_dim3A_5123, %gather3A_5118 : vector<16xi1>, vector<16xf32>
    %gt3A_5125 = arith.constant 5.000000e-01 : f32
    %gt3A_5126 = vector.broadcast %gt3A_5125 : f32 to vector<16xf32>
    %gt3A_5127 = arith.cmpf ogt, %select_n3A_5124, %gt3A_5126 : vector<16xf32>
    %jit3A_5128 = arith.constant 1.000000e+00 : f32
    %broadcast_in_dim3A_5129 = vector.broadcast %jit3A_5128 : f32 to vector<16xf32>
    %select_n3A_5130 = arith.select %gt3A_5127, %broadcast_in_dim3A_5129, %select_n3A_5124 : vector<16xi1>, vector<16xf32>
    %swap3A_5131 = arith.constant 992 : index
    %swap3A_5132 = tpu.vector_load %arg6[%swap3A_5131] {strides = array<i32>} : memref<1024xf32, #tpu.memory_space<vmem>>, vector<16xf32>,
    %swap3A_5133 = vector.shape_cast %swap3A_5132 : vector<16xf32> to vector<16xf32>
    %swap3A_5134 = vector.shape_cast %select_n3A_5130 : vector<16xf32> to vector<16xf32>
    tpu.vector_store %arg6[%swap3A_5131], %swap3A_5134 {strides = array<i32>} : memref<1024xf32, #tpu.memory_space<vmem>>, vector<16xf32>,
    %get3A_5135 = arith.constant 1008 : index
    %get3A_5136 = tpu.vector_load %arg5[%get3A_5135] {strides = array<i32>} : memref<1024xf32, #tpu.memory_space<vmem>>, vector<16xf32>,
    %get3A_5137 = vector.shape_cast %get3A_5136 : vector<16xf32> to vector<16xf32>
    %mul3A_5138 = vector.broadcast %squeeze3A : f32 to vector<16xf32>
    %mul3A_5139 = arith.mulf %get3A_5137, %mul3A_5138 : vector<16xf32>
    %add3A_5140 = vector.broadcast %squeeze3A_26 : f32 to vector<16xf32>
    %add3A_5141 = arith.addf %mul3A_5139, %add3A_5140 : vector<16xf32>
    %neg3A_5142 = arith.constant 0.000000e+00 : f32
    %neg3A_5143 = vector.broadcast %neg3A_5142 : f32 to vector<16xf32>
    %neg3A_5144 = arith.subf %neg3A_5143, %add3A_5141 : vector<16xf32>
    %exp3A_5145 = math.exp %neg3A_5144 : vector<16xf32>
    %add3A_5146 = arith.constant 1.000000e+00 : f32
    %add3A_5147 = vector.broadcast %add3A_5146 : f32 to vector<16xf32>
    %add3A_5148 = arith.addf %add3A_5147, %exp3A_5145 : vector<16xf32>
    %div3A_5149 = arith.constant 1.000000e+00 : f32
    %div3A_5150 = vector.broadcast %div3A_5149 : f32 to vector<16xf32>
    %div3A_5151 = arith.divf %div3A_5150, %add3A_5148 : vector<16xf32>
    %sub3A_5152 = arith.constant 1.000000e+00 : f32
    %sub3A_5153 = vector.broadcast %sub3A_5152 : f32 to vector<16xf32>
    %sub3A_5154 = arith.subf %sub3A_5153, %div3A_5151 : vector<16xf32>
    %add3A_5155 = arith.constant 1008 : i32
    %add3A_5156 = arith.addi %mul3A_0, %add3A_5155 : i32
    %add3A_5157 = vector.broadcast %add3A_5156 : i32 to vector<16xi32>
    %add3A_5158 = arith.addi %add3A_5157, %iota3A : vector<16xi32>
    %mul3A_5159 = arith.constant -1640531527 : i32
    %mul3A_5160 = vector.broadcast %mul3A_5159 : i32 to vector<16xi32>
    %mul3A_5161 = arith.muli %add3A_5158, %mul3A_5160 : vector<16xi32>
    %shift_right_logical3A_5162 = arith.constant 15 : i32
    %shift_right_logical3A_5163 = vector.broadcast %shift_right_logical3A_5162 : i32 to vector<16xi32>
    %shift_right_logical3A_5164 = arith.shrui %mul3A_5161, %shift_right_logical3A_5163 : vector<16xi32>
    %xor3A_5165 = arith.xori %mul3A_5161, %shift_right_logical3A_5164 : vector<16xi32>
    %mul3A_5166 = arith.constant -2048144789 : i32
    %mul3A_5167 = vector.broadcast %mul3A_5166 : i32 to vector<16xi32>
    %mul3A_5168 = arith.muli %xor3A_5165, %mul3A_5167 : vector<16xi32>
    %shift_right_logical3A_5169 = arith.constant 13 : i32
    %shift_right_logical3A_5170 = vector.broadcast %shift_right_logical3A_5169 : i32 to vector<16xi32>
    %shift_right_logical3A_5171 = arith.shrui %mul3A_5168, %shift_right_logical3A_5170 : vector<16xi32>
    %xor3A_5172 = arith.xori %mul3A_5168, %shift_right_logical3A_5171 : vector<16xi32>
    %and3A_5173 = arith.constant 8388607 : i32
    %and3A_5174 = vector.broadcast %and3A_5173 : i32 to vector<16xi32>
    %and3A_5175 = arith.andi %xor3A_5172, %and3A_5174 : vector<16xi32>
    %convert_element_type3A_5176 = arith.sitofp %and3A_5175 : vector<16xi32> to vector<16xf32>
    %mul3A_5177 = arith.constant 1.1920929E-7 : f32
    %mul3A_5178 = vector.broadcast %mul3A_5177 : f32 to vector<16xf32>
    %mul3A_5179 = arith.mulf %convert_element_type3A_5176, %mul3A_5178 : vector<16xf32>
    %add3A_5180 = arith.constant 9.99999996E-13 : f32
    %add3A_5181 = vector.broadcast %add3A_5180 : f32 to vector<16xf32>
    %add3A_5182 = arith.addf %sub3A_5154, %add3A_5181 : vector<16xf32>
    %sub3A_5183 = arith.constant 1.000000e+00 : f32
    %sub3A_5184 = vector.broadcast %sub3A_5183 : f32 to vector<16xf32>
    %sub3A_5185 = arith.subf %sub3A_5184, %mul3A_5179 : vector<16xf32>
    %mul3A_5186 = arith.mulf %add3A_5182, %sub3A_5185 : vector<16xf32>
    %add3A_5187 = arith.constant 9.99999996E-13 : f32
    %add3A_5188 = vector.broadcast %add3A_5187 : f32 to vector<16xf32>
    %add3A_5189 = arith.addf %div3A_5151, %add3A_5188 : vector<16xf32>
    %mul3A_5190 = arith.mulf %add3A_5189, %mul3A_5179 : vector<16xf32>
    %gt3A_5191 = arith.cmpf ogt, %mul3A_5186, %mul3A_5190 : vector<16xf32>
    %jit3A_5192 = arith.constant 1 : i32
    %jit3A_5193 = arith.constant 0 : i32
    %broadcast_in_dim3A_5194 = vector.broadcast %jit3A_5192 : i32 to vector<16xi32>
    %broadcast_in_dim3A_5195 = vector.broadcast %jit3A_5193 : i32 to vector<16xi32>
    %select_n3A_5196 = arith.select %gt3A_5191, %broadcast_in_dim3A_5194, %broadcast_in_dim3A_5195 : vector<16xi1>, vector<16xi32>
    %broadcast_in_dim3A_5197 = vector.shape_cast %select_n3A_5196 : vector<16xi32> to vector<16x1xi32>
    %gather3A_5198 = vector.shape_cast %broadcast_in_dim3A_5197 : vector<16x1xi32> to vector<16xi32>
    %gather3A_5199 = tpu.dynamic_gather %select_n3A_22[%gather3A_5198] in [0] : vector<16xf32>, vector<16xi32> -> vector<16xf32>
    %le3A_5200 = arith.constant 5.000000e-01 : f32
    %le3A_5201 = vector.broadcast %le3A_5200 : f32 to vector<16xf32>
    %le3A_5202 = arith.cmpf ole, %gather3A_5199, %le3A_5201 : vector<16xf32>
    %jit3A_5203 = arith.constant 1.000000e+01 : f32
    %broadcast_in_dim3A_5204 = vector.broadcast %jit3A_5203 : f32 to vector<16xf32>
    %select_n3A_5205 = arith.select %le3A_5202, %broadcast_in_dim3A_5204, %gather3A_5199 : vector<16xi1>, vector<16xf32>
    %gt3A_5206 = arith.constant 5.000000e-01 : f32
    %gt3A_5207 = vector.broadcast %gt3A_5206 : f32 to vector<16xf32>
    %gt3A_5208 = arith.cmpf ogt, %select_n3A_5205, %gt3A_5207 : vector<16xf32>
    %jit3A_5209 = arith.constant 1.000000e+00 : f32
    %broadcast_in_dim3A_5210 = vector.broadcast %jit3A_5209 : f32 to vector<16xf32>
    %select_n3A_5211 = arith.select %gt3A_5208, %broadcast_in_dim3A_5210, %select_n3A_5205 : vector<16xi1>, vector<16xf32>
    %swap3A_5212 = arith.constant 1008 : index
    %swap3A_5213 = tpu.vector_load %arg6[%swap3A_5212] {strides = array<i32>} : memref<1024xf32, #tpu.memory_space<vmem>>, vector<16xf32>,
    %swap3A_5214 = vector.shape_cast %swap3A_5213 : vector<16xf32> to vector<16xf32>
    %swap3A_5215 = vector.shape_cast %select_n3A_5211 : vector<16xf32> to vector<16xf32>
    tpu.vector_store %arg6[%swap3A_5212], %swap3A_5215 {strides = array<i32>} : memref<1024xf32, #tpu.memory_space<vmem>>, vector<16xf32>,
    %add3A_5216 = arith.constant 512 : i32
    %add3A_5217 = arith.addi %mul3A_0, %add3A_5216 : i32
    %dma_start3A_5218 = arith.constant 512 : i32
    %dma_start3A_5219 = tpu.memref_slice %arg6[%dma_start3A_5218] : memref<1024xf32, #tpu.memory_space<vmem>> -> memref<512xf32, #tpu.memory_space<vmem>>
    %dma_start3A_5220 = tpu.memref_slice %arg4[%add3A_5217] : memref<16384xf32, #tpu.memory_space<hbm>> -> memref<512xf32, #tpu.memory_space<hbm>>
    %dma_start3A_5221 = tpu.memref_slice %arg4[%add3A_5217] : memref<16384xf32, #tpu.memory_space<hbm>> -> memref<512xf32, #tpu.memory_space<hbm>>
    %dma_start3A_5222 = arith.constant 512 : i32
    %dma_start3A_5223 = tpu.memref_slice %arg6[%dma_start3A_5222] : memref<1024xf32, #tpu.memory_space<vmem>> -> memref<512xf32, #tpu.memory_space<vmem>>
    tpu.enqueue_dma source(%dma_start3A_5223 : memref<512xf32, #tpu.memory_space<vmem>>) target(%dma_start3A_5221 : memref<512xf32, #tpu.memory_space<hbm>>) target_semaphore(%arg11 : memref<!tpu.dma_semaphore, #tpu.memory_space<semaphore_mem>>)
    %dma_wait3A_5224 = arith.constant 0 : i32
    %dma_wait3A_5225 = tpu.memref_slice %arg6[%dma_wait3A_5224] : memref<1024xf32, #tpu.memory_space<vmem>> -> memref<512xf32, #tpu.memory_space<vmem>>
    %dma_wait3A_5226 = tpu.memref_slice %arg4[%mul3A_0] : memref<16384xf32, #tpu.memory_space<hbm>> -> memref<512xf32, #tpu.memory_space<hbm>>
    %dma_wait3A_5227 = tpu.memref_slice %arg4[%mul3A_0] : memref<16384xf32, #tpu.memory_space<hbm>> -> memref<512xf32, #tpu.memory_space<hbm>>
    %dma_wait3A_5228 = arith.constant 0 : i32
    %dma_wait3A_5229 = tpu.memref_slice %arg6[%dma_wait3A_5228] : memref<1024xf32, #tpu.memory_space<vmem>> -> memref<512xf32, #tpu.memory_space<vmem>>
    tpu.wait_dma2 semaphore(%arg11 : memref<!tpu.dma_semaphore, #tpu.memory_space<semaphore_mem>>) src(%dma_wait3A_5229 : memref<512xf32, #tpu.memory_space<vmem>>) dst(%dma_wait3A_5227 : memref<512xf32, #tpu.memory_space<hbm>>)
    %dma_wait3A_5230 = arith.constant 512 : i32
    %dma_wait3A_5231 = tpu.memref_slice %arg6[%dma_wait3A_5230] : memref<1024xf32, #tpu.memory_space<vmem>> -> memref<512xf32, #tpu.memory_space<vmem>>
    %dma_wait3A_5232 = tpu.memref_slice %arg4[%add3A_5217] : memref<16384xf32, #tpu.memory_space<hbm>> -> memref<512xf32, #tpu.memory_space<hbm>>
    %dma_wait3A_5233 = tpu.memref_slice %arg4[%add3A_5217] : memref<16384xf32, #tpu.memory_space<hbm>> -> memref<512xf32, #tpu.memory_space<hbm>>
    %dma_wait3A_5234 = arith.constant 512 : i32
    %dma_wait3A_5235 = tpu.memref_slice %arg6[%dma_wait3A_5234] : memref<1024xf32, #tpu.memory_space<vmem>> -> memref<512xf32, #tpu.memory_space<vmem>>
    tpu.wait_dma2 semaphore(%arg11 : memref<!tpu.dma_semaphore, #tpu.memory_space<semaphore_mem>>) src(%dma_wait3A_5235 : memref<512xf32, #tpu.memory_space<vmem>>) dst(%dma_wait3A_5233 : memref<512xf32, #tpu.memory_space<hbm>>)
    return
  }
}

</mosaic_0001>

<sc_bundles>
// kernel: kernel.3.cloned.1.call-start
scs
__scs_entry_jumppad:
0x0: {  	(pc) =	sbr.rel $0x88, $3  }
0x1: {  	(tag) =	ssettag $0x0;
	lr =	simm.s32 $0x1  }
0x2: {  	[smem:$0x3F9E] =	sst lr;
	_ =	strace $0xD0000000  }
0x3: {  	_ = 	snop  }
0x4: {  	_ = 	snop  }
0x5: {  	_ = 	snop  }
0x6: {  	_ = 	snop  }
0x7: {  	_ = 	snop  }
__scs_overlays_trampoline_lowered:
0x8: {  	[smem:$0x3FAD] =	sst s0  }
0x9: {  	[smem:$0x3FAE] =	sst s1  }
0xa: {  	[smem:$0x3FAF] =	sst s2  }
0xb: {  	[smem:$0x3FB0] =	sst s3  }
0xc: {  	[smem:$0x3FB1] =	sst s4  }
0xd: {  	[smem:$0x3FB2] =	sst s5  }
0xe: {  	[smem:$0x3FB3] =	sst s6  }
0xf: {  	[smem:$0x3FB4] =	sst s7  }
0x10: {  	[smem:$0x3FB5] =	sst s8  }
0x11: {  	[smem:$0x3FB6] =	sst s9;
	s0 =	simm.s32 @!p0 $0x0  }
0x12: {  	s1 =	sld [smem:$0x3F9C];
	s0 =	simm.s32 @p0 $0x1  }
0x13: {  	[smem:$0x3FB7] =	sst s0;
	s0 =	simm.s32 @!p1 $0x0  }
0x14: {  	s2 =	sld [smem:$0x3F9B];
	s0 =	simm.s32 @p1 $0x1  }
0x15: {  	[smem:$0x3FB8] =	sst s0;
	s0 =	simm.s32 @!p2 $0x0  }
0x16: {  	s3 =	sld [smem:$0x3FDB];
	s0 =	simm.s32 @p2 $0x1  }
0x17: {  	s4 =	simm.s32 $0x1BF5;
	[smem:$0x3FBA] =	sst s0  }
0x18: {  	s0 =	sld [smem:$0x3F9D];
	_ =	swait.ge [sflag:s4], $0x0  }
0x19: {  	s7 =	sld [smem:$0x3F9E]  }
0x1a: {  	s8 =	sadd.s32 $0xFFFFE003, lr  }
0x1b: {  	s9 =	sadd.s32 $0xFFFFFEF7, lr;
	s5 =	simm.s32 $0xFFFFFFFF;
	p2 =	slt.u32 s8, $0xFFFFF086  }
0x1c: {  	p1 =	slt.u32 s9, $0xF7A;
	s5 =	simm.s32 @!p2 $0x0  }
0x1d: {  	s5 =	simm.s32 @p1 $0x1;
	p0 =	seq.s32 s7, s2  }
0x1e: {  	s7 =	smul.u32 @!p0 $0xF7A, s2;
	p2 =	seq.s32 @!p0 s5, $0x0  }
0x1f: {  	s9 =	smul.u32 $0xF7A, s1;
	s8 =	simm.s32 @!p0 $0x1BF5;
	p2 =	por !p2, p0  }
0x20: {  	[sflag:s8] =	ssyncset.s32 @!p0 $0xFFFFF086;
	s6 =	sadd.s32 @!p0 s3, s7;
	s7 =	simm.s32 @!p0 $0x108  }
0x21: {  	s3 =	sadd.s32 s3, s9;
	s6 =	sadd.s32 @!p0 $0x88, s6;
	s7 =	simm.s32 @p2 $0x1082  }
0x22: {  	[simem:s7], [sflag:s8] =	dma.local @!p0 [hbm:s6], $0xF7A  }
0x23: {  	s9 =	sor.u32 $0xD0000000, s2;
	s6 =	simm.s32 $0x108;
	_ =	swait.ge @!p0 [sflag:s8], $0x0  }
0x24: {  	s3 =	sadd.s32 $0x88, s3;
	s6 =	simm.s32 @!p1 $0x1082;
	[sflag:s4] =	ssyncset.s32 $0xFFFFF086  }
0x25: {  	[simem:s6], [sflag:s4] =	dma.local [hbm:s3], $0xF7A  }
0x26: {  	[smem:$0x3F9E] =	sst s1;
	(tag) =	ssettag s2;
	_ =	strace s9  }
0x27: {  	s1 =	sld [smem:$0x3FAE]  }
0x28: {  	s2 =	sld [smem:$0x3FAF]  }
0x29: {  	s4 =	sld [smem:$0x3FB1]  }
0x2a: {  	p0 =	seq.s32 s5, $0x0;
	s5 =	sld [smem:$0x3FB2]  }
0x2b: {  	s6 =	sld [smem:$0x3FB3]  }
0x2c: {  	s7 =	sld [smem:$0x3FB4]  }
0x2d: {  	s3 =	simm.s32 $0x108;
	s8 =	sld [smem:$0x3FB5]  }
0x2e: {  	s3 =	simm.s32 @!p0 $0x1082;
	s9 =	sld [smem:$0x3FB6]  }
0x2f: {  	lr =	sadd.s32 s0, s3;
	s0 =	sld [smem:$0x3FAD]  }
0x30: {  	s3 =	sld [smem:$0x3FB0]  }
0x31: {  	[smem:$0x3FB9] =	sst s10  }
0x32: {  	s10 =	sld [smem:$0x3FB7];
	_ =	sdelay $0x3  }
0x33: {  	p0 =	seq.s32 s10, $0x1;
	s10 =	sld [smem:$0x3FB9];
	_ =	sdelay $0x3  }
0x34: {  	[smem:$0x3FB9] =	sst s10  }
0x35: {  	s10 =	sld [smem:$0x3FB8];
	_ =	sdelay $0x3  }
0x36: {  	p1 =	seq.s32 s10, $0x1;
	s10 =	sld [smem:$0x3FB9];
	_ =	sdelay $0x3  }
0x37: {  	[smem:$0x3FB9] =	sst s10  }
0x38: {  	s10 =	sld [smem:$0x3FBA]  }
0x39: {  	_ = 	snop;
	(pc) =	sbr.ind lr, $3  }
0x3a: {  	_ = 	snop  }
0x3b: {  	_ = 	snop  }
0x3c: {  	p2 =	seq.s32 s10, $0x1;
	s10 =	sld [smem:$0x3FB9]  }
0x3d: {  	_ =	shalt  }
0x3e: {  	_ =	shalt  }
0x3f: {  	_ =	shalt  }
0x40: {  	_ =	shalt  }
0x41: {  	_ =	shalt  }
0x42: {  	_ =	shalt  }
0x43: {  	_ =	shalt  }
0x44: {  	_ =	shalt  }
0x45: {  	_ =	shalt  }
0x46: {  	_ =	shalt  }
0x47: {  	_ =	shalt  }
0x48: {  	_ =	shalt  }
0x49: {  	_ =	shalt  }
0x4a: {  	_ =	shalt  }
0x4b: {  	_ =	shalt  }
0x4c: {  	_ =	shalt  }
0x4d: {  	_ =	shalt  }
0x4e: {  	_ =	shalt  }
0x4f: {  	_ =	shalt  }
0x50: {  	_ =	shalt  }
0x51: {  	_ =	shalt  }
0x52: {  	_ =	shalt  }
0x53: {  	_ =	shalt  }
0x54: {  	_ =	shalt  }
0x55: {  	_ =	shalt  }
0x56: {  	_ =	shalt  }
0x57: {  	_ =	shalt  }
0x58: {  	_ =	shalt  }
0x59: {  	_ =	shalt  }
0x5a: {  	_ =	shalt  }
0x5b: {  	_ =	shalt  }
0x5c: {  	_ =	shalt  }
0x5d: {  	_ =	shalt  }
0x5e: {  	_ =	shalt  }
0x5f: {  	_ =	shalt  }
0x60: {  	_ =	shalt  }
0x61: {  	_ =	shalt  }
0x62: {  	_ =	shalt  }
0x63: {  	_ =	shalt  }
0x64: {  	_ =	shalt  }
0x65: {  	_ =	shalt  }
0x66: {  	_ =	shalt  }
0x67: {  	_ =	shalt  }
0x68: {  	_ =	shalt  }
0x69: {  	_ =	shalt  }
0x6a: {  	_ =	shalt  }
0x6b: {  	_ =	shalt  }
0x6c: {  	_ =	shalt  }
0x6d: {  	_ =	shalt  }
0x6e: {  	_ =	shalt  }
0x6f: {  	_ =	shalt  }
0x70: {  	_ =	shalt  }
0x71: {  	_ =	shalt  }
0x72: {  	_ =	shalt  }
0x73: {  	_ =	shalt  }
0x74: {  	_ =	shalt  }
0x75: {  	_ =	shalt  }
0x76: {  	_ =	shalt  }
0x77: {  	_ =	shalt  }
0x78: {  	_ =	shalt  }
0x79: {  	_ =	shalt  }
0x7a: {  	_ =	shalt  }
0x7b: {  	_ =	shalt  }
0x7c: {  	_ =	shalt  }
0x7d: {  	_ =	shalt  }
0x7e: {  	_ =	shalt  }
0x7f: {  	_ =	shalt  }
0x80: {  	_ =	shalt  }
0x81: {  	_ =	shalt  }
0x82: {  	_ =	shalt  }
0x83: {  	_ =	shalt  }
0x84: {  	_ =	shalt  }
0x85: {  	_ =	shalt  }
0x86: {  	_ =	shalt  }
0x87: {  	_ =	shalt  }
.Lfunc_end0:
.L_simem_size_0:
called_computation_lowered:
.L_overlay_start_0:
0x88: {  	s0 =	sld [smem:$0x3FD9]  }
0x89: {  	s1 =	sld [smem:$0x3FFE];
	_ =	sdelay $0x3  }
0x8a: {  	s0 =	sadd.s32 s1, s0  }
0x8b: {  	[smem:$0x3FC5] =	sst s0  }
0x8c: {  	_ = 	snop  }
0x8d: {  	s0 =	sld [smem:$0x3FC9]  }
0x8e: {  	s16 =	sld [smem:$0x3FD0];
	(tm) =	ssettm $0x1  }
0x8f: {  	s2 =	sld [smem:$0x3FFB];
	_ =	sdelay $0x3  }
0x90: {  	_ =	strace s2  }
0x91: {  	s2 =	sld [smem:$0x3FFC];
	_ =	sdelay $0x3  }
0x92: {  	_ =	strace s2  }
0x93: {  	s2 =	sld [smem:$0x3FFD];
	_ =	sdelay $0x3  }
0x94: {  	_ =	strace s2  }
0x95: {  	_ =	strace $0x8FFFFFFF  }
0x96: {  	s17 =	sld [smem:$0x3FDB];
	_ =	sdelay $0x1  }
0x97: {  	s3 =	simm.s32 $_scs_section_size  }
0x98: {  	s4 =	simm.s32 $_size__tile_overlayer_lowered;
	s5 =	simm.s32 $_tile_overlayer_lowered  }
0x99: {  	s20 =	simm.s32 $0x1BFF;
	s19 =	sshll.u32 s5, $0x1;
	s2 =	sadd.s32 s3, s17  }
0x9a: {  	s6 =	simm.s32 $0x0;
	s18 =	sshll.u32 s4, $0x1;
	s4 =	sadd.s32 s19, s2  }
0x9b: {  	[timem:s6], [sflag:s20] =	dma.local [hbm:s4], s18  }
0x9c: {  	_ =	swait.ge [sflag:s20], s18  }
0x9d: {  	s3 =	ssub.s32 $0x0, s18;
	[sflag:s20] =	ssyncset.done $0x0  }
0x9e: {  	[sflag:s20] =	ssyncadd.s32 s3;
	_ =	sdelay $0x1  }
0x9f: {  	s21 =	simm.s32 $0x1B8B  }
0xa0: {  	_ =	swait.ge [sflag:s21], $0x1  }
0xa1: {  	[sflag:s21] =	ssyncset.done $0x0  }
0xa2: {  	s23 =	simm.s32 $0x1B8E;
	s22 =	sld [smem:$0x3FFE];
	[sflag:s21] =	ssyncadd.s32 $0xFFFFFFFF  }
0xa3: {  	s24 =	simm.s32 $execute0_lowered;
	[smem:$0x3FD2] =	sst s23  }
0xa4: {  	s4 =	sshll.u32 s24, $0x1;
	_ =	strace $0x80000046;
	[dreg:$0x1] =	wrdreg $0xFFFFFFFF  }
0xa5: {  	s25 =	simm.s32 $_size_execute0_lowered;
	s2 =	sadd.s32 s2, s4;
	[dreg:$0x0] =	wrdreg $0x0  }
0xa6: {  	s4 =	sshll.u32 s25, $0x1;
	[dreg:$0x2] =	wrdreg s2  }
0xa7: {  	[dreg:$0x3] =	wrdreg s4  }
0xa8: {  	[dreg:$0x4] =	wrdreg $0xC0  }
0xa9: {  	_ =	task [dreg:s6], $0x5FFFF  }
0xaa: {  	[dreg:$0x1] =	wrdreg $0xFFFFFFFF  }
0xab: {  	[dreg:$0x0] =	wrdreg $0x60  }
0xac: {  	[dreg:$0x2] =	wrdreg s0  }
0xad: {  	[dreg:$0x3] =	wrdreg s22  }
0xae: {  	[dreg:$0x4] =	wrdreg s16  }
0xaf: {  	[dreg:$0x5] =	wrdreg $0x9  }
0xb0: {  	_ =	task.clear_ibuf [dreg:s6], $0x6FFFF;
	_ =	strace $0x90000046  }
0xb1: {  	s26 =	simm.s32 $0x9;
	_ =	strace $0x80000048  }
0xb2: {  	_ =	swait.ge [sflag:s26], $0x1  }
0xb3: {  	[sflag:s26] =	ssyncadd.s32 $0xFFFFFFFF  }
0xb4: {  	_ =	strace $0x90000048  }
0xb5: {  	_ =	sfence  }
0xb6: {  	s28 =	sld [smem:$0x0];
	_ =	sdelay $0x1  }
0xb7: {  	s29 =	srdreg.scid  }
0xb8: {  	s30 =	sshll.u32 s29, $0xD;
	s31 =	sshrl.u32 s29, $0x2  }
0xb9: {  	s1 =	sand.u32 $0x1, s29;
	s2 =	sand.u32 $0x4000, s30;
	s0 =	sadd.s32 s31, s28  }
0xba: {  	s1 =	sor.u32 s2, s1;
	s0 =	sshll.u32 s0, $0x11  }
0xbb: {  	s0 =	sor.u32 s0, s1  }
0xbc: {  	s0 =	sadd.s32 $0x8F2B, s0  }
0xbd: {  	[sflag:s0] =	ssyncadd.remote.s32 $0x1  }
0xbe: {  	_ =	sfence.sel $0xFFFF  }
0xbf: {  	[dreg:$0x0] =	wrdreg $0xFFFFFFFF;
	(pc) =	sbr.abs _section_cstart, $3  }
0xc0: {  	[dreg:$0x1] =	wrdreg $0xFFFFFFFF  }
0xc1: {  	_ =	task.clear_ibuf [dreg:s6], $0x2FFFF;
	_ =	strace $0x9FFFFFFF  }
0xc2: {  	(tm) =	ssettm $0x7FFFFFFF  }
0xc3: {  	_ =	shalt  }
tec
execute0_lowered:
.L_overlay_start_1:
0x0: {  	(tag) =	ssettag $0x1  }
0x1: {  	s8 =	rddreg [dreg:$0x0]  }
0x2: {  	s9 =	rddreg [dreg:$0x1]  }
0x3: {  	s2 =	rddreg [dreg:$0x2];
	s1 =	stileid.u32  }
0x4: {  	s0 =	rddreg [dreg:$0x3];
	s3 =	simm.s32 $0x0;
	s5 =	sshll.u32 s1, $0xA  }
0x5: {  	[smem:$0x7FF] =	sst s3;
	s7 =	sshll.u32 s1, $0x7;
	s6 =	sor.u32 $0x200, s5  }
0x6: {  	_ =	strace $0x80000047;
	s10 =	sadd.s32 s8, s7;
	s4 =	sshrl.u32 s6, $0x3  }
0x7: {  	[tilespmem:s3], [sflag:$0x1] =	stream.linear.gather [hbm4b:s10+s3], $0x200, $0x38;
	[tilespmem:$0x880] =	vst v63  }
0x8: {  	s29 =	simm.s32 $0x200;
	s8 =	sadd.s32 s8, s4  }
0x9: {  	[tilespmem:s29], [sflag:$0x2] =	stream.linear.gather [hbm4b:s8+s3], $0x200, $0x38;
	[tilespmem:$0x880] =	vst v63  }
0xa: {  	s31 =	simm.s32 $0x800;
	s30 =	sadd.s32 $0x400, s9;
	s10 =	simm.s32 $0x3  }
0xb: {  	[tilespmem:s31], [sflag:$0x3] =	stream.linear.gather [hbm4b:s30+s3], $0x80, $0x38;
	[tilespmem:$0x880] =	vst v63  }
0xc: {  	_ =	swait.ge [sflag:s10], $0x80  }
0xd: {  	[sflag:s10] =	ssyncset.done $0x0  }
0xe: {  	s11 =	simm.s32 $0x1;
	[sflag:s10] =	ssyncadd.s32 $0xFFFFFF80  }
0xf: {  	v0 =	vld [tilespmem:$0x800];
	_ =	swait.ge [sflag:s11], $0x200  }
0x10: {  	[sflag:s11] =	ssyncset.done $0x0  }
0x11: {  	[sflag:s11] =	ssyncadd.s32 $0xFFFFFE00  }
0x12: {  	v2 =	vld [tilespmem:$0x0];
	_ =	sdelay $0x2  }
0x13: {  	v1 =	vbroadcast v0, $0x0;
	_ =	sdelay $0x1  }
0x14: {  	v0 =	vbroadcast v0, $0x1;
	v2 =	vmul.f32 v2, v1;
	_ =	sdelay $0x1  }
0x15: {  	v2 =	vadd.f32 v2, v0;
	_ =	sdelay $0x1  }
0x16: {  	v2 =	vsub.f32 $0.0e+00, v2;
	_ =	sdelay $0x1  }
0x17: {  	v2 =	vmul.f32 $1.442695020e+00, v2;
	_ =	sdelay $0x1  }
0x18: {  	v34 =	vld [tilespmem:$0x10];
	(erf) = vpow2.f32 v2;
	_ =	sdelay $0x4  }
0x19: {  	v2 =	vmul.f32 v34, v1;
	_ =	sdelay $0x1  }
0x1a: {  	v2 =	vadd.f32 v2, v0;
	_ =	sdelay $0x1  }
0x1b: {  	v2 =	vsub.f32 $0.0e+00, v2;
	v3 =	vpop (erf)  }
0x1c: {  	v3 =	vadd.f32 $1.000000000e+00, v3  }
0x1d: {  	v2 =	vmul.f32 $1.442695020e+00, v2  }
0x1e: {  	(erf) = vrcp.f32 v3  }
0x1f: {  	v35 =	vld [tilespmem:$0x20];
	(erf) = vpow2.f32 v2;
	_ =	sdelay $0x4  }
0x20: {  	v2 =	vmul.f32 v35, v1;
	_ =	sdelay $0x1  }
0x21: {  	v2 =	vadd.f32 v2, v0  }
0x22: {  	v15 =	vpop (erf)  }
0x23: {  	v2 =	vsub.f32 $0.0e+00, v2;
	v36 =	vpop (erf)  }
0x24: {  	v3 =	vadd.f32 $1.000000000e+00, v36  }
0x25: {  	v2 =	vmul.f32 $1.442695020e+00, v2  }
0x26: {  	(erf) = vrcp.f32 v3  }
0x27: {  	v37 =	vld [tilespmem:$0x30];
	(erf) = vpow2.f32 v2;
	_ =	sdelay $0x4  }
0x28: {  	v2 =	vmul.f32 v37, v1;
	_ =	sdelay $0x1  }
0x29: {  	v2 =	vadd.f32 v2, v0  }
0x2a: {  	v12 =	vpop (erf)  }
0x2b: {  	v2 =	vsub.f32 $0.0e+00, v2;
	v38 =	vpop (erf)  }
0x2c: {  	v3 =	vadd.f32 $1.000000000e+00, v38  }
0x2d: {  	v2 =	vmul.f32 $1.442695020e+00, v2  }
0x2e: {  	(erf) = vrcp.f32 v3  }
0x2f: {  	v39 =	vld [tilespmem:$0x40];
	(erf) = vpow2.f32 v2;
	_ =	sdelay $0x4  }
0x30: {  	v2 =	vmul.f32 v39, v1;
	_ =	sdelay $0x1  }
0x31: {  	v2 =	vadd.f32 v2, v0  }
0x32: {  	v13 =	vpop (erf)  }
0x33: {  	v2 =	vsub.f32 $0.0e+00, v2;
	v40 =	vpop (erf)  }
0x34: {  	v3 =	vadd.f32 $1.000000000e+00, v40  }
0x35: {  	v2 =	vmul.f32 $1.442695020e+00, v2  }
0x36: {  	(erf) = vrcp.f32 v3  }
0x37: {  	v41 =	vld [tilespmem:$0x50];
	(erf) = vpow2.f32 v2;
	_ =	sdelay $0x4  }
0x38: {  	v2 =	vmul.f32 v41, v1;
	_ =	sdelay $0x1  }
0x39: {  	v2 =	vadd.f32 v2, v0  }
0x3a: {  	v11 =	vpop (erf)  }
0x3b: {  	v2 =	vsub.f32 $0.0e+00, v2;
	v42 =	vpop (erf)  }
0x3c: {  	v3 =	vadd.f32 $1.000000000e+00, v42  }
0x3d: {  	v2 =	vmul.f32 $1.442695020e+00, v2  }
0x3e: {  	(erf) = vrcp.f32 v3  }
0x3f: {  	v43 =	vld [tilespmem:$0x60];
	(erf) = vpow2.f32 v2;
	_ =	sdelay $0x4  }
0x40: {  	v2 =	vmul.f32 v43, v1;
	_ =	sdelay $0x1  }
0x41: {  	v2 =	vadd.f32 v2, v0  }
0x42: {  	v10 =	vpop (erf)  }
0x43: {  	v2 =	vsub.f32 $0.0e+00, v2;
	v44 =	vpop (erf)  }
0x44: {  	v3 =	vadd.f32 $1.000000000e+00, v44  }
0x45: {  	v2 =	vmul.f32 $1.442695020e+00, v2  }
0x46: {  	(erf) = vrcp.f32 v3  }
0x47: {  	v45 =	vld [tilespmem:$0x70];
	(erf) = vpow2.f32 v2;
	_ =	sdelay $0x4  }
0x48: {  	v2 =	vmul.f32 v45, v1;
	_ =	sdelay $0x1  }
0x49: {  	v2 =	vadd.f32 v2, v0  }
0x4a: {  	v8 =	vpop (erf)  }
0x4b: {  	v2 =	vsub.f32 $0.0e+00, v2;
	v46 =	vpop (erf)  }
0x4c: {  	v3 =	vadd.f32 $1.000000000e+00, v46  }
0x4d: {  	v2 =	vmul.f32 $1.442695020e+00, v2  }
0x4e: {  	(erf) = vrcp.f32 v3  }
0x4f: {  	v47 =	vld [tilespmem:$0x80];
	(erf) = vpow2.f32 v2;
	_ =	sdelay $0x4  }
0x50: {  	v2 =	vmul.f32 v47, v1;
	_ =	sdelay $0x1  }
0x51: {  	v2 =	vadd.f32 v2, v0  }
0x52: {  	v6 =	vpop (erf)  }
0x53: {  	v2 =	vsub.f32 $0.0e+00, v2;
	v48 =	vpop (erf)  }
0x54: {  	v3 =	vadd.f32 $1.000000000e+00, v48  }
0x55: {  	v2 =	vmul.f32 $1.442695020e+00, v2  }
0x56: {  	(erf) = vrcp.f32 v3  }
0x57: {  	v49 =	vld [tilespmem:$0x90];
	(erf) = vpow2.f32 v2;
	_ =	sdelay $0x4  }
0x58: {  	v2 =	vmul.f32 v49, v1;
	_ =	sdelay $0x1  }
0x59: {  	v2 =	vadd.f32 v2, v0  }
0x5a: {  	v4 =	vpop (erf)  }
0x5b: {  	v2 =	vsub.f32 $0.0e+00, v2;
	v50 =	vpop (erf)  }
0x5c: {  	v3 =	vadd.f32 $1.000000000e+00, v50  }
0x5d: {  	v51 =	vld [tilespmem:$0xA0];
	v2 =	vmul.f32 $1.442695020e+00, v2  }
0x5e: {  	(erf) = vrcp.f32 v3  }
0x5f: {  	v7 =	vlaneseq.u32;
	v52 =	vmov s5;
	s14 =	sor.u32 $0x30, s5;
	(erf) = vpow2.f32 v2  }
0x60: {  	vm7 =	vcmask $0xF08;
	s12 =	sor.u32 $0x10, s5;
	s13 =	sor.u32 $0x20, s5;
	v5 =	vmul.u32 $0x9E3779B9, v52;
	v18 =	vmov s14  }
0x61: {  	s15 =	sor.u32 $0x40, s5;
	s17 =	sor.u32 $0x60, s5;
	v56 =	vmov s12;
	v61 =	vmov s13;
	v18 =	vmul.u32 $0x9E3779B9, v18  }
0x62: {  	s16 =	sor.u32 $0x50, s5;
	v24 =	vmov s15;
	v32 =	vmov s17;
	v2 =	vmul.f32 v51, v1  }
0x63: {  	s18 =	sor.u32 $0x70, s5;
	s21 =	sor.u32 $0xA0, s5;
	v27 =	vmov s16;
	v22 =	vbroadcast v18, $0x0;
	v18 =	vmul.u32 $0x9E3779B9, v32  }
0x64: {  	v52 =	vmov s21;
	v39 =	vmov s18;
	v2 =	vadd.f32 v2, v0  }
0x65: {  	v58 =	vmul.u32 $0x9E3779B9, v56;
	v38 =	vbroadcast v18, $0x0;
	v18 =	vmul.u32 $0x9E3779B9, v39  }
0x66: {  	v5 =	vbroadcast v5, $0x0;
	v14 =	vsub.f32 $0.0e+00, v2;
	v2 =	vmul.u32 $0x9E3779B9, v7  }
0x67: {  	s19 =	sor.u32 $0x80, s5;
	v28 =	vmul.u32 $0x9E3779B9, v27;
	v18 =	vbroadcast v18, $0x0;
	v7 =	vbroadcast v58, $0x0;
	v3 =	vpop (erf)  }
0x68: {  	v57 =	vld [tilespmem:$0xB0];
	v46 =	vmov s19;
	v54 =	vmul.f32 $1.442695020e+00, v14;
	v5 =	vadd.s32 v2, v5;
	v9 =	vpop (erf)  }
0x69: {  	v7 =	vadd.s32 v2, v7;
	v55 =	vshrl.u32 v5, $0xF;
	v53 =	vadd.f32 $1.000000000e+00, v9  }
0x6a: {  	s20 =	sor.u32 $0x90, s5;
	v23 =	vadd.s32 v2, v22;
	v18 =	vadd.s32 v2, v18;
	v5 =	vxor.u32 v5, v55  }
0x6b: {  	v22 =	vmov s20;
	v5 =	vmul.u32 $0x85EBCA6B, v5;
	(erf) = vrcp.f32 v53  }
0x6c: {  	v60 =	vshrl.u32 v7, $0xF;
	v22 =	vmul.u32 $0x9E3779B9, v22;
	(erf) = vpow2.f32 v54  }
0x6d: {  	v9 =	vmul.f32 v57, v1;
	v59 =	vshrl.u32 v5, $0xD;
	v5 =	vand.u32 $0x7FFFFF, v5  }
0x6e: {  	v26 =	vshrl.u32 v23, $0xF;
	v47 =	vshrl.u32 v18, $0xF;
	v5 =	vxor.u32 v59, v5  }
0x6f: {  	v9 =	vadd.f32 v9, v0;
	v53 =	vbroadcast v22, $0x0;
	v14 =	vcvt.s32.f32 v5  }
0x70: {  	s22 =	sor.u32 $0xB0, s5;
	s25 =	sor.u32 $0xE0, s5;
	v5 =	vxor.u32 v7, v60;
	v7 =	vmul.u32 $0x9E3779B9, v61;
	v54 =	vmul.u32 $0x9E3779B9, v52  }
0x71: {  	v61 =	vmov s22;
	v52 =	vmov s25;
	v16 =	vmul.u32 $0x85EBCA6B, v5  }
0x72: {  	v9 =	vsub.f32 $0.0e+00, v9;
	v33 =	vmul.f32 $1.192092900e-07, v14;
	v7 =	vbroadcast v7, $0x0  }
0x73: {  	v57 =	vbroadcast v54, $0x0;
	v17 =	vshrl.u32 v16, $0xD;
	v16 =	vand.u32 $0x7FFFFF, v16  }
0x74: {  	v9 =	vmul.f32 $1.442695020e+00, v9;
	v7 =	vadd.s32 v2, v7;
	v63 =	vxor.u32 v17, v16;
	v5 =	vpop (erf)  }
0x75: {  	v44 =	vsub.f32 $1.000000000e+00, v33;
	v16 =	vmul.u32 $0x9E3779B9, v24;
	v17 =	vbroadcast v28, $0x0;
	v62 =	vpop (erf)  }
0x76: {  	v60 =	vadd.s32 v2, v57;
	v20 =	vshrl.u32 v7, $0xF;
	v14 =	vadd.f32 $1.000000000e+00, v62  }
0x77: {  	v7 =	vxor.u32 v7, v20;
	v16 =	vbroadcast v16, $0x0;
	v17 =	vadd.s32 v2, v17  }
0x78: {  	v7 =	vmul.u32 $0x85EBCA6B, v7;
	v34 =	vshrl.u32 v17, $0xF;
	(erf) = vrcp.f32 v14  }
0x79: {  	v21 =	vld [tilespmem:$0xC0];
	v16 =	vadd.s32 v2, v16;
	v36 =	vxor.u32 v17, v34;
	(erf) = vpow2.f32 v9  }
0x7a: {  	v17 =	vadd.s32 v2, v38;
	v25 =	vshrl.u32 v7, $0xD;
	v7 =	vand.u32 $0x7FFFFF, v7  }
0x7b: {  	v19 =	vshrl.u32 v16, $0xF;
	v43 =	vshrl.u32 v17, $0xF;
	v20 =	vxor.u32 v25, v7  }
0x7c: {  	v30 =	vxor.u32 v16, v19;
	v16 =	vmul.u32 $0x85EBCA6B, v36;
	v17 =	vxor.u32 v17, v43  }
0x7d: {  	v19 =	vmul.u32 $0x9E3779B9, v46;
	v62 =	vmul.u32 $0x9E3779B9, v61;
	v17 =	vmul.u32 $0x85EBCA6B, v17  }
0x7e: {  	v41 =	vshrl.u32 v16, $0xD;
	v16 =	vand.u32 $0x7FFFFF, v16;
	v9 =	vmul.f32 v21, v1  }
0x7f: {  	v14 =	vcvt.s32.f32 v63;
	v50 =	vbroadcast v19, $0x0;
	v43 =	vxor.u32 v41, v16  }
0x80: {  	v49 =	vshrl.u32 v17, $0xD;
	v17 =	vand.u32 $0x7FFFFF, v17;
	v9 =	vadd.f32 v9, v0  }
0x81: {  	s24 =	sor.u32 $0xD0, s5;
	v35 =	vmul.f32 $1.192092900e-07, v14;
	v14 =	vxor.u32 v23, v26;
	v46 =	vxor.u32 v49, v17;
	v7 =	vpop (erf)  }
0x82: {  	v26 =	vmov s24;
	v14 =	vmul.u32 $0x85EBCA6B, v14;
	v9 =	vsub.f32 $0.0e+00, v9;
	v21 =	vpop (erf)  }
0x83: {  	v43 =	vcvt.s32.f32 v43;
	v46 =	vcvt.s32.f32 v46;
	v31 =	vadd.f32 $1.000000000e+00, v21  }
0x84: {  	v29 =	vshrl.u32 v14, $0xD;
	v14 =	vand.u32 $0x7FFFFF, v14;
	v9 =	vmul.f32 $1.442695020e+00, v9  }
0x85: {  	v37 =	vld [tilespmem:$0xD0];
	v42 =	vxor.u32 v29, v14;
	v14 =	vmul.u32 $0x85EBCA6B, v30;
	(erf) = vrcp.f32 v31  }
0x86: {  	v26 =	vmul.u32 $0x9E3779B9, v26;
	v43 =	vmul.f32 $1.192092900e-07, v43;
	(erf) = vpow2.f32 v9  }
0x87: {  	s23 =	sor.u32 $0xC0, s5;
	v46 =	vmul.f32 $1.192092900e-07, v46;
	v40 =	vshrl.u32 v14, $0xD;
	v14 =	vand.u32 $0x7FFFFF, v14  }
0x88: {  	v30 =	vmov s23;
	v42 =	vcvt.s32.f32 v42;
	v45 =	vxor.u32 v40, v14  }
0x89: {  	v14 =	vxor.u32 v18, v47;
	v18 =	vadd.s32 v2, v50;
	v47 =	vbroadcast v26, $0x0  }
0x8a: {  	v14 =	vmul.u32 $0x85EBCA6B, v14;
	v23 =	vshrl.u32 v18, $0xF;
	v9 =	vmul.f32 v37, v1  }
0x8b: {  	v42 =	vmul.f32 $1.192092900e-07, v42;
	v45 =	vcvt.s32.f32 v45;
	v18 =	vxor.u32 v18, v23  }
0x8c: {  	v21 =	vshrl.u32 v60, $0xF;
	v23 =	vmul.u32 $0x9E3779B9, v30;
	v56 =	vshrl.u32 v14, $0xD  }
0x8d: {  	v18 =	vmul.u32 $0x85EBCA6B, v18;
	v14 =	vand.u32 $0x7FFFFF, v14;
	v48 =	vadd.f32 v9, v0  }
0x8e: {  	v50 =	vadd.s32 v2, v47;
	v45 =	vmul.f32 $1.192092900e-07, v45;
	v32 =	vxor.u32 v56, v14;
	v9 =	vpop (erf)  }
0x8f: {  	v23 =	vbroadcast v23, $0x0;
	v58 =	vshrl.u32 v18, $0xD;
	v16 =	vsub.f32 $0.0e+00, v48;
	v51 =	vpop (erf)  }
0x90: {  	v55 =	vld [tilespmem:$0xE0];
	v18 =	vand.u32 $0x7FFFFF, v18;
	v32 =	vcvt.s32.f32 v32;
	v19 =	vadd.f32 $1.000000000e+00, v51  }
0x91: {  	s26 =	sor.u32 $0xF0, s5;
	v34 =	vxor.u32 v58, v18;
	v23 =	vadd.s32 v2, v23;
	v16 =	vmul.f32 $1.442695020e+00, v16  }
0x92: {  	v58 =	vmov s26;
	v32 =	vmul.f32 $1.192092900e-07, v32;
	(erf) = vrcp.f32 v19  }
0x93: {  	v34 =	vcvt.s32.f32 v34;
	v48 =	vshrl.u32 v23, $0xF;
	(erf) = vpow2.f32 v16  }
0x94: {  	s30 =	sor.u32 $0x120, s5;
	v51 =	vshrl.u32 v50, $0xF;
	v19 =	vadd.s32 v2, v53;
	v53 =	vmul.u32 $0x9E3779B9, v52  }
0x95: {  	v52 =	vmov s30;
	v59 =	vshrl.u32 v19, $0xF;
	v16 =	vmul.f32 v55, v1  }
0x96: {  	s28 =	sor.u32 $0x100, s5;
	v17 =	vxor.u32 v19, v59;
	v19 =	vxor.u32 v60, v21;
	v21 =	vbroadcast v62, $0x0  }
0x97: {  	v22 =	vbroadcast v53, $0x0;
	v62 =	vmov s28;
	v17 =	vmul.u32 $0x85EBCA6B, v17  }
0x98: {  	v63 =	vmul.u32 $0x85EBCA6B, v19;
	v16 =	vadd.f32 v16, v0;
	v19 =	vxor.u32 v50, v51  }
0x99: {  	v21 =	vadd.s32 v2, v21;
	v19 =	vmul.u32 $0x85EBCA6B, v19;
	v57 =	vadd.s32 v2, v22  }
0x9a: {  	v28 =	vshrl.u32 v17, $0xD;
	v17 =	vand.u32 $0x7FFFFF, v17;
	v29 =	vshrl.u32 v63, $0xD  }
0x9b: {  	v16 =	vsub.f32 $0.0e+00, v16;
	v25 =	vshrl.u32 v21, $0xF;
	v18 =	vand.u32 $0x7FFFFF, v63;
	v14 =	vpop (erf)  }
0x9c: {  	v61 =	vshrl.u32 v57, $0xF;
	v21 =	vxor.u32 v21, v25;
	v41 =	vxor.u32 v28, v17;
	v24 =	vpop (erf)  }
0x9d: {  	v37 =	vxor.u32 v29, v18;
	v17 =	vxor.u32 v23, v48;
	v24 =	vadd.f32 $1.000000000e+00, v24  }
0x9e: {  	s29 =	sor.u32 $0x110, s5;
	v56 =	vshrl.u32 v19, $0xD;
	v18 =	vxor.u32 v57, v61;
	v16 =	vmul.f32 $1.442695020e+00, v16  }
0x9f: {  	v31 =	vld [tilespmem:$0xF0];
	v19 =	vand.u32 $0x7FFFFF, v19;
	v48 =	vmov s29;
	(erf) = vrcp.f32 v24  }
0xa0: {  	v21 =	vmul.u32 $0x85EBCA6B, v21;
	v17 =	vmul.u32 $0x85EBCA6B, v17;
	(erf) = vpow2.f32 v16  }
0xa1: {  	s31 =	sor.u32 $0x130, s5;
	v63 =	vld [tilespmem:$0x100];
	v18 =	vmul.u32 $0x85EBCA6B, v18;
	v40 =	vxor.u32 v56, v19;
	v41 =	vcvt.s32.f32 v41  }
0xa2: {  	v56 =	vmov s31;
	v37 =	vcvt.s32.f32 v37;
	v40 =	vcvt.s32.f32 v40  }
0xa3: {  	v49 =	vshrl.u32 v21, $0xD;
	v21 =	vand.u32 $0x7FFFFF, v21;
	v54 =	vshrl.u32 v17, $0xD  }
0xa4: {  	v17 =	vand.u32 $0x7FFFFF, v17;
	v41 =	vmul.f32 $1.192092900e-07, v41;
	v16 =	vmul.f32 v31, v1  }
0xa5: {  	v37 =	vmul.f32 $1.192092900e-07, v37;
	v39 =	vxor.u32 v49, v21;
	v36 =	vxor.u32 v54, v17  }
0xa6: {  	v21 =	vmul.u32 $0x9E3779B9, v58;
	v49 =	vmul.u32 $0x9E3779B9, v48;
	v50 =	vmul.f32 v63, v1  }
0xa7: {  	v40 =	vmul.f32 $1.192092900e-07, v40;
	v39 =	vcvt.s32.f32 v39;
	v55 =	vadd.f32 v16, v0  }
0xa8: {  	s9 =	sor.u32 $0x140, s5;
	v36 =	vcvt.s32.f32 v36;
	v21 =	vbroadcast v21, $0x0;
	v24 =	vmul.u32 $0x9E3779B9, v62;
	v16 =	vpop (erf)  }
0xa9: {  	v62 =	vmov s9;
	v39 =	vmul.f32 $1.192092900e-07, v39;
	v60 =	vsub.f32 $0.0e+00, v55;
	v59 =	vpop (erf)  }
0xaa: {  	v58 =	vld [tilespmem:$0x110];
	v25 =	vadd.s32 v2, v21;
	v31 =	vshrl.u32 v18, $0xD;
	v22 =	vadd.f32 $1.000000000e+00, v59  }
0xab: {  	v18 =	vand.u32 $0x7FFFFF, v18;
	v21 =	vadd.f32 v50, v0;
	v23 =	vmul.f32 $1.442695020e+00, v60  }
0xac: {  	v26 =	vbroadcast v24, $0x0;
	v38 =	vshrl.u32 v25, $0xF;
	(erf) = vrcp.f32 v22  }
0xad: {  	s11 =	sor.u32 $0x160, s5;
	v29 =	vxor.u32 v31, v18;
	v24 =	vmul.u32 $0x9E3779B9, v52;
	(erf) = vpow2.f32 v23  }
0xae: {  	v52 =	vmov s11;
	v17 =	vxor.u32 v25, v38;
	v21 =	vsub.f32 $0.0e+00, v21  }
0xaf: {  	v38 =	vmul.f32 v58, v1;
	v47 =	vadd.s32 v2, v26;
	v17 =	vmul.u32 $0x85EBCA6B, v17  }
0xb0: {  	v24 =	vbroadcast v24, $0x0;
	v26 =	vmul.u32 $0x9E3779B9, v56;
	v19 =	vshrl.u32 v47, $0xF  }
0xb1: {  	v21 =	vmul.f32 $1.442695020e+00, v21;
	v50 =	vadd.f32 v38, v0;
	v18 =	vxor.u32 v47, v19  }
0xb2: {  	s10 =	sor.u32 $0x150, s5;
	v51 =	vshrl.u32 v17, $0xD;
	v17 =	vand.u32 $0x7FFFFF, v17;
	v19 =	vbroadcast v49, $0x0  }
0xb3: {  	v27 =	vadd.s32 v2, v24;
	v49 =	vmov s10;
	v18 =	vmul.u32 $0x85EBCA6B, v18  }
0xb4: {  	v57 =	vshrl.u32 v27, $0xF;
	v60 =	vbroadcast v26, $0x0;
	v26 =	vmul.u32 $0x9E3779B9, v62  }
0xb5: {  	v19 =	vadd.s32 v2, v19;
	v53 =	vshrl.u32 v18, $0xD;
	v23 =	vxor.u32 v51, v17;
	v17 =	vpop (erf)  }
0xb6: {  	v18 =	vand.u32 $0x7FFFFF, v18;
	v55 =	vshrl.u32 v19, $0xF;
	v26 =	vbroadcast v26, $0x0;
	v54 =	vpop (erf)  }
0xb7: {  	v19 =	vxor.u32 v19, v55;
	v22 =	vadd.s32 v2, v60;
	v25 =	vadd.f32 $1.000000000e+00, v54  }
0xb8: {  	v24 =	vxor.u32 v53, v18;
	v19 =	vmul.u32 $0x85EBCA6B, v19;
	v28 =	vshrl.u32 v22, $0xF  }
0xb9: {  	v59 =	vxor.u32 v27, v57;
	v22 =	vxor.u32 v22, v28;
	(erf) = vrcp.f32 v25  }
0xba: {  	s12 =	sor.u32 $0x170, s5;
	v47 =	vmul.u32 $0x85EBCA6B, v22;
	v22 =	vmul.u32 $0x9E3779B9, v49;
	(erf) = vpow2.f32 v21  }
0xbb: {  	v48 =	vadd.s32 v2, v26;
	v27 =	vsub.f32 $0.0e+00, v50;
	v57 =	vmov s12  }
0xbc: {  	v18 =	vmul.u32 $0x85EBCA6B, v59;
	v30 =	vshrl.u32 v48, $0xF;
	v22 =	vbroadcast v22, $0x0  }
0xbd: {  	v61 =	vshrl.u32 v19, $0xD;
	v19 =	vand.u32 $0x7FFFFF, v19;
	v38 =	vmul.f32 $1.442695020e+00, v27  }
0xbe: {  	v63 =	vshrl.u32 v18, $0xD;
	v18 =	vand.u32 $0x7FFFFF, v18;
	v22 =	vadd.s32 v2, v22  }
0xbf: {  	v23 =	vcvt.s32.f32 v23;
	v51 =	vshrl.u32 v47, $0xD;
	v53 =	vshrl.u32 v22, $0xF  }
0xc0: {  	s13 =	sor.u32 $0x180, s5;
	v25 =	vxor.u32 v61, v19;
	v19 =	vxor.u32 v48, v30;
	v30 =	vmul.u32 $0x9E3779B9, v52  }
0xc1: {  	s14 =	sor.u32 $0x190, s5;
	v54 =	vld [tilespmem:$0x120];
	v21 =	vxor.u32 v63, v18;
	v18 =	vand.u32 $0x7FFFFF, v47;
	v19 =	vmul.u32 $0x85EBCA6B, v19  }
0xc2: {  	v47 =	vmov s13;
	v63 =	vmov s14;
	v25 =	vcvt.s32.f32 v25;
	v26 =	vpop (erf)  }
0xc3: {  	v30 =	vbroadcast v30, $0x0;
	v27 =	vxor.u32 v51, v18;
	v18 =	vxor.u32 v22, v53;
	v31 =	vpop (erf)  }
0xc4: {  	v47 =	vmul.u32 $0x9E3779B9, v47;
	v21 =	vcvt.s32.f32 v21;
	v31 =	vadd.f32 $1.000000000e+00, v31  }
0xc5: {  	v55 =	vshrl.u32 v19, $0xD;
	v18 =	vmul.u32 $0x85EBCA6B, v18;
	v19 =	vand.u32 $0x7FFFFF, v19  }
0xc6: {  	v28 =	vmul.f32 v54, v1;
	v56 =	vadd.s32 v2, v30;
	(erf) = vrcp.f32 v31  }
0xc7: {  	v25 =	vmul.f32 $1.192092900e-07, v25;
	v30 =	vshrl.u32 v56, $0xF;
	(erf) = vpow2.f32 v38  }
0xc8: {  	v27 =	vcvt.s32.f32 v27;
	v22 =	vxor.u32 v55, v19;
	v30 =	vxor.u32 v56, v30  }
0xc9: {  	v62 =	vbroadcast v47, $0x0;
	v21 =	vmul.f32 $1.192092900e-07, v21;
	v30 =	vmul.u32 $0x85EBCA6B, v30  }
0xca: {  	v58 =	vshrl.u32 v18, $0xD;
	v18 =	vand.u32 $0x7FFFFF, v18;
	v49 =	vadd.f32 v28, v0  }
0xcb: {  	v22 =	vcvt.s32.f32 v22;
	v60 =	vshrl.u32 v30, $0xD;
	v30 =	vand.u32 $0x7FFFFF, v30  }
0xcc: {  	v28 =	vxor.u32 v58, v18;
	v19 =	vxor.u32 v60, v30;
	v30 =	vadd.s32 v2, v62  }
0xcd: {  	s15 =	sor.u32 $0x1A0, s5;
	v49 =	vsub.f32 $0.0e+00, v49;
	v28 =	vcvt.s32.f32 v28;
	v54 =	vshrl.u32 v30, $0xF  }
0xce: {  	v30 =	vxor.u32 v30, v54;
	v38 =	vmul.u32 $0x9E3779B9, v57;
	v57 =	vmov s15  }
0xcf: {  	v53 =	vmul.f32 $1.442695020e+00, v49;
	v49 =	vmul.u32 $0x85EBCA6B, v30;
	v51 =	vmul.u32 $0x9E3779B9, v57;
	v31 =	vpop (erf)  }
0xd0: {  	v28 =	vmul.f32 $1.192092900e-07, v28;
	v59 =	vbroadcast v38, $0x0;
	v38 =	vmul.u32 $0x9E3779B9, v63;
	v52 =	vpop (erf)  }
0xd1: {  	v58 =	vshrl.u32 v49, $0xD;
	v60 =	vbroadcast v51, $0x0;
	v47 =	vadd.f32 $1.000000000e+00, v52  }
0xd2: {  	v56 =	vld [tilespmem:$0x130];
	v51 =	vsub.f32 $1.000000000e+00, v45;
	v48 =	vadd.s32 v2, v59;
	v38 =	vbroadcast v38, $0x0  }
0xd3: {  	v59 =	vand.u32 $0x7FFFFF, v49;
	v61 =	vshrl.u32 v48, $0xF;
	(erf) = vrcp.f32 v47  }
0xd4: {  	v49 =	vadd.s32 v2, v60;
	v38 =	vadd.s32 v2, v38;
	(erf) = vpow2.f32 v53  }
0xd5: {  	v60 =	vsub.f32 $1.000000000e+00, v12;
	v12 =	vadd.f32 $9.999999960e-13, v12;
	v50 =	vshrl.u32 v38, $0xF  }
0xd6: {  	v18 =	vxor.u32 v48, v61;
	v61 =	vsub.f32 $1.000000000e+00, v15;
	v38 =	vxor.u32 v38, v50  }
0xd7: {  	v48 =	vmul.f32 v56, v1;
	v63 =	vshrl.u32 v49, $0xF;
	v38 =	vmul.u32 $0x85EBCA6B, v38  }
0xd8: {  	v15 =	vadd.f32 $9.999999960e-13, v15;
	v56 =	vsub.f32 $1.000000000e+00, v35;
	v18 =	vmul.u32 $0x85EBCA6B, v18  }
0xd9: {  	v49 =	vxor.u32 v49, v63;
	v62 =	vshrl.u32 v38, $0xD;
	v38 =	vand.u32 $0x7FFFFF, v38  }
0xda: {  	v12 =	vmul.f32 v12, v35;
	v48 =	vadd.f32 v48, v0;
	v55 =	vshrl.u32 v18, $0xD  }
0xdb: {  	v49 =	vmul.u32 $0x85EBCA6B, v49;
	v15 =	vmul.f32 v15, v33;
	v18 =	vand.u32 $0x7FFFFF, v18  }
0xdc: {  	v52 =	vcvt.s32.f32 v20;
	v47 =	vadd.f32 $9.999999960e-13, v61;
	v20 =	vxor.u32 v62, v38;
	v38 =	vpop (erf)  }
0xdd: {  	v30 =	vxor.u32 v55, v18;
	v18 =	vxor.u32 v58, v59;
	v48 =	vsub.f32 $0.0e+00, v48;
	v55 =	vpop (erf)  }
0xde: {  	s16 =	sor.u32 $0x1B0, s5;
	v30 =	vcvt.s32.f32 v30;
	v44 =	vmul.f32 v47, v44;
	v47 =	vadd.f32 $1.000000000e+00, v55  }
0xdf: {  	v59 =	vmov s16;
	v18 =	vcvt.s32.f32 v18;
	v58 =	vmul.f32 $1.442695020e+00, v48  }
0xe0: {  	v63 =	vand.u32 $0x7FFFFF, v49;
	v57 =	vmul.f32 $1.192092900e-07, v52;
	v61 =	vld [tilespmem:$0x140];
	(erf) = vrcp.f32 v47  }
0xe1: {  	v48 =	vmul.u32 $0x9E3779B9, v59;
	v52 =	vsub.f32 $1.000000000e+00, v13;
	(erf) = vpow2.f32 v58  }
0xe2: {  	v62 =	vshrl.u32 v49, $0xD;
	v13 =	vadd.f32 $9.999999960e-13, v13;
	v49 =	vsub.f32 $1.000000000e+00, v10  }
0xe3: {  	v10 =	vadd.f32 $9.999999960e-13, v10;
	v48 =	vbroadcast v48, $0x0;
	v54 =	vsub.f32 $1.000000000e+00, v57  }
0xe4: {  	v13 =	vmul.f32 v13, v57;
	vm0 =	vgt.f32 v44, v15;
	v15 =	vxor.u32 v62, v63  }
0xe5: {  	v63 =	vsub.f32 $1.000000000e+00, v11;
	v11 =	vadd.f32 $9.999999960e-13, v11;
	v33 =	vmul.f32 v61, v1  }
0xe6: {  	v10 =	vmul.f32 v10, v45;
	v48 =	vadd.s32 v2, v48;
	v55 =	vadd.f32 $9.999999960e-13, v52  }
0xe7: {  	s17 =	sor.u32 $0x1C0, s5;
	v15 =	vcvt.s32.f32 v15;
	v11 =	vmul.f32 v11, v42;
	v47 =	vadd.f32 $9.999999960e-13, v60  }
0xe8: {  	s19 =	sor.u32 $0x1E0, s5;
	v52 =	vmov s17;
	v35 =	vmul.f32 v55, v54;
	v58 =	vadd.f32 v33, v0  }
0xe9: {  	v54 =	vsub.f32 $1.000000000e+00, v43;
	v55 =	vmov s19;
	v53 =	vmul.f32 v47, v56;
	v33 =	vpop (erf)  }
0xea: {  	v56 =	vshrl.u32 v48, $0xF;
	vm1 =	vgt.f32 v35, v13;
	v61 =	vsub.f32 $0.0e+00, v58;
	v60 =	vpop (erf)  }
0xeb: {  	v47 =	vadd.f32 $9.999999960e-13, v63;
	v48 =	vxor.u32 v48, v56;
	v13 =	vadd.f32 $1.000000000e+00, v60  }
0xec: {  	v63 =	vsub.f32 $1.000000000e+00, v46;
	v57 =	vmul.u32 $0x85EBCA6B, v48;
	v35 =	vmul.f32 $1.442695020e+00, v61  }
0xed: {  	s18 =	sor.u32 $0x1D0, s5;
	vm3 =	vgt.f32 v53, v12;
	v48 =	vsub.f32 $1.000000000e+00, v42;
	(erf) = vrcp.f32 v13  }
0xee: {  	v50 =	vld [tilespmem:$0x150];
	v42 =	vmul.u32 $0x9E3779B9, v52;
	v53 =	vmov s18;
	(erf) = vpow2.f32 v35  }
0xef: {  	v59 =	vshrl.u32 v57, $0xD;
	v62 =	vand.u32 $0x7FFFFF, v57;
	v44 =	vmul.f32 v47, v48  }
0xf0: {  	v42 =	vbroadcast v42, $0x0;
	v47 =	vmul.u32 $0x9E3779B9, v53;
	v13 =	vadd.f32 $9.999999960e-13, v49  }
0xf1: {  	v53 =	vsub.f32 $1.000000000e+00, v6;
	v6 =	vadd.f32 $9.999999960e-13, v6;
	v12 =	vxor.u32 v59, v62  }
0xf2: {  	v59 =	vsub.f32 $1.000000000e+00, v8;
	v8 =	vadd.f32 $9.999999960e-13, v8;
	v13 =	vmul.f32 v13, v51  }
0xf3: {  	v42 =	vadd.s32 v2, v42;
	v47 =	vbroadcast v47, $0x0;
	v35 =	vmul.f32 v50, v1  }
0xf4: {  	vm4 =	vgt.f32 v44, v11;
	v11 =	vmul.u32 $0x9E3779B9, v55;
	v55 =	vadd.f32 $9.999999960e-13, v53  }
0xf5: {  	v6 =	vmul.f32 v6, v46;
	v53 =	vimm.f32 $0.0e+00;
	v35 =	vadd.f32 v35, v0  }
0xf6: {  	v46 =	vmul.f32 $1.192092900e-07, v27;
	v56 =	vshrl.u32 v42, $0xF;
	vm2 =	vgt.f32 v13, v10;
	v13 =	vpop (erf)  }
0xf7: {  	v8 =	vmul.f32 v8, v43;
	v11 =	vbroadcast v11, $0x0;
	v35 =	vsub.f32 $0.0e+00, v35;
	v57 =	vpop (erf)  }
0xf8: {  	v58 =	vadd.s32 v2, v47;
	v47 =	vadd.f32 $9.999999960e-13, v59;
	v44 =	vadd.f32 $1.000000000e+00, v57  }
0xf9: {  	v60 =	vshrl.u32 v58, $0xF;
	v11 =	vadd.s32 v2, v11;
	v35 =	vmul.f32 $1.442695020e+00, v35  }
0xfa: {  	s20 =	sor.u32 $0x1F0, s5;
	v61 =	vld [tilespmem:$0x160];
	v45 =	vmul.f32 v47, v54;
	v10 =	vxor.u32 v42, v56;
	(erf) = vrcp.f32 v44  }
0xfb: {  	v42 =	vxor.u32 v58, v60;
	v60 =	vmov s20;
	(erf) = vpow2.f32 v35  }
0xfc: {  	vm5 =	vgt.f32 v45, v8;
	v10 =	vmul.u32 $0x85EBCA6B, v10;
	v45 =	vmul.u32 $0x9E3779B9, v60  }
0xfd: {  	v62 =	vshrl.u32 v11, $0xF;
	v51 =	vmul.u32 $0x85EBCA6B, v42;
	v60 =	vsub.f32 $1.000000000e+00, v5  }
0xfe: {  	v5 =	vadd.f32 $9.999999960e-13, v5;
	v50 =	vshrl.u32 v10, $0xD;
	v47 =	vbroadcast v45, $0x0  }
0xff: {  	v10 =	vand.u32 $0x7FFFFF, v10;
	v54 =	vshrl.u32 v51, $0xD;
	v35 =	vmul.f32 v61, v1  }
0x100: {  	v57 =	vmul.f32 v55, v63;
	v63 =	vmul.f32 $1.192092900e-07, v34;
	v34 =	vadd.s32 v2, v47  }
0x101: {  	v48 =	vld [tilespmem:$0x170];
	v55 =	vadd.f32 $9.999999960e-13, v3;
	v47 =	vsub.f32 $1.000000000e+00, v16;
	v44 =	vxor.u32 v11, v62  }
0x102: {  	v11 =	vxor.u32 v50, v10;
	v10 =	vand.u32 $0x7FFFFF, v51;
	v56 =	vadd.f32 v35, v0  }
0x103: {  	v62 =	vsub.f32 $1.000000000e+00, v32;
	v49 =	vsub.f32 $1.000000000e+00, v63;
	v52 =	vmul.u32 $0x85EBCA6B, v44;
	v35 =	vpop (erf)  }
0x104: {  	vm6 =	vgt.f32 v57, v6;
	v50 =	vsub.f32 $1.000000000e+00, v41;
	v59 =	vsub.f32 $0.0e+00, v56;
	v58 =	vpop (erf)  }
0x105: {  	v44 =	vshrl.u32 v52, $0xD;
	v42 =	vand.u32 $0x7FFFFF, v52;
	v43 =	vadd.f32 $1.000000000e+00, v58  }
0x106: {  	v6 =	vmul.f32 v48, v1;
	v8 =	vxor.u32 v44, v42;
	v44 =	vmul.f32 $1.442695020e+00, v59  }
0x107: {  	v51 =	vshrl.u32 v34, $0xF;
	v57 =	vmul.f32 v55, v63;
	(erf) = vrcp.f32 v43  }
0x108: {  	v61 =	vsub.f32 $1.000000000e+00, v4;
	v4 =	vadd.f32 $9.999999960e-13, v4;
	(erf) = vpow2.f32 v44  }
0x109: {  	v41 =	vmul.f32 v5, v41;
	v55 =	vsub.f32 $1.000000000e+00, v39;
	v10 =	vxor.u32 v54, v10  }
0x10a: {  	v6 =	vadd.f32 v6, v0;
	v10 =	vcvt.s32.f32 v10;
	v4 =	vmul.f32 v4, v32  }
0x10b: {  	v32 =	vxor.u32 v34, v51;
	v52 =	vsub.f32 $1.000000000e+00, v3;
	v3 =	vsel vm7, $0x3F800000, v53  }
0x10c: {  	v6 =	vsub.f32 $0.0e+00, v6;
	v42 =	vadd.f32 $9.999999960e-13, v60;
	v32 =	vmul.u32 $0x85EBCA6B, v32  }
0x10d: {  	v60 =	vsub.f32 $1.000000000e+00, v14;
	v14 =	vadd.f32 $9.999999960e-13, v14;
	v10 =	vmul.f32 $1.192092900e-07, v10  }
0x10e: {  	v54 =	vadd.f32 $9.999999960e-13, v52;
	v8 =	vcvt.s32.f32 v8;
	v43 =	vadd.f32 $9.999999960e-13, v61  }
0x10f: {  	v6 =	vmul.f32 $1.442695020e+00, v6;
	v42 =	vmul.f32 v42, v50;
	v48 =	vshrl.u32 v32, $0xD  }
0x110: {  	v32 =	vand.u32 $0x7FFFFF, v32;
	v50 =	vsub.f32 $1.000000000e+00, v7;
	v43 =	vmul.f32 v43, v62;
	v34 =	vpop (erf)  }
0x111: {  	v63 =	vld [tilespmem:$0x180];
	v7 =	vadd.f32 $9.999999960e-13, v7;
	v56 =	vmul.f32 v54, v49;
	v59 =	vsub.f32 $1.000000000e+00, v37;
	v58 =	vpop (erf)  }
0x112: {  	v32 =	vxor.u32 v48, v32;
	vm8 =	vgt.f32 v43, v4;
	v43 =	vadd.f32 $1.000000000e+00, v58  }
0x113: {  	v54 =	vsub.f32 $1.000000000e+00, v9;
	v8 =	vmul.f32 $1.192092900e-07, v8;
	v7 =	vmul.f32 v7, v37  }
0x114: {  	v9 =	vadd.f32 $9.999999960e-13, v9;
	v32 =	vcvt.s32.f32 v32;
	(erf) = vrcp.f32 v43  }
0x115: {  	vm7 =	vgt.f32 v56, v57;
	v4 =	vimm.s32 $0x0;
	(erf) = vpow2.f32 v6  }
0x116: {  	v9 =	vmul.f32 v9, v39;
	v44 =	vmul.f32 v63, v1;
	v61 =	vsel vm0, $0x1, v4  }
0x117: {  	v39 =	vadd.f32 $9.999999960e-13, v60;
	v43 =	vmul.f32 $1.192092900e-07, v36;
	v36 =	vperm.xlane v3, v61  }
0x118: {  	v60 =	vmul.f32 $1.192092900e-07, v23;
	v44 =	vadd.f32 v44, v0;
	v62 =	vsel vm3, $0x1, v4  }
0x119: {  	v49 =	vsel vm1, $0x1, v4;
	vm1 =	vgt.f32 v42, v41;
	vm9 =	vle.f32 v36, $5.000000000e-01  }
0x11a: {  	v41 =	vadd.f32 $9.999999960e-13, v50;
	v53 =	vsel vm4, $0x1, v4;
	v36 =	vsel vm9, $0x41200000, v36  }
0x11b: {  	v44 =	vsub.f32 $0.0e+00, v44;
	v48 =	vsel vm5, $0x1, v4;
	v50 =	vadd.f32 $9.999999960e-13, v16  }
0x11c: {  	v51 =	vperm.xlane v3, v49;
	v45 =	vperm.xlane v3, v53;
	vm0 =	vgt.f32 v36, $5.000000000e-01  }
0x11d: {  	v41 =	vmul.f32 v41, v59;
	v56 =	vmul.f32 $1.442695020e+00, v44;
	v5 =	vsel vm0, $0x3F800000, v36;
	v36 =	vpop (erf)  }
0x11e: {  	v59 =	vsub.f32 $1.000000000e+00, v40;
	v40 =	vmul.f32 v50, v40;
	vm11 =	vle.f32 v51, $5.000000000e-01;
	v52 =	vpop (erf)  }
0x11f: {  	vm3 =	vgt.f32 v41, v7;
	v7 =	vadd.f32 $9.999999960e-13, v54;
	v37 =	vadd.f32 $1.000000000e+00, v52  }
0x120: {  	vm12 =	vle.f32 v45, $5.000000000e-01;
	v42 =	vsel vm11, $0x41200000, v51;
	v54 =	vsel vm6, $0x1, v4  }
0x121: {  	vm13 =	vgt.f32 v42, $5.000000000e-01;
	v41 =	vmul.f32 v7, v55;
	(erf) = vrcp.f32 v37  }
0x122: {  	v63 =	vld [tilespmem:$0x190];
	v58 =	vsel vm12, $0x41200000, v45;
	v6 =	vperm.xlane v3, v62;
	(erf) = vpow2.f32 v56  }
0x123: {  	v7 =	vsel vm13, $0x3F800000, v42;
	v42 =	vperm.xlane v3, v48;
	v55 =	vperm.xlane v3, v54  }
0x124: {  	v48 =	vcvt.s32.f32 v24;
	vm14 =	vgt.f32 v58, $5.000000000e-01;
	vm10 =	vle.f32 v6, $5.000000000e-01  }
0x125: {  	v61 =	vcvt.s32.f32 v29;
	v62 =	vsel vm2, $0x1, v4;
	v6 =	vsel vm10, $0x41200000, v6  }
0x126: {  	vm4 =	vle.f32 v42, $5.000000000e-01;
	v29 =	vperm.xlane v3, v62;
	vm0 =	vgt.f32 v6, $5.000000000e-01  }
0x127: {  	v6 =	vsel vm0, $0x3F800000, v6;
	vm0 =	vgt.f32 v41, v9;
	v41 =	vmul.f32 v63, v1  }
0x128: {  	v42 =	vsel vm4, $0x41200000, v42;
	v57 =	vsub.f32 $1.000000000e+00, v43;
	v45 =	vmul.f32 $1.192092900e-07, v61  }
0x129: {  	v43 =	vmul.f32 v14, v43;
	vm15 =	vle.f32 v29, $5.000000000e-01;
	v53 =	vadd.f32 v41, v0  }
0x12a: {  	vm9 =	vle.f32 v55, $5.000000000e-01;
	v50 =	vsub.f32 $1.000000000e+00, v45;
	v49 =	vsel vm15, $0x41200000, v29;
	v29 =	vpop (erf)  }
0x12b: {  	v39 =	vmul.f32 v39, v57;
	v57 =	vsub.f32 $0.0e+00, v53;
	v37 =	vadd.f32 $9.999999960e-13, v47;
	v51 =	vpop (erf)  }
0x12c: {  	v61 =	vsel vm9, $0x41200000, v55;
	v55 =	vadd.f32 $9.999999960e-13, v26;
	v52 =	vadd.f32 $1.000000000e+00, v51  }
0x12d: {  	vm11 =	vgt.f32 v61, $5.000000000e-01;
	v37 =	vmul.f32 v37, v59;
	v59 =	vmul.f32 $1.442695020e+00, v57  }
0x12e: {  	v9 =	vsel vm14, $0x3F800000, v58;
	vm5 =	vgt.f32 v49, $5.000000000e-01;
	(erf) = vrcp.f32 v52  }
0x12f: {  	v63 =	vld [tilespmem:$0x1A0];
	v24 =	vsel vm11, $0x3F800000, v61;
	vm13 =	vgt.f32 v39, v43;
	(erf) = vpow2.f32 v59  }
0x130: {  	v43 =	vmul.f32 $1.192092900e-07, v48;
	v61 =	vsub.f32 $1.000000000e+00, v25;
	v48 =	vsub.f32 $1.000000000e+00, v31  }
0x131: {  	v31 =	vadd.f32 $9.999999960e-13, v31;
	v16 =	vsel vm5, $0x3F800000, v49;
	v49 =	vsub.f32 $1.000000000e+00, v17  }
0x132: {  	v17 =	vadd.f32 $9.999999960e-13, v17;
	v56 =	vsel vm8, $0x1, v4;
	v52 =	vsel vm7, $0x1, v4  }
0x133: {  	vm8 =	vgt.f32 v42, $5.000000000e-01;
	vm4 =	vgt.f32 v37, v40;
	v37 =	vperm.xlane v3, v52  }
0x134: {  	v31 =	vmul.f32 v31, v43;
	v14 =	vsel vm8, $0x3F800000, v42;
	v42 =	vmul.f32 v63, v1  }
0x135: {  	v39 =	vadd.f32 $9.999999960e-13, v49;
	v17 =	vmul.f32 v17, v45;
	v49 =	vsel vm3, $0x1, v4  }
0x136: {  	v45 =	vmul.f32 $1.192092900e-07, v30;
	v42 =	vadd.f32 v42, v0;
	vm14 =	vle.f32 v37, $5.000000000e-01  }
0x137: {  	v53 =	vsub.f32 $1.000000000e+00, v26;
	v39 =	vmul.f32 v39, v50;
	v54 =	vsel vm14, $0x41200000, v37;
	v37 =	vpop (erf)  }
0x138: {  	v50 =	vadd.f32 $9.999999960e-13, v48;
	v58 =	vperm.xlane v3, v56;
	v57 =	vsub.f32 $0.0e+00, v42;
	v56 =	vpop (erf)  }
0x139: {  	v27 =	vperm.xlane v3, v49;
	v41 =	vadd.f32 $9.999999960e-13, v53;
	v26 =	vadd.f32 $1.000000000e+00, v56  }
0x13a: {  	v51 =	vsub.f32 $1.000000000e+00, v60;
	v59 =	vmul.f32 v55, v60;
	v60 =	vmul.f32 $1.442695020e+00, v57  }
0x13b: {  	v53 =	vsub.f32 $1.000000000e+00, v21;
	vm2 =	vgt.f32 v39, v17;
	(erf) = vrcp.f32 v26  }
0x13c: {  	v47 =	vsel vm13, $0x1, v4;
	v63 =	vld [tilespmem:$0x1B0];
	vm10 =	vle.f32 v58, $5.000000000e-01;
	(erf) = vpow2.f32 v60  }
0x13d: {  	v48 =	vperm.xlane v3, v47;
	v47 =	vsel vm2, $0x1, v4;
	v62 =	vsel vm10, $0x41200000, v58  }
0x13e: {  	vm8 =	vle.f32 v27, $5.000000000e-01;
	v58 =	vsub.f32 $1.000000000e+00, v43;
	vm12 =	vgt.f32 v62, $5.000000000e-01  }
0x13f: {  	v40 =	vmul.f32 v41, v51;
	v51 =	vsub.f32 $1.000000000e+00, v38;
	v38 =	vadd.f32 $9.999999960e-13, v38  }
0x140: {  	v23 =	vsel vm12, $0x3F800000, v62;
	v62 =	vsel vm1, $0x1, v4;
	vm12 =	vle.f32 v48, $5.000000000e-01  }
0x141: {  	v52 =	vmul.f32 v63, v1;
	v41 =	vadd.f32 $9.999999960e-13, v51;
	v25 =	vmul.f32 v38, v25  }
0x142: {  	v51 =	vsel vm4, $0x1, v4;
	vm5 =	vgt.f32 v40, v59;
	v40 =	vmul.f32 v50, v58  }
0x143: {  	v42 =	vadd.f32 v52, v0;
	v58 =	vsub.f32 $1.000000000e+00, v33;
	vm15 =	vgt.f32 v54, $5.000000000e-01  }
0x144: {  	v33 =	vadd.f32 $9.999999960e-13, v33;
	v17 =	vsel vm15, $0x3F800000, v54;
	v54 =	vsel vm8, $0x41200000, v27;
	v27 =	vpop (erf)  }
0x145: {  	v50 =	vsel vm12, $0x41200000, v48;
	v52 =	vperm.xlane v3, v51;
	v57 =	vsub.f32 $0.0e+00, v42;
	v56 =	vpop (erf)  }
0x146: {  	v51 =	vsub.f32 $1.000000000e+00, v34;
	v55 =	vmul.f32 v41, v61;
	v39 =	vadd.f32 $1.000000000e+00, v56  }
0x147: {  	v41 =	vsub.f32 $1.000000000e+00, v46;
	v61 =	vcvt.s32.f32 v19;
	v59 =	vmul.f32 $1.442695020e+00, v57  }
0x148: {  	vm1 =	vgt.f32 v40, v31;
	v42 =	vmul.f32 $1.192092900e-07, v22;
	(erf) = vrcp.f32 v39  }
0x149: {  	v38 =	vadd.f32 $9.999999960e-13, v58;
	v40 =	vsub.f32 $1.000000000e+00, v28;
	v60 =	vld [tilespmem:$0x1C0];
	(erf) = vpow2.f32 v59  }
0x14a: {  	v33 =	vmul.f32 v33, v21;
	v58 =	vadd.f32 $9.999999960e-13, v13;
	v43 =	vmul.f32 $1.192092900e-07, v61  }
0x14b: {  	vm14 =	vgt.f32 v55, v25;
	vm15 =	vgt.f32 v50, $5.000000000e-01;
	v26 =	vperm.xlane v3, v62  }
0x14c: {  	v38 =	vmul.f32 v38, v53;
	vm10 =	vgt.f32 v54, $5.000000000e-01;
	v61 =	vmul.f32 v58, v46  }
0x14d: {  	v58 =	vsel vm1, $0x1, v4;
	v19 =	vsel vm10, $0x3F800000, v54;
	vm7 =	vle.f32 v26, $5.000000000e-01  }
0x14e: {  	v44 =	vsub.f32 $1.000000000e+00, v43;
	v26 =	vsel vm7, $0x41200000, v26;
	v22 =	vmul.f32 v60, v1  }
0x14f: {  	v62 =	vsel vm0, $0x1, v4;
	vm0 =	vgt.f32 v38, v33;
	v38 =	vmul.f32 $1.192092900e-07, v18  }
0x150: {  	v18 =	vperm.xlane v3, v47;
	vm9 =	vgt.f32 v26, $5.000000000e-01;
	v22 =	vadd.f32 v22, v0  }
0x151: {  	v63 =	vperm.xlane v3, v62;
	v62 =	vsub.f32 $1.000000000e+00, v35;
	v21 =	vsel vm9, $0x3F800000, v26;
	v26 =	vpop (erf)  }
0x152: {  	vm8 =	vle.f32 v18, $5.000000000e-01;
	v47 =	vsub.f32 $1.000000000e+00, v38;
	v54 =	vsub.f32 $0.0e+00, v22;
	v53 =	vpop (erf)  }
0x153: {  	vm11 =	vle.f32 v63, $5.000000000e-01;
	vm7 =	vle.f32 v52, $5.000000000e-01;
	v33 =	vadd.f32 $1.000000000e+00, v53  }
0x154: {  	v48 =	vadd.f32 $9.999999960e-13, v62;
	v62 =	vcvt.s32.f32 v11;
	v55 =	vmul.f32 $1.442695020e+00, v54  }
0x155: {  	v49 =	vsel vm11, $0x41200000, v63;
	v31 =	vsel vm7, $0x41200000, v52;
	(erf) = vrcp.f32 v33  }
0x156: {  	v63 =	vld [tilespmem:$0x1D0];
	v52 =	vsel vm8, $0x41200000, v18;
	vm13 =	vgt.f32 v49, $5.000000000e-01;
	(erf) = vpow2.f32 v55  }
0x157: {  	vm3 =	vgt.f32 v31, $5.000000000e-01;
	v25 =	vsel vm13, $0x3F800000, v49;
	v49 =	vsel vm5, $0x1, v4  }
0x158: {  	v22 =	vsel vm15, $0x3F800000, v50;
	v50 =	vadd.f32 $9.999999960e-13, v35;
	v56 =	vsub.f32 $1.000000000e+00, v13  }
0x159: {  	vm10 =	vgt.f32 v52, $5.000000000e-01;
	v30 =	vperm.xlane v3, v49;
	v35 =	vadd.f32 $9.999999960e-13, v51  }
0x15a: {  	v13 =	vsel vm3, $0x3F800000, v31;
	v31 =	vmul.f32 v50, v42;
	v57 =	vadd.f32 $9.999999960e-13, v56  }
0x15b: {  	v35 =	vmul.f32 v35, v40;
	v39 =	vsub.f32 $1.000000000e+00, v42;
	v33 =	vmul.f32 v63, v1  }
0x15c: {  	vm9 =	vle.f32 v30, $5.000000000e-01;
	v59 =	vcvt.s32.f32 v20;
	v60 =	vmul.f32 v57, v41  }
0x15d: {  	v41 =	vsub.f32 $1.000000000e+00, v45;
	v20 =	vmul.f32 v48, v39;
	v55 =	vadd.f32 v33, v0  }
0x15e: {  	v57 =	vcvt.s32.f32 v12;
	v48 =	vsub.f32 $1.000000000e+00, v29;
	v29 =	vadd.f32 $9.999999960e-13, v29;
	v18 =	vpop (erf)  }
0x15f: {  	v46 =	vmul.f32 $1.192092900e-07, v59;
	vm3 =	vgt.f32 v60, v61;
	v56 =	vsub.f32 $0.0e+00, v55;
	v54 =	vpop (erf)  }
0x160: {  	vm2 =	vgt.f32 v20, v31;
	v49 =	vadd.f32 $9.999999960e-13, v48;
	v20 =	vadd.f32 $1.000000000e+00, v54  }
0x161: {  	v61 =	vld [tilespmem:$0x1E0];
	v53 =	vsel vm9, $0x41200000, v30;
	v30 =	vmul.f32 $1.192092900e-07, v15;
	v15 =	vmul.f32 $1.442695020e+00, v56  }
0x162: {  	v42 =	vadd.f32 $9.999999960e-13, v36;
	v29 =	vmul.f32 v29, v45;
	(erf) = vrcp.f32 v20  }
0x163: {  	v59 =	vadd.f32 $9.999999960e-13, v34;
	v41 =	vmul.f32 v49, v41;
	(erf) = vpow2.f32 v15  }
0x164: {  	v12 =	vsel vm10, $0x3F800000, v52;
	v52 =	vsel vm0, $0x1, v4;
	v60 =	vsub.f32 $1.000000000e+00, v36  }
0x165: {  	v28 =	vmul.f32 v59, v28;
	vm0 =	vgt.f32 v41, v29;
	v29 =	vmul.f32 $1.192092900e-07, v32  }
0x166: {  	v31 =	vmul.f32 v42, v43;
	v40 =	vsub.f32 $1.000000000e+00, v46;
	v39 =	vmul.f32 v61, v1  }
0x167: {  	vm13 =	vgt.f32 v35, v28;
	v45 =	vsub.f32 $1.000000000e+00, v29;
	v63 =	vadd.f32 $9.999999960e-13, v60  }
0x168: {  	v48 =	vsub.f32 $1.000000000e+00, v26;
	v39 =	vadd.f32 v39, v0;
	vm11 =	vgt.f32 v53, $5.000000000e-01  }
0x169: {  	v11 =	vsel vm11, $0x3F800000, v53;
	v28 =	vmul.f32 v63, v44;
	v44 =	vsel vm14, $0x1, v4  }
0x16a: {  	v34 =	vsub.f32 $1.000000000e+00, v30;
	v39 =	vsub.f32 $0.0e+00, v39;
	v36 =	vperm.xlane v3, v44  }
0x16b: {  	v53 =	vsub.f32 $1.000000000e+00, v37;
	v37 =	vadd.f32 $9.999999960e-13, v37;
	v60 =	vsel vm2, $0x1, v4;
	v42 =	vpop (erf)  }
0x16c: {  	v33 =	vmul.f32 $1.192092900e-07, v57;
	v39 =	vmul.f32 $1.442695020e+00, v39;
	vm14 =	vle.f32 v36, $5.000000000e-01;
	v51 =	vpop (erf)  }
0x16d: {  	v57 =	vsub.f32 $1.000000000e+00, v27;
	v50 =	vsel vm14, $0x41200000, v36;
	v36 =	vadd.f32 $1.000000000e+00, v51  }
0x16e: {  	v37 =	vmul.f32 v37, v38;
	v27 =	vadd.f32 $9.999999960e-13, v27;
	v35 =	vsub.f32 $1.000000000e+00, v33  }
0x16f: {  	vm15 =	vgt.f32 v28, v31;
	v28 =	vsub.f32 $1.000000000e+00, v10;
	(erf) = vrcp.f32 v36  }
0x170: {  	v55 =	vadd.f32 $9.999999960e-13, v53;
	v31 =	vsub.f32 $1.000000000e+00, v8;
	v54 =	vld [tilespmem:$0x1F0];
	(erf) = vpow2.f32 v39  }
0x171: {  	v38 =	vadd.f32 $9.999999960e-13, v57;
	v27 =	vmul.f32 v27, v46;
	v46 =	vsel vm0, $0x1, v4  }
0x172: {  	v53 =	vadd.f32 $9.999999960e-13, v48;
	v56 =	vmul.f32 v55, v47;
	vm5 =	vgt.f32 v50, $5.000000000e-01  }
0x173: {  	v63 =	vsel vm15, $0x1, v4;
	v38 =	vmul.f32 v38, v40;
	v41 =	vsel vm5, $0x3F800000, v50  }
0x174: {  	vm9 =	vgt.f32 v56, v37;
	v55 =	vsub.f32 $1.000000000e+00, v18;
	v18 =	vadd.f32 $9.999999960e-13, v18  }
0x175: {  	vm15 =	vgt.f32 v38, v27;
	v27 =	vperm.xlane v3, v46;
	v39 =	vmul.f32 v54, v1  }
0x176: {  	v56 =	vmul.f32 v53, v34;
	v50 =	vsel vm9, $0x1, v4;
	v18 =	vmul.f32 v18, v33  }
0x177: {  	v20 =	vperm.xlane v3, v58;
	v58 =	vsel vm3, $0x1, v4;
	v59 =	vadd.f32 v39, v0  }
0x178: {  	vm6 =	vle.f32 v27, $5.000000000e-01;
	v15 =	vmul.f32 $1.192092900e-07, v62;
	v44 =	vperm.xlane v3, v58;
	v32 =	vpop (erf)  }
0x179: {  	v62 =	vsel vm13, $0x1, v4;
	vm12 =	vle.f32 v20, $5.000000000e-01;
	v37 =	vsub.f32 $0.0e+00, v59;
	v61 =	vpop (erf)  }
0x17a: {  	v20 =	vsel vm12, $0x41200000, v20;
	v43 =	vsub.f32 $1.000000000e+00, v15;
	v40 =	vadd.f32 $1.000000000e+00, v61  }
0x17b: {  	vm10 =	vle.f32 v44, $5.000000000e-01;
	vm4 =	vgt.f32 v20, $5.000000000e-01;
	v37 =	vmul.f32 $1.442695020e+00, v37  }
0x17c: {  	v44 =	vsel vm10, $0x41200000, v44;
	v20 =	vsel vm4, $0x3F800000, v20;
	(erf) = vrcp.f32 v40  }
0x17d: {  	[tilespmem:$0x490] =	vst v21;
	vm11 =	vgt.f32 v44, $5.000000000e-01;
	v21 =	vadd.f32 $9.999999960e-13, v42;
	(erf) = vpow2.f32 v37  }
0x17e: {  	v44 =	vsel vm11, $0x3F800000, v44;
	v51 =	vsel vm6, $0x41200000, v27;
	v36 =	vperm.xlane v3, v52  }
0x17f: {  	[tilespmem:$0x470] =	vst v23;
	vm0 =	vgt.f32 v51, $5.000000000e-01;
	v23 =	vmul.f32 v21, v15;
	v52 =	vperm.xlane v3, v50  }
0x180: {  	[tilespmem:$0x410] =	vst v6;
	v6 =	vsel vm0, $0x3F800000, v51;
	v54 =	vadd.f32 $9.999999960e-13, v26;
	vm8 =	vle.f32 v36, $5.000000000e-01  }
0x181: {  	v26 =	vadd.f32 $9.999999960e-13, v55;
	vm7 =	vle.f32 v52, $5.000000000e-01;
	v36 =	vsel vm8, $0x41200000, v36  }
0x182: {  	[tilespmem:$0x420] =	vst v7;
	v39 =	vperm.xlane v3, v60;
	v58 =	vsel vm7, $0x41200000, v52;
	v60 =	vsel vm15, $0x1, v4  }
0x183: {  	[tilespmem:$0x450] =	vst v14;
	v7 =	vmul.f32 v54, v30;
	vm5 =	vgt.f32 v36, $5.000000000e-01;
	v14 =	vperm.xlane v3, v60  }
0x184: {  	vm9 =	vgt.f32 v58, $5.000000000e-01;
	v36 =	vsel vm5, $0x3F800000, v36;
	vm12 =	vle.f32 v39, $5.000000000e-01  }
0x185: {  	[tilespmem:$0x440] =	vst v16;
	vm8 =	vgt.f32 v56, v7;
	v16 =	vsel vm9, $0x3F800000, v58;
	v39 =	vsel vm12, $0x41200000, v39;
	v57 =	vpop (erf)  }
0x186: {  	[tilespmem:$0x430] =	vst v9;
	v9 =	vsel vm8, $0x1, v4;
	vm10 =	vle.f32 v14, $5.000000000e-01;
	vm2 =	vgt.f32 v39, $5.000000000e-01;
	v59 =	vpop (erf)  }
0x187: {  	v9 =	vperm.xlane v3, v9;
	v14 =	vsel vm10, $0x41200000, v14;
	v27 =	vadd.f32 $1.000000000e+00, v59  }
0x188: {  	[tilespmem:$0x4B0] =	vst v25;
	v39 =	vsel vm2, $0x3F800000, v39;
	v25 =	vsub.f32 $1.000000000e+00, v32;
	v33 =	vadd.f32 $9.999999960e-13, v32  }
0x189: {  	vm12 =	vgt.f32 v14, $5.000000000e-01;
	v61 =	vmul.f32 v26, v35;
	(erf) = vrcp.f32 v27  }
0x18a: {  	[tilespmem:$0x400] =	vst v5;
	v14 =	vsel vm12, $0x3F800000, v14;
	v26 =	vadd.f32 $9.999999960e-13, v25;
	v10 =	vmul.f32 v33, v10  }
0x18b: {  	[tilespmem:$0x460] =	vst v24;
	v40 =	vperm.xlane v3, v62;
	vm11 =	vgt.f32 v61, v18;
	v62 =	vsub.f32 $1.000000000e+00, v42  }
0x18c: {  	[tilespmem:$0x4F0] =	vst v11;
	v37 =	vperm.xlane v3, v63;
	v63 =	vsel vm11, $0x1, v4;
	v11 =	vmul.f32 v26, v28  }
0x18d: {  	[tilespmem:$0x480] =	vst v17;
	vm13 =	vle.f32 v40, $5.000000000e-01;
	v17 =	vperm.xlane v3, v63;
	v7 =	vadd.f32 $9.999999960e-13, v62  }
0x18e: {  	[tilespmem:$0x4A0] =	vst v19;
	v40 =	vsel vm13, $0x41200000, v40;
	vm14 =	vle.f32 v37, $5.000000000e-01;
	vm13 =	vle.f32 v9, $5.000000000e-01  }
0x18f: {  	[tilespmem:$0x4C0] =	vst v22;
	vm4 =	vgt.f32 v40, $5.000000000e-01;
	v37 =	vsel vm14, $0x41200000, v37;
	v9 =	vsel vm13, $0x41200000, v9  }
0x190: {  	[tilespmem:$0x4D0] =	vst v13;
	vm14 =	vle.f32 v17, $5.000000000e-01;
	v7 =	vmul.f32 v7, v43;
	v47 =	vsel vm4, $0x3F800000, v40  }
0x191: {  	[tilespmem:$0x4E0] =	vst v12;
	vm5 =	vgt.f32 v37, $5.000000000e-01;
	vm15 =	vgt.f32 v9, $5.000000000e-01;
	v24 =	vsel vm14, $0x41200000, v17  }
0x192: {  	[tilespmem:$0x510] =	vst v41;
	v49 =	vsel vm5, $0x3F800000, v37;
	v9 =	vsel vm15, $0x3F800000, v9;
	v27 =	vsub.f32 $1.000000000e+00, v57;
	v30 =	vpop (erf)  }
0x193: {  	[tilespmem:$0x500] =	vst v20;
	vm0 =	vgt.f32 v24, $5.000000000e-01;
	vm4 =	vgt.f32 v7, v23;
	v35 =	vsub.f32 $1.000000000e+00, v30  }
0x194: {  	[tilespmem:$0x520] =	vst v36;
	v7 =	vsel vm4, $0x1, v4;
	v36 =	vadd.f32 $9.999999960e-13, v57;
	v13 =	vadd.f32 $9.999999960e-13, v27  }
0x195: {  	[tilespmem:$0x530] =	vst v44;
	v7 =	vperm.xlane v3, v7;
	v15 =	vadd.f32 $9.999999960e-13, v30;
	v37 =	vadd.f32 $9.999999960e-13, v35  }
0x196: {  	[tilespmem:$0x570] =	vst v6;
	vm5 =	vgt.f32 v11, v10;
	v8 =	vmul.f32 v36, v8;
	v13 =	vmul.f32 v13, v31  }
0x197: {  	[tilespmem:$0x540] =	vst v39;
	v41 =	vsel vm5, $0x1, v4;
	v40 =	vmul.f32 v15, v29;
	v39 =	vmul.f32 v37, v45  }
0x198: {  	[tilespmem:$0x580] =	vst v16;
	v12 =	vsel vm0, $0x3F800000, v24;
	v5 =	vperm.xlane v3, v41;
	vm7 =	vgt.f32 v13, v8  }
0x199: {  	[tilespmem:$0x590] =	vst v14;
	vm6 =	vle.f32 v7, $5.000000000e-01;
	v42 =	vsel vm7, $0x1, v4;
	vm8 =	vgt.f32 v39, v40  }
0x19a: {  	[tilespmem:$0x550] =	vst v47;
	vm10 =	vle.f32 v5, $5.000000000e-01;
	v6 =	vperm.xlane v3, v42;
	v43 =	vsel vm8, $0x1, v4  }
0x19b: {  	[tilespmem:$0x560] =	vst v49;
	v7 =	vsel vm6, $0x41200000, v7;
	v5 =	vsel vm10, $0x41200000, v5;
	v8 =	vperm.xlane v3, v43  }
0x19c: {  	[tilespmem:$0x5A0] =	vst v9;
	vm9 =	vgt.f32 v7, $5.000000000e-01;
	vm1 =	vgt.f32 v5, $5.000000000e-01;
	vm11 =	vle.f32 v6, $5.000000000e-01  }
0x19d: {  	[tilespmem:$0x5B0] =	vst v12;
	v7 =	vsel vm9, $0x3F800000, v7;
	v6 =	vsel vm11, $0x41200000, v6;
	vm12 =	vle.f32 v8, $5.000000000e-01  }
0x19e: {  	v5 =	vsel vm1, $0x3F800000, v5;
	[tilespmem:$0x5C0] =	vst v7;
	vm13 =	vgt.f32 v6, $5.000000000e-01;
	v44 =	vsel vm12, $0x41200000, v8  }
0x19f: {  	[tilespmem:$0x5D0] =	vst v5;
	v45 =	vsel vm13, $0x3F800000, v6;
	vm0 =	vgt.f32 v44, $5.000000000e-01  }
0x1a0: {  	[tilespmem:$0x5E0] =	vst v45;
	v46 =	vsel vm0, $0x3F800000, v44  }
0x1a1: {  	s7 =	sadd.s32 s2, s7;
	s21 =	simm.s32 $0x400;
	s22 =	simm.s32 $0x2;
	[tilespmem:$0x5F0] =	vst v46  }
0x1a2: {  	[hbm4b:s7+s3] =	stream.linear.scatter [tilespmem:s21], [sflag:$0x4], $0x200, $0x38;
	[tilespmem:$0x880] =	vst v63  }
0x1a3: {  	_ =	swait.ge [sflag:s22], $0x200  }
0x1a4: {  	[sflag:s22] =	ssyncset.done $0x0  }
0x1a5: {  	[sflag:s22] =	ssyncadd.s32 $0xFFFFFE00  }
0x1a6: {  	v47 =	vld [tilespmem:$0x200];
	_ =	sdelay $0x4  }
0x1a7: {  	v5 =	vmul.f32 v47, v1;
	_ =	sdelay $0x1  }
0x1a8: {  	v5 =	vadd.f32 v5, v0;
	_ =	sdelay $0x1  }
0x1a9: {  	v5 =	vsub.f32 $0.0e+00, v5;
	_ =	sdelay $0x1  }
0x1aa: {  	v5 =	vmul.f32 $1.442695020e+00, v5;
	_ =	sdelay $0x1  }
0x1ab: {  	v48 =	vld [tilespmem:$0x210];
	(erf) = vpow2.f32 v5;
	_ =	sdelay $0x4  }
0x1ac: {  	v5 =	vmul.f32 v48, v1;
	_ =	sdelay $0x1  }
0x1ad: {  	v5 =	vadd.f32 v5, v0;
	_ =	sdelay $0x1  }
0x1ae: {  	v5 =	vsub.f32 $0.0e+00, v5;
	v49 =	vpop (erf)  }
0x1af: {  	v6 =	vadd.f32 $1.000000000e+00, v49  }
0x1b0: {  	v5 =	vmul.f32 $1.442695020e+00, v5  }
0x1b1: {  	(erf) = vrcp.f32 v6  }
0x1b2: {  	v50 =	vld [tilespmem:$0x220];
	(erf) = vpow2.f32 v5;
	_ =	sdelay $0x4  }
0x1b3: {  	v5 =	vmul.f32 v50, v1;
	_ =	sdelay $0x1  }
0x1b4: {  	v5 =	vadd.f32 v5, v0  }
0x1b5: {  	v17 =	vpop (erf)  }
0x1b6: {  	v5 =	vsub.f32 $0.0e+00, v5;
	v51 =	vpop (erf)  }
0x1b7: {  	v6 =	vadd.f32 $1.000000000e+00, v51  }
0x1b8: {  	v5 =	vmul.f32 $1.442695020e+00, v5  }
0x1b9: {  	(erf) = vrcp.f32 v6  }
0x1ba: {  	v52 =	vld [tilespmem:$0x230];
	(erf) = vpow2.f32 v5;
	_ =	sdelay $0x4  }
0x1bb: {  	v5 =	vmul.f32 v52, v1;
	_ =	sdelay $0x1  }
0x1bc: {  	v5 =	vadd.f32 v5, v0  }
0x1bd: {  	v22 =	vpop (erf)  }
0x1be: {  	v5 =	vsub.f32 $0.0e+00, v5;
	v53 =	vpop (erf)  }
0x1bf: {  	v6 =	vadd.f32 $1.000000000e+00, v53  }
0x1c0: {  	v5 =	vmul.f32 $1.442695020e+00, v5  }
0x1c1: {  	(erf) = vrcp.f32 v6  }
0x1c2: {  	v54 =	vld [tilespmem:$0x240];
	(erf) = vpow2.f32 v5;
	_ =	sdelay $0x4  }
0x1c3: {  	v5 =	vmul.f32 v54, v1;
	_ =	sdelay $0x1  }
0x1c4: {  	v5 =	vadd.f32 v5, v0  }
0x1c5: {  	v18 =	vpop (erf)  }
0x1c6: {  	v5 =	vsub.f32 $0.0e+00, v5;
	v55 =	vpop (erf)  }
0x1c7: {  	v6 =	vadd.f32 $1.000000000e+00, v55  }
0x1c8: {  	v5 =	vmul.f32 $1.442695020e+00, v5  }
0x1c9: {  	(erf) = vrcp.f32 v6  }
0x1ca: {  	v56 =	vld [tilespmem:$0x250];
	(erf) = vpow2.f32 v5;
	_ =	sdelay $0x4  }
0x1cb: {  	v5 =	vmul.f32 v56, v1;
	_ =	sdelay $0x1  }
0x1cc: {  	v5 =	vadd.f32 v5, v0  }
0x1cd: {  	v21 =	vpop (erf)  }
0x1ce: {  	v5 =	vsub.f32 $0.0e+00, v5;
	v57 =	vpop (erf)  }
0x1cf: {  	v6 =	vadd.f32 $1.000000000e+00, v57  }
0x1d0: {  	v5 =	vmul.f32 $1.442695020e+00, v5  }
0x1d1: {  	(erf) = vrcp.f32 v6  }
0x1d2: {  	v58 =	vld [tilespmem:$0x260];
	(erf) = vpow2.f32 v5;
	_ =	sdelay $0x4  }
0x1d3: {  	v5 =	vmul.f32 v58, v1;
	_ =	sdelay $0x1  }
0x1d4: {  	v5 =	vadd.f32 v5, v0  }
0x1d5: {  	v20 =	vpop (erf)  }
0x1d6: {  	v5 =	vsub.f32 $0.0e+00, v5;
	v59 =	vpop (erf)  }
0x1d7: {  	v6 =	vadd.f32 $1.000000000e+00, v59  }
0x1d8: {  	v5 =	vmul.f32 $1.442695020e+00, v5  }
0x1d9: {  	(erf) = vrcp.f32 v6  }
0x1da: {  	v60 =	vld [tilespmem:$0x270];
	(erf) = vpow2.f32 v5;
	_ =	sdelay $0x4  }
0x1db: {  	v5 =	vmul.f32 v60, v1;
	_ =	sdelay $0x1  }
0x1dc: {  	v5 =	vadd.f32 v5, v0  }
0x1dd: {  	v19 =	vpop (erf)  }
0x1de: {  	v5 =	vsub.f32 $0.0e+00, v5;
	v61 =	vpop (erf)  }
0x1df: {  	v6 =	vadd.f32 $1.000000000e+00, v61  }
0x1e0: {  	v5 =	vmul.f32 $1.442695020e+00, v5  }
0x1e1: {  	(erf) = vrcp.f32 v6  }
0x1e2: {  	v62 =	vld [tilespmem:$0x280];
	(erf) = vpow2.f32 v5;
	_ =	sdelay $0x4  }
0x1e3: {  	v5 =	vmul.f32 v62, v1;
	_ =	sdelay $0x1  }
0x1e4: {  	v5 =	vadd.f32 v5, v0  }
0x1e5: {  	v16 =	vpop (erf)  }
0x1e6: {  	v5 =	vsub.f32 $0.0e+00, v5;
	v63 =	vpop (erf)  }
0x1e7: {  	v6 =	vadd.f32 $1.000000000e+00, v63  }
0x1e8: {  	v5 =	vmul.f32 $1.442695020e+00, v5  }
0x1e9: {  	(erf) = vrcp.f32 v6  }
0x1ea: {  	v9 =	vld [tilespmem:$0x290];
	(erf) = vpow2.f32 v5;
	_ =	sdelay $0x4  }
0x1eb: {  	v5 =	vmul.f32 v9, v1;
	_ =	sdelay $0x1  }
0x1ec: {  	v5 =	vadd.f32 v5, v0  }
0x1ed: {  	v15 =	vpop (erf)  }
0x1ee: {  	v5 =	vsub.f32 $0.0e+00, v5;
	v10 =	vpop (erf)  }
0x1ef: {  	v6 =	vadd.f32 $1.000000000e+00, v10  }
0x1f0: {  	v5 =	vmul.f32 $1.442695020e+00, v5  }
0x1f1: {  	(erf) = vrcp.f32 v6  }
0x1f2: {  	v11 =	vld [tilespmem:$0x2A0];
	(erf) = vpow2.f32 v5;
	_ =	sdelay $0x4  }
0x1f3: {  	v5 =	vmul.f32 v11, v1;
	_ =	sdelay $0x1  }
0x1f4: {  	v5 =	vadd.f32 v5, v0  }
0x1f5: {  	v13 =	vpop (erf)  }
0x1f6: {  	v5 =	vsub.f32 $0.0e+00, v5;
	v12 =	vpop (erf)  }
0x1f7: {  	v6 =	vadd.f32 $1.000000000e+00, v12  }
0x1f8: {  	v5 =	vmul.f32 $1.442695020e+00, v5  }
0x1f9: {  	(erf) = vrcp.f32 v6  }
0x1fa: {  	v14 =	vld [tilespmem:$0x2B0];
	(erf) = vpow2.f32 v5;
	_ =	sdelay $0x4  }
0x1fb: {  	v5 =	vmul.f32 v14, v1;
	_ =	sdelay $0x1  }
0x1fc: {  	v5 =	vadd.f32 v5, v0  }
0x1fd: {  	v11 =	vpop (erf)  }
0x1fe: {  	v5 =	vsub.f32 $0.0e+00, v5;
	v23 =	vpop (erf)  }
0x1ff: {  	v6 =	vadd.f32 $1.000000000e+00, v23  }
0x200: {  	v5 =	vmul.f32 $1.442695020e+00, v5  }
0x201: {  	(erf) = vrcp.f32 v6  }
0x202: {  	v24 =	vld [tilespmem:$0x2C0];
	(erf) = vpow2.f32 v5;
	_ =	sdelay $0x4  }
0x203: {  	v5 =	vmul.f32 v24, v1;
	_ =	sdelay $0x1  }
0x204: {  	v5 =	vadd.f32 v5, v0  }
0x205: {  	v9 =	vpop (erf)  }
0x206: {  	v5 =	vsub.f32 $0.0e+00, v5;
	v25 =	vpop (erf)  }
0x207: {  	v6 =	vadd.f32 $1.000000000e+00, v25  }
0x208: {  	v5 =	vmul.f32 $1.442695020e+00, v5  }
0x209: {  	(erf) = vrcp.f32 v6  }
0x20a: {  	v26 =	vld [tilespmem:$0x2D0];
	(erf) = vpow2.f32 v5;
	_ =	sdelay $0x4  }
0x20b: {  	v5 =	vmul.f32 v26, v1;
	_ =	sdelay $0x1  }
0x20c: {  	v5 =	vadd.f32 v5, v0  }
0x20d: {  	v8 =	vpop (erf)  }
0x20e: {  	v5 =	vsub.f32 $0.0e+00, v5;
	v27 =	vpop (erf)  }
0x20f: {  	v6 =	vadd.f32 $1.000000000e+00, v27  }
0x210: {  	v5 =	vmul.f32 $1.442695020e+00, v5  }
0x211: {  	s23 =	sor.u32 $0x210, s5;
	v28 =	vld [tilespmem:$0x2E0];
	(erf) = vrcp.f32 v6  }
0x212: {  	v35 =	vmov s23;
	(erf) = vpow2.f32 v5  }
0x213: {  	v36 =	vmul.u32 $0x9E3779B9, v35  }
0x214: {  	s24 =	sor.u32 $0x220, s5  }
0x215: {  	v42 =	vmov s24;
	v10 =	vbroadcast v36, $0x0  }
0x216: {  	s26 =	sor.u32 $0x240, s5;
	v31 =	vmov s6;
	v43 =	vmul.u32 $0x9E3779B9, v42;
	v5 =	vmul.f32 v28, v1  }
0x217: {  	v32 =	vmul.u32 $0x9E3779B9, v31;
	v50 =	vmov s26;
	v10 =	vadd.s32 v2, v10  }
0x218: {  	s28 =	sor.u32 $0x250, s5;
	v45 =	vbroadcast v43, $0x0;
	v52 =	vmul.u32 $0x9E3779B9, v50;
	v41 =	vshrl.u32 v10, $0xF  }
0x219: {  	s25 =	sor.u32 $0x230, s5;
	v55 =	vmov s28;
	v10 =	vxor.u32 v10, v41;
	v29 =	vadd.f32 v5, v0  }
0x21a: {  	s29 =	sor.u32 $0x260, s5;
	v47 =	vmov s25;
	v56 =	vmul.u32 $0x9E3779B9, v55;
	v10 =	vmul.u32 $0x85EBCA6B, v10;
	v5 =	vpop (erf)  }
0x21b: {  	v62 =	vmov s29;
	v24 =	vbroadcast v52, $0x0;
	v6 =	vsub.f32 $0.0e+00, v29;
	v30 =	vpop (erf)  }
0x21c: {  	v46 =	vshrl.u32 v10, $0xD;
	v10 =	vand.u32 $0x7FFFFF, v10;
	v7 =	vadd.f32 $1.000000000e+00, v30  }
0x21d: {  	v23 =	vmul.u32 $0x9E3779B9, v47;
	v24 =	vadd.s32 v2, v24;
	v6 =	vmul.f32 $1.442695020e+00, v6  }
0x21e: {  	v33 =	vld [tilespmem:$0x2F0];
	v57 =	vshrl.u32 v24, $0xF;
	v26 =	vbroadcast v56, $0x0;
	(erf) = vrcp.f32 v7  }
0x21f: {  	v60 =	vxor.u32 v24, v57;
	v7 =	vbroadcast v32, $0x0;
	(erf) = vpow2.f32 v6  }
0x220: {  	v14 =	vadd.s32 v2, v45;
	v49 =	vbroadcast v23, $0x0;
	v23 =	vmul.u32 $0x85EBCA6B, v60  }
0x221: {  	v48 =	vshrl.u32 v14, $0xF;
	v61 =	vadd.s32 v2, v26;
	v7 =	vadd.s32 v2, v7  }
0x222: {  	v26 =	vmul.u32 $0x9E3779B9, v62;
	v28 =	vshrl.u32 v23, $0xD;
	v34 =	vshrl.u32 v7, $0xF  }
0x223: {  	s10 =	sor.u32 $0x2C0, s5;
	v23 =	vand.u32 $0x7FFFFF, v23;
	v6 =	vmul.f32 v33, v1;
	v7 =	vxor.u32 v7, v34  }
0x224: {  	v62 =	vmov s10;
	v35 =	vxor.u32 v28, v23;
	v7 =	vmul.u32 $0x85EBCA6B, v7  }
0x225: {  	v63 =	vshrl.u32 v61, $0xF;
	v35 =	vcvt.s32.f32 v35;
	v37 =	vadd.f32 v6, v0  }
0x226: {  	v29 =	vxor.u32 v61, v63;
	v38 =	vshrl.u32 v7, $0xD;
	v7 =	vand.u32 $0x7FFFFF, v7  }
0x227: {  	s30 =	sor.u32 $0x270, s5;
	v35 =	vmul.f32 $1.192092900e-07, v35;
	v12 =	vsub.f32 $0.0e+00, v37;
	v7 =	vxor.u32 v38, v7;
	v6 =	vpop (erf)  }
0x228: {  	v30 =	vbroadcast v26, $0x0;
	v38 =	vmov s30;
	v7 =	vcvt.s32.f32 v7;
	v39 =	vpop (erf)  }
0x229: {  	v12 =	vmul.f32 $1.442695020e+00, v12;
	v26 =	vmul.u32 $0x9E3779B9, v38;
	v40 =	vadd.f32 $1.000000000e+00, v39  }
0x22a: {  	v31 =	vmul.f32 $1.192092900e-07, v7;
	v7 =	vxor.u32 v46, v10;
	v10 =	vxor.u32 v14, v48  }
0x22b: {  	s7 =	sor.u32 $0x290, s5;
	v44 =	vld [tilespmem:$0x300];
	v14 =	vadd.s32 v2, v49;
	v39 =	vadd.s32 v2, v30;
	v26 =	vbroadcast v26, $0x0  }
0x22c: {  	v46 =	vmov s7;
	v7 =	vcvt.s32.f32 v7;
	v10 =	vmul.u32 $0x85EBCA6B, v10  }
0x22d: {  	v53 =	vshrl.u32 v14, $0xF;
	v41 =	vshrl.u32 v39, $0xF;
	v49 =	vmul.u32 $0x9E3779B9, v46  }
0x22e: {  	(erf) = vrcp.f32 v40;
	v33 =	vsub.f32 $1.000000000e+00, v31;
	v14 =	vxor.u32 v14, v53  }
0x22f: {  	v23 =	vxor.u32 v39, v41;
	v26 =	vadd.s32 v2, v26;
	(erf) = vpow2.f32 v12  }
0x230: {  	v12 =	vmul.f32 v44, v1;
	v25 =	vmul.f32 $1.192092900e-07, v7;
	v51 =	vshrl.u32 v10, $0xD  }
0x231: {  	s31 =	sor.u32 $0x280, s5;
	v10 =	vand.u32 $0x7FFFFF, v10;
	v14 =	vmul.u32 $0x85EBCA6B, v14;
	v23 =	vmul.u32 $0x85EBCA6B, v23  }
0x232: {  	s11 =	sor.u32 $0x2D0, s5;
	v43 =	vshrl.u32 v26, $0xF;
	v44 =	vmov s31;
	v24 =	vbroadcast v49, $0x0  }
0x233: {  	v49 =	vmov s11;
	v36 =	vxor.u32 v51, v10;
	v26 =	vxor.u32 v26, v43  }
0x234: {  	v45 =	vmul.u32 $0x9E3779B9, v44;
	v38 =	vmul.u32 $0x9E3779B9, v49;
	v43 =	vsub.f32 $1.000000000e+00, v20  }
0x235: {  	v20 =	vadd.f32 $9.999999960e-13, v20;
	v12 =	vadd.f32 v12, v0;
	v59 =	vshrl.u32 v14, $0xD  }
0x236: {  	v14 =	vand.u32 $0x7FFFFF, v14;
	v26 =	vmul.u32 $0x85EBCA6B, v26;
	v50 =	vshrl.u32 v23, $0xD  }
0x237: {  	v23 =	vand.u32 $0x7FFFFF, v23;
	v53 =	vadd.s32 v2, v24;
	v36 =	vcvt.s32.f32 v36  }
0x238: {  	v37 =	vxor.u32 v59, v14;
	v14 =	vmul.u32 $0x85EBCA6B, v29;
	v48 =	vbroadcast v45, $0x0  }
0x239: {  	v29 =	vxor.u32 v50, v23;
	v24 =	vshrl.u32 v53, $0xF;
	v45 =	vmul.u32 $0x9E3779B9, v62  }
0x23a: {  	v38 =	vbroadcast v38, $0x0;
	v20 =	vmul.f32 v20, v35;
	v12 =	vsub.f32 $0.0e+00, v12;
	v7 =	vpop (erf)  }
0x23b: {  	v51 =	vshrl.u32 v26, $0xD;
	v26 =	vand.u32 $0x7FFFFF, v26;
	v23 =	vxor.u32 v53, v24;
	v54 =	vpop (erf)  }
0x23c: {  	v37 =	vcvt.s32.f32 v37;
	v36 =	vmul.f32 $1.192092900e-07, v36;
	v27 =	vadd.f32 $1.000000000e+00, v54  }
0x23d: {  	v40 =	vshrl.u32 v14, $0xD;
	v14 =	vand.u32 $0x7FFFFF, v14;
	v12 =	vmul.f32 $1.442695020e+00, v12  }
0x23e: {  	v23 =	vmul.u32 $0x85EBCA6B, v23;
	v34 =	vxor.u32 v40, v14;
	(erf) = vrcp.f32 v27  }
0x23f: {  	s13 =	sor.u32 $0x2F0, s5;
	v58 =	vld [tilespmem:$0x310];
	v14 =	vadd.s32 v2, v48;
	v48 =	vbroadcast v45, $0x0;
	(erf) = vpow2.f32 v12  }
0x240: {  	v45 =	vmov s13;
	v37 =	vmul.f32 $1.192092900e-07, v37;
	v52 =	vshrl.u32 v14, $0xF  }
0x241: {  	s8 =	sor.u32 $0x2A0, s5;
	v60 =	vshrl.u32 v23, $0xD;
	v34 =	vcvt.s32.f32 v34;
	v14 =	vxor.u32 v14, v52  }
0x242: {  	v23 =	vand.u32 $0x7FFFFF, v23;
	v14 =	vmul.u32 $0x85EBCA6B, v14;
	v54 =	vmov s8  }
0x243: {  	v28 =	vadd.s32 v2, v48;
	v34 =	vmul.f32 $1.192092900e-07, v34;
	v55 =	vmul.u32 $0x9E3779B9, v54  }
0x244: {  	s9 =	sor.u32 $0x2B0, s5;
	v57 =	vshrl.u32 v14, $0xD;
	v14 =	vand.u32 $0x7FFFFF, v14;
	v12 =	vmul.f32 v58, v1  }
0x245: {  	s12 =	sor.u32 $0x2E0, s5;
	v54 =	vadd.s32 v2, v38;
	v24 =	vbroadcast v55, $0x0;
	v58 =	vmov s9  }
0x246: {  	v55 =	vmov s12;
	v30 =	vmul.u32 $0x9E3779B9, v58;
	v12 =	vadd.f32 v12, v0  }
0x247: {  	v58 =	vshrl.u32 v54, $0xF;
	v38 =	vmul.u32 $0x9E3779B9, v55;
	v24 =	vadd.s32 v2, v24;
	v10 =	vpop (erf)  }
0x248: {  	v61 =	vshrl.u32 v24, $0xF;
	v30 =	vbroadcast v30, $0x0;
	v12 =	vsub.f32 $0.0e+00, v12;
	v42 =	vpop (erf)  }
0x249: {  	v38 =	vbroadcast v38, $0x0;
	v24 =	vxor.u32 v24, v61;
	v27 =	vadd.f32 $1.000000000e+00, v42  }
0x24a: {  	v47 =	vld [tilespmem:$0x320];
	v44 =	vadd.s32 v2, v30;
	v30 =	vxor.u32 v60, v23;
	v12 =	vmul.f32 $1.442695020e+00, v12  }
0x24b: {  	v60 =	vsub.f32 $1.000000000e+00, v17;
	v17 =	vadd.f32 $9.999999960e-13, v17;
	(erf) = vrcp.f32 v27  }
0x24c: {  	v24 =	vmul.u32 $0x85EBCA6B, v24;
	v30 =	vcvt.s32.f32 v30;
	(erf) = vpow2.f32 v12  }
0x24d: {  	v38 =	vadd.s32 v2, v38;
	v46 =	vshrl.u32 v44, $0xF;
	v17 =	vmul.f32 v17, v31  }
0x24e: {  	v30 =	vmul.f32 $1.192092900e-07, v30;
	v42 =	vsub.f32 $1.000000000e+00, v35;
	v27 =	vxor.u32 v51, v26  }
0x24f: {  	v51 =	vshrl.u32 v28, $0xF;
	v12 =	vmul.f32 v47, v1;
	v47 =	vshrl.u32 v24, $0xD  }
0x250: {  	v24 =	vand.u32 $0x7FFFFF, v24;
	v40 =	vxor.u32 v28, v51;
	v51 =	vsub.f32 $1.000000000e+00, v36  }
0x251: {  	v27 =	vcvt.s32.f32 v27;
	v28 =	vxor.u32 v47, v24;
	v53 =	vmul.u32 $0x85EBCA6B, v40  }
0x252: {  	v24 =	vxor.u32 v54, v58;
	v54 =	vsub.f32 $1.000000000e+00, v18;
	v18 =	vadd.f32 $9.999999960e-13, v18  }
0x253: {  	v56 =	vadd.f32 v12, v0;
	v41 =	vmul.u32 $0x85EBCA6B, v24;
	v27 =	vmul.f32 $1.192092900e-07, v27  }
0x254: {  	v28 =	vcvt.s32.f32 v28;
	v23 =	vand.u32 $0x7FFFFF, v53;
	v18 =	vmul.f32 v18, v36;
	v12 =	vpop (erf)  }
0x255: {  	v26 =	vsub.f32 $0.0e+00, v56;
	v62 =	vshrl.u32 v41, $0xD;
	v41 =	vand.u32 $0x7FFFFF, v41;
	v59 =	vpop (erf)  }
0x256: {  	s14 =	sor.u32 $0x300, s5;
	v28 =	vmul.f32 $1.192092900e-07, v28;
	v32 =	vadd.f32 $1.000000000e+00, v59;
	v59 =	vshrl.u32 v53, $0xD  }
0x257: {  	v63 =	vld [tilespmem:$0x330];
	v26 =	vmul.f32 $1.442695020e+00, v26;
	v53 =	vmov s14;
	v24 =	vxor.u32 v59, v23  }
0x258: {  	v59 =	vsub.f32 $1.000000000e+00, v37;
	(erf) = vrcp.f32 v32;
	v32 =	vxor.u32 v57, v14  }
0x259: {  	v14 =	vxor.u32 v44, v46;
	v44 =	vsub.f32 $1.000000000e+00, v25;
	(erf) = vpow2.f32 v26  }
0x25a: {  	v23 =	vxor.u32 v62, v41;
	v46 =	vsub.f32 $1.000000000e+00, v22;
	v22 =	vadd.f32 $9.999999960e-13, v22  }
0x25b: {  	v24 =	vcvt.s32.f32 v24;
	v23 =	vcvt.s32.f32 v23;
	v14 =	vmul.u32 $0x85EBCA6B, v14  }
0x25c: {  	v26 =	vmul.f32 v63, v1;
	v63 =	vshrl.u32 v38, $0xF;
	v32 =	vcvt.s32.f32 v32  }
0x25d: {  	v38 =	vxor.u32 v38, v63;
	v31 =	vadd.f32 $9.999999960e-13, v46;
	v22 =	vmul.f32 v22, v25  }
0x25e: {  	v25 =	vmul.u32 $0x9E3779B9, v53;
	v50 =	vshrl.u32 v14, $0xD;
	v14 =	vand.u32 $0x7FFFFF, v14  }
0x25f: {  	s16 =	sor.u32 $0x320, s5;
	v23 =	vmul.f32 $1.192092900e-07, v23;
	v52 =	vadd.f32 v26, v0;
	v38 =	vmul.u32 $0x85EBCA6B, v38  }
0x260: {  	v46 =	vmov s16;
	v32 =	vmul.f32 $1.192092900e-07, v32;
	v31 =	vmul.f32 v31, v44  }
0x261: {  	v26 =	vxor.u32 v50, v14;
	v57 =	vsub.f32 $0.0e+00, v52;
	v55 =	vshrl.u32 v38, $0xD;
	v14 =	vpop (erf)  }
0x262: {  	v52 =	vld [tilespmem:$0x350];
	v26 =	vcvt.s32.f32 v26;
	vm6 =	vgt.f32 v31, v22;
	v31 =	vadd.f32 $9.999999960e-13, v54;
	v56 =	vpop (erf)  }
0x263: {  	v61 =	vld [tilespmem:$0x340];
	v54 =	vcvt.s32.f32 v29;
	v40 =	vmul.f32 $1.442695020e+00, v57;
	v39 =	vadd.f32 $1.000000000e+00, v56  }
0x264: {  	v38 =	vand.u32 $0x7FFFFF, v38;
	v57 =	vbroadcast v25, $0x0;
	v26 =	vmul.f32 $1.192092900e-07, v26  }
0x265: {  	s15 =	sor.u32 $0x310, s5;
	v22 =	vxor.u32 v55, v38;
	v31 =	vmul.f32 v31, v51;
	(erf) = vrcp.f32 v39  }
0x266: {  	v44 =	vmov s15;
	v22 =	vcvt.s32.f32 v22;
	(erf) = vpow2.f32 v40  }
0x267: {  	v58 =	vmul.f32 v52, v1;
	vm2 =	vgt.f32 v31, v18;
	v39 =	vadd.f32 $9.999999960e-13, v60  }
0x268: {  	s17 =	sor.u32 $0x330, s5;
	v60 =	vsub.f32 $1.000000000e+00, v21;
	v21 =	vadd.f32 $9.999999960e-13, v21;
	v40 =	vmul.f32 v61, v1  }
0x269: {  	v61 =	vadd.s32 v2, v57;
	v57 =	vmov s17;
	v33 =	vmul.f32 v39, v33  }
0x26a: {  	v39 =	vmul.u32 $0x9E3779B9, v45;
	v62 =	vshrl.u32 v61, $0xF;
	v36 =	vadd.f32 $9.999999960e-13, v60  }
0x26b: {  	s18 =	sor.u32 $0x340, s5;
	v21 =	vmul.f32 v21, v37;
	v45 =	vmul.u32 $0x9E3779B9, v44;
	v37 =	vmul.u32 $0x9E3779B9, v46  }
0x26c: {  	v60 =	vmul.f32 $1.192092900e-07, v54;
	v44 =	vsub.f32 $1.000000000e+00, v27;
	v46 =	vmov s18  }
0x26d: {  	v40 =	vadd.f32 v40, v0;
	v31 =	vxor.u32 v61, v62;
	v39 =	vbroadcast v39, $0x0  }
0x26e: {  	vm3 =	vgt.f32 v33, v17;
	v36 =	vmul.f32 v36, v59;
	v37 =	vbroadcast v37, $0x0;
	v17 =	vpop (erf)  }
0x26f: {  	v31 =	vmul.u32 $0x85EBCA6B, v31;
	v40 =	vsub.f32 $0.0e+00, v40;
	v47 =	vadd.s32 v2, v39;
	v48 =	vpop (erf)  }
0x270: {  	vm1 =	vgt.f32 v36, v21;
	v37 =	vadd.s32 v2, v37;
	v39 =	vadd.f32 $1.000000000e+00, v48  }
0x271: {  	v49 =	vshrl.u32 v47, $0xF;
	v50 =	vmul.f32 $1.442695020e+00, v40;
	v52 =	vshrl.u32 v37, $0xF  }
0x272: {  	v40 =	vsub.f32 $1.000000000e+00, v16;
	v16 =	vadd.f32 $9.999999960e-13, v16;
	(erf) = vrcp.f32 v39  }
0x273: {  	v33 =	vxor.u32 v47, v49;
	v49 =	vshrl.u32 v31, $0xD;
	(erf) = vpow2.f32 v50  }
0x274: {  	v47 =	vld [tilespmem:$0x360];
	v31 =	vand.u32 $0x7FFFFF, v31;
	v37 =	vxor.u32 v37, v52;
	v33 =	vmul.u32 $0x85EBCA6B, v33  }
0x275: {  	v31 =	vxor.u32 v49, v31;
	v59 =	vmul.u32 $0x85EBCA6B, v37;
	v36 =	vadd.f32 $9.999999960e-13, v40  }
0x276: {  	v16 =	vmul.f32 v16, v60;
	v31 =	vcvt.s32.f32 v31;
	v56 =	vshrl.u32 v33, $0xD  }
0x277: {  	v33 =	vand.u32 $0x7FFFFF, v33;
	v50 =	vsub.f32 $1.000000000e+00, v19;
	v19 =	vadd.f32 $9.999999960e-13, v19  }
0x278: {  	v48 =	vsub.f32 $1.000000000e+00, v34;
	v25 =	vxor.u32 v56, v33;
	v33 =	vadd.f32 v58, v0  }
0x279: {  	v21 =	vmul.f32 v47, v1;
	v19 =	vmul.f32 v19, v34;
	v34 =	vmul.u32 $0x9E3779B9, v57  }
0x27a: {  	v49 =	vsub.f32 $1.000000000e+00, v32;
	v61 =	vshrl.u32 v59, $0xD;
	v33 =	vsub.f32 $0.0e+00, v33  }
0x27b: {  	v31 =	vmul.f32 $1.192092900e-07, v31;
	v21 =	vadd.f32 v21, v0;
	v34 =	vbroadcast v34, $0x0;
	v18 =	vpop (erf)  }
0x27c: {  	v25 =	vcvt.s32.f32 v25;
	v33 =	vmul.f32 $1.442695020e+00, v33;
	v35 =	vadd.f32 $9.999999960e-13, v50;
	v63 =	vpop (erf)  }
0x27d: {  	v21 =	vsub.f32 $0.0e+00, v21;
	v34 =	vadd.s32 v2, v34;
	v39 =	vadd.f32 $1.000000000e+00, v63  }
0x27e: {  	v50 =	vsub.f32 $1.000000000e+00, v30;
	v35 =	vmul.f32 v35, v48;
	v41 =	vshrl.u32 v34, $0xF  }
0x27f: {  	v21 =	vmul.f32 $1.442695020e+00, v21;
	v34 =	vxor.u32 v34, v41;
	(erf) = vrcp.f32 v39  }
0x280: {  	v41 =	vsub.f32 $1.000000000e+00, v11;
	v11 =	vadd.f32 $9.999999960e-13, v11;
	(erf) = vpow2.f32 v33  }
0x281: {  	vm4 =	vgt.f32 v35, v19;
	v34 =	vmul.u32 $0x85EBCA6B, v34;
	v63 =	vand.u32 $0x7FFFFF, v59  }
0x282: {  	v30 =	vmul.f32 v11, v30;
	v19 =	vxor.u32 v61, v63;
	v39 =	vadd.f32 $9.999999960e-13, v43  }
0x283: {  	v52 =	vshrl.u32 v34, $0xD;
	v54 =	vand.u32 $0x7FFFFF, v34;
	v33 =	vbroadcast v45, $0x0  }
0x284: {  	v43 =	vsub.f32 $1.000000000e+00, v15;
	v38 =	vmul.f32 v39, v42;
	v42 =	vsub.f32 $1.000000000e+00, v60  }
0x285: {  	v19 =	vcvt.s32.f32 v19;
	v45 =	vadd.f32 $9.999999960e-13, v15;
	v33 =	vadd.s32 v2, v33  }
0x286: {  	v60 =	vsub.f32 $1.000000000e+00, v28;
	v51 =	vshrl.u32 v33, $0xF;
	v35 =	vmul.f32 v36, v42  }
0x287: {  	s20 =	sor.u32 $0x360, s5;
	vm0 =	vgt.f32 v38, v20;
	v36 =	vadd.f32 $9.999999960e-13, v43;
	v33 =	vxor.u32 v33, v51  }
0x288: {  	v42 =	vmov s20;
	v55 =	vmul.u32 $0x85EBCA6B, v33;
	vm5 =	vgt.f32 v35, v16;
	v20 =	vpop (erf)  }
0x289: {  	s21 =	sor.u32 $0x370, s5;
	v33 =	vmul.f32 v36, v44;
	v35 =	vmul.u32 $0x9E3779B9, v46;
	v16 =	vmul.f32 v45, v27;
	v53 =	vpop (erf)  }
0x28a: {  	v27 =	vxor.u32 v52, v54;
	v45 =	vmov s21;
	v56 =	vadd.f32 $1.000000000e+00, v53  }
0x28b: {  	v46 =	vsub.f32 $1.000000000e+00, v26;
	v36 =	vmul.f32 $1.192092900e-07, v25;
	v58 =	vshrl.u32 v55, $0xD  }
0x28c: {  	v62 =	vld [tilespmem:$0x370];
	v29 =	vand.u32 $0x7FFFFF, v55;
	v51 =	vbroadcast v35, $0x0;
	(erf) = vrcp.f32 v56  }
0x28d: {  	s19 =	sor.u32 $0x350, s5;
	vm7 =	vgt.f32 v33, v16;
	v37 =	vsub.f32 $1.000000000e+00, v36;
	(erf) = vpow2.f32 v21  }
0x28e: {  	v29 =	vxor.u32 v58, v29;
	v58 =	vmov s19;
	v56 =	vsub.f32 $1.000000000e+00, v13  }
0x28f: {  	v55 =	vadd.s32 v2, v51;
	v33 =	vmul.u32 $0x9E3779B9, v58;
	v58 =	vmul.f32 $1.192092900e-07, v24  }
0x290: {  	v29 =	vcvt.s32.f32 v29;
	v13 =	vadd.f32 $9.999999960e-13, v13;
	v59 =	vadd.f32 $9.999999960e-13, v56  }
0x291: {  	v57 =	vshrl.u32 v55, $0xF;
	v33 =	vbroadcast v33, $0x0;
	v21 =	vmul.f32 v62, v1  }
0x292: {  	v16 =	vxor.u32 v55, v57;
	v32 =	vmul.f32 v13, v32;
	v34 =	vmul.f32 v59, v49  }
0x293: {  	v29 =	vmul.f32 $1.192092900e-07, v29;
	v16 =	vmul.u32 $0x85EBCA6B, v16;
	v63 =	vadd.s32 v2, v33  }
0x294: {  	v21 =	vadd.f32 v21, v0;
	vm8 =	vgt.f32 v34, v32;
	v32 =	vadd.f32 $9.999999960e-13, v41  }
0x295: {  	v53 =	vld [tilespmem:$0x380];
	v61 =	vshrl.u32 v16, $0xD;
	v56 =	vsub.f32 $1.000000000e+00, v8;
	v8 =	vadd.f32 $9.999999960e-13, v8;
	v15 =	vpop (erf)  }
0x296: {  	v16 =	vand.u32 $0x7FFFFF, v16;
	v21 =	vsub.f32 $0.0e+00, v21;
	v32 =	vmul.f32 v32, v50;
	v47 =	vpop (erf)  }
0x297: {  	v38 =	vshrl.u32 v63, $0xF;
	v8 =	vmul.f32 v8, v26;
	v48 =	vadd.f32 $1.000000000e+00, v47  }
0x298: {  	v21 =	vmul.f32 $1.442695020e+00, v21;
	vm9 =	vgt.f32 v32, v30;
	v47 =	vmul.u32 $0x9E3779B9, v45  }
0x299: {  	s22 =	sor.u32 $0x380, s5;
	(erf) = vrcp.f32 v48;
	v48 =	vsub.f32 $1.000000000e+00, v9;
	v9 =	vadd.f32 $9.999999960e-13, v9  }
0x29a: {  	s24 =	sor.u32 $0x3A0, s5;
	v57 =	vld [tilespmem:$0x3A0];
	(erf) = vpow2.f32 v21;
	v21 =	vmul.f32 v53, v1;
	v53 =	vmov s22  }
0x29b: {  	v30 =	vadd.f32 $9.999999960e-13, v48;
	v28 =	vmul.f32 v9, v28;
	v48 =	vmov s24  }
0x29c: {  	v62 =	vadd.f32 v21, v0;
	v21 =	vxor.u32 v61, v16;
	v61 =	vsub.f32 $1.000000000e+00, v5  }
0x29d: {  	v16 =	vxor.u32 v63, v38;
	v63 =	vsub.f32 $1.000000000e+00, v58;
	v5 =	vadd.f32 $9.999999960e-13, v5  }
0x29e: {  	v38 =	vsub.f32 $1.000000000e+00, v31;
	v16 =	vmul.u32 $0x85EBCA6B, v16;
	v30 =	vmul.f32 v30, v60  }
0x29f: {  	v21 =	vcvt.s32.f32 v21;
	v40 =	vsub.f32 $0.0e+00, v62;
	v62 =	vmul.f32 v57, v1  }
0x2a0: {  	v26 =	vadd.f32 $9.999999960e-13, v61;
	v5 =	vmul.f32 v5, v58;
	v58 =	vsub.f32 $1.000000000e+00, v7  }
0x2a1: {  	v7 =	vadd.f32 $9.999999960e-13, v7;
	v44 =	vshrl.u32 v16, $0xD;
	v16 =	vand.u32 $0x7FFFFF, v16  }
0x2a2: {  	vm10 =	vgt.f32 v30, v28;
	v28 =	vmul.u32 $0x9E3779B9, v53;
	v30 =	vadd.f32 $9.999999960e-13, v56  }
0x2a3: {  	s23 =	sor.u32 $0x390, s5;
	v21 =	vmul.f32 $1.192092900e-07, v21;
	v34 =	vmul.f32 $1.442695020e+00, v40;
	v11 =	vxor.u32 v44, v16;
	v13 =	vpop (erf)  }
0x2a4: {  	v16 =	vbroadcast v47, $0x0;
	v40 =	vmov s23;
	v44 =	vsub.f32 $1.000000000e+00, v23;
	v39 =	vpop (erf)  }
0x2a5: {  	v41 =	vmul.f32 v26, v63;
	v63 =	vsub.f32 $1.000000000e+00, v10;
	v33 =	vadd.f32 $1.000000000e+00, v39  }
0x2a6: {  	v10 =	vadd.f32 $9.999999960e-13, v10;
	v28 =	vbroadcast v28, $0x0;
	v30 =	vmul.f32 v30, v46  }
0x2a7: {  	v11 =	vcvt.s32.f32 v11;
	v16 =	vadd.s32 v2, v16;
	(erf) = vrcp.f32 v33  }
0x2a8: {  	s28 =	sor.u32 $0x3D0, s5;
	v43 =	vld [tilespmem:$0x390];
	vm12 =	vgt.f32 v41, v5;
	v5 =	vmul.u32 $0x9E3779B9, v48;
	(erf) = vpow2.f32 v34  }
0x2a9: {  	v48 =	vmov s28;
	v51 =	vshrl.u32 v16, $0xF;
	v28 =	vadd.s32 v2, v28  }
0x2aa: {  	vm11 =	vgt.f32 v30, v8;
	v11 =	vmul.f32 $1.192092900e-07, v11;
	v16 =	vxor.u32 v16, v51  }
0x2ab: {  	v60 =	vshrl.u32 v28, $0xF;
	v5 =	vbroadcast v5, $0x0;
	v33 =	vmul.u32 $0x9E3779B9, v42  }
0x2ac: {  	v39 =	vsub.f32 $1.000000000e+00, v29;
	v16 =	vmul.u32 $0x85EBCA6B, v16;
	v28 =	vxor.u32 v28, v60  }
0x2ad: {  	v28 =	vmul.u32 $0x85EBCA6B, v28;
	v34 =	vmul.f32 v43, v1;
	v33 =	vbroadcast v33, $0x0  }
0x2ae: {  	v5 =	vadd.s32 v2, v5;
	v59 =	vshrl.u32 v16, $0xD;
	v16 =	vand.u32 $0x7FFFFF, v16  }
0x2af: {  	v16 =	vxor.u32 v59, v16;
	v50 =	vadd.f32 v34, v0;
	v33 =	vadd.s32 v2, v33  }
0x2b0: {  	v46 =	vshrl.u32 v28, $0xD;
	v34 =	vmul.f32 $1.192092900e-07, v22;
	v49 =	vshrl.u32 v33, $0xF;
	v9 =	vpop (erf)  }
0x2b1: {  	v22 =	vmul.u32 $0x9E3779B9, v40;
	v32 =	vxor.u32 v33, v49;
	v33 =	vsub.f32 $0.0e+00, v50;
	v52 =	vpop (erf)  }
0x2b2: {  	v40 =	vmul.f32 v10, v36;
	v16 =	vcvt.s32.f32 v16;
	v54 =	vadd.f32 $1.000000000e+00, v52  }
0x2b3: {  	v28 =	vand.u32 $0x7FFFFF, v28;
	v22 =	vbroadcast v22, $0x0;
	v33 =	vmul.f32 $1.442695020e+00, v33  }
0x2b4: {  	v51 =	vsub.f32 $1.000000000e+00, v34;
	v7 =	vmul.f32 v7, v34;
	(erf) = vrcp.f32 v54  }
0x2b5: {  	v49 =	vsub.f32 $1.000000000e+00, v6;
	v6 =	vadd.f32 $9.999999960e-13, v6;
	(erf) = vpow2.f32 v33  }
0x2b6: {  	v32 =	vmul.u32 $0x85EBCA6B, v32;
	v47 =	vadd.s32 v2, v22;
	v22 =	vxor.u32 v46, v28  }
0x2b7: {  	v50 =	vshrl.u32 v47, $0xF;
	v25 =	vadd.f32 $9.999999960e-13, v49;
	v6 =	vmul.f32 v6, v23  }
0x2b8: {  	v49 =	vsub.f32 $1.000000000e+00, v14;
	v55 =	vshrl.u32 v32, $0xD;
	v32 =	vand.u32 $0x7FFFFF, v32  }
0x2b9: {  	v14 =	vadd.f32 $9.999999960e-13, v14;
	v28 =	vxor.u32 v47, v50;
	v24 =	vxor.u32 v55, v32  }
0x2ba: {  	s25 =	sor.u32 $0x3B0, s5;
	v32 =	vadd.f32 v62, v0;
	v28 =	vmul.u32 $0x85EBCA6B, v28;
	v25 =	vmul.f32 v25, v44  }
0x2bb: {  	v55 =	vmov s25;
	v62 =	vadd.f32 $9.999999960e-13, v58;
	v44 =	vsub.f32 $1.000000000e+00, v12  }
0x2bc: {  	v12 =	vadd.f32 $9.999999960e-13, v12;
	v24 =	vcvt.s32.f32 v24;
	v43 =	vsub.f32 $0.0e+00, v32  }
0x2bd: {  	s26 =	sor.u32 $0x3C0, s5;
	v52 =	vshrl.u32 v28, $0xD;
	vm13 =	vgt.f32 v25, v6;
	v25 =	vmul.u32 $0x9E3779B9, v55;
	v8 =	vpop (erf)  }
0x2be: {  	s29 =	sor.u32 $0x3E0, s5;
	s5 =	sor.u32 $0x3F0, s5;
	v28 =	vand.u32 $0x7FFFFF, v28;
	v47 =	vadd.f32 $9.999999960e-13, v44;
	v12 =	vmul.f32 v12, v31;
	v42 =	vpop (erf)  }
0x2bf: {  	v55 =	vsel vm3, $0x1, v4;
	v44 =	vmov s5;
	v26 =	vadd.f32 $1.000000000e+00, v42  }
0x2c0: {  	v32 =	vsel vm0, $0x1, v4;
	v54 =	vshrl.u32 v5, $0xF;
	v30 =	vmul.f32 $1.442695020e+00, v43  }
0x2c1: {  	v23 =	vxor.u32 v52, v28;
	v28 =	vmul.f32 v62, v51;
	(erf) = vrcp.f32 v26  }
0x2c2: {  	v45 =	vld [tilespmem:$0x3B0];
	v51 =	vmul.u32 $0x9E3779B9, v48;
	v24 =	vmul.f32 $1.192092900e-07, v24;
	(erf) = vpow2.f32 v30  }
0x2c3: {  	v52 =	vld [tilespmem:$0x3D0];
	v5 =	vxor.u32 v5, v54;
	v25 =	vbroadcast v25, $0x0;
	v54 =	vcvt.s32.f32 v27  }
0x2c4: {  	v27 =	vperm.xlane v3, v55;
	v55 =	vsub.f32 $1.000000000e+00, v21;
	v5 =	vmul.u32 $0x85EBCA6B, v5  }
0x2c5: {  	vm14 =	vgt.f32 v28, v7;
	v35 =	vsub.f32 $1.000000000e+00, v24;
	v59 =	vadd.s32 v2, v25  }
0x2c6: {  	v57 =	vshrl.u32 v5, $0xD;
	v5 =	vand.u32 $0x7FFFFF, v5;
	v61 =	vshrl.u32 v59, $0xF  }
0x2c7: {  	v25 =	vxor.u32 v57, v5;
	v5 =	vxor.u32 v59, v61;
	v30 =	vmul.f32 v45, v1  }
0x2c8: {  	vm3 =	vle.f32 v27, $5.000000000e-01;
	v59 =	vmul.f32 v52, v1;
	v5 =	vmul.u32 $0x85EBCA6B, v5  }
0x2c9: {  	v57 =	vmul.f32 $1.192092900e-07, v54;
	v42 =	vmov s26;
	v53 =	vadd.f32 v30, v0  }
0x2ca: {  	v62 =	vadd.f32 v59, v0;
	v41 =	vshrl.u32 v5, $0xD;
	v7 =	vmul.u32 $0x9E3779B9, v42;
	v6 =	vpop (erf)  }
0x2cb: {  	v5 =	vand.u32 $0x7FFFFF, v5;
	v45 =	vmul.f32 $1.192092900e-07, v19;
	v26 =	vsub.f32 $0.0e+00, v53;
	v56 =	vpop (erf)  }
0x2cc: {  	v19 =	vxor.u32 v41, v5;
	v7 =	vbroadcast v7, $0x0;
	v30 =	vadd.f32 $1.000000000e+00, v56  }
0x2cd: {  	v5 =	vsel vm3, $0x41200000, v27;
	v41 =	vmov s29;
	v26 =	vmul.f32 $1.442695020e+00, v26  }
0x2ce: {  	v50 =	vadd.s32 v2, v7;
	v7 =	vbroadcast v51, $0x0;
	(erf) = vrcp.f32 v30  }
0x2cf: {  	v60 =	vld [tilespmem:$0x3C0];
	v51 =	vsub.f32 $1.000000000e+00, v18;
	v18 =	vadd.f32 $9.999999960e-13, v18;
	(erf) = vpow2.f32 v26  }
0x2d0: {  	v53 =	vshrl.u32 v50, $0xF;
	v58 =	vadd.s32 v2, v7;
	v7 =	vsel vm6, $0x1, v4  }
0x2d1: {  	v31 =	vadd.f32 $9.999999960e-13, v51;
	v18 =	vmul.f32 v18, v57;
	v51 =	vsub.f32 $1.000000000e+00, v6  }
0x2d2: {  	v33 =	vxor.u32 v50, v53;
	v6 =	vadd.f32 $9.999999960e-13, v6;
	v30 =	vadd.f32 $9.999999960e-13, v63  }
0x2d3: {  	v61 =	vshrl.u32 v58, $0xF;
	v63 =	vsub.f32 $1.000000000e+00, v17;
	v17 =	vadd.f32 $9.999999960e-13, v17  }
0x2d4: {  	v56 =	vsub.f32 $1.000000000e+00, v45;
	v26 =	vmul.f32 v60, v1;
	v60 =	vmul.f32 v14, v29  }
0x2d5: {  	v42 =	vld [tilespmem:$0x3E0];
	v30 =	vmul.f32 v30, v37;
	v37 =	vxor.u32 v58, v61;
	v17 =	vmul.f32 v17, v45  }
0x2d6: {  	v45 =	vmul.u32 $0x9E3779B9, v44;
	v44 =	vcvt.s32.f32 v23;
	v26 =	vadd.f32 v26, v0  }
0x2d7: {  	v23 =	vsel vm7, $0x1, v4;
	vm15 =	vgt.f32 v30, v40;
	v30 =	vadd.f32 $9.999999960e-13, v49;
	v10 =	vpop (erf)  }
0x2d8: {  	v49 =	vbroadcast v45, $0x0;
	v45 =	vadd.f32 $9.999999960e-13, v9;
	v26 =	vsub.f32 $0.0e+00, v26;
	v43 =	vpop (erf)  }
0x2d9: {  	v30 =	vmul.f32 v30, v39;
	v39 =	vmul.u32 $0x85EBCA6B, v33;
	v28 =	vadd.f32 $1.000000000e+00, v43  }
0x2da: {  	v33 =	vmul.f32 v42, v1;
	v42 =	vsub.f32 $1.000000000e+00, v9;
	v46 =	vmul.f32 $1.442695020e+00, v26  }
0x2db: {  	v26 =	vmul.f32 v47, v38;
	v38 =	vsub.f32 $1.000000000e+00, v57;
	(erf) = vrcp.f32 v28  }
0x2dc: {  	v57 =	vsub.f32 $1.000000000e+00, v20;
	v20 =	vadd.f32 $9.999999960e-13, v20;
	(erf) = vpow2.f32 v46  }
0x2dd: {  	vm6 =	vgt.f32 v30, v60;
	v40 =	vshrl.u32 v39, $0xD;
	v30 =	vand.u32 $0x7FFFFF, v39  }
0x2de: {  	v33 =	vadd.f32 v33, v0;
	vm3 =	vgt.f32 v26, v12;
	v12 =	vsub.f32 $0.0e+00, v62  }
0x2df: {  	v60 =	vld [tilespmem:$0x3F0];
	v26 =	vadd.f32 $9.999999960e-13, v63;
	v29 =	vmul.f32 v31, v38;
	v59 =	vadd.f32 $9.999999960e-13, v57  }
0x2e0: {  	v62 =	vsub.f32 $1.000000000e+00, v15;
	v20 =	vmul.f32 v20, v21;
	v15 =	vadd.f32 $9.999999960e-13, v15  }
0x2e1: {  	v63 =	vsub.f32 $1.000000000e+00, v11;
	v54 =	vsub.f32 $0.0e+00, v33;
	v12 =	vmul.f32 $1.442695020e+00, v12  }
0x2e2: {  	v26 =	vmul.f32 v26, v56;
	v43 =	vmul.u32 $0x9E3779B9, v41;
	v11 =	vmul.f32 v15, v11  }
0x2e3: {  	v41 =	vcvt.s32.f32 v22;
	v22 =	vsel vm5, $0x1, v4;
	v31 =	vmul.f32 $1.442695020e+00, v54  }
0x2e4: {  	v54 =	vcvt.s32.f32 v19;
	v28 =	vmul.u32 $0x85EBCA6B, v37;
	v1 =	vmul.f32 v60, v1;
	v14 =	vpop (erf)  }
0x2e5: {  	v37 =	vsub.f32 $1.000000000e+00, v13;
	v13 =	vadd.f32 $9.999999960e-13, v13;
	v46 =	vbroadcast v43, $0x0;
	v36 =	vpop (erf)  }
0x2e6: {  	v15 =	vmul.f32 $1.192092900e-07, v54;
	v54 =	vsel vm6, $0x1, v4;
	v27 =	vadd.f32 $1.000000000e+00, v36  }
0x2e7: {  	v47 =	vshrl.u32 v28, $0xD;
	v48 =	vand.u32 $0x7FFFFF, v28;
	v0 =	vadd.f32 v1, v0  }
0x2e8: {  	v39 =	vadd.f32 $9.999999960e-13, v37;
	v13 =	vmul.f32 v13, v24;
	(erf) = vrcp.f32 v27  }
0x2e9: {  	v50 =	vadd.s32 v2, v46;
	v2 =	vadd.s32 v2, v49;
	(erf) = vpow2.f32 v12  }
0x2ea: {  	v37 =	vsel vm10, $0x1, v4;
	v49 =	vsub.f32 $1.000000000e+00, v8;
	v28 =	vshrl.u32 v2, $0xF  }
0x2eb: {  	v8 =	vadd.f32 $9.999999960e-13, v8;
	v52 =	vshrl.u32 v50, $0xF;
	v2 =	vxor.u32 v2, v28  }
0x2ec: {  	v0 =	vsub.f32 $0.0e+00, v0;
	v58 =	vmul.u32 $0x85EBCA6B, v2;
	v2 =	vsel vm1, $0x1, v4  }
0x2ed: {  	vm1 =	vgt.f32 v29, v18;
	v18 =	vmul.f32 v59, v55;
	v29 =	vsel vm4, $0x1, v4  }
0x2ee: {  	v0 =	vmul.f32 $1.442695020e+00, v0;
	v55 =	vsub.f32 $1.000000000e+00, v10;
	v10 =	vadd.f32 $9.999999960e-13, v10  }
0x2ef: {  	v61 =	vshrl.u32 v58, $0xD;
	vm0 =	vgt.f32 v18, v20;
	v18 =	vadd.f32 $9.999999960e-13, v42  }
0x2f0: {  	v9 =	vadd.f32 $9.999999960e-13, v55;
	v20 =	vsel vm8, $0x1, v4;
	v27 =	vxor.u32 v40, v30  }
0x2f1: {  	v40 =	vmul.f32 $1.192092900e-07, v16;
	v16 =	vmul.f32 $1.192092900e-07, v41;
	v12 =	vsel vm2, $0x1, v4;
	v28 =	vpop (erf)  }
0x2f2: {  	vm2 =	vgt.f32 v26, v17;
	v17 =	vxor.u32 v47, v48;
	v26 =	vxor.u32 v50, v52;
	v53 =	vpop (erf)  }
0x2f3: {  	v47 =	vmul.f32 $1.192092900e-07, v44;
	v48 =	vcvt.s32.f32 v25;
	v30 =	vadd.f32 $1.000000000e+00, v53  }
0x2f4: {  	v50 =	vadd.f32 $9.999999960e-13, v49;
	v59 =	vcvt.s32.f32 v27;
	v26 =	vmul.u32 $0x85EBCA6B, v26  }
0x2f5: {  	v43 =	vsub.f32 $1.000000000e+00, v40;
	v8 =	vmul.f32 v8, v16;
	(erf) = vrcp.f32 v30  }
0x2f6: {  	v46 =	vsub.f32 $1.000000000e+00, v16;
	v55 =	vperm.xlane v3, v12;
	(erf) = vpow2.f32 v31  }
0x2f7: {  	v12 =	vperm.xlane v3, v2;
	v52 =	vsub.f32 $1.000000000e+00, v47;
	v6 =	vmul.f32 v6, v47  }
0x2f8: {  	v56 =	vshrl.u32 v26, $0xD;
	v26 =	vand.u32 $0x7FFFFF, v26;
	v53 =	vmul.f32 $1.192092900e-07, v48  }
0x2f9: {  	v19 =	vmul.f32 $1.192092900e-07, v59;
	v47 =	vsel vm13, $0x1, v4;
	v26 =	vxor.u32 v56, v26  }
0x2fa: {  	v33 =	vcvt.s32.f32 v26;
	v30 =	vand.u32 $0x7FFFFF, v58;
	v58 =	vsub.f32 $1.000000000e+00, v53  }
0x2fb: {  	v10 =	vmul.f32 v10, v53;
	v53 =	vperm.xlane v3, v7;
	v31 =	vadd.f32 $9.999999960e-13, v62  }
0x2fc: {  	v30 =	vxor.u32 v61, v30;
	v61 =	vcvt.s32.f32 v17;
	v62 =	vmul.f32 v9, v58  }
0x2fd: {  	v58 =	vsub.f32 $1.000000000e+00, v28;
	v28 =	vadd.f32 $9.999999960e-13, v28;
	v36 =	vmul.f32 v31, v63  }
0x2fe: {  	v34 =	vcvt.s32.f32 v30;
	v63 =	vsub.f32 $1.000000000e+00, v15;
	v31 =	vsub.f32 $1.000000000e+00, v19;
	v21 =	vpop (erf)  }
0x2ff: {  	vm4 =	vgt.f32 v36, v11;
	v11 =	vmul.f32 v39, v35;
	v35 =	vsub.f32 $1.000000000e+00, v14;
	v38 =	vpop (erf)  }
0x300: {  	v36 =	vsel vm9, $0x1, v4;
	vm9 =	vgt.f32 v62, v10;
	v1 =	vadd.f32 $1.000000000e+00, v38  }
0x301: {  	v62 =	vmul.f32 $1.192092900e-07, v34;
	v34 =	vsel vm12, $0x1, v4;
	v10 =	vperm.xlane v3, v47  }
0x302: {  	vm7 =	vgt.f32 v11, v13;
	(erf) = vrcp.f32 v1;
	v1 =	vmul.f32 v18, v43  }
0x303: {  	v57 =	vadd.f32 $9.999999960e-13, v35;
	(erf) = vpow2.f32 v0;
	v0 =	vmul.f32 v45, v40  }
0x304: {  	v30 =	vsub.f32 $1.000000000e+00, v62;
	v35 =	vsel vm4, $0x1, v4;
	vm4 =	vle.f32 v55, $5.000000000e-01  }
0x305: {  	vm5 =	vgt.f32 v1, v0;
	v0 =	vmul.f32 v50, v46;
	v1 =	vadd.f32 $9.999999960e-13, v51  }
0x306: {  	v55 =	vsel vm4, $0x41200000, v55;
	v41 =	vadd.f32 $9.999999960e-13, v21;
	v50 =	vsel vm14, $0x1, v4  }
0x307: {  	v51 =	vsel vm15, $0x1, v4;
	v1 =	vmul.f32 v1, v52;
	vm8 =	vgt.f32 v0, v8  }
0x308: {  	v0 =	vmul.f32 $1.192092900e-07, v61;
	v61 =	vadd.f32 $9.999999960e-13, v14;
	v52 =	vsel vm3, $0x1, v4  }
0x309: {  	v14 =	vperm.xlane v3, v29;
	vm10 =	vgt.f32 v1, v6;
	v1 =	vmul.f32 v57, v63  }
0x30a: {  	v59 =	vsub.f32 $1.000000000e+00, v0;
	v13 =	vmul.f32 v61, v15;
	v15 =	vmul.f32 v28, v19  }
0x30b: {  	v6 =	vadd.f32 $9.999999960e-13, v58;
	v0 =	vmul.f32 v41, v0;
	v57 =	vperm.xlane v3, v32  }
0x30c: {  	v58 =	vsel vm1, $0x1, v4;
	v61 =	vsel vm0, $0x1, v4;
	v41 =	vperm.xlane v3, v51  }
0x30d: {  	vm1 =	vgt.f32 v55, $5.000000000e-01;
	v47 =	vperm.xlane v3, v58;
	v17 =	vperm.xlane v3, v61  }
0x30e: {  	v56 =	vpop (erf);
	v6 =	vmul.f32 v6, v31;
	v31 =	vsub.f32 $1.000000000e+00, v21;
	v21 =	vperm.xlane v3, v35  }
0x30f: {  	vm6 =	vle.f32 v57, $5.000000000e-01;
	v60 =	vpop (erf);
	v39 =	vsub.f32 $1.000000000e+00, v56;
	v44 =	vadd.f32 $9.999999960e-13, v56  }
0x310: {  	v56 =	vsel vm2, $0x1, v4;
	v57 =	vsel vm6, $0x41200000, v57;
	v18 =	vadd.f32 $1.000000000e+00, v60  }
0x311: {  	v60 =	vmul.f32 $1.192092900e-07, v33;
	v33 =	vsel vm11, $0x1, v4;
	v38 =	vadd.f32 $9.999999960e-13, v31  }
0x312: {  	vm11 =	vgt.f32 v1, v13;
	vm12 =	vgt.f32 v6, v15;
	(erf) = vrcp.f32 v18  }
0x313: {  	v43 =	vadd.f32 $9.999999960e-13, v39;
	v1 =	vmul.f32 v38, v59;
	v46 =	vmul.f32 v44, v60  }
0x314: {  	v63 =	vsub.f32 $1.000000000e+00, v60;
	v59 =	vperm.xlane v3, v22;
	v60 =	vperm.xlane v3, v23  }
0x315: {  	v39 =	vsel vm5, $0x1, v4;
	v18 =	vperm.xlane v3, v33;
	v38 =	vperm.xlane v3, v34  }
0x316: {  	vm5 =	vle.f32 v12, $5.000000000e-01;
	v44 =	vperm.xlane v3, v54;
	v25 =	vperm.xlane v3, v39  }
0x317: {  	v8 =	vmul.f32 v43, v63;
	vm13 =	vgt.f32 v1, v0;
	v63 =	vperm.xlane v3, v36  }
0x318: {  	v36 =	vperm.xlane v3, v37;
	v37 =	vsel vm7, $0x1, v4;
	v43 =	vperm.xlane v3, v52  }
0x319: {  	vm6 =	vle.f32 v38, $5.000000000e-01;
	v23 =	vperm.xlane v3, v37;
	v51 =	vsel vm13, $0x1, v4  }
0x31a: {  	v35 =	vsel vm6, $0x41200000, v38;
	vm14 =	vgt.f32 v8, v46;
	v46 =	vperm.xlane v3, v56  }
0x31b: {  	v2 =	vperm.xlane v3, v51;
	v56 =	vsel vm5, $0x41200000, v12;
	vm13 =	vle.f32 v63, $5.000000000e-01  }
0x31c: {  	vm5 =	vle.f32 v18, $5.000000000e-01;
	v52 =	vsel vm14, $0x1, v4;
	vm14 =	vle.f32 v53, $5.000000000e-01  }
0x31d: {  	vm7 =	vgt.f32 v56, $5.000000000e-01;
	v32 =	vsel vm5, $0x41200000, v18;
	vm5 =	vle.f32 v47, $5.000000000e-01  }
0x31e: {  	v1 =	vperm.xlane v3, v52;
	v53 =	vsel vm14, $0x41200000, v53;
	vm14 =	vle.f32 v36, $5.000000000e-01  }
0x31f: {  	v9 =	vsel vm7, $0x3F800000, v56;
	vm7 =	vle.f32 v10, $5.000000000e-01;
	v19 =	vsel vm14, $0x41200000, v36  }
0x320: {  	vm0 =	vgt.f32 v53, $5.000000000e-01;
	v10 =	vsel vm7, $0x41200000, v10;
	vm4 =	vgt.f32 v19, $5.000000000e-01;
	v40 =	vpop (erf)  }
0x321: {  	v22 =	vsel vm4, $0x3F800000, v19;
	v42 =	vsub.f32 $1.000000000e+00, v40;
	v13 =	vadd.f32 $9.999999960e-13, v40  }
0x322: {  	vm4 =	vle.f32 v46, $5.000000000e-01;
	v40 =	vperm.xlane v3, v50;
	v50 =	vsel vm12, $0x1, v4  }
0x323: {  	v6 =	vperm.xlane v3, v50;
	v45 =	vadd.f32 $9.999999960e-13, v42;
	v49 =	vmul.f32 v13, v62  }
0x324: {  	v62 =	vperm.xlane v3, v20;
	v42 =	vsel vm8, $0x1, v4;
	vm8 =	vle.f32 v14, $5.000000000e-01  }
0x325: {  	v33 =	vperm.xlane v3, v42;
	v58 =	vsel vm8, $0x41200000, v14;
	vm8 =	vgt.f32 v35, $5.000000000e-01  }
0x326: {  	v48 =	vmul.f32 v45, v30;
	v45 =	vsel vm10, $0x1, v4;
	vm10 =	vle.f32 v60, $5.000000000e-01  }
0x327: {  	[tilespmem:$0x630] =	vst v9;
	vm12 =	vle.f32 v62, $5.000000000e-01;
	v9 =	vsel vm8, $0x3F800000, v35;
	vm8 =	vle.f32 v17, $5.000000000e-01  }
0x328: {  	v34 =	vperm.xlane v3, v45;
	v60 =	vsel vm10, $0x41200000, v60;
	v61 =	vsel vm12, $0x41200000, v62  }
0x329: {  	v62 =	vsel vm13, $0x41200000, v63;
	vm10 =	vle.f32 v40, $5.000000000e-01;
	vm12 =	vle.f32 v43, $5.000000000e-01  }
0x32a: {  	vm15 =	vgt.f32 v48, v49;
	v48 =	vsel vm9, $0x1, v4;
	v49 =	vsel vm11, $0x1, v4  }
0x32b: {  	vm9 =	vle.f32 v59, $5.000000000e-01;
	v37 =	vsel vm10, $0x41200000, v40;
	v40 =	vsel vm12, $0x41200000, v43  }
0x32c: {  	vm10 =	vle.f32 v23, $5.000000000e-01;
	v8 =	vperm.xlane v3, v48;
	v7 =	vperm.xlane v3, v49  }
0x32d: {  	[tilespmem:$0x6A0] =	vst v22;
	v4 =	vsel vm15, $0x1, v4;
	vm15 =	vgt.f32 v5, $5.000000000e-01;
	v59 =	vsel vm9, $0x41200000, v59  }
0x32e: {  	[tilespmem:$0x6C0] =	vst v9;
	vm9 =	vgt.f32 v10, $5.000000000e-01;
	vm14 =	vgt.f32 v40, $5.000000000e-01;
	v54 =	vsel vm15, $0x3F800000, v5  }
0x32f: {  	v49 =	vsel vm8, $0x41200000, v17;
	v0 =	vperm.xlane v3, v4;
	v3 =	vsel vm0, $0x3F800000, v53;
	[tilespmem:$0x600] =	vst v54  }
0x330: {  	v52 =	vsel vm10, $0x41200000, v23;
	vm8 =	vle.f32 v6, $5.000000000e-01;
	v5 =	vsel vm1, $0x3F800000, v55;
	[tilespmem:$0x610] =	vst v3  }
0x331: {  	vm0 =	vgt.f32 v57, $5.000000000e-01;
	vm1 =	vgt.f32 v58, $5.000000000e-01;
	v10 =	vsel vm9, $0x3F800000, v10;
	[tilespmem:$0x620] =	vst v5  }
0x332: {  	vm11 =	vgt.f32 v59, $5.000000000e-01;
	vm15 =	vgt.f32 v62, $5.000000000e-01;
	v42 =	vsel vm14, $0x3F800000, v40;
	[tilespmem:$0x6D0] =	vst v10  }
0x333: {  	vm9 =	vle.f32 v21, $5.000000000e-01;
	vm12 =	vgt.f32 v52, $5.000000000e-01;
	v11 =	vsel vm0, $0x3F800000, v57;
	[tilespmem:$0x700] =	vst v42  }
0x334: {  	vm14 =	vle.f32 v33, $5.000000000e-01;
	v6 =	vsel vm8, $0x41200000, v6;
	v12 =	vsel vm1, $0x3F800000, v58;
	[tilespmem:$0x640] =	vst v11  }
0x335: {  	v13 =	vsel vm11, $0x3F800000, v59;
	vm0 =	vgt.f32 v60, $5.000000000e-01;
	vm1 =	vgt.f32 v61, $5.000000000e-01;
	[tilespmem:$0x650] =	vst v12  }
0x336: {  	v20 =	vsel vm15, $0x3F800000, v62;
	vm11 =	vle.f32 v41, $5.000000000e-01;
	vm15 =	vle.f32 v44, $5.000000000e-01;
	[tilespmem:$0x660] =	vst v13  }
0x337: {  	v50 =	vsel vm9, $0x41200000, v21;
	v53 =	vsel vm12, $0x3F800000, v52;
	v55 =	vsel vm14, $0x41200000, v33;
	[tilespmem:$0x690] =	vst v20  }
0x338: {  	vm10 =	vgt.f32 v6, $5.000000000e-01;
	vm12 =	vle.f32 v1, $5.000000000e-01;
	v14 =	vsel vm0, $0x3F800000, v60;
	[tilespmem:$0x760] =	vst v53  }
0x339: {  	v63 =	vsel vm1, $0x3F800000, v61;
	vm1 =	vgt.f32 v32, $5.000000000e-01;
	v38 =	vsel vm11, $0x41200000, v41;
	[tilespmem:$0x670] =	vst v14  }
0x33a: {  	v43 =	vsel vm15, $0x41200000, v44;
	vm11 =	vgt.f32 v50, $5.000000000e-01;
	v36 =	vsel vm1, $0x3F800000, v32;
	[tilespmem:$0x680] =	vst v63  }
0x33b: {  	v44 =	vsel vm4, $0x41200000, v46;
	vm4 =	vgt.f32 v55, $5.000000000e-01;
	v3 =	vsel vm11, $0x3F800000, v50;
	[tilespmem:$0x6B0] =	vst v36  }
0x33c: {  	v46 =	vsel vm5, $0x41200000, v47;
	vm15 =	vle.f32 v34, $5.000000000e-01;
	v58 =	vsel vm4, $0x3F800000, v55;
	[tilespmem:$0x750] =	vst v3  }
0x33d: {  	v1 =	vsel vm12, $0x41200000, v1;
	vm1 =	vgt.f32 v37, $5.000000000e-01;
	v63 =	vsel vm10, $0x3F800000, v6;
	[tilespmem:$0x780] =	vst v58  }
0x33e: {  	vm13 =	vgt.f32 v38, $5.000000000e-01;
	vm6 =	vgt.f32 v44, $5.000000000e-01;
	v39 =	vsel vm1, $0x3F800000, v37;
	[tilespmem:$0x7C0] =	vst v63  }
0x33f: {  	vm7 =	vgt.f32 v46, $5.000000000e-01;
	v57 =	vsel vm15, $0x41200000, v34;
	v41 =	vsel vm13, $0x3F800000, v38;
	[tilespmem:$0x6E0] =	vst v39  }
0x340: {  	vm11 =	vle.f32 v2, $5.000000000e-01;
	vm14 =	vgt.f32 v1, $5.000000000e-01;
	v47 =	vsel vm6, $0x3F800000, v44;
	[tilespmem:$0x6F0] =	vst v41  }
0x341: {  	vm1 =	vgt.f32 v43, $5.000000000e-01;
	v48 =	vsel vm7, $0x3F800000, v46;
	vm13 =	vle.f32 v25, $5.000000000e-01;
	[tilespmem:$0x720] =	vst v47  }
0x342: {  	vm5 =	vgt.f32 v57, $5.000000000e-01;
	vm6 =	vle.f32 v8, $5.000000000e-01;
	v1 =	vsel vm14, $0x3F800000, v1;
	[tilespmem:$0x730] =	vst v48  }
0x343: {  	vm7 =	vle.f32 v7, $5.000000000e-01;
	v45 =	vsel vm1, $0x3F800000, v43;
	vm1 =	vgt.f32 v49, $5.000000000e-01;
	[tilespmem:$0x7E0] =	vst v1  }
0x344: {  	v54 =	vsel vm13, $0x41200000, v25;
	v59 =	vsel vm5, $0x3F800000, v57;
	v8 =	vsel vm6, $0x41200000, v8;
	[tilespmem:$0x710] =	vst v45  }
0x345: {  	v60 =	vsel vm7, $0x41200000, v7;
	v51 =	vsel vm1, $0x3F800000, v49;
	vm1 =	vgt.f32 v54, $5.000000000e-01;
	[tilespmem:$0x790] =	vst v59  }
0x346: {  	vm13 =	vle.f32 v0, $5.000000000e-01;
	vm9 =	vgt.f32 v60, $5.000000000e-01;
	[tilespmem:$0x740] =	vst v51;
	v56 =	vsel vm1, $0x3F800000, v54  }
0x347: {  	v0 =	vsel vm13, $0x41200000, v0;
	vm1 =	vgt.f32 v8, $5.000000000e-01;
	v62 =	vsel vm9, $0x3F800000, v60;
	[tilespmem:$0x770] =	vst v56  }
0x348: {  	v2 =	vsel vm11, $0x41200000, v2;
	vm15 =	vgt.f32 v0, $5.000000000e-01;
	v61 =	vsel vm1, $0x3F800000, v8;
	[tilespmem:$0x7B0] =	vst v62  }
0x349: {  	vm1 =	vgt.f32 v2, $5.000000000e-01;
	v0 =	vsel vm15, $0x3F800000, v0;
	[tilespmem:$0x7A0] =	vst v61  }
0x34a: {  	v2 =	vsel vm1, $0x3F800000, v2;
	[tilespmem:$0x7F0] =	vst v0  }
0x34b: {  	s2 =	sadd.s32 s2, s4;
	s30 =	simm.s32 $0x600;
	s31 =	simm.s32 $0x4;
	[tilespmem:$0x7D0] =	vst v2  }
0x34c: {  	[hbm4b:s2+s3] =	stream.linear.scatter [tilespmem:s30], [sflag:$0x4], $0x200, $0x38;
	[tilespmem:$0x880] =	vst v63  }
0x34d: {  	_ =	swait.ge [sflag:s31], $0x200  }
0x34e: {  	[sflag:s31] =	ssyncset.done $0x0  }
0x34f: {  	[sflag:s31] =	ssyncadd.s32 $0xFFFFFE00  }
0x350: {  	_ =	swait.ge [sflag:s31], $0x200  }
0x351: {  	[sflag:s31] =	ssyncset.done $0x0  }
0x352: {  	[sflag:s31] =	ssyncadd.s32 $0xFFFFFE00  }
0x353: {  	_ =	sfence.sel $0x180000  }
0x354: {  	[bflag:$0x0] =	sbarrier.arrive $0xFFFF  }
0x355: {  	p0 =	sne.s32 s1, $0x0;
	_ =	strace $0x90000047  }
0x356: {  	s0 =	sadd.s32 @!p0 $0x100000, s0;
	[bflag:$0x2] =	sbarrier.arrive $0xFFFF  }
0x357: {  	[sflag:s0] =	ssyncadd.tile.s32 @!p0 $0x1;
	_ =	shalt  }
.Lfunc_end2:
_tile_overlayer_lowered:
.L_overlay_start_2:
0x358: {  	(tag) =	ssettag $0x2  }
0x359: {  	s0 =	rddreg [dreg:$0x0];
	s2 =	stileid.u32  }
0x35a: {  	s1 =	rddreg [dreg:$0x1];
	p0 =	sne.s32 s2, $0x0  }
0x35b: {  	s3 =	rddreg [dreg:$0x2];
	[bflag:$0x3] =	sbarrier.arrive $0xFFFF;
	s2 =	simm.s32 @!p0 $0x1C05  }
0x35c: {  	[timem:s3], [sflag:s2] =	dma.local @!p0 [hbm:s0], s1  }
0x35d: {  	s0 =	simm.s32 @!p0 $0x5  }
0x35e: {  	_ =	swait.ge @!p0 [sflag:s0], s1  }
0x35f: {  	s1 =	ssub.s32 @!p0 $0x0, s1;
	[sflag:s0] =	ssyncset.done @!p0 $0x0  }
0x360: {  	[sflag:s0] =	ssyncadd.s32 @!p0 s1  }
0x361: {  	[bflag:$0x3] =	sbarrier.arrive $0xFFFF  }
0x362: {  	_ =	shalt  }

</sc_bundles>
